<compile_context>
chip_gen: v7x
topology: tpu7x:2x2x1
jax: 0.10.2.dev20260603
libtpu: 0.0.44.dev20260713+nightly
codegen_flags: <defaults>
</compile_context>

<pallas_src>
import functools

import jax
import jax.numpy as jnp
from jax import lax
from jax.experimental import pallas as pl
from jax.experimental.pallas import tpu as pltpu
from jax.experimental.pallas import tpu_sc as plsc


def _gather_to_physical(ids_p, table, S, BT):
    info = plsc.get_sparse_core_info()
    nw = info.num_cores * info.num_subcores
    assert BT == nw

    mesh = plsc.VectorSubcoreMesh(core_axis_name="c", subcore_axis_name="s")

    @functools.partial(
        pl.kernel,
        mesh=mesh,
        out_type=jax.ShapeDtypeStruct((S, 8, BT, 8, 128), jnp.float32),
        compiler_params=pltpu.CompilerParams(use_tc_tiling_on_sc=False,
                                             needs_layout_passes=False),
        scratch_types=(
            [pltpu.VMEM((S // 8, 8, 128), jnp.int32)]
            + [pltpu.VMEM((128,), jnp.int32)] * 4
            + [pltpu.VMEM((128, 64), jnp.float32)] * 4
            + [pltpu.VMEM((8, 8, 130), jnp.float32)] * 4
            + [pltpu.SemaphoreType.DMA] * 8
        ),
    )
    def k(ids_hbm, table_hbm, out_hbm, idx_all,
          i0, i1, i2, i3, r0, r1, r2, r3, t0, t1, t2, t3,
          g0, g1, g2, g3, w0, w1, w2, w3):
        wid = lax.axis_index("s") * info.num_cores + lax.axis_index("c")
        istage = (i0, i1, i2, i3)
        rows = (r0, r1, r2, r3)
        tbuf = (t0, t1, t2, t3)
        gsem = (g0, g1, g2, g3)
        wsem = (w0, w1, w2, w3)

        pltpu.sync_copy(ids_hbm.at[:, wid], idx_all)

        iota = lax.iota(jnp.int32, 16)
        zeros = jnp.zeros((16,), jnp.int32)
        cvecs = [((c0 + iota) // 8, (c0 + iota) % 8) for c0 in (0, 16, 32, 48)]

        def start_gather(s, slot):
            st = istage[slot]
            for j in range(8):
                st[pl.ds(16 * j, 16)] = (
                    idx_all[s // 8, s % 8, pl.ds(16 * j, 16)] * 2)
            pltpu.async_copy(table_hbm.at[st], rows[slot], gsem[slot])

        def wait_gather(slot):
            pltpu.make_async_copy(table_hbm.at[istage[slot]], rows[slot],
                                  gsem[slot]).wait()

        def transpose(slot):
            r = rows[slot]
            t = tbuf[slot]

            @plsc.parallel_loop(0, 128, unroll=4)
            def _(b):
                bvec = zeros + b
                for q, (cgv, civ) in enumerate(cvecs):
                    v = r[b, pl.ds(16 * q, 16)]
                    plsc.store_scatter(t, [cgv, civ, bvec], v)

        def start_write(s, slot):
            pltpu.async_copy(tbuf[slot].at[:, :, pl.ds(0, 128)],
                             out_hbm.at[s, :, wid], wsem[slot])

        def wait_write(s, slot):
            pltpu.make_async_copy(tbuf[slot].at[:, :, pl.ds(0, 128)],
                                  out_hbm.at[s, :, wid],
                                  wsem[slot]).wait()

        nb = 4
        for q in range(nb):
            start_gather(q, q)

        def body(p, carry):
            s = nb * p
            for q in range(nb):
                @pl.when(p > 0)
                def _(q=q):
                    wait_write(s - nb + q, q)

                wait_gather(q)
                transpose(q)
                start_write(s + q, q)
                start_gather(s + nb + q, q)
            return carry

        lax.fori_loop(0, S // nb - 1, body, 0)

        for q in range(nb):
            wait_write(S - 2 * nb + q, q)
            wait_gather(q)
            transpose(q)
            start_write(S - nb + q, q)

        for q in range(nb):
            wait_write(S - nb + q, q)

    return k(ids_p, table)


def kernel(token_ids, table):
    b0, s = token_ids.shape
    v, d = table.shape
    bt = b0 // 128
    ids_p = token_ids.astype(jnp.int32).reshape(bt, 128, s // 8, 8)
    ids_p = ids_p.transpose(2, 0, 3, 1)
    table_p = jnp.pad(table, ((0, 0), (0, d))).reshape(2 * v, d)
    out_p = _gather_to_physical(ids_p, table_p, s, bt)
    out = out_p.reshape(s, 8, bt, 8, 128).transpose(2, 4, 0, 1, 3)
    return out.reshape(b0, s, d)

# --- scband reference (transcript-rebuilt; emitter-appended) ---
"""Pipeline reference for scband-text-bedding-40252433498329 (READ-ONLY COPY).

The authoritative reference and input builder live on the scoring server;
editing this copy changes nothing except your own understanding.
"""

import jax, jax.numpy as jnp
import numpy as np


def setup_inputs(seed: int = 0) -> dict:
    key = jax.random.key(seed)
    k1, k2 = jax.random.split(key)
    token_ids = jax.random.randint(k1, (4096, 200), 0, 100000, dtype=jnp.int64)
    table = jax.random.normal(k2, (100000, 64), dtype=jnp.float32)
    return {"token_ids": token_ids, "table": table}


def reference(token_ids, table):
    # Faithful translation of nn.Embedding lookup: embeddings = embedding_layer(token_ids)
    embeddings = jnp.take(table, token_ids, axis=0)
    return embeddings

if __name__ == "__main__":
    import jax
    _d = setup_inputs()
    print(jax.jit(kernel)(*tuple(_d.values())))

</pallas_src>

<mosaic_0001>
#map = affine_map<(d0, d1) -> (0, 0, 0, 0)>
#map1 = affine_map<(d0, d1) -> (0, 0)>
#map2 = affine_map<(d0, d1) -> (0, 0, 0, 0, 0)>
module attributes {stable_mosaic.version = 14 : i64} {
  func.func @k(%arg0: i32, %arg1: i32, %arg2: memref<25x32x8x128xi32, #tpu.memory_space<hbm>>, %arg3: memref<200000x64xf32, #tpu.memory_space<hbm>>, %arg4: memref<200x8x32x8x128xf32, #tpu.memory_space<hbm>>, %arg5: memref<25x8x128xi32, #tpu.memory_space<vmem>>, %arg6: memref<128xi32, #tpu.memory_space<vmem>>, %arg7: memref<128xi32, #tpu.memory_space<vmem>>, %arg8: memref<128xi32, #tpu.memory_space<vmem>>, %arg9: memref<128xi32, #tpu.memory_space<vmem>>, %arg10: memref<128x64xf32, #tpu.memory_space<vmem>>, %arg11: memref<128x64xf32, #tpu.memory_space<vmem>>, %arg12: memref<128x64xf32, #tpu.memory_space<vmem>>, %arg13: memref<128x64xf32, #tpu.memory_space<vmem>>, %arg14: memref<8x8x130xf32, #tpu.memory_space<vmem>>, %arg15: memref<8x8x130xf32, #tpu.memory_space<vmem>>, %arg16: memref<8x8x130xf32, #tpu.memory_space<vmem>>, %arg17: memref<8x8x130xf32, #tpu.memory_space<vmem>>, %arg18: memref<!tpu.dma_semaphore, #tpu.memory_space<semaphore_mem>>, %arg19: memref<!tpu.dma_semaphore, #tpu.memory_space<semaphore_mem>>, %arg20: memref<!tpu.dma_semaphore, #tpu.memory_space<semaphore_mem>>, %arg21: memref<!tpu.dma_semaphore, #tpu.memory_space<semaphore_mem>>, %arg22: memref<!tpu.dma_semaphore, #tpu.memory_space<semaphore_mem>>, %arg23: memref<!tpu.dma_semaphore, #tpu.memory_space<semaphore_mem>>, %arg24: memref<!tpu.dma_semaphore, #tpu.memory_space<semaphore_mem>>, %arg25: memref<!tpu.dma_semaphore, #tpu.memory_space<semaphore_mem>>) attributes {dimension_semantics = [#tpu.dimension_semantics<core_parallel>, #tpu.dimension_semantics<subcore_parallel>], iteration_bounds = array<i64: 2, 16>, scalar_prefetch = 0 : i64, scratch_operands = 21 : i64, tpu.core_type = #tpu.core_type<sc_vector_subcore>, window_params = [{transform_indices = #map}, {transform_indices = #map1}, {transform_indices = #map2}]} {
    %mul3A = arith.constant 2 : i32
    %mul3A_0 = arith.muli %arg1, %mul3A : i32
    %add3A = arith.addi %mul3A_0, %arg0 : i32
    "tpu.region"() ({
      %run_scoped3A = tpu.sem_alloc : memref<!tpu.dma_semaphore, #tpu.memory_space<semaphore_mem>>
      %dma_start3A_844 = arith.constant 0 : i32
      %dma_start3A_845 = arith.constant 0 : i32
      %dma_start3A_846 = arith.constant 0 : i32
      %dma_start3A_847 = tpu.memref_slice %arg2[%dma_start3A_844, %add3A, %dma_start3A_845, %dma_start3A_846] : memref<25x32x8x128xi32, #tpu.memory_space<hbm>> -> memref<25x1x8x128xi32, #tpu.memory_space<hbm>>
      %dma_start3A_848 = tpu.memref_squeeze %dma_start3A_847 : memref<25x1x8x128xi32, #tpu.memory_space<hbm>> -> memref<25x8x128xi32, #tpu.memory_space<hbm>>
      %dma_start3A_849 = arith.constant 0 : i32
      %dma_start3A_850 = arith.constant 0 : i32
      %dma_start3A_851 = arith.constant 0 : i32
      %dma_start3A_852 = tpu.memref_slice %arg2[%dma_start3A_849, %add3A, %dma_start3A_850, %dma_start3A_851] : memref<25x32x8x128xi32, #tpu.memory_space<hbm>> -> memref<25x1x8x128xi32, #tpu.memory_space<hbm>>
      %dma_start3A_853 = tpu.memref_squeeze %dma_start3A_852 : memref<25x1x8x128xi32, #tpu.memory_space<hbm>> -> memref<25x8x128xi32, #tpu.memory_space<hbm>>
      tpu.enqueue_dma source(%dma_start3A_853 : memref<25x8x128xi32, #tpu.memory_space<hbm>>) target(%arg5 : memref<25x8x128xi32, #tpu.memory_space<vmem>>) target_semaphore(%run_scoped3A : memref<!tpu.dma_semaphore, #tpu.memory_space<semaphore_mem>>)
      %dma_wait3A_854 = arith.constant 0 : i32
      %dma_wait3A_855 = arith.constant 0 : i32
      %dma_wait3A_856 = arith.constant 0 : i32
      %dma_wait3A_857 = tpu.memref_slice %arg2[%dma_wait3A_854, %add3A, %dma_wait3A_855, %dma_wait3A_856] : memref<25x32x8x128xi32, #tpu.memory_space<hbm>> -> memref<25x1x8x128xi32, #tpu.memory_space<hbm>>
      %dma_wait3A_858 = tpu.memref_squeeze %dma_wait3A_857 : memref<25x1x8x128xi32, #tpu.memory_space<hbm>> -> memref<25x8x128xi32, #tpu.memory_space<hbm>>
      %dma_wait3A_859 = arith.constant 0 : i32
      %dma_wait3A_860 = arith.constant 0 : i32
      %dma_wait3A_861 = arith.constant 0 : i32
      %dma_wait3A_862 = tpu.memref_slice %arg2[%dma_wait3A_859, %add3A, %dma_wait3A_860, %dma_wait3A_861] : memref<25x32x8x128xi32, #tpu.memory_space<hbm>> -> memref<25x1x8x128xi32, #tpu.memory_space<hbm>>
      %dma_wait3A_863 = tpu.memref_squeeze %dma_wait3A_862 : memref<25x1x8x128xi32, #tpu.memory_space<hbm>> -> memref<25x8x128xi32, #tpu.memory_space<hbm>>
      tpu.wait_dma2 semaphore(%run_scoped3A : memref<!tpu.dma_semaphore, #tpu.memory_space<semaphore_mem>>) src(%dma_wait3A_863 : memref<25x8x128xi32, #tpu.memory_space<hbm>>) dst(%arg5 : memref<25x8x128xi32, #tpu.memory_space<vmem>>)
      tpu.yield
    }) : () -> ()
    %iota3A = tpu.iota {dimensions = array<i32: 0>} : vector<16xi32>
    %broadcast_in_dim3A = arith.constant 0 : i32
    %broadcast_in_dim3A_1 = vector.broadcast %broadcast_in_dim3A : i32 to vector<16xi32>
    %add3A_2 = arith.constant 0 : i32
    %add3A_3 = vector.broadcast %add3A_2 : i32 to vector<16xi32>
    %add3A_4 = arith.addi %add3A_3, %iota3A : vector<16xi32>
    %jit3A = arith.constant 8 : i32
    %div3A = vector.broadcast %jit3A : i32 to vector<16xi32>
    %div3A_5 = arith.divsi %add3A_4, %div3A : vector<16xi32>
    %sign3A = arith.constant 0 : i32
    %sign3A_6 = vector.broadcast %sign3A : i32 to vector<16xi32>
    %sign3A_7 = arith.cmpi sgt, %add3A_4, %sign3A_6 : vector<16xi32>
    %sign3A_8 = arith.extui %sign3A_7 : vector<16xi1> to vector<16xi32>
    %sign3A_9 = arith.constant 0 : i32
    %sign3A_10 = vector.broadcast %sign3A_9 : i32 to vector<16xi32>
    %sign3A_11 = arith.cmpi slt, %add3A_4, %sign3A_10 : vector<16xi32>
    %sign3A_12 = arith.extui %sign3A_11 : vector<16xi1> to vector<16xi32>
    %sign3A_13 = arith.subi %sign3A_8, %sign3A_12 : vector<16xi32>
    %sign3A_14 = arith.constant 0 : i32
    %sign3A_15 = arith.cmpi sgt, %jit3A, %sign3A_14 : i32
    %sign3A_16 = arith.extui %sign3A_15 : i1 to i32
    %sign3A_17 = arith.constant 0 : i32
    %sign3A_18 = arith.cmpi slt, %jit3A, %sign3A_17 : i32
    %sign3A_19 = arith.extui %sign3A_18 : i1 to i32
    %sign3A_20 = arith.subi %sign3A_16, %sign3A_19 : i32
    %ne3A = vector.broadcast %sign3A_20 : i32 to vector<16xi32>
    %ne3A_21 = arith.cmpi ne, %sign3A_13, %ne3A : vector<16xi32>
    %rem3A = vector.broadcast %jit3A : i32 to vector<16xi32>
    %rem3A_22 = arith.remsi %add3A_4, %rem3A : vector<16xi32>
    %ne3A_23 = arith.constant 0 : i32
    %ne3A_24 = vector.broadcast %ne3A_23 : i32 to vector<16xi32>
    %ne3A_25 = arith.cmpi ne, %rem3A_22, %ne3A_24 : vector<16xi32>
    %and3A = arith.andi %ne3A_21, %ne3A_25 : vector<16xi1>
    %sub3A = arith.constant 1 : i32
    %sub3A_26 = vector.broadcast %sub3A : i32 to vector<16xi32>
    %sub3A_27 = arith.subi %div3A_5, %sub3A_26 : vector<16xi32>
    %select_n3A = arith.select %and3A, %sub3A_27, %div3A_5 : vector<16xi1>, vector<16xi32>
    %add3A_28 = arith.constant 0 : i32
    %add3A_29 = vector.broadcast %add3A_28 : i32 to vector<16xi32>
    %add3A_30 = arith.addi %add3A_29, %iota3A : vector<16xi32>
    %jit3A_31 = arith.constant 8 : i32
    %eq3A = arith.constant 0 : i32
    %eq3A_32 = arith.cmpi eq, %jit3A_31, %eq3A : i32
    %jit3A_33 = arith.constant 1 : i32
    %select_n3A_34 = arith.select %eq3A_32, %jit3A_33, %jit3A_31 : i32
    %rem3A_35 = vector.broadcast %select_n3A_34 : i32 to vector<16xi32>
    %rem3A_36 = arith.remsi %add3A_30, %rem3A_35 : vector<16xi32>
    %ne3A_37 = arith.constant 0 : i32
    %ne3A_38 = vector.broadcast %ne3A_37 : i32 to vector<16xi32>
    %ne3A_39 = arith.cmpi ne, %rem3A_36, %ne3A_38 : vector<16xi32>
    %lt3A = arith.constant 0 : i32
    %lt3A_40 = vector.broadcast %lt3A : i32 to vector<16xi32>
    %lt3A_41 = arith.cmpi slt, %rem3A_36, %lt3A_40 : vector<16xi32>
    %lt3A_42 = arith.constant 0 : i32
    %lt3A_43 = arith.cmpi slt, %select_n3A_34, %lt3A_42 : i32
    %ne3A_44 = vector.broadcast %lt3A_43 : i1 to vector<16xi1>
    %ne3A_45 = vector.broadcast %ne3A_44 : vector<16xi1> to vector<16xi1>
    %ne3A_46 = arith.xori %lt3A_41, %ne3A_45 : vector<16xi1>
    %and3A_47 = arith.andi %ne3A_46, %ne3A_39 : vector<16xi1>
    %add3A_48 = vector.broadcast %select_n3A_34 : i32 to vector<16xi32>
    %add3A_49 = arith.addi %rem3A_36, %add3A_48 : vector<16xi32>
    %select_n3A_50 = arith.select %and3A_47, %add3A_49, %rem3A_36 : vector<16xi1>, vector<16xi32>
    %add3A_51 = arith.constant 16 : i32
    %add3A_52 = vector.broadcast %add3A_51 : i32 to vector<16xi32>
    %add3A_53 = arith.addi %add3A_52, %iota3A : vector<16xi32>
    %jit3A_54 = arith.constant 8 : i32
    %div3A_55 = vector.broadcast %jit3A_54 : i32 to vector<16xi32>
    %div3A_56 = arith.divsi %add3A_53, %div3A_55 : vector<16xi32>
    %sign3A_57 = arith.constant 0 : i32
    %sign3A_58 = vector.broadcast %sign3A_57 : i32 to vector<16xi32>
    %sign3A_59 = arith.cmpi sgt, %add3A_53, %sign3A_58 : vector<16xi32>
    %sign3A_60 = arith.extui %sign3A_59 : vector<16xi1> to vector<16xi32>
    %sign3A_61 = arith.constant 0 : i32
    %sign3A_62 = vector.broadcast %sign3A_61 : i32 to vector<16xi32>
    %sign3A_63 = arith.cmpi slt, %add3A_53, %sign3A_62 : vector<16xi32>
    %sign3A_64 = arith.extui %sign3A_63 : vector<16xi1> to vector<16xi32>
    %sign3A_65 = arith.subi %sign3A_60, %sign3A_64 : vector<16xi32>
    %sign3A_66 = arith.constant 0 : i32
    %sign3A_67 = arith.cmpi sgt, %jit3A_54, %sign3A_66 : i32
    %sign3A_68 = arith.extui %sign3A_67 : i1 to i32
    %sign3A_69 = arith.constant 0 : i32
    %sign3A_70 = arith.cmpi slt, %jit3A_54, %sign3A_69 : i32
    %sign3A_71 = arith.extui %sign3A_70 : i1 to i32
    %sign3A_72 = arith.subi %sign3A_68, %sign3A_71 : i32
    %ne3A_73 = vector.broadcast %sign3A_72 : i32 to vector<16xi32>
    %ne3A_74 = arith.cmpi ne, %sign3A_65, %ne3A_73 : vector<16xi32>
    %rem3A_75 = vector.broadcast %jit3A_54 : i32 to vector<16xi32>
    %rem3A_76 = arith.remsi %add3A_53, %rem3A_75 : vector<16xi32>
    %ne3A_77 = arith.constant 0 : i32
    %ne3A_78 = vector.broadcast %ne3A_77 : i32 to vector<16xi32>
    %ne3A_79 = arith.cmpi ne, %rem3A_76, %ne3A_78 : vector<16xi32>
    %and3A_80 = arith.andi %ne3A_74, %ne3A_79 : vector<16xi1>
    %sub3A_81 = arith.constant 1 : i32
    %sub3A_82 = vector.broadcast %sub3A_81 : i32 to vector<16xi32>
    %sub3A_83 = arith.subi %div3A_56, %sub3A_82 : vector<16xi32>
    %select_n3A_84 = arith.select %and3A_80, %sub3A_83, %div3A_56 : vector<16xi1>, vector<16xi32>
    %add3A_85 = arith.constant 16 : i32
    %add3A_86 = vector.broadcast %add3A_85 : i32 to vector<16xi32>
    %add3A_87 = arith.addi %add3A_86, %iota3A : vector<16xi32>
    %jit3A_88 = arith.constant 8 : i32
    %eq3A_89 = arith.constant 0 : i32
    %eq3A_90 = arith.cmpi eq, %jit3A_88, %eq3A_89 : i32
    %jit3A_91 = arith.constant 1 : i32
    %select_n3A_92 = arith.select %eq3A_90, %jit3A_91, %jit3A_88 : i32
    %rem3A_93 = vector.broadcast %select_n3A_92 : i32 to vector<16xi32>
    %rem3A_94 = arith.remsi %add3A_87, %rem3A_93 : vector<16xi32>
    %ne3A_95 = arith.constant 0 : i32
    %ne3A_96 = vector.broadcast %ne3A_95 : i32 to vector<16xi32>
    %ne3A_97 = arith.cmpi ne, %rem3A_94, %ne3A_96 : vector<16xi32>
    %lt3A_98 = arith.constant 0 : i32
    %lt3A_99 = vector.broadcast %lt3A_98 : i32 to vector<16xi32>
    %lt3A_100 = arith.cmpi slt, %rem3A_94, %lt3A_99 : vector<16xi32>
    %lt3A_101 = arith.constant 0 : i32
    %lt3A_102 = arith.cmpi slt, %select_n3A_92, %lt3A_101 : i32
    %ne3A_103 = vector.broadcast %lt3A_102 : i1 to vector<16xi1>
    %ne3A_104 = vector.broadcast %ne3A_103 : vector<16xi1> to vector<16xi1>
    %ne3A_105 = arith.xori %lt3A_100, %ne3A_104 : vector<16xi1>
    %and3A_106 = arith.andi %ne3A_105, %ne3A_97 : vector<16xi1>
    %add3A_107 = vector.broadcast %select_n3A_92 : i32 to vector<16xi32>
    %add3A_108 = arith.addi %rem3A_94, %add3A_107 : vector<16xi32>
    %select_n3A_109 = arith.select %and3A_106, %add3A_108, %rem3A_94 : vector<16xi1>, vector<16xi32>
    %add3A_110 = arith.constant 32 : i32
    %add3A_111 = vector.broadcast %add3A_110 : i32 to vector<16xi32>
    %add3A_112 = arith.addi %add3A_111, %iota3A : vector<16xi32>
    %jit3A_113 = arith.constant 8 : i32
    %div3A_114 = vector.broadcast %jit3A_113 : i32 to vector<16xi32>
    %div3A_115 = arith.divsi %add3A_112, %div3A_114 : vector<16xi32>
    %sign3A_116 = arith.constant 0 : i32
    %sign3A_117 = vector.broadcast %sign3A_116 : i32 to vector<16xi32>
    %sign3A_118 = arith.cmpi sgt, %add3A_112, %sign3A_117 : vector<16xi32>
    %sign3A_119 = arith.extui %sign3A_118 : vector<16xi1> to vector<16xi32>
    %sign3A_120 = arith.constant 0 : i32
    %sign3A_121 = vector.broadcast %sign3A_120 : i32 to vector<16xi32>
    %sign3A_122 = arith.cmpi slt, %add3A_112, %sign3A_121 : vector<16xi32>
    %sign3A_123 = arith.extui %sign3A_122 : vector<16xi1> to vector<16xi32>
    %sign3A_124 = arith.subi %sign3A_119, %sign3A_123 : vector<16xi32>
    %sign3A_125 = arith.constant 0 : i32
    %sign3A_126 = arith.cmpi sgt, %jit3A_113, %sign3A_125 : i32
    %sign3A_127 = arith.extui %sign3A_126 : i1 to i32
    %sign3A_128 = arith.constant 0 : i32
    %sign3A_129 = arith.cmpi slt, %jit3A_113, %sign3A_128 : i32
    %sign3A_130 = arith.extui %sign3A_129 : i1 to i32
    %sign3A_131 = arith.subi %sign3A_127, %sign3A_130 : i32
    %ne3A_132 = vector.broadcast %sign3A_131 : i32 to vector<16xi32>
    %ne3A_133 = arith.cmpi ne, %sign3A_124, %ne3A_132 : vector<16xi32>
    %rem3A_134 = vector.broadcast %jit3A_113 : i32 to vector<16xi32>
    %rem3A_135 = arith.remsi %add3A_112, %rem3A_134 : vector<16xi32>
    %ne3A_136 = arith.constant 0 : i32
    %ne3A_137 = vector.broadcast %ne3A_136 : i32 to vector<16xi32>
    %ne3A_138 = arith.cmpi ne, %rem3A_135, %ne3A_137 : vector<16xi32>
    %and3A_139 = arith.andi %ne3A_133, %ne3A_138 : vector<16xi1>
    %sub3A_140 = arith.constant 1 : i32
    %sub3A_141 = vector.broadcast %sub3A_140 : i32 to vector<16xi32>
    %sub3A_142 = arith.subi %div3A_115, %sub3A_141 : vector<16xi32>
    %select_n3A_143 = arith.select %and3A_139, %sub3A_142, %div3A_115 : vector<16xi1>, vector<16xi32>
    %add3A_144 = arith.constant 32 : i32
    %add3A_145 = vector.broadcast %add3A_144 : i32 to vector<16xi32>
    %add3A_146 = arith.addi %add3A_145, %iota3A : vector<16xi32>
    %jit3A_147 = arith.constant 8 : i32
    %eq3A_148 = arith.constant 0 : i32
    %eq3A_149 = arith.cmpi eq, %jit3A_147, %eq3A_148 : i32
    %jit3A_150 = arith.constant 1 : i32
    %select_n3A_151 = arith.select %eq3A_149, %jit3A_150, %jit3A_147 : i32
    %rem3A_152 = vector.broadcast %select_n3A_151 : i32 to vector<16xi32>
    %rem3A_153 = arith.remsi %add3A_146, %rem3A_152 : vector<16xi32>
    %ne3A_154 = arith.constant 0 : i32
    %ne3A_155 = vector.broadcast %ne3A_154 : i32 to vector<16xi32>
    %ne3A_156 = arith.cmpi ne, %rem3A_153, %ne3A_155 : vector<16xi32>
    %lt3A_157 = arith.constant 0 : i32
    %lt3A_158 = vector.broadcast %lt3A_157 : i32 to vector<16xi32>
    %lt3A_159 = arith.cmpi slt, %rem3A_153, %lt3A_158 : vector<16xi32>
    %lt3A_160 = arith.constant 0 : i32
    %lt3A_161 = arith.cmpi slt, %select_n3A_151, %lt3A_160 : i32
    %ne3A_162 = vector.broadcast %lt3A_161 : i1 to vector<16xi1>
    %ne3A_163 = vector.broadcast %ne3A_162 : vector<16xi1> to vector<16xi1>
    %ne3A_164 = arith.xori %lt3A_159, %ne3A_163 : vector<16xi1>
    %and3A_165 = arith.andi %ne3A_164, %ne3A_156 : vector<16xi1>
    %add3A_166 = vector.broadcast %select_n3A_151 : i32 to vector<16xi32>
    %add3A_167 = arith.addi %rem3A_153, %add3A_166 : vector<16xi32>
    %select_n3A_168 = arith.select %and3A_165, %add3A_167, %rem3A_153 : vector<16xi1>, vector<16xi32>
    %add3A_169 = arith.constant 48 : i32
    %add3A_170 = vector.broadcast %add3A_169 : i32 to vector<16xi32>
    %add3A_171 = arith.addi %add3A_170, %iota3A : vector<16xi32>
    %jit3A_172 = arith.constant 8 : i32
    %div3A_173 = vector.broadcast %jit3A_172 : i32 to vector<16xi32>
    %div3A_174 = arith.divsi %add3A_171, %div3A_173 : vector<16xi32>
    %sign3A_175 = arith.constant 0 : i32
    %sign3A_176 = vector.broadcast %sign3A_175 : i32 to vector<16xi32>
    %sign3A_177 = arith.cmpi sgt, %add3A_171, %sign3A_176 : vector<16xi32>
    %sign3A_178 = arith.extui %sign3A_177 : vector<16xi1> to vector<16xi32>
    %sign3A_179 = arith.constant 0 : i32
    %sign3A_180 = vector.broadcast %sign3A_179 : i32 to vector<16xi32>
    %sign3A_181 = arith.cmpi slt, %add3A_171, %sign3A_180 : vector<16xi32>
    %sign3A_182 = arith.extui %sign3A_181 : vector<16xi1> to vector<16xi32>
    %sign3A_183 = arith.subi %sign3A_178, %sign3A_182 : vector<16xi32>
    %sign3A_184 = arith.constant 0 : i32
    %sign3A_185 = arith.cmpi sgt, %jit3A_172, %sign3A_184 : i32
    %sign3A_186 = arith.extui %sign3A_185 : i1 to i32
    %sign3A_187 = arith.constant 0 : i32
    %sign3A_188 = arith.cmpi slt, %jit3A_172, %sign3A_187 : i32
    %sign3A_189 = arith.extui %sign3A_188 : i1 to i32
    %sign3A_190 = arith.subi %sign3A_186, %sign3A_189 : i32
    %ne3A_191 = vector.broadcast %sign3A_190 : i32 to vector<16xi32>
    %ne3A_192 = arith.cmpi ne, %sign3A_183, %ne3A_191 : vector<16xi32>
    %rem3A_193 = vector.broadcast %jit3A_172 : i32 to vector<16xi32>
    %rem3A_194 = arith.remsi %add3A_171, %rem3A_193 : vector<16xi32>
    %ne3A_195 = arith.constant 0 : i32
    %ne3A_196 = vector.broadcast %ne3A_195 : i32 to vector<16xi32>
    %ne3A_197 = arith.cmpi ne, %rem3A_194, %ne3A_196 : vector<16xi32>
    %and3A_198 = arith.andi %ne3A_192, %ne3A_197 : vector<16xi1>
    %sub3A_199 = arith.constant 1 : i32
    %sub3A_200 = vector.broadcast %sub3A_199 : i32 to vector<16xi32>
    %sub3A_201 = arith.subi %div3A_174, %sub3A_200 : vector<16xi32>
    %select_n3A_202 = arith.select %and3A_198, %sub3A_201, %div3A_174 : vector<16xi1>, vector<16xi32>
    %add3A_203 = arith.constant 48 : i32
    %add3A_204 = vector.broadcast %add3A_203 : i32 to vector<16xi32>
    %add3A_205 = arith.addi %add3A_204, %iota3A : vector<16xi32>
    %jit3A_206 = arith.constant 8 : i32
    %eq3A_207 = arith.constant 0 : i32
    %eq3A_208 = arith.cmpi eq, %jit3A_206, %eq3A_207 : i32
    %jit3A_209 = arith.constant 1 : i32
    %select_n3A_210 = arith.select %eq3A_208, %jit3A_209, %jit3A_206 : i32
    %rem3A_211 = vector.broadcast %select_n3A_210 : i32 to vector<16xi32>
    %rem3A_212 = arith.remsi %add3A_205, %rem3A_211 : vector<16xi32>
    %ne3A_213 = arith.constant 0 : i32
    %ne3A_214 = vector.broadcast %ne3A_213 : i32 to vector<16xi32>
    %ne3A_215 = arith.cmpi ne, %rem3A_212, %ne3A_214 : vector<16xi32>
    %lt3A_216 = arith.constant 0 : i32
    %lt3A_217 = vector.broadcast %lt3A_216 : i32 to vector<16xi32>
    %lt3A_218 = arith.cmpi slt, %rem3A_212, %lt3A_217 : vector<16xi32>
    %lt3A_219 = arith.constant 0 : i32
    %lt3A_220 = arith.cmpi slt, %select_n3A_210, %lt3A_219 : i32
    %ne3A_221 = vector.broadcast %lt3A_220 : i1 to vector<16xi1>
    %ne3A_222 = vector.broadcast %ne3A_221 : vector<16xi1> to vector<16xi1>
    %ne3A_223 = arith.xori %lt3A_218, %ne3A_222 : vector<16xi1>
    %and3A_224 = arith.andi %ne3A_223, %ne3A_215 : vector<16xi1>
    %add3A_225 = vector.broadcast %select_n3A_210 : i32 to vector<16xi32>
    %add3A_226 = arith.addi %rem3A_212, %add3A_225 : vector<16xi32>
    %select_n3A_227 = arith.select %and3A_224, %add3A_226, %rem3A_212 : vector<16xi1>, vector<16xi32>
    %get3A = arith.constant 0 : i32
    %get3A_228 = arith.constant 0 : i32
    %get3A_229 = arith.index_cast %get3A : i32 to index
    %get3A_230 = arith.index_cast %get3A_228 : i32 to index
    %get3A_231 = arith.constant 0 : index
    %get3A_232 = tpu.vector_load %arg5[%get3A_229, %get3A_230, %get3A_231] {strides = array<i32>} : memref<25x8x128xi32, #tpu.memory_space<vmem>>, vector<16xi32>,
    %mul3A_233 = arith.constant 2 : i32
    %mul3A_234 = vector.broadcast %mul3A_233 : i32 to vector<16xi32>
    %mul3A_235 = arith.muli %get3A_232, %mul3A_234 : vector<16xi32>
    %swap3A = arith.constant 0 : index
    %swap3A_236 = tpu.vector_load %arg6[%swap3A] {strides = array<i32>} : memref<128xi32, #tpu.memory_space<vmem>>, vector<16xi32>,
    tpu.vector_store %arg6[%swap3A], %mul3A_235 {strides = array<i32>} : memref<128xi32, #tpu.memory_space<vmem>>, vector<16xi32>,
    %get3A_237 = arith.constant 0 : i32
    %get3A_238 = arith.constant 0 : i32
    %get3A_239 = arith.index_cast %get3A_237 : i32 to index
    %get3A_240 = arith.index_cast %get3A_238 : i32 to index
    %get3A_241 = arith.constant 16 : index
    %get3A_242 = tpu.vector_load %arg5[%get3A_239, %get3A_240, %get3A_241] {strides = array<i32>} : memref<25x8x128xi32, #tpu.memory_space<vmem>>, vector<16xi32>,
    %mul3A_243 = arith.constant 2 : i32
    %mul3A_244 = vector.broadcast %mul3A_243 : i32 to vector<16xi32>
    %mul3A_245 = arith.muli %get3A_242, %mul3A_244 : vector<16xi32>
    %swap3A_246 = arith.constant 16 : index
    %swap3A_247 = tpu.vector_load %arg6[%swap3A_246] {strides = array<i32>} : memref<128xi32, #tpu.memory_space<vmem>>, vector<16xi32>,
    tpu.vector_store %arg6[%swap3A_246], %mul3A_245 {strides = array<i32>} : memref<128xi32, #tpu.memory_space<vmem>>, vector<16xi32>,
    %get3A_248 = arith.constant 0 : i32
    %get3A_249 = arith.constant 0 : i32
    %get3A_250 = arith.index_cast %get3A_248 : i32 to index
    %get3A_251 = arith.index_cast %get3A_249 : i32 to index
    %get3A_252 = arith.constant 32 : index
    %get3A_253 = tpu.vector_load %arg5[%get3A_250, %get3A_251, %get3A_252] {strides = array<i32>} : memref<25x8x128xi32, #tpu.memory_space<vmem>>, vector<16xi32>,
    %mul3A_254 = arith.constant 2 : i32
    %mul3A_255 = vector.broadcast %mul3A_254 : i32 to vector<16xi32>
    %mul3A_256 = arith.muli %get3A_253, %mul3A_255 : vector<16xi32>
    %swap3A_257 = arith.constant 32 : index
    %swap3A_258 = tpu.vector_load %arg6[%swap3A_257] {strides = array<i32>} : memref<128xi32, #tpu.memory_space<vmem>>, vector<16xi32>,
    tpu.vector_store %arg6[%swap3A_257], %mul3A_256 {strides = array<i32>} : memref<128xi32, #tpu.memory_space<vmem>>, vector<16xi32>,
    %get3A_259 = arith.constant 0 : i32
    %get3A_260 = arith.constant 0 : i32
    %get3A_261 = arith.index_cast %get3A_259 : i32 to index
    %get3A_262 = arith.index_cast %get3A_260 : i32 to index
    %get3A_263 = arith.constant 48 : index
    %get3A_264 = tpu.vector_load %arg5[%get3A_261, %get3A_262, %get3A_263] {strides = array<i32>} : memref<25x8x128xi32, #tpu.memory_space<vmem>>, vector<16xi32>,
    %mul3A_265 = arith.constant 2 : i32
    %mul3A_266 = vector.broadcast %mul3A_265 : i32 to vector<16xi32>
    %mul3A_267 = arith.muli %get3A_264, %mul3A_266 : vector<16xi32>
    %swap3A_268 = arith.constant 48 : index
    %swap3A_269 = tpu.vector_load %arg6[%swap3A_268] {strides = array<i32>} : memref<128xi32, #tpu.memory_space<vmem>>, vector<16xi32>,
    tpu.vector_store %arg6[%swap3A_268], %mul3A_267 {strides = array<i32>} : memref<128xi32, #tpu.memory_space<vmem>>, vector<16xi32>,
    %get3A_270 = arith.constant 0 : i32
    %get3A_271 = arith.constant 0 : i32
    %get3A_272 = arith.index_cast %get3A_270 : i32 to index
    %get3A_273 = arith.index_cast %get3A_271 : i32 to index
    %get3A_274 = arith.constant 64 : index
    %get3A_275 = tpu.vector_load %arg5[%get3A_272, %get3A_273, %get3A_274] {strides = array<i32>} : memref<25x8x128xi32, #tpu.memory_space<vmem>>, vector<16xi32>,
    %mul3A_276 = arith.constant 2 : i32
    %mul3A_277 = vector.broadcast %mul3A_276 : i32 to vector<16xi32>
    %mul3A_278 = arith.muli %get3A_275, %mul3A_277 : vector<16xi32>
    %swap3A_279 = arith.constant 64 : index
    %swap3A_280 = tpu.vector_load %arg6[%swap3A_279] {strides = array<i32>} : memref<128xi32, #tpu.memory_space<vmem>>, vector<16xi32>,
    tpu.vector_store %arg6[%swap3A_279], %mul3A_278 {strides = array<i32>} : memref<128xi32, #tpu.memory_space<vmem>>, vector<16xi32>,
    %get3A_281 = arith.constant 0 : i32
    %get3A_282 = arith.constant 0 : i32
    %get3A_283 = arith.index_cast %get3A_281 : i32 to index
    %get3A_284 = arith.index_cast %get3A_282 : i32 to index
    %get3A_285 = arith.constant 80 : index
    %get3A_286 = tpu.vector_load %arg5[%get3A_283, %get3A_284, %get3A_285] {strides = array<i32>} : memref<25x8x128xi32, #tpu.memory_space<vmem>>, vector<16xi32>,
    %mul3A_287 = arith.constant 2 : i32
    %mul3A_288 = vector.broadcast %mul3A_287 : i32 to vector<16xi32>
    %mul3A_289 = arith.muli %get3A_286, %mul3A_288 : vector<16xi32>
    %swap3A_290 = arith.constant 80 : index
    %swap3A_291 = tpu.vector_load %arg6[%swap3A_290] {strides = array<i32>} : memref<128xi32, #tpu.memory_space<vmem>>, vector<16xi32>,
    tpu.vector_store %arg6[%swap3A_290], %mul3A_289 {strides = array<i32>} : memref<128xi32, #tpu.memory_space<vmem>>, vector<16xi32>,
    %get3A_292 = arith.constant 0 : i32
    %get3A_293 = arith.constant 0 : i32
    %get3A_294 = arith.index_cast %get3A_292 : i32 to index
    %get3A_295 = arith.index_cast %get3A_293 : i32 to index
    %get3A_296 = arith.constant 96 : index
    %get3A_297 = tpu.vector_load %arg5[%get3A_294, %get3A_295, %get3A_296] {strides = array<i32>} : memref<25x8x128xi32, #tpu.memory_space<vmem>>, vector<16xi32>,
    %mul3A_298 = arith.constant 2 : i32
    %mul3A_299 = vector.broadcast %mul3A_298 : i32 to vector<16xi32>
    %mul3A_300 = arith.muli %get3A_297, %mul3A_299 : vector<16xi32>
    %swap3A_301 = arith.constant 96 : index
    %swap3A_302 = tpu.vector_load %arg6[%swap3A_301] {strides = array<i32>} : memref<128xi32, #tpu.memory_space<vmem>>, vector<16xi32>,
    tpu.vector_store %arg6[%swap3A_301], %mul3A_300 {strides = array<i32>} : memref<128xi32, #tpu.memory_space<vmem>>, vector<16xi32>,
    %get3A_303 = arith.constant 0 : i32
    %get3A_304 = arith.constant 0 : i32
    %get3A_305 = arith.index_cast %get3A_303 : i32 to index
    %get3A_306 = arith.index_cast %get3A_304 : i32 to index
    %get3A_307 = arith.constant 112 : index
    %get3A_308 = tpu.vector_load %arg5[%get3A_305, %get3A_306, %get3A_307] {strides = array<i32>} : memref<25x8x128xi32, #tpu.memory_space<vmem>>, vector<16xi32>,
    %mul3A_309 = arith.constant 2 : i32
    %mul3A_310 = vector.broadcast %mul3A_309 : i32 to vector<16xi32>
    %mul3A_311 = arith.muli %get3A_308, %mul3A_310 : vector<16xi32>
    %swap3A_312 = arith.constant 112 : index
    %swap3A_313 = tpu.vector_load %arg6[%swap3A_312] {strides = array<i32>} : memref<128xi32, #tpu.memory_space<vmem>>, vector<16xi32>,
    tpu.vector_store %arg6[%swap3A_312], %mul3A_311 {strides = array<i32>} : memref<128xi32, #tpu.memory_space<vmem>>, vector<16xi32>,
    %dma_start3A = arith.constant 0 : i32
    %dma_start3A_314 = arith.constant 0 : i32
    %dma_start3A_315 = tpu.memref_slice %arg3[%dma_start3A, %dma_start3A_314] : memref<200000x64xf32, #tpu.memory_space<hbm>> -> memref<200000x64xf32, #tpu.memory_space<hbm>>
    tpu.enqueue_indirect_dma source(%dma_start3A_315 : memref<200000x64xf32, #tpu.memory_space<hbm>>) target(%arg10 : memref<128x64xf32, #tpu.memory_space<vmem>>) offsets(%arg6 : memref<128xi32, #tpu.memory_space<vmem>>) semaphore(%arg18 : memref<!tpu.dma_semaphore, #tpu.memory_space<semaphore_mem>>)
    %get3A_316 = arith.constant 0 : i32
    %get3A_317 = arith.constant 1 : i32
    %get3A_318 = arith.index_cast %get3A_316 : i32 to index
    %get3A_319 = arith.index_cast %get3A_317 : i32 to index
    %get3A_320 = arith.constant 0 : index
    %get3A_321 = tpu.vector_load %arg5[%get3A_318, %get3A_319, %get3A_320] {strides = array<i32>} : memref<25x8x128xi32, #tpu.memory_space<vmem>>, vector<16xi32>,
    %mul3A_322 = arith.constant 2 : i32
    %mul3A_323 = vector.broadcast %mul3A_322 : i32 to vector<16xi32>
    %mul3A_324 = arith.muli %get3A_321, %mul3A_323 : vector<16xi32>
    %swap3A_325 = arith.constant 0 : index
    %swap3A_326 = tpu.vector_load %arg7[%swap3A_325] {strides = array<i32>} : memref<128xi32, #tpu.memory_space<vmem>>, vector<16xi32>,
    tpu.vector_store %arg7[%swap3A_325], %mul3A_324 {strides = array<i32>} : memref<128xi32, #tpu.memory_space<vmem>>, vector<16xi32>,
    %get3A_327 = arith.constant 0 : i32
    %get3A_328 = arith.constant 1 : i32
    %get3A_329 = arith.index_cast %get3A_327 : i32 to index
    %get3A_330 = arith.index_cast %get3A_328 : i32 to index
    %get3A_331 = arith.constant 16 : index
    %get3A_332 = tpu.vector_load %arg5[%get3A_329, %get3A_330, %get3A_331] {strides = array<i32>} : memref<25x8x128xi32, #tpu.memory_space<vmem>>, vector<16xi32>,
    %mul3A_333 = arith.constant 2 : i32
    %mul3A_334 = vector.broadcast %mul3A_333 : i32 to vector<16xi32>
    %mul3A_335 = arith.muli %get3A_332, %mul3A_334 : vector<16xi32>
    %swap3A_336 = arith.constant 16 : index
    %swap3A_337 = tpu.vector_load %arg7[%swap3A_336] {strides = array<i32>} : memref<128xi32, #tpu.memory_space<vmem>>, vector<16xi32>,
    tpu.vector_store %arg7[%swap3A_336], %mul3A_335 {strides = array<i32>} : memref<128xi32, #tpu.memory_space<vmem>>, vector<16xi32>,
    %get3A_338 = arith.constant 0 : i32
    %get3A_339 = arith.constant 1 : i32
    %get3A_340 = arith.index_cast %get3A_338 : i32 to index
    %get3A_341 = arith.index_cast %get3A_339 : i32 to index
    %get3A_342 = arith.constant 32 : index
    %get3A_343 = tpu.vector_load %arg5[%get3A_340, %get3A_341, %get3A_342] {strides = array<i32>} : memref<25x8x128xi32, #tpu.memory_space<vmem>>, vector<16xi32>,
    %mul3A_344 = arith.constant 2 : i32
    %mul3A_345 = vector.broadcast %mul3A_344 : i32 to vector<16xi32>
    %mul3A_346 = arith.muli %get3A_343, %mul3A_345 : vector<16xi32>
    %swap3A_347 = arith.constant 32 : index
    %swap3A_348 = tpu.vector_load %arg7[%swap3A_347] {strides = array<i32>} : memref<128xi32, #tpu.memory_space<vmem>>, vector<16xi32>,
    tpu.vector_store %arg7[%swap3A_347], %mul3A_346 {strides = array<i32>} : memref<128xi32, #tpu.memory_space<vmem>>, vector<16xi32>,
    %get3A_349 = arith.constant 0 : i32
    %get3A_350 = arith.constant 1 : i32
    %get3A_351 = arith.index_cast %get3A_349 : i32 to index
    %get3A_352 = arith.index_cast %get3A_350 : i32 to index
    %get3A_353 = arith.constant 48 : index
    %get3A_354 = tpu.vector_load %arg5[%get3A_351, %get3A_352, %get3A_353] {strides = array<i32>} : memref<25x8x128xi32, #tpu.memory_space<vmem>>, vector<16xi32>,
    %mul3A_355 = arith.constant 2 : i32
    %mul3A_356 = vector.broadcast %mul3A_355 : i32 to vector<16xi32>
    %mul3A_357 = arith.muli %get3A_354, %mul3A_356 : vector<16xi32>
    %swap3A_358 = arith.constant 48 : index
    %swap3A_359 = tpu.vector_load %arg7[%swap3A_358] {strides = array<i32>} : memref<128xi32, #tpu.memory_space<vmem>>, vector<16xi32>,
    tpu.vector_store %arg7[%swap3A_358], %mul3A_357 {strides = array<i32>} : memref<128xi32, #tpu.memory_space<vmem>>, vector<16xi32>,
    %get3A_360 = arith.constant 0 : i32
    %get3A_361 = arith.constant 1 : i32
    %get3A_362 = arith.index_cast %get3A_360 : i32 to index
    %get3A_363 = arith.index_cast %get3A_361 : i32 to index
    %get3A_364 = arith.constant 64 : index
    %get3A_365 = tpu.vector_load %arg5[%get3A_362, %get3A_363, %get3A_364] {strides = array<i32>} : memref<25x8x128xi32, #tpu.memory_space<vmem>>, vector<16xi32>,
    %mul3A_366 = arith.constant 2 : i32
    %mul3A_367 = vector.broadcast %mul3A_366 : i32 to vector<16xi32>
    %mul3A_368 = arith.muli %get3A_365, %mul3A_367 : vector<16xi32>
    %swap3A_369 = arith.constant 64 : index
    %swap3A_370 = tpu.vector_load %arg7[%swap3A_369] {strides = array<i32>} : memref<128xi32, #tpu.memory_space<vmem>>, vector<16xi32>,
    tpu.vector_store %arg7[%swap3A_369], %mul3A_368 {strides = array<i32>} : memref<128xi32, #tpu.memory_space<vmem>>, vector<16xi32>,
    %get3A_371 = arith.constant 0 : i32
    %get3A_372 = arith.constant 1 : i32
    %get3A_373 = arith.index_cast %get3A_371 : i32 to index
    %get3A_374 = arith.index_cast %get3A_372 : i32 to index
    %get3A_375 = arith.constant 80 : index
    %get3A_376 = tpu.vector_load %arg5[%get3A_373, %get3A_374, %get3A_375] {strides = array<i32>} : memref<25x8x128xi32, #tpu.memory_space<vmem>>, vector<16xi32>,
    %mul3A_377 = arith.constant 2 : i32
    %mul3A_378 = vector.broadcast %mul3A_377 : i32 to vector<16xi32>
    %mul3A_379 = arith.muli %get3A_376, %mul3A_378 : vector<16xi32>
    %swap3A_380 = arith.constant 80 : index
    %swap3A_381 = tpu.vector_load %arg7[%swap3A_380] {strides = array<i32>} : memref<128xi32, #tpu.memory_space<vmem>>, vector<16xi32>,
    tpu.vector_store %arg7[%swap3A_380], %mul3A_379 {strides = array<i32>} : memref<128xi32, #tpu.memory_space<vmem>>, vector<16xi32>,
    %get3A_382 = arith.constant 0 : i32
    %get3A_383 = arith.constant 1 : i32
    %get3A_384 = arith.index_cast %get3A_382 : i32 to index
    %get3A_385 = arith.index_cast %get3A_383 : i32 to index
    %get3A_386 = arith.constant 96 : index
    %get3A_387 = tpu.vector_load %arg5[%get3A_384, %get3A_385, %get3A_386] {strides = array<i32>} : memref<25x8x128xi32, #tpu.memory_space<vmem>>, vector<16xi32>,
    %mul3A_388 = arith.constant 2 : i32
    %mul3A_389 = vector.broadcast %mul3A_388 : i32 to vector<16xi32>
    %mul3A_390 = arith.muli %get3A_387, %mul3A_389 : vector<16xi32>
    %swap3A_391 = arith.constant 96 : index
    %swap3A_392 = tpu.vector_load %arg7[%swap3A_391] {strides = array<i32>} : memref<128xi32, #tpu.memory_space<vmem>>, vector<16xi32>,
    tpu.vector_store %arg7[%swap3A_391], %mul3A_390 {strides = array<i32>} : memref<128xi32, #tpu.memory_space<vmem>>, vector<16xi32>,
    %get3A_393 = arith.constant 0 : i32
    %get3A_394 = arith.constant 1 : i32
    %get3A_395 = arith.index_cast %get3A_393 : i32 to index
    %get3A_396 = arith.index_cast %get3A_394 : i32 to index
    %get3A_397 = arith.constant 112 : index
    %get3A_398 = tpu.vector_load %arg5[%get3A_395, %get3A_396, %get3A_397] {strides = array<i32>} : memref<25x8x128xi32, #tpu.memory_space<vmem>>, vector<16xi32>,
    %mul3A_399 = arith.constant 2 : i32
    %mul3A_400 = vector.broadcast %mul3A_399 : i32 to vector<16xi32>
    %mul3A_401 = arith.muli %get3A_398, %mul3A_400 : vector<16xi32>
    %swap3A_402 = arith.constant 112 : index
    %swap3A_403 = tpu.vector_load %arg7[%swap3A_402] {strides = array<i32>} : memref<128xi32, #tpu.memory_space<vmem>>, vector<16xi32>,
    tpu.vector_store %arg7[%swap3A_402], %mul3A_401 {strides = array<i32>} : memref<128xi32, #tpu.memory_space<vmem>>, vector<16xi32>,
    %dma_start3A_404 = arith.constant 0 : i32
    %dma_start3A_405 = arith.constant 0 : i32
    %dma_start3A_406 = tpu.memref_slice %arg3[%dma_start3A_404, %dma_start3A_405] : memref<200000x64xf32, #tpu.memory_space<hbm>> -> memref<200000x64xf32, #tpu.memory_space<hbm>>
    tpu.enqueue_indirect_dma source(%dma_start3A_406 : memref<200000x64xf32, #tpu.memory_space<hbm>>) target(%arg11 : memref<128x64xf32, #tpu.memory_space<vmem>>) offsets(%arg7 : memref<128xi32, #tpu.memory_space<vmem>>) semaphore(%arg19 : memref<!tpu.dma_semaphore, #tpu.memory_space<semaphore_mem>>)
    %get3A_407 = arith.constant 0 : i32
    %get3A_408 = arith.constant 2 : i32
    %get3A_409 = arith.index_cast %get3A_407 : i32 to index
    %get3A_410 = arith.index_cast %get3A_408 : i32 to index
    %get3A_411 = arith.constant 0 : index
    %get3A_412 = tpu.vector_load %arg5[%get3A_409, %get3A_410, %get3A_411] {strides = array<i32>} : memref<25x8x128xi32, #tpu.memory_space<vmem>>, vector<16xi32>,
    %mul3A_413 = arith.constant 2 : i32
    %mul3A_414 = vector.broadcast %mul3A_413 : i32 to vector<16xi32>
    %mul3A_415 = arith.muli %get3A_412, %mul3A_414 : vector<16xi32>
    %swap3A_416 = arith.constant 0 : index
    %swap3A_417 = tpu.vector_load %arg8[%swap3A_416] {strides = array<i32>} : memref<128xi32, #tpu.memory_space<vmem>>, vector<16xi32>,
    tpu.vector_store %arg8[%swap3A_416], %mul3A_415 {strides = array<i32>} : memref<128xi32, #tpu.memory_space<vmem>>, vector<16xi32>,
    %get3A_418 = arith.constant 0 : i32
    %get3A_419 = arith.constant 2 : i32
    %get3A_420 = arith.index_cast %get3A_418 : i32 to index
    %get3A_421 = arith.index_cast %get3A_419 : i32 to index
    %get3A_422 = arith.constant 16 : index
    %get3A_423 = tpu.vector_load %arg5[%get3A_420, %get3A_421, %get3A_422] {strides = array<i32>} : memref<25x8x128xi32, #tpu.memory_space<vmem>>, vector<16xi32>,
    %mul3A_424 = arith.constant 2 : i32
    %mul3A_425 = vector.broadcast %mul3A_424 : i32 to vector<16xi32>
    %mul3A_426 = arith.muli %get3A_423, %mul3A_425 : vector<16xi32>
    %swap3A_427 = arith.constant 16 : index
    %swap3A_428 = tpu.vector_load %arg8[%swap3A_427] {strides = array<i32>} : memref<128xi32, #tpu.memory_space<vmem>>, vector<16xi32>,
    tpu.vector_store %arg8[%swap3A_427], %mul3A_426 {strides = array<i32>} : memref<128xi32, #tpu.memory_space<vmem>>, vector<16xi32>,
    %get3A_429 = arith.constant 0 : i32
    %get3A_430 = arith.constant 2 : i32
    %get3A_431 = arith.index_cast %get3A_429 : i32 to index
    %get3A_432 = arith.index_cast %get3A_430 : i32 to index
    %get3A_433 = arith.constant 32 : index
    %get3A_434 = tpu.vector_load %arg5[%get3A_431, %get3A_432, %get3A_433] {strides = array<i32>} : memref<25x8x128xi32, #tpu.memory_space<vmem>>, vector<16xi32>,
    %mul3A_435 = arith.constant 2 : i32
    %mul3A_436 = vector.broadcast %mul3A_435 : i32 to vector<16xi32>
    %mul3A_437 = arith.muli %get3A_434, %mul3A_436 : vector<16xi32>
    %swap3A_438 = arith.constant 32 : index
    %swap3A_439 = tpu.vector_load %arg8[%swap3A_438] {strides = array<i32>} : memref<128xi32, #tpu.memory_space<vmem>>, vector<16xi32>,
    tpu.vector_store %arg8[%swap3A_438], %mul3A_437 {strides = array<i32>} : memref<128xi32, #tpu.memory_space<vmem>>, vector<16xi32>,
    %get3A_440 = arith.constant 0 : i32
    %get3A_441 = arith.constant 2 : i32
    %get3A_442 = arith.index_cast %get3A_440 : i32 to index
    %get3A_443 = arith.index_cast %get3A_441 : i32 to index
    %get3A_444 = arith.constant 48 : index
    %get3A_445 = tpu.vector_load %arg5[%get3A_442, %get3A_443, %get3A_444] {strides = array<i32>} : memref<25x8x128xi32, #tpu.memory_space<vmem>>, vector<16xi32>,
    %mul3A_446 = arith.constant 2 : i32
    %mul3A_447 = vector.broadcast %mul3A_446 : i32 to vector<16xi32>
    %mul3A_448 = arith.muli %get3A_445, %mul3A_447 : vector<16xi32>
    %swap3A_449 = arith.constant 48 : index
    %swap3A_450 = tpu.vector_load %arg8[%swap3A_449] {strides = array<i32>} : memref<128xi32, #tpu.memory_space<vmem>>, vector<16xi32>,
    tpu.vector_store %arg8[%swap3A_449], %mul3A_448 {strides = array<i32>} : memref<128xi32, #tpu.memory_space<vmem>>, vector<16xi32>,
    %get3A_451 = arith.constant 0 : i32
    %get3A_452 = arith.constant 2 : i32
    %get3A_453 = arith.index_cast %get3A_451 : i32 to index
    %get3A_454 = arith.index_cast %get3A_452 : i32 to index
    %get3A_455 = arith.constant 64 : index
    %get3A_456 = tpu.vector_load %arg5[%get3A_453, %get3A_454, %get3A_455] {strides = array<i32>} : memref<25x8x128xi32, #tpu.memory_space<vmem>>, vector<16xi32>,
    %mul3A_457 = arith.constant 2 : i32
    %mul3A_458 = vector.broadcast %mul3A_457 : i32 to vector<16xi32>
    %mul3A_459 = arith.muli %get3A_456, %mul3A_458 : vector<16xi32>
    %swap3A_460 = arith.constant 64 : index
    %swap3A_461 = tpu.vector_load %arg8[%swap3A_460] {strides = array<i32>} : memref<128xi32, #tpu.memory_space<vmem>>, vector<16xi32>,
    tpu.vector_store %arg8[%swap3A_460], %mul3A_459 {strides = array<i32>} : memref<128xi32, #tpu.memory_space<vmem>>, vector<16xi32>,
    %get3A_462 = arith.constant 0 : i32
    %get3A_463 = arith.constant 2 : i32
    %get3A_464 = arith.index_cast %get3A_462 : i32 to index
    %get3A_465 = arith.index_cast %get3A_463 : i32 to index
    %get3A_466 = arith.constant 80 : index
    %get3A_467 = tpu.vector_load %arg5[%get3A_464, %get3A_465, %get3A_466] {strides = array<i32>} : memref<25x8x128xi32, #tpu.memory_space<vmem>>, vector<16xi32>,
    %mul3A_468 = arith.constant 2 : i32
    %mul3A_469 = vector.broadcast %mul3A_468 : i32 to vector<16xi32>
    %mul3A_470 = arith.muli %get3A_467, %mul3A_469 : vector<16xi32>
    %swap3A_471 = arith.constant 80 : index
    %swap3A_472 = tpu.vector_load %arg8[%swap3A_471] {strides = array<i32>} : memref<128xi32, #tpu.memory_space<vmem>>, vector<16xi32>,
    tpu.vector_store %arg8[%swap3A_471], %mul3A_470 {strides = array<i32>} : memref<128xi32, #tpu.memory_space<vmem>>, vector<16xi32>,
    %get3A_473 = arith.constant 0 : i32
    %get3A_474 = arith.constant 2 : i32
    %get3A_475 = arith.index_cast %get3A_473 : i32 to index
    %get3A_476 = arith.index_cast %get3A_474 : i32 to index
    %get3A_477 = arith.constant 96 : index
    %get3A_478 = tpu.vector_load %arg5[%get3A_475, %get3A_476, %get3A_477] {strides = array<i32>} : memref<25x8x128xi32, #tpu.memory_space<vmem>>, vector<16xi32>,
    %mul3A_479 = arith.constant 2 : i32
    %mul3A_480 = vector.broadcast %mul3A_479 : i32 to vector<16xi32>
    %mul3A_481 = arith.muli %get3A_478, %mul3A_480 : vector<16xi32>
    %swap3A_482 = arith.constant 96 : index
    %swap3A_483 = tpu.vector_load %arg8[%swap3A_482] {strides = array<i32>} : memref<128xi32, #tpu.memory_space<vmem>>, vector<16xi32>,
    tpu.vector_store %arg8[%swap3A_482], %mul3A_481 {strides = array<i32>} : memref<128xi32, #tpu.memory_space<vmem>>, vector<16xi32>,
    %get3A_484 = arith.constant 0 : i32
    %get3A_485 = arith.constant 2 : i32
    %get3A_486 = arith.index_cast %get3A_484 : i32 to index
    %get3A_487 = arith.index_cast %get3A_485 : i32 to index
    %get3A_488 = arith.constant 112 : index
    %get3A_489 = tpu.vector_load %arg5[%get3A_486, %get3A_487, %get3A_488] {strides = array<i32>} : memref<25x8x128xi32, #tpu.memory_space<vmem>>, vector<16xi32>,
    %mul3A_490 = arith.constant 2 : i32
    %mul3A_491 = vector.broadcast %mul3A_490 : i32 to vector<16xi32>
    %mul3A_492 = arith.muli %get3A_489, %mul3A_491 : vector<16xi32>
    %swap3A_493 = arith.constant 112 : index
    %swap3A_494 = tpu.vector_load %arg8[%swap3A_493] {strides = array<i32>} : memref<128xi32, #tpu.memory_space<vmem>>, vector<16xi32>,
    tpu.vector_store %arg8[%swap3A_493], %mul3A_492 {strides = array<i32>} : memref<128xi32, #tpu.memory_space<vmem>>, vector<16xi32>,
    %dma_start3A_495 = arith.constant 0 : i32
    %dma_start3A_496 = arith.constant 0 : i32
    %dma_start3A_497 = tpu.memref_slice %arg3[%dma_start3A_495, %dma_start3A_496] : memref<200000x64xf32, #tpu.memory_space<hbm>> -> memref<200000x64xf32, #tpu.memory_space<hbm>>
    tpu.enqueue_indirect_dma source(%dma_start3A_497 : memref<200000x64xf32, #tpu.memory_space<hbm>>) target(%arg12 : memref<128x64xf32, #tpu.memory_space<vmem>>) offsets(%arg8 : memref<128xi32, #tpu.memory_space<vmem>>) semaphore(%arg20 : memref<!tpu.dma_semaphore, #tpu.memory_space<semaphore_mem>>)
    %get3A_498 = arith.constant 0 : i32
    %get3A_499 = arith.constant 3 : i32
    %get3A_500 = arith.index_cast %get3A_498 : i32 to index
    %get3A_501 = arith.index_cast %get3A_499 : i32 to index
    %get3A_502 = arith.constant 0 : index
    %get3A_503 = tpu.vector_load %arg5[%get3A_500, %get3A_501, %get3A_502] {strides = array<i32>} : memref<25x8x128xi32, #tpu.memory_space<vmem>>, vector<16xi32>,
    %mul3A_504 = arith.constant 2 : i32
    %mul3A_505 = vector.broadcast %mul3A_504 : i32 to vector<16xi32>
    %mul3A_506 = arith.muli %get3A_503, %mul3A_505 : vector<16xi32>
    %swap3A_507 = arith.constant 0 : index
    %swap3A_508 = tpu.vector_load %arg9[%swap3A_507] {strides = array<i32>} : memref<128xi32, #tpu.memory_space<vmem>>, vector<16xi32>,
    tpu.vector_store %arg9[%swap3A_507], %mul3A_506 {strides = array<i32>} : memref<128xi32, #tpu.memory_space<vmem>>, vector<16xi32>,
    %get3A_509 = arith.constant 0 : i32
    %get3A_510 = arith.constant 3 : i32
    %get3A_511 = arith.index_cast %get3A_509 : i32 to index
    %get3A_512 = arith.index_cast %get3A_510 : i32 to index
    %get3A_513 = arith.constant 16 : index
    %get3A_514 = tpu.vector_load %arg5[%get3A_511, %get3A_512, %get3A_513] {strides = array<i32>} : memref<25x8x128xi32, #tpu.memory_space<vmem>>, vector<16xi32>,
    %mul3A_515 = arith.constant 2 : i32
    %mul3A_516 = vector.broadcast %mul3A_515 : i32 to vector<16xi32>
    %mul3A_517 = arith.muli %get3A_514, %mul3A_516 : vector<16xi32>
    %swap3A_518 = arith.constant 16 : index
    %swap3A_519 = tpu.vector_load %arg9[%swap3A_518] {strides = array<i32>} : memref<128xi32, #tpu.memory_space<vmem>>, vector<16xi32>,
    tpu.vector_store %arg9[%swap3A_518], %mul3A_517 {strides = array<i32>} : memref<128xi32, #tpu.memory_space<vmem>>, vector<16xi32>,
    %get3A_520 = arith.constant 0 : i32
    %get3A_521 = arith.constant 3 : i32
    %get3A_522 = arith.index_cast %get3A_520 : i32 to index
    %get3A_523 = arith.index_cast %get3A_521 : i32 to index
    %get3A_524 = arith.constant 32 : index
    %get3A_525 = tpu.vector_load %arg5[%get3A_522, %get3A_523, %get3A_524] {strides = array<i32>} : memref<25x8x128xi32, #tpu.memory_space<vmem>>, vector<16xi32>,
    %mul3A_526 = arith.constant 2 : i32
    %mul3A_527 = vector.broadcast %mul3A_526 : i32 to vector<16xi32>
    %mul3A_528 = arith.muli %get3A_525, %mul3A_527 : vector<16xi32>
    %swap3A_529 = arith.constant 32 : index
    %swap3A_530 = tpu.vector_load %arg9[%swap3A_529] {strides = array<i32>} : memref<128xi32, #tpu.memory_space<vmem>>, vector<16xi32>,
    tpu.vector_store %arg9[%swap3A_529], %mul3A_528 {strides = array<i32>} : memref<128xi32, #tpu.memory_space<vmem>>, vector<16xi32>,
    %get3A_531 = arith.constant 0 : i32
    %get3A_532 = arith.constant 3 : i32
    %get3A_533 = arith.index_cast %get3A_531 : i32 to index
    %get3A_534 = arith.index_cast %get3A_532 : i32 to index
    %get3A_535 = arith.constant 48 : index
    %get3A_536 = tpu.vector_load %arg5[%get3A_533, %get3A_534, %get3A_535] {strides = array<i32>} : memref<25x8x128xi32, #tpu.memory_space<vmem>>, vector<16xi32>,
    %mul3A_537 = arith.constant 2 : i32
    %mul3A_538 = vector.broadcast %mul3A_537 : i32 to vector<16xi32>
    %mul3A_539 = arith.muli %get3A_536, %mul3A_538 : vector<16xi32>
    %swap3A_540 = arith.constant 48 : index
    %swap3A_541 = tpu.vector_load %arg9[%swap3A_540] {strides = array<i32>} : memref<128xi32, #tpu.memory_space<vmem>>, vector<16xi32>,
    tpu.vector_store %arg9[%swap3A_540], %mul3A_539 {strides = array<i32>} : memref<128xi32, #tpu.memory_space<vmem>>, vector<16xi32>,
    %get3A_542 = arith.constant 0 : i32
    %get3A_543 = arith.constant 3 : i32
    %get3A_544 = arith.index_cast %get3A_542 : i32 to index
    %get3A_545 = arith.index_cast %get3A_543 : i32 to index
    %get3A_546 = arith.constant 64 : index
    %get3A_547 = tpu.vector_load %arg5[%get3A_544, %get3A_545, %get3A_546] {strides = array<i32>} : memref<25x8x128xi32, #tpu.memory_space<vmem>>, vector<16xi32>,
    %mul3A_548 = arith.constant 2 : i32
    %mul3A_549 = vector.broadcast %mul3A_548 : i32 to vector<16xi32>
    %mul3A_550 = arith.muli %get3A_547, %mul3A_549 : vector<16xi32>
    %swap3A_551 = arith.constant 64 : index
    %swap3A_552 = tpu.vector_load %arg9[%swap3A_551] {strides = array<i32>} : memref<128xi32, #tpu.memory_space<vmem>>, vector<16xi32>,
    tpu.vector_store %arg9[%swap3A_551], %mul3A_550 {strides = array<i32>} : memref<128xi32, #tpu.memory_space<vmem>>, vector<16xi32>,
    %get3A_553 = arith.constant 0 : i32
    %get3A_554 = arith.constant 3 : i32
    %get3A_555 = arith.index_cast %get3A_553 : i32 to index
    %get3A_556 = arith.index_cast %get3A_554 : i32 to index
    %get3A_557 = arith.constant 80 : index
    %get3A_558 = tpu.vector_load %arg5[%get3A_555, %get3A_556, %get3A_557] {strides = array<i32>} : memref<25x8x128xi32, #tpu.memory_space<vmem>>, vector<16xi32>,
    %mul3A_559 = arith.constant 2 : i32
    %mul3A_560 = vector.broadcast %mul3A_559 : i32 to vector<16xi32>
    %mul3A_561 = arith.muli %get3A_558, %mul3A_560 : vector<16xi32>
    %swap3A_562 = arith.constant 80 : index
    %swap3A_563 = tpu.vector_load %arg9[%swap3A_562] {strides = array<i32>} : memref<128xi32, #tpu.memory_space<vmem>>, vector<16xi32>,
    tpu.vector_store %arg9[%swap3A_562], %mul3A_561 {strides = array<i32>} : memref<128xi32, #tpu.memory_space<vmem>>, vector<16xi32>,
    %get3A_564 = arith.constant 0 : i32
    %get3A_565 = arith.constant 3 : i32
    %get3A_566 = arith.index_cast %get3A_564 : i32 to index
    %get3A_567 = arith.index_cast %get3A_565 : i32 to index
    %get3A_568 = arith.constant 96 : index
    %get3A_569 = tpu.vector_load %arg5[%get3A_566, %get3A_567, %get3A_568] {strides = array<i32>} : memref<25x8x128xi32, #tpu.memory_space<vmem>>, vector<16xi32>,
    %mul3A_570 = arith.constant 2 : i32
    %mul3A_571 = vector.broadcast %mul3A_570 : i32 to vector<16xi32>
    %mul3A_572 = arith.muli %get3A_569, %mul3A_571 : vector<16xi32>
    %swap3A_573 = arith.constant 96 : index
    %swap3A_574 = tpu.vector_load %arg9[%swap3A_573] {strides = array<i32>} : memref<128xi32, #tpu.memory_space<vmem>>, vector<16xi32>,
    tpu.vector_store %arg9[%swap3A_573], %mul3A_572 {strides = array<i32>} : memref<128xi32, #tpu.memory_space<vmem>>, vector<16xi32>,
    %get3A_575 = arith.constant 0 : i32
    %get3A_576 = arith.constant 3 : i32
    %get3A_577 = arith.index_cast %get3A_575 : i32 to index
    %get3A_578 = arith.index_cast %get3A_576 : i32 to index
    %get3A_579 = arith.constant 112 : index
    %get3A_580 = tpu.vector_load %arg5[%get3A_577, %get3A_578, %get3A_579] {strides = array<i32>} : memref<25x8x128xi32, #tpu.memory_space<vmem>>, vector<16xi32>,
    %mul3A_581 = arith.constant 2 : i32
    %mul3A_582 = vector.broadcast %mul3A_581 : i32 to vector<16xi32>
    %mul3A_583 = arith.muli %get3A_580, %mul3A_582 : vector<16xi32>
    %swap3A_584 = arith.constant 112 : index
    %swap3A_585 = tpu.vector_load %arg9[%swap3A_584] {strides = array<i32>} : memref<128xi32, #tpu.memory_space<vmem>>, vector<16xi32>,
    tpu.vector_store %arg9[%swap3A_584], %mul3A_583 {strides = array<i32>} : memref<128xi32, #tpu.memory_space<vmem>>, vector<16xi32>,
    %dma_start3A_586 = arith.constant 0 : i32
    %dma_start3A_587 = arith.constant 0 : i32
    %dma_start3A_588 = tpu.memref_slice %arg3[%dma_start3A_586, %dma_start3A_587] : memref<200000x64xf32, #tpu.memory_space<hbm>> -> memref<200000x64xf32, #tpu.memory_space<hbm>>
    tpu.enqueue_indirect_dma source(%dma_start3A_588 : memref<200000x64xf32, #tpu.memory_space<hbm>>) target(%arg13 : memref<128x64xf32, #tpu.memory_space<vmem>>) offsets(%arg9 : memref<128xi32, #tpu.memory_space<vmem>>) semaphore(%arg21 : memref<!tpu.dma_semaphore, #tpu.memory_space<semaphore_mem>>)
    %scan3A = arith.constant 0 : i32
    %scan3A_589 = arith.constant 0 : i32
    %scan3A_590 = arith.constant 49 : i32
    %scan3A_591 = arith.addi %scan3A_589, %scan3A_590 : i32
    %scan3A_592 = arith.constant 1 : i32
    scf.for %scan3A_844 = %scan3A_589 to %scan3A_591 step %scan3A_592  : i32 {
      %mul3A_845 = arith.constant 4 : i32
      %mul3A_846 = arith.muli %mul3A_845, %scan3A_844 : i32
      %gt3A = arith.constant 0 : i32
      %gt3A_847 = arith.cmpi sgt, %scan3A_844, %gt3A : i32
      %convert_element_type3A = arith.extui %gt3A_847 : i1 to i32
      %cond3A = arith.constant 0 : i32
      %cond3A_848 = arith.cmpi ne, %convert_element_type3A, %cond3A : i32
      scf.if %cond3A_848 {
        %sub3A_2564 = arith.constant 4 : i32
        %sub3A_2565 = arith.subi %mul3A_846, %sub3A_2564 : i32
        %add3A_2566 = arith.constant 0 : i32
        %add3A_2567 = arith.addi %sub3A_2565, %add3A_2566 : i32
        %dma_wait3A_2568 = arith.constant 0 : i32
        %dma_wait3A_2569 = arith.constant 0 : i32
        %dma_wait3A_2570 = arith.constant 0 : i32
        %dma_wait3A_2571 = tpu.memref_slice %arg14[%dma_wait3A_2568, %dma_wait3A_2569, %dma_wait3A_2570] : memref<8x8x130xf32, #tpu.memory_space<vmem>> -> memref<8x8x128xf32, #tpu.memory_space<vmem>>
        %dma_wait3A_2572 = arith.constant 0 : i32
        %dma_wait3A_2573 = arith.constant 0 : i32
        %dma_wait3A_2574 = arith.constant 0 : i32
        %dma_wait3A_2575 = tpu.memref_slice %arg4[%add3A_2567, %dma_wait3A_2572, %add3A, %dma_wait3A_2573, %dma_wait3A_2574] : memref<200x8x32x8x128xf32, #tpu.memory_space<hbm>> -> memref<1x8x1x8x128xf32, #tpu.memory_space<hbm>>
        %dma_wait3A_2576 = tpu.memref_squeeze %dma_wait3A_2575 : memref<1x8x1x8x128xf32, #tpu.memory_space<hbm>> -> memref<8x8x128xf32, #tpu.memory_space<hbm>>
        %dma_wait3A_2577 = arith.constant 0 : i32
        %dma_wait3A_2578 = arith.constant 0 : i32
        %dma_wait3A_2579 = arith.constant 0 : i32
        %dma_wait3A_2580 = tpu.memref_slice %arg4[%add3A_2567, %dma_wait3A_2577, %add3A, %dma_wait3A_2578, %dma_wait3A_2579] : memref<200x8x32x8x128xf32, #tpu.memory_space<hbm>> -> memref<1x8x1x8x128xf32, #tpu.memory_space<hbm>>
        %dma_wait3A_2581 = tpu.memref_squeeze %dma_wait3A_2580 : memref<1x8x1x8x128xf32, #tpu.memory_space<hbm>> -> memref<8x8x128xf32, #tpu.memory_space<hbm>>
        %dma_wait3A_2582 = arith.constant 0 : i32
        %dma_wait3A_2583 = arith.constant 0 : i32
        %dma_wait3A_2584 = arith.constant 0 : i32
        %dma_wait3A_2585 = tpu.memref_slice %arg14[%dma_wait3A_2582, %dma_wait3A_2583, %dma_wait3A_2584] : memref<8x8x130xf32, #tpu.memory_space<vmem>> -> memref<8x8x128xf32, #tpu.memory_space<vmem>>
        tpu.wait_dma2 semaphore(%arg22 : memref<!tpu.dma_semaphore, #tpu.memory_space<semaphore_mem>>) src(%dma_wait3A_2585 : memref<8x8x128xf32, #tpu.memory_space<vmem>>) dst(%dma_wait3A_2581 : memref<8x8x128xf32, #tpu.memory_space<hbm>>)
      } else {
      }
      %dma_wait3A_849 = arith.constant 0 : i32
      %dma_wait3A_850 = arith.constant 0 : i32
      %dma_wait3A_851 = tpu.memref_slice %arg3[%dma_wait3A_849, %dma_wait3A_850] : memref<200000x64xf32, #tpu.memory_space<hbm>> -> memref<200000x64xf32, #tpu.memory_space<hbm>>
      tpu.wait_indirect_dma semaphore(%arg18 : memref<!tpu.dma_semaphore, #tpu.memory_space<semaphore_mem>>) src(%dma_wait3A_851 : memref<200000x64xf32, #tpu.memory_space<hbm>>) dst(%arg10 : memref<128x64xf32, #tpu.memory_space<vmem>>)
      %parallel_loop3A_852 = arith.constant 0 : i32
      %parallel_loop3A_853 = arith.constant 128 : i32
      %parallel_loop3A_854 = arith.constant 1 : i32
      scf.for %parallel_loop3A_2564 = %parallel_loop3A_852 to %parallel_loop3A_853 step %parallel_loop3A_854  : i32 {
        %parallel_loop3A_2565 = vector.broadcast %parallel_loop3A_2564 : i32 to vector<16xi32>
        %parallel_loop3A_2566 = arith.addi %broadcast_in_dim3A_1, %parallel_loop3A_2565 : vector<16xi32>
        %parallel_loop3A_2567 = arith.index_cast %parallel_loop3A_2564 : i32 to index
        %parallel_loop3A_2568 = arith.constant 0 : index
        %parallel_loop3A_2569 = tpu.vector_load %arg10[%parallel_loop3A_2567, %parallel_loop3A_2568] {strides = array<i32>} : memref<128x64xf32, #tpu.memory_space<vmem>>, vector<16xf32>,
        tpu.vector_store_idx %arg14[%select_n3A, %select_n3A_50, %parallel_loop3A_2566], %parallel_loop3A_2569 : memref<8x8x130xf32, #tpu.memory_space<vmem>>[vector<16xi32>, vector<16xi32>, vector<16xi32>], vector<16xf32>,
        %parallel_loop3A_2570 = arith.index_cast %parallel_loop3A_2564 : i32 to index
        %parallel_loop3A_2571 = arith.constant 16 : index
        %parallel_loop3A_2572 = tpu.vector_load %arg10[%parallel_loop3A_2570, %parallel_loop3A_2571] {strides = array<i32>} : memref<128x64xf32, #tpu.memory_space<vmem>>, vector<16xf32>,
        tpu.vector_store_idx %arg14[%select_n3A_84, %select_n3A_109, %parallel_loop3A_2566], %parallel_loop3A_2572 : memref<8x8x130xf32, #tpu.memory_space<vmem>>[vector<16xi32>, vector<16xi32>, vector<16xi32>], vector<16xf32>,
        %parallel_loop3A_2573 = arith.index_cast %parallel_loop3A_2564 : i32 to index
        %parallel_loop3A_2574 = arith.constant 32 : index
        %parallel_loop3A_2575 = tpu.vector_load %arg10[%parallel_loop3A_2573, %parallel_loop3A_2574] {strides = array<i32>} : memref<128x64xf32, #tpu.memory_space<vmem>>, vector<16xf32>,
        tpu.vector_store_idx %arg14[%select_n3A_143, %select_n3A_168, %parallel_loop3A_2566], %parallel_loop3A_2575 : memref<8x8x130xf32, #tpu.memory_space<vmem>>[vector<16xi32>, vector<16xi32>, vector<16xi32>], vector<16xf32>,
        %parallel_loop3A_2576 = arith.index_cast %parallel_loop3A_2564 : i32 to index
        %parallel_loop3A_2577 = arith.constant 48 : index
        %parallel_loop3A_2578 = tpu.vector_load %arg10[%parallel_loop3A_2576, %parallel_loop3A_2577] {strides = array<i32>} : memref<128x64xf32, #tpu.memory_space<vmem>>, vector<16xf32>,
        tpu.vector_store_idx %arg14[%select_n3A_202, %select_n3A_227, %parallel_loop3A_2566], %parallel_loop3A_2578 : memref<8x8x130xf32, #tpu.memory_space<vmem>>[vector<16xi32>, vector<16xi32>, vector<16xi32>], vector<16xf32>,
      } {sc.loop_unroll_factor = 4 : i64, sc.parallel_access}
      %add3A_855 = arith.constant 0 : i32
      %add3A_856 = arith.addi %mul3A_846, %add3A_855 : i32
      %dma_start3A_857 = arith.constant 0 : i32
      %dma_start3A_858 = arith.constant 0 : i32
      %dma_start3A_859 = arith.constant 0 : i32
      %dma_start3A_860 = tpu.memref_slice %arg14[%dma_start3A_857, %dma_start3A_858, %dma_start3A_859] : memref<8x8x130xf32, #tpu.memory_space<vmem>> -> memref<8x8x128xf32, #tpu.memory_space<vmem>>
      %dma_start3A_861 = arith.constant 0 : i32
      %dma_start3A_862 = arith.constant 0 : i32
      %dma_start3A_863 = arith.constant 0 : i32
      %dma_start3A_864 = tpu.memref_slice %arg4[%add3A_856, %dma_start3A_861, %add3A, %dma_start3A_862, %dma_start3A_863] : memref<200x8x32x8x128xf32, #tpu.memory_space<hbm>> -> memref<1x8x1x8x128xf32, #tpu.memory_space<hbm>>
      %dma_start3A_865 = tpu.memref_squeeze %dma_start3A_864 : memref<1x8x1x8x128xf32, #tpu.memory_space<hbm>> -> memref<8x8x128xf32, #tpu.memory_space<hbm>>
      %dma_start3A_866 = arith.constant 0 : i32
      %dma_start3A_867 = arith.constant 0 : i32
      %dma_start3A_868 = arith.constant 0 : i32
      %dma_start3A_869 = tpu.memref_slice %arg4[%add3A_856, %dma_start3A_866, %add3A, %dma_start3A_867, %dma_start3A_868] : memref<200x8x32x8x128xf32, #tpu.memory_space<hbm>> -> memref<1x8x1x8x128xf32, #tpu.memory_space<hbm>>
      %dma_start3A_870 = tpu.memref_squeeze %dma_start3A_869 : memref<1x8x1x8x128xf32, #tpu.memory_space<hbm>> -> memref<8x8x128xf32, #tpu.memory_space<hbm>>
      %dma_start3A_871 = arith.constant 0 : i32
      %dma_start3A_872 = arith.constant 0 : i32
      %dma_start3A_873 = arith.constant 0 : i32
      %dma_start3A_874 = tpu.memref_slice %arg14[%dma_start3A_871, %dma_start3A_872, %dma_start3A_873] : memref<8x8x130xf32, #tpu.memory_space<vmem>> -> memref<8x8x128xf32, #tpu.memory_space<vmem>>
      tpu.enqueue_dma source(%dma_start3A_874 : memref<8x8x128xf32, #tpu.memory_space<vmem>>) target(%dma_start3A_870 : memref<8x8x128xf32, #tpu.memory_space<hbm>>) target_semaphore(%arg22 : memref<!tpu.dma_semaphore, #tpu.memory_space<semaphore_mem>>)
      %add3A_875 = arith.constant 4 : i32
      %add3A_876 = arith.addi %mul3A_846, %add3A_875 : i32
      %add3A_877 = arith.constant 0 : i32
      %add3A_878 = arith.addi %add3A_876, %add3A_877 : i32
      %jit3A_879 = arith.constant 8 : i32
      %div3A_880 = arith.divsi %add3A_878, %jit3A_879 : i32
      %sign3A_881 = arith.constant 0 : i32
      %sign3A_882 = arith.cmpi sgt, %add3A_878, %sign3A_881 : i32
      %sign3A_883 = arith.extui %sign3A_882 : i1 to i32
      %sign3A_884 = arith.constant 0 : i32
      %sign3A_885 = arith.cmpi slt, %add3A_878, %sign3A_884 : i32
      %sign3A_886 = arith.extui %sign3A_885 : i1 to i32
      %sign3A_887 = arith.subi %sign3A_883, %sign3A_886 : i32
      %sign3A_888 = arith.constant 0 : i32
      %sign3A_889 = arith.cmpi sgt, %jit3A_879, %sign3A_888 : i32
      %sign3A_890 = arith.extui %sign3A_889 : i1 to i32
      %sign3A_891 = arith.constant 0 : i32
      %sign3A_892 = arith.cmpi slt, %jit3A_879, %sign3A_891 : i32
      %sign3A_893 = arith.extui %sign3A_892 : i1 to i32
      %sign3A_894 = arith.subi %sign3A_890, %sign3A_893 : i32
      %ne3A_895 = arith.cmpi ne, %sign3A_887, %sign3A_894 : i32
      %rem3A_896 = arith.remsi %add3A_878, %jit3A_879 : i32
      %ne3A_897 = arith.constant 0 : i32
      %ne3A_898 = arith.cmpi ne, %rem3A_896, %ne3A_897 : i32
      %and3A_899 = arith.andi %ne3A_895, %ne3A_898 : i1
      %sub3A_900 = arith.constant 1 : i32
      %sub3A_901 = arith.subi %div3A_880, %sub3A_900 : i32
      %select_n3A_902 = arith.select %and3A_899, %sub3A_901, %div3A_880 : i32
      %jit3A_903 = arith.constant 8 : i32
      %eq3A_904 = arith.constant 0 : i32
      %eq3A_905 = arith.cmpi eq, %jit3A_903, %eq3A_904 : i32
      %jit3A_906 = arith.constant 1 : i32
      %select_n3A_907 = arith.select %eq3A_905, %jit3A_906, %jit3A_903 : i32
      %rem3A_908 = arith.remsi %add3A_878, %select_n3A_907 : i32
      %ne3A_909 = arith.constant 0 : i32
      %ne3A_910 = arith.cmpi ne, %rem3A_908, %ne3A_909 : i32
      %lt3A_911 = arith.constant 0 : i32
      %lt3A_912 = arith.cmpi slt, %rem3A_908, %lt3A_911 : i32
      %lt3A_913 = arith.constant 0 : i32
      %lt3A_914 = arith.cmpi slt, %select_n3A_907, %lt3A_913 : i32
      %ne3A_915 = arith.xori %lt3A_912, %lt3A_914 : i1
      %and3A_916 = arith.andi %ne3A_915, %ne3A_910 : i1
      %add3A_917 = arith.addi %rem3A_908, %select_n3A_907 : i32
      %select_n3A_918 = arith.select %and3A_916, %add3A_917, %rem3A_908 : i32
      %get3A_919 = arith.index_cast %select_n3A_902 : i32 to index
      %get3A_920 = arith.index_cast %select_n3A_918 : i32 to index
      %get3A_921 = arith.constant 0 : index
      %get3A_922 = tpu.vector_load %arg5[%get3A_919, %get3A_920, %get3A_921] {strides = array<i32>} : memref<25x8x128xi32, #tpu.memory_space<vmem>>, vector<16xi32>,
      %mul3A_923 = arith.constant 2 : i32
      %mul3A_924 = vector.broadcast %mul3A_923 : i32 to vector<16xi32>
      %mul3A_925 = arith.muli %get3A_922, %mul3A_924 : vector<16xi32>
      %swap3A_926 = arith.constant 0 : index
      %swap3A_927 = tpu.vector_load %arg6[%swap3A_926] {strides = array<i32>} : memref<128xi32, #tpu.memory_space<vmem>>, vector<16xi32>,
      tpu.vector_store %arg6[%swap3A_926], %mul3A_925 {strides = array<i32>} : memref<128xi32, #tpu.memory_space<vmem>>, vector<16xi32>,
      %jit3A_928 = arith.constant 8 : i32
      %div3A_929 = arith.divsi %add3A_878, %jit3A_928 : i32
      %sign3A_930 = arith.constant 0 : i32
      %sign3A_931 = arith.cmpi sgt, %add3A_878, %sign3A_930 : i32
      %sign3A_932 = arith.extui %sign3A_931 : i1 to i32
      %sign3A_933 = arith.constant 0 : i32
      %sign3A_934 = arith.cmpi slt, %add3A_878, %sign3A_933 : i32
      %sign3A_935 = arith.extui %sign3A_934 : i1 to i32
      %sign3A_936 = arith.subi %sign3A_932, %sign3A_935 : i32
      %sign3A_937 = arith.constant 0 : i32
      %sign3A_938 = arith.cmpi sgt, %jit3A_928, %sign3A_937 : i32
      %sign3A_939 = arith.extui %sign3A_938 : i1 to i32
      %sign3A_940 = arith.constant 0 : i32
      %sign3A_941 = arith.cmpi slt, %jit3A_928, %sign3A_940 : i32
      %sign3A_942 = arith.extui %sign3A_941 : i1 to i32
      %sign3A_943 = arith.subi %sign3A_939, %sign3A_942 : i32
      %ne3A_944 = arith.cmpi ne, %sign3A_936, %sign3A_943 : i32
      %rem3A_945 = arith.remsi %add3A_878, %jit3A_928 : i32
      %ne3A_946 = arith.constant 0 : i32
      %ne3A_947 = arith.cmpi ne, %rem3A_945, %ne3A_946 : i32
      %and3A_948 = arith.andi %ne3A_944, %ne3A_947 : i1
      %sub3A_949 = arith.constant 1 : i32
      %sub3A_950 = arith.subi %div3A_929, %sub3A_949 : i32
      %select_n3A_951 = arith.select %and3A_948, %sub3A_950, %div3A_929 : i32
      %jit3A_952 = arith.constant 8 : i32
      %eq3A_953 = arith.constant 0 : i32
      %eq3A_954 = arith.cmpi eq, %jit3A_952, %eq3A_953 : i32
      %jit3A_955 = arith.constant 1 : i32
      %select_n3A_956 = arith.select %eq3A_954, %jit3A_955, %jit3A_952 : i32
      %rem3A_957 = arith.remsi %add3A_878, %select_n3A_956 : i32
      %ne3A_958 = arith.constant 0 : i32
      %ne3A_959 = arith.cmpi ne, %rem3A_957, %ne3A_958 : i32
      %lt3A_960 = arith.constant 0 : i32
      %lt3A_961 = arith.cmpi slt, %rem3A_957, %lt3A_960 : i32
      %lt3A_962 = arith.constant 0 : i32
      %lt3A_963 = arith.cmpi slt, %select_n3A_956, %lt3A_962 : i32
      %ne3A_964 = arith.xori %lt3A_961, %lt3A_963 : i1
      %and3A_965 = arith.andi %ne3A_964, %ne3A_959 : i1
      %add3A_966 = arith.addi %rem3A_957, %select_n3A_956 : i32
      %select_n3A_967 = arith.select %and3A_965, %add3A_966, %rem3A_957 : i32
      %get3A_968 = arith.index_cast %select_n3A_951 : i32 to index
      %get3A_969 = arith.index_cast %select_n3A_967 : i32 to index
      %get3A_970 = arith.constant 16 : index
      %get3A_971 = tpu.vector_load %arg5[%get3A_968, %get3A_969, %get3A_970] {strides = array<i32>} : memref<25x8x128xi32, #tpu.memory_space<vmem>>, vector<16xi32>,
      %mul3A_972 = arith.constant 2 : i32
      %mul3A_973 = vector.broadcast %mul3A_972 : i32 to vector<16xi32>
      %mul3A_974 = arith.muli %get3A_971, %mul3A_973 : vector<16xi32>
      %swap3A_975 = arith.constant 16 : index
      %swap3A_976 = tpu.vector_load %arg6[%swap3A_975] {strides = array<i32>} : memref<128xi32, #tpu.memory_space<vmem>>, vector<16xi32>,
      tpu.vector_store %arg6[%swap3A_975], %mul3A_974 {strides = array<i32>} : memref<128xi32, #tpu.memory_space<vmem>>, vector<16xi32>,
      %jit3A_977 = arith.constant 8 : i32
      %div3A_978 = arith.divsi %add3A_878, %jit3A_977 : i32
      %sign3A_979 = arith.constant 0 : i32
      %sign3A_980 = arith.cmpi sgt, %add3A_878, %sign3A_979 : i32
      %sign3A_981 = arith.extui %sign3A_980 : i1 to i32
      %sign3A_982 = arith.constant 0 : i32
      %sign3A_983 = arith.cmpi slt, %add3A_878, %sign3A_982 : i32
      %sign3A_984 = arith.extui %sign3A_983 : i1 to i32
      %sign3A_985 = arith.subi %sign3A_981, %sign3A_984 : i32
      %sign3A_986 = arith.constant 0 : i32
      %sign3A_987 = arith.cmpi sgt, %jit3A_977, %sign3A_986 : i32
      %sign3A_988 = arith.extui %sign3A_987 : i1 to i32
      %sign3A_989 = arith.constant 0 : i32
      %sign3A_990 = arith.cmpi slt, %jit3A_977, %sign3A_989 : i32
      %sign3A_991 = arith.extui %sign3A_990 : i1 to i32
      %sign3A_992 = arith.subi %sign3A_988, %sign3A_991 : i32
      %ne3A_993 = arith.cmpi ne, %sign3A_985, %sign3A_992 : i32
      %rem3A_994 = arith.remsi %add3A_878, %jit3A_977 : i32
      %ne3A_995 = arith.constant 0 : i32
      %ne3A_996 = arith.cmpi ne, %rem3A_994, %ne3A_995 : i32
      %and3A_997 = arith.andi %ne3A_993, %ne3A_996 : i1
      %sub3A_998 = arith.constant 1 : i32
      %sub3A_999 = arith.subi %div3A_978, %sub3A_998 : i32
      %select_n3A_1000 = arith.select %and3A_997, %sub3A_999, %div3A_978 : i32
      %jit3A_1001 = arith.constant 8 : i32
      %eq3A_1002 = arith.constant 0 : i32
      %eq3A_1003 = arith.cmpi eq, %jit3A_1001, %eq3A_1002 : i32
      %jit3A_1004 = arith.constant 1 : i32
      %select_n3A_1005 = arith.select %eq3A_1003, %jit3A_1004, %jit3A_1001 : i32
      %rem3A_1006 = arith.remsi %add3A_878, %select_n3A_1005 : i32
      %ne3A_1007 = arith.constant 0 : i32
      %ne3A_1008 = arith.cmpi ne, %rem3A_1006, %ne3A_1007 : i32
      %lt3A_1009 = arith.constant 0 : i32
      %lt3A_1010 = arith.cmpi slt, %rem3A_1006, %lt3A_1009 : i32
      %lt3A_1011 = arith.constant 0 : i32
      %lt3A_1012 = arith.cmpi slt, %select_n3A_1005, %lt3A_1011 : i32
      %ne3A_1013 = arith.xori %lt3A_1010, %lt3A_1012 : i1
      %and3A_1014 = arith.andi %ne3A_1013, %ne3A_1008 : i1
      %add3A_1015 = arith.addi %rem3A_1006, %select_n3A_1005 : i32
      %select_n3A_1016 = arith.select %and3A_1014, %add3A_1015, %rem3A_1006 : i32
      %get3A_1017 = arith.index_cast %select_n3A_1000 : i32 to index
      %get3A_1018 = arith.index_cast %select_n3A_1016 : i32 to index
      %get3A_1019 = arith.constant 32 : index
      %get3A_1020 = tpu.vector_load %arg5[%get3A_1017, %get3A_1018, %get3A_1019] {strides = array<i32>} : memref<25x8x128xi32, #tpu.memory_space<vmem>>, vector<16xi32>,
      %mul3A_1021 = arith.constant 2 : i32
      %mul3A_1022 = vector.broadcast %mul3A_1021 : i32 to vector<16xi32>
      %mul3A_1023 = arith.muli %get3A_1020, %mul3A_1022 : vector<16xi32>
      %swap3A_1024 = arith.constant 32 : index
      %swap3A_1025 = tpu.vector_load %arg6[%swap3A_1024] {strides = array<i32>} : memref<128xi32, #tpu.memory_space<vmem>>, vector<16xi32>,
      tpu.vector_store %arg6[%swap3A_1024], %mul3A_1023 {strides = array<i32>} : memref<128xi32, #tpu.memory_space<vmem>>, vector<16xi32>,
      %jit3A_1026 = arith.constant 8 : i32
      %div3A_1027 = arith.divsi %add3A_878, %jit3A_1026 : i32
      %sign3A_1028 = arith.constant 0 : i32
      %sign3A_1029 = arith.cmpi sgt, %add3A_878, %sign3A_1028 : i32
      %sign3A_1030 = arith.extui %sign3A_1029 : i1 to i32
      %sign3A_1031 = arith.constant 0 : i32
      %sign3A_1032 = arith.cmpi slt, %add3A_878, %sign3A_1031 : i32
      %sign3A_1033 = arith.extui %sign3A_1032 : i1 to i32
      %sign3A_1034 = arith.subi %sign3A_1030, %sign3A_1033 : i32
      %sign3A_1035 = arith.constant 0 : i32
      %sign3A_1036 = arith.cmpi sgt, %jit3A_1026, %sign3A_1035 : i32
      %sign3A_1037 = arith.extui %sign3A_1036 : i1 to i32
      %sign3A_1038 = arith.constant 0 : i32
      %sign3A_1039 = arith.cmpi slt, %jit3A_1026, %sign3A_1038 : i32
      %sign3A_1040 = arith.extui %sign3A_1039 : i1 to i32
      %sign3A_1041 = arith.subi %sign3A_1037, %sign3A_1040 : i32
      %ne3A_1042 = arith.cmpi ne, %sign3A_1034, %sign3A_1041 : i32
      %rem3A_1043 = arith.remsi %add3A_878, %jit3A_1026 : i32
      %ne3A_1044 = arith.constant 0 : i32
      %ne3A_1045 = arith.cmpi ne, %rem3A_1043, %ne3A_1044 : i32
      %and3A_1046 = arith.andi %ne3A_1042, %ne3A_1045 : i1
      %sub3A_1047 = arith.constant 1 : i32
      %sub3A_1048 = arith.subi %div3A_1027, %sub3A_1047 : i32
      %select_n3A_1049 = arith.select %and3A_1046, %sub3A_1048, %div3A_1027 : i32
      %jit3A_1050 = arith.constant 8 : i32
      %eq3A_1051 = arith.constant 0 : i32
      %eq3A_1052 = arith.cmpi eq, %jit3A_1050, %eq3A_1051 : i32
      %jit3A_1053 = arith.constant 1 : i32
      %select_n3A_1054 = arith.select %eq3A_1052, %jit3A_1053, %jit3A_1050 : i32
      %rem3A_1055 = arith.remsi %add3A_878, %select_n3A_1054 : i32
      %ne3A_1056 = arith.constant 0 : i32
      %ne3A_1057 = arith.cmpi ne, %rem3A_1055, %ne3A_1056 : i32
      %lt3A_1058 = arith.constant 0 : i32
      %lt3A_1059 = arith.cmpi slt, %rem3A_1055, %lt3A_1058 : i32
      %lt3A_1060 = arith.constant 0 : i32
      %lt3A_1061 = arith.cmpi slt, %select_n3A_1054, %lt3A_1060 : i32
      %ne3A_1062 = arith.xori %lt3A_1059, %lt3A_1061 : i1
      %and3A_1063 = arith.andi %ne3A_1062, %ne3A_1057 : i1
      %add3A_1064 = arith.addi %rem3A_1055, %select_n3A_1054 : i32
      %select_n3A_1065 = arith.select %and3A_1063, %add3A_1064, %rem3A_1055 : i32
      %get3A_1066 = arith.index_cast %select_n3A_1049 : i32 to index
      %get3A_1067 = arith.index_cast %select_n3A_1065 : i32 to index
      %get3A_1068 = arith.constant 48 : index
      %get3A_1069 = tpu.vector_load %arg5[%get3A_1066, %get3A_1067, %get3A_1068] {strides = array<i32>} : memref<25x8x128xi32, #tpu.memory_space<vmem>>, vector<16xi32>,
      %mul3A_1070 = arith.constant 2 : i32
      %mul3A_1071 = vector.broadcast %mul3A_1070 : i32 to vector<16xi32>
      %mul3A_1072 = arith.muli %get3A_1069, %mul3A_1071 : vector<16xi32>
      %swap3A_1073 = arith.constant 48 : index
      %swap3A_1074 = tpu.vector_load %arg6[%swap3A_1073] {strides = array<i32>} : memref<128xi32, #tpu.memory_space<vmem>>, vector<16xi32>,
      tpu.vector_store %arg6[%swap3A_1073], %mul3A_1072 {strides = array<i32>} : memref<128xi32, #tpu.memory_space<vmem>>, vector<16xi32>,
      %jit3A_1075 = arith.constant 8 : i32
      %div3A_1076 = arith.divsi %add3A_878, %jit3A_1075 : i32
      %sign3A_1077 = arith.constant 0 : i32
      %sign3A_1078 = arith.cmpi sgt, %add3A_878, %sign3A_1077 : i32
      %sign3A_1079 = arith.extui %sign3A_1078 : i1 to i32
      %sign3A_1080 = arith.constant 0 : i32
      %sign3A_1081 = arith.cmpi slt, %add3A_878, %sign3A_1080 : i32
      %sign3A_1082 = arith.extui %sign3A_1081 : i1 to i32
      %sign3A_1083 = arith.subi %sign3A_1079, %sign3A_1082 : i32
      %sign3A_1084 = arith.constant 0 : i32
      %sign3A_1085 = arith.cmpi sgt, %jit3A_1075, %sign3A_1084 : i32
      %sign3A_1086 = arith.extui %sign3A_1085 : i1 to i32
      %sign3A_1087 = arith.constant 0 : i32
      %sign3A_1088 = arith.cmpi slt, %jit3A_1075, %sign3A_1087 : i32
      %sign3A_1089 = arith.extui %sign3A_1088 : i1 to i32
      %sign3A_1090 = arith.subi %sign3A_1086, %sign3A_1089 : i32
      %ne3A_1091 = arith.cmpi ne, %sign3A_1083, %sign3A_1090 : i32
      %rem3A_1092 = arith.remsi %add3A_878, %jit3A_1075 : i32
      %ne3A_1093 = arith.constant 0 : i32
      %ne3A_1094 = arith.cmpi ne, %rem3A_1092, %ne3A_1093 : i32
      %and3A_1095 = arith.andi %ne3A_1091, %ne3A_1094 : i1
      %sub3A_1096 = arith.constant 1 : i32
      %sub3A_1097 = arith.subi %div3A_1076, %sub3A_1096 : i32
      %select_n3A_1098 = arith.select %and3A_1095, %sub3A_1097, %div3A_1076 : i32
      %jit3A_1099 = arith.constant 8 : i32
      %eq3A_1100 = arith.constant 0 : i32
      %eq3A_1101 = arith.cmpi eq, %jit3A_1099, %eq3A_1100 : i32
      %jit3A_1102 = arith.constant 1 : i32
      %select_n3A_1103 = arith.select %eq3A_1101, %jit3A_1102, %jit3A_1099 : i32
      %rem3A_1104 = arith.remsi %add3A_878, %select_n3A_1103 : i32
      %ne3A_1105 = arith.constant 0 : i32
      %ne3A_1106 = arith.cmpi ne, %rem3A_1104, %ne3A_1105 : i32
      %lt3A_1107 = arith.constant 0 : i32
      %lt3A_1108 = arith.cmpi slt, %rem3A_1104, %lt3A_1107 : i32
      %lt3A_1109 = arith.constant 0 : i32
      %lt3A_1110 = arith.cmpi slt, %select_n3A_1103, %lt3A_1109 : i32
      %ne3A_1111 = arith.xori %lt3A_1108, %lt3A_1110 : i1
      %and3A_1112 = arith.andi %ne3A_1111, %ne3A_1106 : i1
      %add3A_1113 = arith.addi %rem3A_1104, %select_n3A_1103 : i32
      %select_n3A_1114 = arith.select %and3A_1112, %add3A_1113, %rem3A_1104 : i32
      %get3A_1115 = arith.index_cast %select_n3A_1098 : i32 to index
      %get3A_1116 = arith.index_cast %select_n3A_1114 : i32 to index
      %get3A_1117 = arith.constant 64 : index
      %get3A_1118 = tpu.vector_load %arg5[%get3A_1115, %get3A_1116, %get3A_1117] {strides = array<i32>} : memref<25x8x128xi32, #tpu.memory_space<vmem>>, vector<16xi32>,
      %mul3A_1119 = arith.constant 2 : i32
      %mul3A_1120 = vector.broadcast %mul3A_1119 : i32 to vector<16xi32>
      %mul3A_1121 = arith.muli %get3A_1118, %mul3A_1120 : vector<16xi32>
      %swap3A_1122 = arith.constant 64 : index
      %swap3A_1123 = tpu.vector_load %arg6[%swap3A_1122] {strides = array<i32>} : memref<128xi32, #tpu.memory_space<vmem>>, vector<16xi32>,
      tpu.vector_store %arg6[%swap3A_1122], %mul3A_1121 {strides = array<i32>} : memref<128xi32, #tpu.memory_space<vmem>>, vector<16xi32>,
      %jit3A_1124 = arith.constant 8 : i32
      %div3A_1125 = arith.divsi %add3A_878, %jit3A_1124 : i32
      %sign3A_1126 = arith.constant 0 : i32
      %sign3A_1127 = arith.cmpi sgt, %add3A_878, %sign3A_1126 : i32
      %sign3A_1128 = arith.extui %sign3A_1127 : i1 to i32
      %sign3A_1129 = arith.constant 0 : i32
      %sign3A_1130 = arith.cmpi slt, %add3A_878, %sign3A_1129 : i32
      %sign3A_1131 = arith.extui %sign3A_1130 : i1 to i32
      %sign3A_1132 = arith.subi %sign3A_1128, %sign3A_1131 : i32
      %sign3A_1133 = arith.constant 0 : i32
      %sign3A_1134 = arith.cmpi sgt, %jit3A_1124, %sign3A_1133 : i32
      %sign3A_1135 = arith.extui %sign3A_1134 : i1 to i32
      %sign3A_1136 = arith.constant 0 : i32
      %sign3A_1137 = arith.cmpi slt, %jit3A_1124, %sign3A_1136 : i32
      %sign3A_1138 = arith.extui %sign3A_1137 : i1 to i32
      %sign3A_1139 = arith.subi %sign3A_1135, %sign3A_1138 : i32
      %ne3A_1140 = arith.cmpi ne, %sign3A_1132, %sign3A_1139 : i32
      %rem3A_1141 = arith.remsi %add3A_878, %jit3A_1124 : i32
      %ne3A_1142 = arith.constant 0 : i32
      %ne3A_1143 = arith.cmpi ne, %rem3A_1141, %ne3A_1142 : i32
      %and3A_1144 = arith.andi %ne3A_1140, %ne3A_1143 : i1
      %sub3A_1145 = arith.constant 1 : i32
      %sub3A_1146 = arith.subi %div3A_1125, %sub3A_1145 : i32
      %select_n3A_1147 = arith.select %and3A_1144, %sub3A_1146, %div3A_1125 : i32
      %jit3A_1148 = arith.constant 8 : i32
      %eq3A_1149 = arith.constant 0 : i32
      %eq3A_1150 = arith.cmpi eq, %jit3A_1148, %eq3A_1149 : i32
      %jit3A_1151 = arith.constant 1 : i32
      %select_n3A_1152 = arith.select %eq3A_1150, %jit3A_1151, %jit3A_1148 : i32
      %rem3A_1153 = arith.remsi %add3A_878, %select_n3A_1152 : i32
      %ne3A_1154 = arith.constant 0 : i32
      %ne3A_1155 = arith.cmpi ne, %rem3A_1153, %ne3A_1154 : i32
      %lt3A_1156 = arith.constant 0 : i32
      %lt3A_1157 = arith.cmpi slt, %rem3A_1153, %lt3A_1156 : i32
      %lt3A_1158 = arith.constant 0 : i32
      %lt3A_1159 = arith.cmpi slt, %select_n3A_1152, %lt3A_1158 : i32
      %ne3A_1160 = arith.xori %lt3A_1157, %lt3A_1159 : i1
      %and3A_1161 = arith.andi %ne3A_1160, %ne3A_1155 : i1
      %add3A_1162 = arith.addi %rem3A_1153, %select_n3A_1152 : i32
      %select_n3A_1163 = arith.select %and3A_1161, %add3A_1162, %rem3A_1153 : i32
      %get3A_1164 = arith.index_cast %select_n3A_1147 : i32 to index
      %get3A_1165 = arith.index_cast %select_n3A_1163 : i32 to index
      %get3A_1166 = arith.constant 80 : index
      %get3A_1167 = tpu.vector_load %arg5[%get3A_1164, %get3A_1165, %get3A_1166] {strides = array<i32>} : memref<25x8x128xi32, #tpu.memory_space<vmem>>, vector<16xi32>,
      %mul3A_1168 = arith.constant 2 : i32
      %mul3A_1169 = vector.broadcast %mul3A_1168 : i32 to vector<16xi32>
      %mul3A_1170 = arith.muli %get3A_1167, %mul3A_1169 : vector<16xi32>
      %swap3A_1171 = arith.constant 80 : index
      %swap3A_1172 = tpu.vector_load %arg6[%swap3A_1171] {strides = array<i32>} : memref<128xi32, #tpu.memory_space<vmem>>, vector<16xi32>,
      tpu.vector_store %arg6[%swap3A_1171], %mul3A_1170 {strides = array<i32>} : memref<128xi32, #tpu.memory_space<vmem>>, vector<16xi32>,
      %jit3A_1173 = arith.constant 8 : i32
      %div3A_1174 = arith.divsi %add3A_878, %jit3A_1173 : i32
      %sign3A_1175 = arith.constant 0 : i32
      %sign3A_1176 = arith.cmpi sgt, %add3A_878, %sign3A_1175 : i32
      %sign3A_1177 = arith.extui %sign3A_1176 : i1 to i32
      %sign3A_1178 = arith.constant 0 : i32
      %sign3A_1179 = arith.cmpi slt, %add3A_878, %sign3A_1178 : i32
      %sign3A_1180 = arith.extui %sign3A_1179 : i1 to i32
      %sign3A_1181 = arith.subi %sign3A_1177, %sign3A_1180 : i32
      %sign3A_1182 = arith.constant 0 : i32
      %sign3A_1183 = arith.cmpi sgt, %jit3A_1173, %sign3A_1182 : i32
      %sign3A_1184 = arith.extui %sign3A_1183 : i1 to i32
      %sign3A_1185 = arith.constant 0 : i32
      %sign3A_1186 = arith.cmpi slt, %jit3A_1173, %sign3A_1185 : i32
      %sign3A_1187 = arith.extui %sign3A_1186 : i1 to i32
      %sign3A_1188 = arith.subi %sign3A_1184, %sign3A_1187 : i32
      %ne3A_1189 = arith.cmpi ne, %sign3A_1181, %sign3A_1188 : i32
      %rem3A_1190 = arith.remsi %add3A_878, %jit3A_1173 : i32
      %ne3A_1191 = arith.constant 0 : i32
      %ne3A_1192 = arith.cmpi ne, %rem3A_1190, %ne3A_1191 : i32
      %and3A_1193 = arith.andi %ne3A_1189, %ne3A_1192 : i1
      %sub3A_1194 = arith.constant 1 : i32
      %sub3A_1195 = arith.subi %div3A_1174, %sub3A_1194 : i32
      %select_n3A_1196 = arith.select %and3A_1193, %sub3A_1195, %div3A_1174 : i32
      %jit3A_1197 = arith.constant 8 : i32
      %eq3A_1198 = arith.constant 0 : i32
      %eq3A_1199 = arith.cmpi eq, %jit3A_1197, %eq3A_1198 : i32
      %jit3A_1200 = arith.constant 1 : i32
      %select_n3A_1201 = arith.select %eq3A_1199, %jit3A_1200, %jit3A_1197 : i32
      %rem3A_1202 = arith.remsi %add3A_878, %select_n3A_1201 : i32
      %ne3A_1203 = arith.constant 0 : i32
      %ne3A_1204 = arith.cmpi ne, %rem3A_1202, %ne3A_1203 : i32
      %lt3A_1205 = arith.constant 0 : i32
      %lt3A_1206 = arith.cmpi slt, %rem3A_1202, %lt3A_1205 : i32
      %lt3A_1207 = arith.constant 0 : i32
      %lt3A_1208 = arith.cmpi slt, %select_n3A_1201, %lt3A_1207 : i32
      %ne3A_1209 = arith.xori %lt3A_1206, %lt3A_1208 : i1
      %and3A_1210 = arith.andi %ne3A_1209, %ne3A_1204 : i1
      %add3A_1211 = arith.addi %rem3A_1202, %select_n3A_1201 : i32
      %select_n3A_1212 = arith.select %and3A_1210, %add3A_1211, %rem3A_1202 : i32
      %get3A_1213 = arith.index_cast %select_n3A_1196 : i32 to index
      %get3A_1214 = arith.index_cast %select_n3A_1212 : i32 to index
      %get3A_1215 = arith.constant 96 : index
      %get3A_1216 = tpu.vector_load %arg5[%get3A_1213, %get3A_1214, %get3A_1215] {strides = array<i32>} : memref<25x8x128xi32, #tpu.memory_space<vmem>>, vector<16xi32>,
      %mul3A_1217 = arith.constant 2 : i32
      %mul3A_1218 = vector.broadcast %mul3A_1217 : i32 to vector<16xi32>
      %mul3A_1219 = arith.muli %get3A_1216, %mul3A_1218 : vector<16xi32>
      %swap3A_1220 = arith.constant 96 : index
      %swap3A_1221 = tpu.vector_load %arg6[%swap3A_1220] {strides = array<i32>} : memref<128xi32, #tpu.memory_space<vmem>>, vector<16xi32>,
      tpu.vector_store %arg6[%swap3A_1220], %mul3A_1219 {strides = array<i32>} : memref<128xi32, #tpu.memory_space<vmem>>, vector<16xi32>,
      %jit3A_1222 = arith.constant 8 : i32
      %div3A_1223 = arith.divsi %add3A_878, %jit3A_1222 : i32
      %sign3A_1224 = arith.constant 0 : i32
      %sign3A_1225 = arith.cmpi sgt, %add3A_878, %sign3A_1224 : i32
      %sign3A_1226 = arith.extui %sign3A_1225 : i1 to i32
      %sign3A_1227 = arith.constant 0 : i32
      %sign3A_1228 = arith.cmpi slt, %add3A_878, %sign3A_1227 : i32
      %sign3A_1229 = arith.extui %sign3A_1228 : i1 to i32
      %sign3A_1230 = arith.subi %sign3A_1226, %sign3A_1229 : i32
      %sign3A_1231 = arith.constant 0 : i32
      %sign3A_1232 = arith.cmpi sgt, %jit3A_1222, %sign3A_1231 : i32
      %sign3A_1233 = arith.extui %sign3A_1232 : i1 to i32
      %sign3A_1234 = arith.constant 0 : i32
      %sign3A_1235 = arith.cmpi slt, %jit3A_1222, %sign3A_1234 : i32
      %sign3A_1236 = arith.extui %sign3A_1235 : i1 to i32
      %sign3A_1237 = arith.subi %sign3A_1233, %sign3A_1236 : i32
      %ne3A_1238 = arith.cmpi ne, %sign3A_1230, %sign3A_1237 : i32
      %rem3A_1239 = arith.remsi %add3A_878, %jit3A_1222 : i32
      %ne3A_1240 = arith.constant 0 : i32
      %ne3A_1241 = arith.cmpi ne, %rem3A_1239, %ne3A_1240 : i32
      %and3A_1242 = arith.andi %ne3A_1238, %ne3A_1241 : i1
      %sub3A_1243 = arith.constant 1 : i32
      %sub3A_1244 = arith.subi %div3A_1223, %sub3A_1243 : i32
      %select_n3A_1245 = arith.select %and3A_1242, %sub3A_1244, %div3A_1223 : i32
      %jit3A_1246 = arith.constant 8 : i32
      %eq3A_1247 = arith.constant 0 : i32
      %eq3A_1248 = arith.cmpi eq, %jit3A_1246, %eq3A_1247 : i32
      %jit3A_1249 = arith.constant 1 : i32
      %select_n3A_1250 = arith.select %eq3A_1248, %jit3A_1249, %jit3A_1246 : i32
      %rem3A_1251 = arith.remsi %add3A_878, %select_n3A_1250 : i32
      %ne3A_1252 = arith.constant 0 : i32
      %ne3A_1253 = arith.cmpi ne, %rem3A_1251, %ne3A_1252 : i32
      %lt3A_1254 = arith.constant 0 : i32
      %lt3A_1255 = arith.cmpi slt, %rem3A_1251, %lt3A_1254 : i32
      %lt3A_1256 = arith.constant 0 : i32
      %lt3A_1257 = arith.cmpi slt, %select_n3A_1250, %lt3A_1256 : i32
      %ne3A_1258 = arith.xori %lt3A_1255, %lt3A_1257 : i1
      %and3A_1259 = arith.andi %ne3A_1258, %ne3A_1253 : i1
      %add3A_1260 = arith.addi %rem3A_1251, %select_n3A_1250 : i32
      %select_n3A_1261 = arith.select %and3A_1259, %add3A_1260, %rem3A_1251 : i32
      %get3A_1262 = arith.index_cast %select_n3A_1245 : i32 to index
      %get3A_1263 = arith.index_cast %select_n3A_1261 : i32 to index
      %get3A_1264 = arith.constant 112 : index
      %get3A_1265 = tpu.vector_load %arg5[%get3A_1262, %get3A_1263, %get3A_1264] {strides = array<i32>} : memref<25x8x128xi32, #tpu.memory_space<vmem>>, vector<16xi32>,
      %mul3A_1266 = arith.constant 2 : i32
      %mul3A_1267 = vector.broadcast %mul3A_1266 : i32 to vector<16xi32>
      %mul3A_1268 = arith.muli %get3A_1265, %mul3A_1267 : vector<16xi32>
      %swap3A_1269 = arith.constant 112 : index
      %swap3A_1270 = tpu.vector_load %arg6[%swap3A_1269] {strides = array<i32>} : memref<128xi32, #tpu.memory_space<vmem>>, vector<16xi32>,
      tpu.vector_store %arg6[%swap3A_1269], %mul3A_1268 {strides = array<i32>} : memref<128xi32, #tpu.memory_space<vmem>>, vector<16xi32>,
      %dma_start3A_1271 = arith.constant 0 : i32
      %dma_start3A_1272 = arith.constant 0 : i32
      %dma_start3A_1273 = tpu.memref_slice %arg3[%dma_start3A_1271, %dma_start3A_1272] : memref<200000x64xf32, #tpu.memory_space<hbm>> -> memref<200000x64xf32, #tpu.memory_space<hbm>>
      tpu.enqueue_indirect_dma source(%dma_start3A_1273 : memref<200000x64xf32, #tpu.memory_space<hbm>>) target(%arg10 : memref<128x64xf32, #tpu.memory_space<vmem>>) offsets(%arg6 : memref<128xi32, #tpu.memory_space<vmem>>) semaphore(%arg18 : memref<!tpu.dma_semaphore, #tpu.memory_space<semaphore_mem>>)
      %gt3A_1274 = arith.constant 0 : i32
      %gt3A_1275 = arith.cmpi sgt, %scan3A_844, %gt3A_1274 : i32
      %convert_element_type3A_1276 = arith.extui %gt3A_1275 : i1 to i32
      %cond3A_1277 = arith.constant 0 : i32
      %cond3A_1278 = arith.cmpi ne, %convert_element_type3A_1276, %cond3A_1277 : i32
      scf.if %cond3A_1278 {
        %sub3A_2564 = arith.constant 4 : i32
        %sub3A_2565 = arith.subi %mul3A_846, %sub3A_2564 : i32
        %add3A_2566 = arith.constant 1 : i32
        %add3A_2567 = arith.addi %sub3A_2565, %add3A_2566 : i32
        %dma_wait3A_2568 = arith.constant 0 : i32
        %dma_wait3A_2569 = arith.constant 0 : i32
        %dma_wait3A_2570 = arith.constant 0 : i32
        %dma_wait3A_2571 = tpu.memref_slice %arg15[%dma_wait3A_2568, %dma_wait3A_2569, %dma_wait3A_2570] : memref<8x8x130xf32, #tpu.memory_space<vmem>> -> memref<8x8x128xf32, #tpu.memory_space<vmem>>
        %dma_wait3A_2572 = arith.constant 0 : i32
        %dma_wait3A_2573 = arith.constant 0 : i32
        %dma_wait3A_2574 = arith.constant 0 : i32
        %dma_wait3A_2575 = tpu.memref_slice %arg4[%add3A_2567, %dma_wait3A_2572, %add3A, %dma_wait3A_2573, %dma_wait3A_2574] : memref<200x8x32x8x128xf32, #tpu.memory_space<hbm>> -> memref<1x8x1x8x128xf32, #tpu.memory_space<hbm>>
        %dma_wait3A_2576 = tpu.memref_squeeze %dma_wait3A_2575 : memref<1x8x1x8x128xf32, #tpu.memory_space<hbm>> -> memref<8x8x128xf32, #tpu.memory_space<hbm>>
        %dma_wait3A_2577 = arith.constant 0 : i32
        %dma_wait3A_2578 = arith.constant 0 : i32
        %dma_wait3A_2579 = arith.constant 0 : i32
        %dma_wait3A_2580 = tpu.memref_slice %arg4[%add3A_2567, %dma_wait3A_2577, %add3A, %dma_wait3A_2578, %dma_wait3A_2579] : memref<200x8x32x8x128xf32, #tpu.memory_space<hbm>> -> memref<1x8x1x8x128xf32, #tpu.memory_space<hbm>>
        %dma_wait3A_2581 = tpu.memref_squeeze %dma_wait3A_2580 : memref<1x8x1x8x128xf32, #tpu.memory_space<hbm>> -> memref<8x8x128xf32, #tpu.memory_space<hbm>>
        %dma_wait3A_2582 = arith.constant 0 : i32
        %dma_wait3A_2583 = arith.constant 0 : i32
        %dma_wait3A_2584 = arith.constant 0 : i32
        %dma_wait3A_2585 = tpu.memref_slice %arg15[%dma_wait3A_2582, %dma_wait3A_2583, %dma_wait3A_2584] : memref<8x8x130xf32, #tpu.memory_space<vmem>> -> memref<8x8x128xf32, #tpu.memory_space<vmem>>
        tpu.wait_dma2 semaphore(%arg23 : memref<!tpu.dma_semaphore, #tpu.memory_space<semaphore_mem>>) src(%dma_wait3A_2585 : memref<8x8x128xf32, #tpu.memory_space<vmem>>) dst(%dma_wait3A_2581 : memref<8x8x128xf32, #tpu.memory_space<hbm>>)
      } else {
      }
      %dma_wait3A_1279 = arith.constant 0 : i32
      %dma_wait3A_1280 = arith.constant 0 : i32
      %dma_wait3A_1281 = tpu.memref_slice %arg3[%dma_wait3A_1279, %dma_wait3A_1280] : memref<200000x64xf32, #tpu.memory_space<hbm>> -> memref<200000x64xf32, #tpu.memory_space<hbm>>
      tpu.wait_indirect_dma semaphore(%arg19 : memref<!tpu.dma_semaphore, #tpu.memory_space<semaphore_mem>>) src(%dma_wait3A_1281 : memref<200000x64xf32, #tpu.memory_space<hbm>>) dst(%arg11 : memref<128x64xf32, #tpu.memory_space<vmem>>)
      %parallel_loop3A_1282 = arith.constant 0 : i32
      %parallel_loop3A_1283 = arith.constant 128 : i32
      %parallel_loop3A_1284 = arith.constant 1 : i32
      scf.for %parallel_loop3A_2564 = %parallel_loop3A_1282 to %parallel_loop3A_1283 step %parallel_loop3A_1284  : i32 {
        %parallel_loop3A_2565 = vector.broadcast %parallel_loop3A_2564 : i32 to vector<16xi32>
        %parallel_loop3A_2566 = arith.addi %broadcast_in_dim3A_1, %parallel_loop3A_2565 : vector<16xi32>
        %parallel_loop3A_2567 = arith.index_cast %parallel_loop3A_2564 : i32 to index
        %parallel_loop3A_2568 = arith.constant 0 : index
        %parallel_loop3A_2569 = tpu.vector_load %arg11[%parallel_loop3A_2567, %parallel_loop3A_2568] {strides = array<i32>} : memref<128x64xf32, #tpu.memory_space<vmem>>, vector<16xf32>,
        tpu.vector_store_idx %arg15[%select_n3A, %select_n3A_50, %parallel_loop3A_2566], %parallel_loop3A_2569 : memref<8x8x130xf32, #tpu.memory_space<vmem>>[vector<16xi32>, vector<16xi32>, vector<16xi32>], vector<16xf32>,
        %parallel_loop3A_2570 = arith.index_cast %parallel_loop3A_2564 : i32 to index
        %parallel_loop3A_2571 = arith.constant 16 : index
        %parallel_loop3A_2572 = tpu.vector_load %arg11[%parallel_loop3A_2570, %parallel_loop3A_2571] {strides = array<i32>} : memref<128x64xf32, #tpu.memory_space<vmem>>, vector<16xf32>,
        tpu.vector_store_idx %arg15[%select_n3A_84, %select_n3A_109, %parallel_loop3A_2566], %parallel_loop3A_2572 : memref<8x8x130xf32, #tpu.memory_space<vmem>>[vector<16xi32>, vector<16xi32>, vector<16xi32>], vector<16xf32>,
        %parallel_loop3A_2573 = arith.index_cast %parallel_loop3A_2564 : i32 to index
        %parallel_loop3A_2574 = arith.constant 32 : index
        %parallel_loop3A_2575 = tpu.vector_load %arg11[%parallel_loop3A_2573, %parallel_loop3A_2574] {strides = array<i32>} : memref<128x64xf32, #tpu.memory_space<vmem>>, vector<16xf32>,
        tpu.vector_store_idx %arg15[%select_n3A_143, %select_n3A_168, %parallel_loop3A_2566], %parallel_loop3A_2575 : memref<8x8x130xf32, #tpu.memory_space<vmem>>[vector<16xi32>, vector<16xi32>, vector<16xi32>], vector<16xf32>,
        %parallel_loop3A_2576 = arith.index_cast %parallel_loop3A_2564 : i32 to index
        %parallel_loop3A_2577 = arith.constant 48 : index
        %parallel_loop3A_2578 = tpu.vector_load %arg11[%parallel_loop3A_2576, %parallel_loop3A_2577] {strides = array<i32>} : memref<128x64xf32, #tpu.memory_space<vmem>>, vector<16xf32>,
        tpu.vector_store_idx %arg15[%select_n3A_202, %select_n3A_227, %parallel_loop3A_2566], %parallel_loop3A_2578 : memref<8x8x130xf32, #tpu.memory_space<vmem>>[vector<16xi32>, vector<16xi32>, vector<16xi32>], vector<16xf32>,
      } {sc.loop_unroll_factor = 4 : i64, sc.parallel_access}
      %add3A_1285 = arith.constant 1 : i32
      %add3A_1286 = arith.addi %mul3A_846, %add3A_1285 : i32
      %dma_start3A_1287 = arith.constant 0 : i32
      %dma_start3A_1288 = arith.constant 0 : i32
      %dma_start3A_1289 = arith.constant 0 : i32
      %dma_start3A_1290 = tpu.memref_slice %arg15[%dma_start3A_1287, %dma_start3A_1288, %dma_start3A_1289] : memref<8x8x130xf32, #tpu.memory_space<vmem>> -> memref<8x8x128xf32, #tpu.memory_space<vmem>>
      %dma_start3A_1291 = arith.constant 0 : i32
      %dma_start3A_1292 = arith.constant 0 : i32
      %dma_start3A_1293 = arith.constant 0 : i32
      %dma_start3A_1294 = tpu.memref_slice %arg4[%add3A_1286, %dma_start3A_1291, %add3A, %dma_start3A_1292, %dma_start3A_1293] : memref<200x8x32x8x128xf32, #tpu.memory_space<hbm>> -> memref<1x8x1x8x128xf32, #tpu.memory_space<hbm>>
      %dma_start3A_1295 = tpu.memref_squeeze %dma_start3A_1294 : memref<1x8x1x8x128xf32, #tpu.memory_space<hbm>> -> memref<8x8x128xf32, #tpu.memory_space<hbm>>
      %dma_start3A_1296 = arith.constant 0 : i32
      %dma_start3A_1297 = arith.constant 0 : i32
      %dma_start3A_1298 = arith.constant 0 : i32
      %dma_start3A_1299 = tpu.memref_slice %arg4[%add3A_1286, %dma_start3A_1296, %add3A, %dma_start3A_1297, %dma_start3A_1298] : memref<200x8x32x8x128xf32, #tpu.memory_space<hbm>> -> memref<1x8x1x8x128xf32, #tpu.memory_space<hbm>>
      %dma_start3A_1300 = tpu.memref_squeeze %dma_start3A_1299 : memref<1x8x1x8x128xf32, #tpu.memory_space<hbm>> -> memref<8x8x128xf32, #tpu.memory_space<hbm>>
      %dma_start3A_1301 = arith.constant 0 : i32
      %dma_start3A_1302 = arith.constant 0 : i32
      %dma_start3A_1303 = arith.constant 0 : i32
      %dma_start3A_1304 = tpu.memref_slice %arg15[%dma_start3A_1301, %dma_start3A_1302, %dma_start3A_1303] : memref<8x8x130xf32, #tpu.memory_space<vmem>> -> memref<8x8x128xf32, #tpu.memory_space<vmem>>
      tpu.enqueue_dma source(%dma_start3A_1304 : memref<8x8x128xf32, #tpu.memory_space<vmem>>) target(%dma_start3A_1300 : memref<8x8x128xf32, #tpu.memory_space<hbm>>) target_semaphore(%arg23 : memref<!tpu.dma_semaphore, #tpu.memory_space<semaphore_mem>>)
      %add3A_1305 = arith.constant 4 : i32
      %add3A_1306 = arith.addi %mul3A_846, %add3A_1305 : i32
      %add3A_1307 = arith.constant 1 : i32
      %add3A_1308 = arith.addi %add3A_1306, %add3A_1307 : i32
      %jit3A_1309 = arith.constant 8 : i32
      %div3A_1310 = arith.divsi %add3A_1308, %jit3A_1309 : i32
      %sign3A_1311 = arith.constant 0 : i32
      %sign3A_1312 = arith.cmpi sgt, %add3A_1308, %sign3A_1311 : i32
      %sign3A_1313 = arith.extui %sign3A_1312 : i1 to i32
      %sign3A_1314 = arith.constant 0 : i32
      %sign3A_1315 = arith.cmpi slt, %add3A_1308, %sign3A_1314 : i32
      %sign3A_1316 = arith.extui %sign3A_1315 : i1 to i32
      %sign3A_1317 = arith.subi %sign3A_1313, %sign3A_1316 : i32
      %sign3A_1318 = arith.constant 0 : i32
      %sign3A_1319 = arith.cmpi sgt, %jit3A_1309, %sign3A_1318 : i32
      %sign3A_1320 = arith.extui %sign3A_1319 : i1 to i32
      %sign3A_1321 = arith.constant 0 : i32
      %sign3A_1322 = arith.cmpi slt, %jit3A_1309, %sign3A_1321 : i32
      %sign3A_1323 = arith.extui %sign3A_1322 : i1 to i32
      %sign3A_1324 = arith.subi %sign3A_1320, %sign3A_1323 : i32
      %ne3A_1325 = arith.cmpi ne, %sign3A_1317, %sign3A_1324 : i32
      %rem3A_1326 = arith.remsi %add3A_1308, %jit3A_1309 : i32
      %ne3A_1327 = arith.constant 0 : i32
      %ne3A_1328 = arith.cmpi ne, %rem3A_1326, %ne3A_1327 : i32
      %and3A_1329 = arith.andi %ne3A_1325, %ne3A_1328 : i1
      %sub3A_1330 = arith.constant 1 : i32
      %sub3A_1331 = arith.subi %div3A_1310, %sub3A_1330 : i32
      %select_n3A_1332 = arith.select %and3A_1329, %sub3A_1331, %div3A_1310 : i32
      %jit3A_1333 = arith.constant 8 : i32
      %eq3A_1334 = arith.constant 0 : i32
      %eq3A_1335 = arith.cmpi eq, %jit3A_1333, %eq3A_1334 : i32
      %jit3A_1336 = arith.constant 1 : i32
      %select_n3A_1337 = arith.select %eq3A_1335, %jit3A_1336, %jit3A_1333 : i32
      %rem3A_1338 = arith.remsi %add3A_1308, %select_n3A_1337 : i32
      %ne3A_1339 = arith.constant 0 : i32
      %ne3A_1340 = arith.cmpi ne, %rem3A_1338, %ne3A_1339 : i32
      %lt3A_1341 = arith.constant 0 : i32
      %lt3A_1342 = arith.cmpi slt, %rem3A_1338, %lt3A_1341 : i32
      %lt3A_1343 = arith.constant 0 : i32
      %lt3A_1344 = arith.cmpi slt, %select_n3A_1337, %lt3A_1343 : i32
      %ne3A_1345 = arith.xori %lt3A_1342, %lt3A_1344 : i1
      %and3A_1346 = arith.andi %ne3A_1345, %ne3A_1340 : i1
      %add3A_1347 = arith.addi %rem3A_1338, %select_n3A_1337 : i32
      %select_n3A_1348 = arith.select %and3A_1346, %add3A_1347, %rem3A_1338 : i32
      %get3A_1349 = arith.index_cast %select_n3A_1332 : i32 to index
      %get3A_1350 = arith.index_cast %select_n3A_1348 : i32 to index
      %get3A_1351 = arith.constant 0 : index
      %get3A_1352 = tpu.vector_load %arg5[%get3A_1349, %get3A_1350, %get3A_1351] {strides = array<i32>} : memref<25x8x128xi32, #tpu.memory_space<vmem>>, vector<16xi32>,
      %mul3A_1353 = arith.constant 2 : i32
      %mul3A_1354 = vector.broadcast %mul3A_1353 : i32 to vector<16xi32>
      %mul3A_1355 = arith.muli %get3A_1352, %mul3A_1354 : vector<16xi32>
      %swap3A_1356 = arith.constant 0 : index
      %swap3A_1357 = tpu.vector_load %arg7[%swap3A_1356] {strides = array<i32>} : memref<128xi32, #tpu.memory_space<vmem>>, vector<16xi32>,
      tpu.vector_store %arg7[%swap3A_1356], %mul3A_1355 {strides = array<i32>} : memref<128xi32, #tpu.memory_space<vmem>>, vector<16xi32>,
      %jit3A_1358 = arith.constant 8 : i32
      %div3A_1359 = arith.divsi %add3A_1308, %jit3A_1358 : i32
      %sign3A_1360 = arith.constant 0 : i32
      %sign3A_1361 = arith.cmpi sgt, %add3A_1308, %sign3A_1360 : i32
      %sign3A_1362 = arith.extui %sign3A_1361 : i1 to i32
      %sign3A_1363 = arith.constant 0 : i32
      %sign3A_1364 = arith.cmpi slt, %add3A_1308, %sign3A_1363 : i32
      %sign3A_1365 = arith.extui %sign3A_1364 : i1 to i32
      %sign3A_1366 = arith.subi %sign3A_1362, %sign3A_1365 : i32
      %sign3A_1367 = arith.constant 0 : i32
      %sign3A_1368 = arith.cmpi sgt, %jit3A_1358, %sign3A_1367 : i32
      %sign3A_1369 = arith.extui %sign3A_1368 : i1 to i32
      %sign3A_1370 = arith.constant 0 : i32
      %sign3A_1371 = arith.cmpi slt, %jit3A_1358, %sign3A_1370 : i32
      %sign3A_1372 = arith.extui %sign3A_1371 : i1 to i32
      %sign3A_1373 = arith.subi %sign3A_1369, %sign3A_1372 : i32
      %ne3A_1374 = arith.cmpi ne, %sign3A_1366, %sign3A_1373 : i32
      %rem3A_1375 = arith.remsi %add3A_1308, %jit3A_1358 : i32
      %ne3A_1376 = arith.constant 0 : i32
      %ne3A_1377 = arith.cmpi ne, %rem3A_1375, %ne3A_1376 : i32
      %and3A_1378 = arith.andi %ne3A_1374, %ne3A_1377 : i1
      %sub3A_1379 = arith.constant 1 : i32
      %sub3A_1380 = arith.subi %div3A_1359, %sub3A_1379 : i32
      %select_n3A_1381 = arith.select %and3A_1378, %sub3A_1380, %div3A_1359 : i32
      %jit3A_1382 = arith.constant 8 : i32
      %eq3A_1383 = arith.constant 0 : i32
      %eq3A_1384 = arith.cmpi eq, %jit3A_1382, %eq3A_1383 : i32
      %jit3A_1385 = arith.constant 1 : i32
      %select_n3A_1386 = arith.select %eq3A_1384, %jit3A_1385, %jit3A_1382 : i32
      %rem3A_1387 = arith.remsi %add3A_1308, %select_n3A_1386 : i32
      %ne3A_1388 = arith.constant 0 : i32
      %ne3A_1389 = arith.cmpi ne, %rem3A_1387, %ne3A_1388 : i32
      %lt3A_1390 = arith.constant 0 : i32
      %lt3A_1391 = arith.cmpi slt, %rem3A_1387, %lt3A_1390 : i32
      %lt3A_1392 = arith.constant 0 : i32
      %lt3A_1393 = arith.cmpi slt, %select_n3A_1386, %lt3A_1392 : i32
      %ne3A_1394 = arith.xori %lt3A_1391, %lt3A_1393 : i1
      %and3A_1395 = arith.andi %ne3A_1394, %ne3A_1389 : i1
      %add3A_1396 = arith.addi %rem3A_1387, %select_n3A_1386 : i32
      %select_n3A_1397 = arith.select %and3A_1395, %add3A_1396, %rem3A_1387 : i32
      %get3A_1398 = arith.index_cast %select_n3A_1381 : i32 to index
      %get3A_1399 = arith.index_cast %select_n3A_1397 : i32 to index
      %get3A_1400 = arith.constant 16 : index
      %get3A_1401 = tpu.vector_load %arg5[%get3A_1398, %get3A_1399, %get3A_1400] {strides = array<i32>} : memref<25x8x128xi32, #tpu.memory_space<vmem>>, vector<16xi32>,
      %mul3A_1402 = arith.constant 2 : i32
      %mul3A_1403 = vector.broadcast %mul3A_1402 : i32 to vector<16xi32>
      %mul3A_1404 = arith.muli %get3A_1401, %mul3A_1403 : vector<16xi32>
      %swap3A_1405 = arith.constant 16 : index
      %swap3A_1406 = tpu.vector_load %arg7[%swap3A_1405] {strides = array<i32>} : memref<128xi32, #tpu.memory_space<vmem>>, vector<16xi32>,
      tpu.vector_store %arg7[%swap3A_1405], %mul3A_1404 {strides = array<i32>} : memref<128xi32, #tpu.memory_space<vmem>>, vector<16xi32>,
      %jit3A_1407 = arith.constant 8 : i32
      %div3A_1408 = arith.divsi %add3A_1308, %jit3A_1407 : i32
      %sign3A_1409 = arith.constant 0 : i32
      %sign3A_1410 = arith.cmpi sgt, %add3A_1308, %sign3A_1409 : i32
      %sign3A_1411 = arith.extui %sign3A_1410 : i1 to i32
      %sign3A_1412 = arith.constant 0 : i32
      %sign3A_1413 = arith.cmpi slt, %add3A_1308, %sign3A_1412 : i32
      %sign3A_1414 = arith.extui %sign3A_1413 : i1 to i32
      %sign3A_1415 = arith.subi %sign3A_1411, %sign3A_1414 : i32
      %sign3A_1416 = arith.constant 0 : i32
      %sign3A_1417 = arith.cmpi sgt, %jit3A_1407, %sign3A_1416 : i32
      %sign3A_1418 = arith.extui %sign3A_1417 : i1 to i32
      %sign3A_1419 = arith.constant 0 : i32
      %sign3A_1420 = arith.cmpi slt, %jit3A_1407, %sign3A_1419 : i32
      %sign3A_1421 = arith.extui %sign3A_1420 : i1 to i32
      %sign3A_1422 = arith.subi %sign3A_1418, %sign3A_1421 : i32
      %ne3A_1423 = arith.cmpi ne, %sign3A_1415, %sign3A_1422 : i32
      %rem3A_1424 = arith.remsi %add3A_1308, %jit3A_1407 : i32
      %ne3A_1425 = arith.constant 0 : i32
      %ne3A_1426 = arith.cmpi ne, %rem3A_1424, %ne3A_1425 : i32
      %and3A_1427 = arith.andi %ne3A_1423, %ne3A_1426 : i1
      %sub3A_1428 = arith.constant 1 : i32
      %sub3A_1429 = arith.subi %div3A_1408, %sub3A_1428 : i32
      %select_n3A_1430 = arith.select %and3A_1427, %sub3A_1429, %div3A_1408 : i32
      %jit3A_1431 = arith.constant 8 : i32
      %eq3A_1432 = arith.constant 0 : i32
      %eq3A_1433 = arith.cmpi eq, %jit3A_1431, %eq3A_1432 : i32
      %jit3A_1434 = arith.constant 1 : i32
      %select_n3A_1435 = arith.select %eq3A_1433, %jit3A_1434, %jit3A_1431 : i32
      %rem3A_1436 = arith.remsi %add3A_1308, %select_n3A_1435 : i32
      %ne3A_1437 = arith.constant 0 : i32
      %ne3A_1438 = arith.cmpi ne, %rem3A_1436, %ne3A_1437 : i32
      %lt3A_1439 = arith.constant 0 : i32
      %lt3A_1440 = arith.cmpi slt, %rem3A_1436, %lt3A_1439 : i32
      %lt3A_1441 = arith.constant 0 : i32
      %lt3A_1442 = arith.cmpi slt, %select_n3A_1435, %lt3A_1441 : i32
      %ne3A_1443 = arith.xori %lt3A_1440, %lt3A_1442 : i1
      %and3A_1444 = arith.andi %ne3A_1443, %ne3A_1438 : i1
      %add3A_1445 = arith.addi %rem3A_1436, %select_n3A_1435 : i32
      %select_n3A_1446 = arith.select %and3A_1444, %add3A_1445, %rem3A_1436 : i32
      %get3A_1447 = arith.index_cast %select_n3A_1430 : i32 to index
      %get3A_1448 = arith.index_cast %select_n3A_1446 : i32 to index
      %get3A_1449 = arith.constant 32 : index
      %get3A_1450 = tpu.vector_load %arg5[%get3A_1447, %get3A_1448, %get3A_1449] {strides = array<i32>} : memref<25x8x128xi32, #tpu.memory_space<vmem>>, vector<16xi32>,
      %mul3A_1451 = arith.constant 2 : i32
      %mul3A_1452 = vector.broadcast %mul3A_1451 : i32 to vector<16xi32>
      %mul3A_1453 = arith.muli %get3A_1450, %mul3A_1452 : vector<16xi32>
      %swap3A_1454 = arith.constant 32 : index
      %swap3A_1455 = tpu.vector_load %arg7[%swap3A_1454] {strides = array<i32>} : memref<128xi32, #tpu.memory_space<vmem>>, vector<16xi32>,
      tpu.vector_store %arg7[%swap3A_1454], %mul3A_1453 {strides = array<i32>} : memref<128xi32, #tpu.memory_space<vmem>>, vector<16xi32>,
      %jit3A_1456 = arith.constant 8 : i32
      %div3A_1457 = arith.divsi %add3A_1308, %jit3A_1456 : i32
      %sign3A_1458 = arith.constant 0 : i32
      %sign3A_1459 = arith.cmpi sgt, %add3A_1308, %sign3A_1458 : i32
      %sign3A_1460 = arith.extui %sign3A_1459 : i1 to i32
      %sign3A_1461 = arith.constant 0 : i32
      %sign3A_1462 = arith.cmpi slt, %add3A_1308, %sign3A_1461 : i32
      %sign3A_1463 = arith.extui %sign3A_1462 : i1 to i32
      %sign3A_1464 = arith.subi %sign3A_1460, %sign3A_1463 : i32
      %sign3A_1465 = arith.constant 0 : i32
      %sign3A_1466 = arith.cmpi sgt, %jit3A_1456, %sign3A_1465 : i32
      %sign3A_1467 = arith.extui %sign3A_1466 : i1 to i32
      %sign3A_1468 = arith.constant 0 : i32
      %sign3A_1469 = arith.cmpi slt, %jit3A_1456, %sign3A_1468 : i32
      %sign3A_1470 = arith.extui %sign3A_1469 : i1 to i32
      %sign3A_1471 = arith.subi %sign3A_1467, %sign3A_1470 : i32
      %ne3A_1472 = arith.cmpi ne, %sign3A_1464, %sign3A_1471 : i32
      %rem3A_1473 = arith.remsi %add3A_1308, %jit3A_1456 : i32
      %ne3A_1474 = arith.constant 0 : i32
      %ne3A_1475 = arith.cmpi ne, %rem3A_1473, %ne3A_1474 : i32
      %and3A_1476 = arith.andi %ne3A_1472, %ne3A_1475 : i1
      %sub3A_1477 = arith.constant 1 : i32
      %sub3A_1478 = arith.subi %div3A_1457, %sub3A_1477 : i32
      %select_n3A_1479 = arith.select %and3A_1476, %sub3A_1478, %div3A_1457 : i32
      %jit3A_1480 = arith.constant 8 : i32
      %eq3A_1481 = arith.constant 0 : i32
      %eq3A_1482 = arith.cmpi eq, %jit3A_1480, %eq3A_1481 : i32
      %jit3A_1483 = arith.constant 1 : i32
      %select_n3A_1484 = arith.select %eq3A_1482, %jit3A_1483, %jit3A_1480 : i32
      %rem3A_1485 = arith.remsi %add3A_1308, %select_n3A_1484 : i32
      %ne3A_1486 = arith.constant 0 : i32
      %ne3A_1487 = arith.cmpi ne, %rem3A_1485, %ne3A_1486 : i32
      %lt3A_1488 = arith.constant 0 : i32
      %lt3A_1489 = arith.cmpi slt, %rem3A_1485, %lt3A_1488 : i32
      %lt3A_1490 = arith.constant 0 : i32
      %lt3A_1491 = arith.cmpi slt, %select_n3A_1484, %lt3A_1490 : i32
      %ne3A_1492 = arith.xori %lt3A_1489, %lt3A_1491 : i1
      %and3A_1493 = arith.andi %ne3A_1492, %ne3A_1487 : i1
      %add3A_1494 = arith.addi %rem3A_1485, %select_n3A_1484 : i32
      %select_n3A_1495 = arith.select %and3A_1493, %add3A_1494, %rem3A_1485 : i32
      %get3A_1496 = arith.index_cast %select_n3A_1479 : i32 to index
      %get3A_1497 = arith.index_cast %select_n3A_1495 : i32 to index
      %get3A_1498 = arith.constant 48 : index
      %get3A_1499 = tpu.vector_load %arg5[%get3A_1496, %get3A_1497, %get3A_1498] {strides = array<i32>} : memref<25x8x128xi32, #tpu.memory_space<vmem>>, vector<16xi32>,
      %mul3A_1500 = arith.constant 2 : i32
      %mul3A_1501 = vector.broadcast %mul3A_1500 : i32 to vector<16xi32>
      %mul3A_1502 = arith.muli %get3A_1499, %mul3A_1501 : vector<16xi32>
      %swap3A_1503 = arith.constant 48 : index
      %swap3A_1504 = tpu.vector_load %arg7[%swap3A_1503] {strides = array<i32>} : memref<128xi32, #tpu.memory_space<vmem>>, vector<16xi32>,
      tpu.vector_store %arg7[%swap3A_1503], %mul3A_1502 {strides = array<i32>} : memref<128xi32, #tpu.memory_space<vmem>>, vector<16xi32>,
      %jit3A_1505 = arith.constant 8 : i32
      %div3A_1506 = arith.divsi %add3A_1308, %jit3A_1505 : i32
      %sign3A_1507 = arith.constant 0 : i32
      %sign3A_1508 = arith.cmpi sgt, %add3A_1308, %sign3A_1507 : i32
      %sign3A_1509 = arith.extui %sign3A_1508 : i1 to i32
      %sign3A_1510 = arith.constant 0 : i32
      %sign3A_1511 = arith.cmpi slt, %add3A_1308, %sign3A_1510 : i32
      %sign3A_1512 = arith.extui %sign3A_1511 : i1 to i32
      %sign3A_1513 = arith.subi %sign3A_1509, %sign3A_1512 : i32
      %sign3A_1514 = arith.constant 0 : i32
      %sign3A_1515 = arith.cmpi sgt, %jit3A_1505, %sign3A_1514 : i32
      %sign3A_1516 = arith.extui %sign3A_1515 : i1 to i32
      %sign3A_1517 = arith.constant 0 : i32
      %sign3A_1518 = arith.cmpi slt, %jit3A_1505, %sign3A_1517 : i32
      %sign3A_1519 = arith.extui %sign3A_1518 : i1 to i32
      %sign3A_1520 = arith.subi %sign3A_1516, %sign3A_1519 : i32
      %ne3A_1521 = arith.cmpi ne, %sign3A_1513, %sign3A_1520 : i32
      %rem3A_1522 = arith.remsi %add3A_1308, %jit3A_1505 : i32
      %ne3A_1523 = arith.constant 0 : i32
      %ne3A_1524 = arith.cmpi ne, %rem3A_1522, %ne3A_1523 : i32
      %and3A_1525 = arith.andi %ne3A_1521, %ne3A_1524 : i1
      %sub3A_1526 = arith.constant 1 : i32
      %sub3A_1527 = arith.subi %div3A_1506, %sub3A_1526 : i32
      %select_n3A_1528 = arith.select %and3A_1525, %sub3A_1527, %div3A_1506 : i32
      %jit3A_1529 = arith.constant 8 : i32
      %eq3A_1530 = arith.constant 0 : i32
      %eq3A_1531 = arith.cmpi eq, %jit3A_1529, %eq3A_1530 : i32
      %jit3A_1532 = arith.constant 1 : i32
      %select_n3A_1533 = arith.select %eq3A_1531, %jit3A_1532, %jit3A_1529 : i32
      %rem3A_1534 = arith.remsi %add3A_1308, %select_n3A_1533 : i32
      %ne3A_1535 = arith.constant 0 : i32
      %ne3A_1536 = arith.cmpi ne, %rem3A_1534, %ne3A_1535 : i32
      %lt3A_1537 = arith.constant 0 : i32
      %lt3A_1538 = arith.cmpi slt, %rem3A_1534, %lt3A_1537 : i32
      %lt3A_1539 = arith.constant 0 : i32
      %lt3A_1540 = arith.cmpi slt, %select_n3A_1533, %lt3A_1539 : i32
      %ne3A_1541 = arith.xori %lt3A_1538, %lt3A_1540 : i1
      %and3A_1542 = arith.andi %ne3A_1541, %ne3A_1536 : i1
      %add3A_1543 = arith.addi %rem3A_1534, %select_n3A_1533 : i32
      %select_n3A_1544 = arith.select %and3A_1542, %add3A_1543, %rem3A_1534 : i32
      %get3A_1545 = arith.index_cast %select_n3A_1528 : i32 to index
      %get3A_1546 = arith.index_cast %select_n3A_1544 : i32 to index
      %get3A_1547 = arith.constant 64 : index
      %get3A_1548 = tpu.vector_load %arg5[%get3A_1545, %get3A_1546, %get3A_1547] {strides = array<i32>} : memref<25x8x128xi32, #tpu.memory_space<vmem>>, vector<16xi32>,
      %mul3A_1549 = arith.constant 2 : i32
      %mul3A_1550 = vector.broadcast %mul3A_1549 : i32 to vector<16xi32>
      %mul3A_1551 = arith.muli %get3A_1548, %mul3A_1550 : vector<16xi32>
      %swap3A_1552 = arith.constant 64 : index
      %swap3A_1553 = tpu.vector_load %arg7[%swap3A_1552] {strides = array<i32>} : memref<128xi32, #tpu.memory_space<vmem>>, vector<16xi32>,
      tpu.vector_store %arg7[%swap3A_1552], %mul3A_1551 {strides = array<i32>} : memref<128xi32, #tpu.memory_space<vmem>>, vector<16xi32>,
      %jit3A_1554 = arith.constant 8 : i32
      %div3A_1555 = arith.divsi %add3A_1308, %jit3A_1554 : i32
      %sign3A_1556 = arith.constant 0 : i32
      %sign3A_1557 = arith.cmpi sgt, %add3A_1308, %sign3A_1556 : i32
      %sign3A_1558 = arith.extui %sign3A_1557 : i1 to i32
      %sign3A_1559 = arith.constant 0 : i32
      %sign3A_1560 = arith.cmpi slt, %add3A_1308, %sign3A_1559 : i32
      %sign3A_1561 = arith.extui %sign3A_1560 : i1 to i32
      %sign3A_1562 = arith.subi %sign3A_1558, %sign3A_1561 : i32
      %sign3A_1563 = arith.constant 0 : i32
      %sign3A_1564 = arith.cmpi sgt, %jit3A_1554, %sign3A_1563 : i32
      %sign3A_1565 = arith.extui %sign3A_1564 : i1 to i32
      %sign3A_1566 = arith.constant 0 : i32
      %sign3A_1567 = arith.cmpi slt, %jit3A_1554, %sign3A_1566 : i32
      %sign3A_1568 = arith.extui %sign3A_1567 : i1 to i32
      %sign3A_1569 = arith.subi %sign3A_1565, %sign3A_1568 : i32
      %ne3A_1570 = arith.cmpi ne, %sign3A_1562, %sign3A_1569 : i32
      %rem3A_1571 = arith.remsi %add3A_1308, %jit3A_1554 : i32
      %ne3A_1572 = arith.constant 0 : i32
      %ne3A_1573 = arith.cmpi ne, %rem3A_1571, %ne3A_1572 : i32
      %and3A_1574 = arith.andi %ne3A_1570, %ne3A_1573 : i1
      %sub3A_1575 = arith.constant 1 : i32
      %sub3A_1576 = arith.subi %div3A_1555, %sub3A_1575 : i32
      %select_n3A_1577 = arith.select %and3A_1574, %sub3A_1576, %div3A_1555 : i32
      %jit3A_1578 = arith.constant 8 : i32
      %eq3A_1579 = arith.constant 0 : i32
      %eq3A_1580 = arith.cmpi eq, %jit3A_1578, %eq3A_1579 : i32
      %jit3A_1581 = arith.constant 1 : i32
      %select_n3A_1582 = arith.select %eq3A_1580, %jit3A_1581, %jit3A_1578 : i32
      %rem3A_1583 = arith.remsi %add3A_1308, %select_n3A_1582 : i32
      %ne3A_1584 = arith.constant 0 : i32
      %ne3A_1585 = arith.cmpi ne, %rem3A_1583, %ne3A_1584 : i32
      %lt3A_1586 = arith.constant 0 : i32
      %lt3A_1587 = arith.cmpi slt, %rem3A_1583, %lt3A_1586 : i32
      %lt3A_1588 = arith.constant 0 : i32
      %lt3A_1589 = arith.cmpi slt, %select_n3A_1582, %lt3A_1588 : i32
      %ne3A_1590 = arith.xori %lt3A_1587, %lt3A_1589 : i1
      %and3A_1591 = arith.andi %ne3A_1590, %ne3A_1585 : i1
      %add3A_1592 = arith.addi %rem3A_1583, %select_n3A_1582 : i32
      %select_n3A_1593 = arith.select %and3A_1591, %add3A_1592, %rem3A_1583 : i32
      %get3A_1594 = arith.index_cast %select_n3A_1577 : i32 to index
      %get3A_1595 = arith.index_cast %select_n3A_1593 : i32 to index
      %get3A_1596 = arith.constant 80 : index
      %get3A_1597 = tpu.vector_load %arg5[%get3A_1594, %get3A_1595, %get3A_1596] {strides = array<i32>} : memref<25x8x128xi32, #tpu.memory_space<vmem>>, vector<16xi32>,
      %mul3A_1598 = arith.constant 2 : i32
      %mul3A_1599 = vector.broadcast %mul3A_1598 : i32 to vector<16xi32>
      %mul3A_1600 = arith.muli %get3A_1597, %mul3A_1599 : vector<16xi32>
      %swap3A_1601 = arith.constant 80 : index
      %swap3A_1602 = tpu.vector_load %arg7[%swap3A_1601] {strides = array<i32>} : memref<128xi32, #tpu.memory_space<vmem>>, vector<16xi32>,
      tpu.vector_store %arg7[%swap3A_1601], %mul3A_1600 {strides = array<i32>} : memref<128xi32, #tpu.memory_space<vmem>>, vector<16xi32>,
      %jit3A_1603 = arith.constant 8 : i32
      %div3A_1604 = arith.divsi %add3A_1308, %jit3A_1603 : i32
      %sign3A_1605 = arith.constant 0 : i32
      %sign3A_1606 = arith.cmpi sgt, %add3A_1308, %sign3A_1605 : i32
      %sign3A_1607 = arith.extui %sign3A_1606 : i1 to i32
      %sign3A_1608 = arith.constant 0 : i32
      %sign3A_1609 = arith.cmpi slt, %add3A_1308, %sign3A_1608 : i32
      %sign3A_1610 = arith.extui %sign3A_1609 : i1 to i32
      %sign3A_1611 = arith.subi %sign3A_1607, %sign3A_1610 : i32
      %sign3A_1612 = arith.constant 0 : i32
      %sign3A_1613 = arith.cmpi sgt, %jit3A_1603, %sign3A_1612 : i32
      %sign3A_1614 = arith.extui %sign3A_1613 : i1 to i32
      %sign3A_1615 = arith.constant 0 : i32
      %sign3A_1616 = arith.cmpi slt, %jit3A_1603, %sign3A_1615 : i32
      %sign3A_1617 = arith.extui %sign3A_1616 : i1 to i32
      %sign3A_1618 = arith.subi %sign3A_1614, %sign3A_1617 : i32
      %ne3A_1619 = arith.cmpi ne, %sign3A_1611, %sign3A_1618 : i32
      %rem3A_1620 = arith.remsi %add3A_1308, %jit3A_1603 : i32
      %ne3A_1621 = arith.constant 0 : i32
      %ne3A_1622 = arith.cmpi ne, %rem3A_1620, %ne3A_1621 : i32
      %and3A_1623 = arith.andi %ne3A_1619, %ne3A_1622 : i1
      %sub3A_1624 = arith.constant 1 : i32
      %sub3A_1625 = arith.subi %div3A_1604, %sub3A_1624 : i32
      %select_n3A_1626 = arith.select %and3A_1623, %sub3A_1625, %div3A_1604 : i32
      %jit3A_1627 = arith.constant 8 : i32
      %eq3A_1628 = arith.constant 0 : i32
      %eq3A_1629 = arith.cmpi eq, %jit3A_1627, %eq3A_1628 : i32
      %jit3A_1630 = arith.constant 1 : i32
      %select_n3A_1631 = arith.select %eq3A_1629, %jit3A_1630, %jit3A_1627 : i32
      %rem3A_1632 = arith.remsi %add3A_1308, %select_n3A_1631 : i32
      %ne3A_1633 = arith.constant 0 : i32
      %ne3A_1634 = arith.cmpi ne, %rem3A_1632, %ne3A_1633 : i32
      %lt3A_1635 = arith.constant 0 : i32
      %lt3A_1636 = arith.cmpi slt, %rem3A_1632, %lt3A_1635 : i32
      %lt3A_1637 = arith.constant 0 : i32
      %lt3A_1638 = arith.cmpi slt, %select_n3A_1631, %lt3A_1637 : i32
      %ne3A_1639 = arith.xori %lt3A_1636, %lt3A_1638 : i1
      %and3A_1640 = arith.andi %ne3A_1639, %ne3A_1634 : i1
      %add3A_1641 = arith.addi %rem3A_1632, %select_n3A_1631 : i32
      %select_n3A_1642 = arith.select %and3A_1640, %add3A_1641, %rem3A_1632 : i32
      %get3A_1643 = arith.index_cast %select_n3A_1626 : i32 to index
      %get3A_1644 = arith.index_cast %select_n3A_1642 : i32 to index
      %get3A_1645 = arith.constant 96 : index
      %get3A_1646 = tpu.vector_load %arg5[%get3A_1643, %get3A_1644, %get3A_1645] {strides = array<i32>} : memref<25x8x128xi32, #tpu.memory_space<vmem>>, vector<16xi32>,
      %mul3A_1647 = arith.constant 2 : i32
      %mul3A_1648 = vector.broadcast %mul3A_1647 : i32 to vector<16xi32>
      %mul3A_1649 = arith.muli %get3A_1646, %mul3A_1648 : vector<16xi32>
      %swap3A_1650 = arith.constant 96 : index
      %swap3A_1651 = tpu.vector_load %arg7[%swap3A_1650] {strides = array<i32>} : memref<128xi32, #tpu.memory_space<vmem>>, vector<16xi32>,
      tpu.vector_store %arg7[%swap3A_1650], %mul3A_1649 {strides = array<i32>} : memref<128xi32, #tpu.memory_space<vmem>>, vector<16xi32>,
      %jit3A_1652 = arith.constant 8 : i32
      %div3A_1653 = arith.divsi %add3A_1308, %jit3A_1652 : i32
      %sign3A_1654 = arith.constant 0 : i32
      %sign3A_1655 = arith.cmpi sgt, %add3A_1308, %sign3A_1654 : i32
      %sign3A_1656 = arith.extui %sign3A_1655 : i1 to i32
      %sign3A_1657 = arith.constant 0 : i32
      %sign3A_1658 = arith.cmpi slt, %add3A_1308, %sign3A_1657 : i32
      %sign3A_1659 = arith.extui %sign3A_1658 : i1 to i32
      %sign3A_1660 = arith.subi %sign3A_1656, %sign3A_1659 : i32
      %sign3A_1661 = arith.constant 0 : i32
      %sign3A_1662 = arith.cmpi sgt, %jit3A_1652, %sign3A_1661 : i32
      %sign3A_1663 = arith.extui %sign3A_1662 : i1 to i32
      %sign3A_1664 = arith.constant 0 : i32
      %sign3A_1665 = arith.cmpi slt, %jit3A_1652, %sign3A_1664 : i32
      %sign3A_1666 = arith.extui %sign3A_1665 : i1 to i32
      %sign3A_1667 = arith.subi %sign3A_1663, %sign3A_1666 : i32
      %ne3A_1668 = arith.cmpi ne, %sign3A_1660, %sign3A_1667 : i32
      %rem3A_1669 = arith.remsi %add3A_1308, %jit3A_1652 : i32
      %ne3A_1670 = arith.constant 0 : i32
      %ne3A_1671 = arith.cmpi ne, %rem3A_1669, %ne3A_1670 : i32
      %and3A_1672 = arith.andi %ne3A_1668, %ne3A_1671 : i1
      %sub3A_1673 = arith.constant 1 : i32
      %sub3A_1674 = arith.subi %div3A_1653, %sub3A_1673 : i32
      %select_n3A_1675 = arith.select %and3A_1672, %sub3A_1674, %div3A_1653 : i32
      %jit3A_1676 = arith.constant 8 : i32
      %eq3A_1677 = arith.constant 0 : i32
      %eq3A_1678 = arith.cmpi eq, %jit3A_1676, %eq3A_1677 : i32
      %jit3A_1679 = arith.constant 1 : i32
      %select_n3A_1680 = arith.select %eq3A_1678, %jit3A_1679, %jit3A_1676 : i32
      %rem3A_1681 = arith.remsi %add3A_1308, %select_n3A_1680 : i32
      %ne3A_1682 = arith.constant 0 : i32
      %ne3A_1683 = arith.cmpi ne, %rem3A_1681, %ne3A_1682 : i32
      %lt3A_1684 = arith.constant 0 : i32
      %lt3A_1685 = arith.cmpi slt, %rem3A_1681, %lt3A_1684 : i32
      %lt3A_1686 = arith.constant 0 : i32
      %lt3A_1687 = arith.cmpi slt, %select_n3A_1680, %lt3A_1686 : i32
      %ne3A_1688 = arith.xori %lt3A_1685, %lt3A_1687 : i1
      %and3A_1689 = arith.andi %ne3A_1688, %ne3A_1683 : i1
      %add3A_1690 = arith.addi %rem3A_1681, %select_n3A_1680 : i32
      %select_n3A_1691 = arith.select %and3A_1689, %add3A_1690, %rem3A_1681 : i32
      %get3A_1692 = arith.index_cast %select_n3A_1675 : i32 to index
      %get3A_1693 = arith.index_cast %select_n3A_1691 : i32 to index
      %get3A_1694 = arith.constant 112 : index
      %get3A_1695 = tpu.vector_load %arg5[%get3A_1692, %get3A_1693, %get3A_1694] {strides = array<i32>} : memref<25x8x128xi32, #tpu.memory_space<vmem>>, vector<16xi32>,
      %mul3A_1696 = arith.constant 2 : i32
      %mul3A_1697 = vector.broadcast %mul3A_1696 : i32 to vector<16xi32>
      %mul3A_1698 = arith.muli %get3A_1695, %mul3A_1697 : vector<16xi32>
      %swap3A_1699 = arith.constant 112 : index
      %swap3A_1700 = tpu.vector_load %arg7[%swap3A_1699] {strides = array<i32>} : memref<128xi32, #tpu.memory_space<vmem>>, vector<16xi32>,
      tpu.vector_store %arg7[%swap3A_1699], %mul3A_1698 {strides = array<i32>} : memref<128xi32, #tpu.memory_space<vmem>>, vector<16xi32>,
      %dma_start3A_1701 = arith.constant 0 : i32
      %dma_start3A_1702 = arith.constant 0 : i32
      %dma_start3A_1703 = tpu.memref_slice %arg3[%dma_start3A_1701, %dma_start3A_1702] : memref<200000x64xf32, #tpu.memory_space<hbm>> -> memref<200000x64xf32, #tpu.memory_space<hbm>>
      tpu.enqueue_indirect_dma source(%dma_start3A_1703 : memref<200000x64xf32, #tpu.memory_space<hbm>>) target(%arg11 : memref<128x64xf32, #tpu.memory_space<vmem>>) offsets(%arg7 : memref<128xi32, #tpu.memory_space<vmem>>) semaphore(%arg19 : memref<!tpu.dma_semaphore, #tpu.memory_space<semaphore_mem>>)
      %gt3A_1704 = arith.constant 0 : i32
      %gt3A_1705 = arith.cmpi sgt, %scan3A_844, %gt3A_1704 : i32
      %convert_element_type3A_1706 = arith.extui %gt3A_1705 : i1 to i32
      %cond3A_1707 = arith.constant 0 : i32
      %cond3A_1708 = arith.cmpi ne, %convert_element_type3A_1706, %cond3A_1707 : i32
      scf.if %cond3A_1708 {
        %sub3A_2564 = arith.constant 4 : i32
        %sub3A_2565 = arith.subi %mul3A_846, %sub3A_2564 : i32
        %add3A_2566 = arith.constant 2 : i32
        %add3A_2567 = arith.addi %sub3A_2565, %add3A_2566 : i32
        %dma_wait3A_2568 = arith.constant 0 : i32
        %dma_wait3A_2569 = arith.constant 0 : i32
        %dma_wait3A_2570 = arith.constant 0 : i32
        %dma_wait3A_2571 = tpu.memref_slice %arg16[%dma_wait3A_2568, %dma_wait3A_2569, %dma_wait3A_2570] : memref<8x8x130xf32, #tpu.memory_space<vmem>> -> memref<8x8x128xf32, #tpu.memory_space<vmem>>
        %dma_wait3A_2572 = arith.constant 0 : i32
        %dma_wait3A_2573 = arith.constant 0 : i32
        %dma_wait3A_2574 = arith.constant 0 : i32
        %dma_wait3A_2575 = tpu.memref_slice %arg4[%add3A_2567, %dma_wait3A_2572, %add3A, %dma_wait3A_2573, %dma_wait3A_2574] : memref<200x8x32x8x128xf32, #tpu.memory_space<hbm>> -> memref<1x8x1x8x128xf32, #tpu.memory_space<hbm>>
        %dma_wait3A_2576 = tpu.memref_squeeze %dma_wait3A_2575 : memref<1x8x1x8x128xf32, #tpu.memory_space<hbm>> -> memref<8x8x128xf32, #tpu.memory_space<hbm>>
        %dma_wait3A_2577 = arith.constant 0 : i32
        %dma_wait3A_2578 = arith.constant 0 : i32
        %dma_wait3A_2579 = arith.constant 0 : i32
        %dma_wait3A_2580 = tpu.memref_slice %arg4[%add3A_2567, %dma_wait3A_2577, %add3A, %dma_wait3A_2578, %dma_wait3A_2579] : memref<200x8x32x8x128xf32, #tpu.memory_space<hbm>> -> memref<1x8x1x8x128xf32, #tpu.memory_space<hbm>>
        %dma_wait3A_2581 = tpu.memref_squeeze %dma_wait3A_2580 : memref<1x8x1x8x128xf32, #tpu.memory_space<hbm>> -> memref<8x8x128xf32, #tpu.memory_space<hbm>>
        %dma_wait3A_2582 = arith.constant 0 : i32
        %dma_wait3A_2583 = arith.constant 0 : i32
        %dma_wait3A_2584 = arith.constant 0 : i32
        %dma_wait3A_2585 = tpu.memref_slice %arg16[%dma_wait3A_2582, %dma_wait3A_2583, %dma_wait3A_2584] : memref<8x8x130xf32, #tpu.memory_space<vmem>> -> memref<8x8x128xf32, #tpu.memory_space<vmem>>
        tpu.wait_dma2 semaphore(%arg24 : memref<!tpu.dma_semaphore, #tpu.memory_space<semaphore_mem>>) src(%dma_wait3A_2585 : memref<8x8x128xf32, #tpu.memory_space<vmem>>) dst(%dma_wait3A_2581 : memref<8x8x128xf32, #tpu.memory_space<hbm>>)
      } else {
      }
      %dma_wait3A_1709 = arith.constant 0 : i32
      %dma_wait3A_1710 = arith.constant 0 : i32
      %dma_wait3A_1711 = tpu.memref_slice %arg3[%dma_wait3A_1709, %dma_wait3A_1710] : memref<200000x64xf32, #tpu.memory_space<hbm>> -> memref<200000x64xf32, #tpu.memory_space<hbm>>
      tpu.wait_indirect_dma semaphore(%arg20 : memref<!tpu.dma_semaphore, #tpu.memory_space<semaphore_mem>>) src(%dma_wait3A_1711 : memref<200000x64xf32, #tpu.memory_space<hbm>>) dst(%arg12 : memref<128x64xf32, #tpu.memory_space<vmem>>)
      %parallel_loop3A_1712 = arith.constant 0 : i32
      %parallel_loop3A_1713 = arith.constant 128 : i32
      %parallel_loop3A_1714 = arith.constant 1 : i32
      scf.for %parallel_loop3A_2564 = %parallel_loop3A_1712 to %parallel_loop3A_1713 step %parallel_loop3A_1714  : i32 {
        %parallel_loop3A_2565 = vector.broadcast %parallel_loop3A_2564 : i32 to vector<16xi32>
        %parallel_loop3A_2566 = arith.addi %broadcast_in_dim3A_1, %parallel_loop3A_2565 : vector<16xi32>
        %parallel_loop3A_2567 = arith.index_cast %parallel_loop3A_2564 : i32 to index
        %parallel_loop3A_2568 = arith.constant 0 : index
        %parallel_loop3A_2569 = tpu.vector_load %arg12[%parallel_loop3A_2567, %parallel_loop3A_2568] {strides = array<i32>} : memref<128x64xf32, #tpu.memory_space<vmem>>, vector<16xf32>,
        tpu.vector_store_idx %arg16[%select_n3A, %select_n3A_50, %parallel_loop3A_2566], %parallel_loop3A_2569 : memref<8x8x130xf32, #tpu.memory_space<vmem>>[vector<16xi32>, vector<16xi32>, vector<16xi32>], vector<16xf32>,
        %parallel_loop3A_2570 = arith.index_cast %parallel_loop3A_2564 : i32 to index
        %parallel_loop3A_2571 = arith.constant 16 : index
        %parallel_loop3A_2572 = tpu.vector_load %arg12[%parallel_loop3A_2570, %parallel_loop3A_2571] {strides = array<i32>} : memref<128x64xf32, #tpu.memory_space<vmem>>, vector<16xf32>,
        tpu.vector_store_idx %arg16[%select_n3A_84, %select_n3A_109, %parallel_loop3A_2566], %parallel_loop3A_2572 : memref<8x8x130xf32, #tpu.memory_space<vmem>>[vector<16xi32>, vector<16xi32>, vector<16xi32>], vector<16xf32>,
        %parallel_loop3A_2573 = arith.index_cast %parallel_loop3A_2564 : i32 to index
        %parallel_loop3A_2574 = arith.constant 32 : index
        %parallel_loop3A_2575 = tpu.vector_load %arg12[%parallel_loop3A_2573, %parallel_loop3A_2574] {strides = array<i32>} : memref<128x64xf32, #tpu.memory_space<vmem>>, vector<16xf32>,
        tpu.vector_store_idx %arg16[%select_n3A_143, %select_n3A_168, %parallel_loop3A_2566], %parallel_loop3A_2575 : memref<8x8x130xf32, #tpu.memory_space<vmem>>[vector<16xi32>, vector<16xi32>, vector<16xi32>], vector<16xf32>,
        %parallel_loop3A_2576 = arith.index_cast %parallel_loop3A_2564 : i32 to index
        %parallel_loop3A_2577 = arith.constant 48 : index
        %parallel_loop3A_2578 = tpu.vector_load %arg12[%parallel_loop3A_2576, %parallel_loop3A_2577] {strides = array<i32>} : memref<128x64xf32, #tpu.memory_space<vmem>>, vector<16xf32>,
        tpu.vector_store_idx %arg16[%select_n3A_202, %select_n3A_227, %parallel_loop3A_2566], %parallel_loop3A_2578 : memref<8x8x130xf32, #tpu.memory_space<vmem>>[vector<16xi32>, vector<16xi32>, vector<16xi32>], vector<16xf32>,
      } {sc.loop_unroll_factor = 4 : i64, sc.parallel_access}
      %add3A_1715 = arith.constant 2 : i32
      %add3A_1716 = arith.addi %mul3A_846, %add3A_1715 : i32
      %dma_start3A_1717 = arith.constant 0 : i32
      %dma_start3A_1718 = arith.constant 0 : i32
      %dma_start3A_1719 = arith.constant 0 : i32
      %dma_start3A_1720 = tpu.memref_slice %arg16[%dma_start3A_1717, %dma_start3A_1718, %dma_start3A_1719] : memref<8x8x130xf32, #tpu.memory_space<vmem>> -> memref<8x8x128xf32, #tpu.memory_space<vmem>>
      %dma_start3A_1721 = arith.constant 0 : i32
      %dma_start3A_1722 = arith.constant 0 : i32
      %dma_start3A_1723 = arith.constant 0 : i32
      %dma_start3A_1724 = tpu.memref_slice %arg4[%add3A_1716, %dma_start3A_1721, %add3A, %dma_start3A_1722, %dma_start3A_1723] : memref<200x8x32x8x128xf32, #tpu.memory_space<hbm>> -> memref<1x8x1x8x128xf32, #tpu.memory_space<hbm>>
      %dma_start3A_1725 = tpu.memref_squeeze %dma_start3A_1724 : memref<1x8x1x8x128xf32, #tpu.memory_space<hbm>> -> memref<8x8x128xf32, #tpu.memory_space<hbm>>
      %dma_start3A_1726 = arith.constant 0 : i32
      %dma_start3A_1727 = arith.constant 0 : i32
      %dma_start3A_1728 = arith.constant 0 : i32
      %dma_start3A_1729 = tpu.memref_slice %arg4[%add3A_1716, %dma_start3A_1726, %add3A, %dma_start3A_1727, %dma_start3A_1728] : memref<200x8x32x8x128xf32, #tpu.memory_space<hbm>> -> memref<1x8x1x8x128xf32, #tpu.memory_space<hbm>>
      %dma_start3A_1730 = tpu.memref_squeeze %dma_start3A_1729 : memref<1x8x1x8x128xf32, #tpu.memory_space<hbm>> -> memref<8x8x128xf32, #tpu.memory_space<hbm>>
      %dma_start3A_1731 = arith.constant 0 : i32
      %dma_start3A_1732 = arith.constant 0 : i32
      %dma_start3A_1733 = arith.constant 0 : i32
      %dma_start3A_1734 = tpu.memref_slice %arg16[%dma_start3A_1731, %dma_start3A_1732, %dma_start3A_1733] : memref<8x8x130xf32, #tpu.memory_space<vmem>> -> memref<8x8x128xf32, #tpu.memory_space<vmem>>
      tpu.enqueue_dma source(%dma_start3A_1734 : memref<8x8x128xf32, #tpu.memory_space<vmem>>) target(%dma_start3A_1730 : memref<8x8x128xf32, #tpu.memory_space<hbm>>) target_semaphore(%arg24 : memref<!tpu.dma_semaphore, #tpu.memory_space<semaphore_mem>>)
      %add3A_1735 = arith.constant 4 : i32
      %add3A_1736 = arith.addi %mul3A_846, %add3A_1735 : i32
      %add3A_1737 = arith.constant 2 : i32
      %add3A_1738 = arith.addi %add3A_1736, %add3A_1737 : i32
      %jit3A_1739 = arith.constant 8 : i32
      %div3A_1740 = arith.divsi %add3A_1738, %jit3A_1739 : i32
      %sign3A_1741 = arith.constant 0 : i32
      %sign3A_1742 = arith.cmpi sgt, %add3A_1738, %sign3A_1741 : i32
      %sign3A_1743 = arith.extui %sign3A_1742 : i1 to i32
      %sign3A_1744 = arith.constant 0 : i32
      %sign3A_1745 = arith.cmpi slt, %add3A_1738, %sign3A_1744 : i32
      %sign3A_1746 = arith.extui %sign3A_1745 : i1 to i32
      %sign3A_1747 = arith.subi %sign3A_1743, %sign3A_1746 : i32
      %sign3A_1748 = arith.constant 0 : i32
      %sign3A_1749 = arith.cmpi sgt, %jit3A_1739, %sign3A_1748 : i32
      %sign3A_1750 = arith.extui %sign3A_1749 : i1 to i32
      %sign3A_1751 = arith.constant 0 : i32
      %sign3A_1752 = arith.cmpi slt, %jit3A_1739, %sign3A_1751 : i32
      %sign3A_1753 = arith.extui %sign3A_1752 : i1 to i32
      %sign3A_1754 = arith.subi %sign3A_1750, %sign3A_1753 : i32
      %ne3A_1755 = arith.cmpi ne, %sign3A_1747, %sign3A_1754 : i32
      %rem3A_1756 = arith.remsi %add3A_1738, %jit3A_1739 : i32
      %ne3A_1757 = arith.constant 0 : i32
      %ne3A_1758 = arith.cmpi ne, %rem3A_1756, %ne3A_1757 : i32
      %and3A_1759 = arith.andi %ne3A_1755, %ne3A_1758 : i1
      %sub3A_1760 = arith.constant 1 : i32
      %sub3A_1761 = arith.subi %div3A_1740, %sub3A_1760 : i32
      %select_n3A_1762 = arith.select %and3A_1759, %sub3A_1761, %div3A_1740 : i32
      %jit3A_1763 = arith.constant 8 : i32
      %eq3A_1764 = arith.constant 0 : i32
      %eq3A_1765 = arith.cmpi eq, %jit3A_1763, %eq3A_1764 : i32
      %jit3A_1766 = arith.constant 1 : i32
      %select_n3A_1767 = arith.select %eq3A_1765, %jit3A_1766, %jit3A_1763 : i32
      %rem3A_1768 = arith.remsi %add3A_1738, %select_n3A_1767 : i32
      %ne3A_1769 = arith.constant 0 : i32
      %ne3A_1770 = arith.cmpi ne, %rem3A_1768, %ne3A_1769 : i32
      %lt3A_1771 = arith.constant 0 : i32
      %lt3A_1772 = arith.cmpi slt, %rem3A_1768, %lt3A_1771 : i32
      %lt3A_1773 = arith.constant 0 : i32
      %lt3A_1774 = arith.cmpi slt, %select_n3A_1767, %lt3A_1773 : i32
      %ne3A_1775 = arith.xori %lt3A_1772, %lt3A_1774 : i1
      %and3A_1776 = arith.andi %ne3A_1775, %ne3A_1770 : i1
      %add3A_1777 = arith.addi %rem3A_1768, %select_n3A_1767 : i32
      %select_n3A_1778 = arith.select %and3A_1776, %add3A_1777, %rem3A_1768 : i32
      %get3A_1779 = arith.index_cast %select_n3A_1762 : i32 to index
      %get3A_1780 = arith.index_cast %select_n3A_1778 : i32 to index
      %get3A_1781 = arith.constant 0 : index
      %get3A_1782 = tpu.vector_load %arg5[%get3A_1779, %get3A_1780, %get3A_1781] {strides = array<i32>} : memref<25x8x128xi32, #tpu.memory_space<vmem>>, vector<16xi32>,
      %mul3A_1783 = arith.constant 2 : i32
      %mul3A_1784 = vector.broadcast %mul3A_1783 : i32 to vector<16xi32>
      %mul3A_1785 = arith.muli %get3A_1782, %mul3A_1784 : vector<16xi32>
      %swap3A_1786 = arith.constant 0 : index
      %swap3A_1787 = tpu.vector_load %arg8[%swap3A_1786] {strides = array<i32>} : memref<128xi32, #tpu.memory_space<vmem>>, vector<16xi32>,
      tpu.vector_store %arg8[%swap3A_1786], %mul3A_1785 {strides = array<i32>} : memref<128xi32, #tpu.memory_space<vmem>>, vector<16xi32>,
      %jit3A_1788 = arith.constant 8 : i32
      %div3A_1789 = arith.divsi %add3A_1738, %jit3A_1788 : i32
      %sign3A_1790 = arith.constant 0 : i32
      %sign3A_1791 = arith.cmpi sgt, %add3A_1738, %sign3A_1790 : i32
      %sign3A_1792 = arith.extui %sign3A_1791 : i1 to i32
      %sign3A_1793 = arith.constant 0 : i32
      %sign3A_1794 = arith.cmpi slt, %add3A_1738, %sign3A_1793 : i32
      %sign3A_1795 = arith.extui %sign3A_1794 : i1 to i32
      %sign3A_1796 = arith.subi %sign3A_1792, %sign3A_1795 : i32
      %sign3A_1797 = arith.constant 0 : i32
      %sign3A_1798 = arith.cmpi sgt, %jit3A_1788, %sign3A_1797 : i32
      %sign3A_1799 = arith.extui %sign3A_1798 : i1 to i32
      %sign3A_1800 = arith.constant 0 : i32
      %sign3A_1801 = arith.cmpi slt, %jit3A_1788, %sign3A_1800 : i32
      %sign3A_1802 = arith.extui %sign3A_1801 : i1 to i32
      %sign3A_1803 = arith.subi %sign3A_1799, %sign3A_1802 : i32
      %ne3A_1804 = arith.cmpi ne, %sign3A_1796, %sign3A_1803 : i32
      %rem3A_1805 = arith.remsi %add3A_1738, %jit3A_1788 : i32
      %ne3A_1806 = arith.constant 0 : i32
      %ne3A_1807 = arith.cmpi ne, %rem3A_1805, %ne3A_1806 : i32
      %and3A_1808 = arith.andi %ne3A_1804, %ne3A_1807 : i1
      %sub3A_1809 = arith.constant 1 : i32
      %sub3A_1810 = arith.subi %div3A_1789, %sub3A_1809 : i32
      %select_n3A_1811 = arith.select %and3A_1808, %sub3A_1810, %div3A_1789 : i32
      %jit3A_1812 = arith.constant 8 : i32
      %eq3A_1813 = arith.constant 0 : i32
      %eq3A_1814 = arith.cmpi eq, %jit3A_1812, %eq3A_1813 : i32
      %jit3A_1815 = arith.constant 1 : i32
      %select_n3A_1816 = arith.select %eq3A_1814, %jit3A_1815, %jit3A_1812 : i32
      %rem3A_1817 = arith.remsi %add3A_1738, %select_n3A_1816 : i32
      %ne3A_1818 = arith.constant 0 : i32
      %ne3A_1819 = arith.cmpi ne, %rem3A_1817, %ne3A_1818 : i32
      %lt3A_1820 = arith.constant 0 : i32
      %lt3A_1821 = arith.cmpi slt, %rem3A_1817, %lt3A_1820 : i32
      %lt3A_1822 = arith.constant 0 : i32
      %lt3A_1823 = arith.cmpi slt, %select_n3A_1816, %lt3A_1822 : i32
      %ne3A_1824 = arith.xori %lt3A_1821, %lt3A_1823 : i1
      %and3A_1825 = arith.andi %ne3A_1824, %ne3A_1819 : i1
      %add3A_1826 = arith.addi %rem3A_1817, %select_n3A_1816 : i32
      %select_n3A_1827 = arith.select %and3A_1825, %add3A_1826, %rem3A_1817 : i32
      %get3A_1828 = arith.index_cast %select_n3A_1811 : i32 to index
      %get3A_1829 = arith.index_cast %select_n3A_1827 : i32 to index
      %get3A_1830 = arith.constant 16 : index
      %get3A_1831 = tpu.vector_load %arg5[%get3A_1828, %get3A_1829, %get3A_1830] {strides = array<i32>} : memref<25x8x128xi32, #tpu.memory_space<vmem>>, vector<16xi32>,
      %mul3A_1832 = arith.constant 2 : i32
      %mul3A_1833 = vector.broadcast %mul3A_1832 : i32 to vector<16xi32>
      %mul3A_1834 = arith.muli %get3A_1831, %mul3A_1833 : vector<16xi32>
      %swap3A_1835 = arith.constant 16 : index
      %swap3A_1836 = tpu.vector_load %arg8[%swap3A_1835] {strides = array<i32>} : memref<128xi32, #tpu.memory_space<vmem>>, vector<16xi32>,
      tpu.vector_store %arg8[%swap3A_1835], %mul3A_1834 {strides = array<i32>} : memref<128xi32, #tpu.memory_space<vmem>>, vector<16xi32>,
      %jit3A_1837 = arith.constant 8 : i32
      %div3A_1838 = arith.divsi %add3A_1738, %jit3A_1837 : i32
      %sign3A_1839 = arith.constant 0 : i32
      %sign3A_1840 = arith.cmpi sgt, %add3A_1738, %sign3A_1839 : i32
      %sign3A_1841 = arith.extui %sign3A_1840 : i1 to i32
      %sign3A_1842 = arith.constant 0 : i32
      %sign3A_1843 = arith.cmpi slt, %add3A_1738, %sign3A_1842 : i32
      %sign3A_1844 = arith.extui %sign3A_1843 : i1 to i32
      %sign3A_1845 = arith.subi %sign3A_1841, %sign3A_1844 : i32
      %sign3A_1846 = arith.constant 0 : i32
      %sign3A_1847 = arith.cmpi sgt, %jit3A_1837, %sign3A_1846 : i32
      %sign3A_1848 = arith.extui %sign3A_1847 : i1 to i32
      %sign3A_1849 = arith.constant 0 : i32
      %sign3A_1850 = arith.cmpi slt, %jit3A_1837, %sign3A_1849 : i32
      %sign3A_1851 = arith.extui %sign3A_1850 : i1 to i32
      %sign3A_1852 = arith.subi %sign3A_1848, %sign3A_1851 : i32
      %ne3A_1853 = arith.cmpi ne, %sign3A_1845, %sign3A_1852 : i32
      %rem3A_1854 = arith.remsi %add3A_1738, %jit3A_1837 : i32
      %ne3A_1855 = arith.constant 0 : i32
      %ne3A_1856 = arith.cmpi ne, %rem3A_1854, %ne3A_1855 : i32
      %and3A_1857 = arith.andi %ne3A_1853, %ne3A_1856 : i1
      %sub3A_1858 = arith.constant 1 : i32
      %sub3A_1859 = arith.subi %div3A_1838, %sub3A_1858 : i32
      %select_n3A_1860 = arith.select %and3A_1857, %sub3A_1859, %div3A_1838 : i32
      %jit3A_1861 = arith.constant 8 : i32
      %eq3A_1862 = arith.constant 0 : i32
      %eq3A_1863 = arith.cmpi eq, %jit3A_1861, %eq3A_1862 : i32
      %jit3A_1864 = arith.constant 1 : i32
      %select_n3A_1865 = arith.select %eq3A_1863, %jit3A_1864, %jit3A_1861 : i32
      %rem3A_1866 = arith.remsi %add3A_1738, %select_n3A_1865 : i32
      %ne3A_1867 = arith.constant 0 : i32
      %ne3A_1868 = arith.cmpi ne, %rem3A_1866, %ne3A_1867 : i32
      %lt3A_1869 = arith.constant 0 : i32
      %lt3A_1870 = arith.cmpi slt, %rem3A_1866, %lt3A_1869 : i32
      %lt3A_1871 = arith.constant 0 : i32
      %lt3A_1872 = arith.cmpi slt, %select_n3A_1865, %lt3A_1871 : i32
      %ne3A_1873 = arith.xori %lt3A_1870, %lt3A_1872 : i1
      %and3A_1874 = arith.andi %ne3A_1873, %ne3A_1868 : i1
      %add3A_1875 = arith.addi %rem3A_1866, %select_n3A_1865 : i32
      %select_n3A_1876 = arith.select %and3A_1874, %add3A_1875, %rem3A_1866 : i32
      %get3A_1877 = arith.index_cast %select_n3A_1860 : i32 to index
      %get3A_1878 = arith.index_cast %select_n3A_1876 : i32 to index
      %get3A_1879 = arith.constant 32 : index
      %get3A_1880 = tpu.vector_load %arg5[%get3A_1877, %get3A_1878, %get3A_1879] {strides = array<i32>} : memref<25x8x128xi32, #tpu.memory_space<vmem>>, vector<16xi32>,
      %mul3A_1881 = arith.constant 2 : i32
      %mul3A_1882 = vector.broadcast %mul3A_1881 : i32 to vector<16xi32>
      %mul3A_1883 = arith.muli %get3A_1880, %mul3A_1882 : vector<16xi32>
      %swap3A_1884 = arith.constant 32 : index
      %swap3A_1885 = tpu.vector_load %arg8[%swap3A_1884] {strides = array<i32>} : memref<128xi32, #tpu.memory_space<vmem>>, vector<16xi32>,
      tpu.vector_store %arg8[%swap3A_1884], %mul3A_1883 {strides = array<i32>} : memref<128xi32, #tpu.memory_space<vmem>>, vector<16xi32>,
      %jit3A_1886 = arith.constant 8 : i32
      %div3A_1887 = arith.divsi %add3A_1738, %jit3A_1886 : i32
      %sign3A_1888 = arith.constant 0 : i32
      %sign3A_1889 = arith.cmpi sgt, %add3A_1738, %sign3A_1888 : i32
      %sign3A_1890 = arith.extui %sign3A_1889 : i1 to i32
      %sign3A_1891 = arith.constant 0 : i32
      %sign3A_1892 = arith.cmpi slt, %add3A_1738, %sign3A_1891 : i32
      %sign3A_1893 = arith.extui %sign3A_1892 : i1 to i32
      %sign3A_1894 = arith.subi %sign3A_1890, %sign3A_1893 : i32
      %sign3A_1895 = arith.constant 0 : i32
      %sign3A_1896 = arith.cmpi sgt, %jit3A_1886, %sign3A_1895 : i32
      %sign3A_1897 = arith.extui %sign3A_1896 : i1 to i32
      %sign3A_1898 = arith.constant 0 : i32
      %sign3A_1899 = arith.cmpi slt, %jit3A_1886, %sign3A_1898 : i32
      %sign3A_1900 = arith.extui %sign3A_1899 : i1 to i32
      %sign3A_1901 = arith.subi %sign3A_1897, %sign3A_1900 : i32
      %ne3A_1902 = arith.cmpi ne, %sign3A_1894, %sign3A_1901 : i32
      %rem3A_1903 = arith.remsi %add3A_1738, %jit3A_1886 : i32
      %ne3A_1904 = arith.constant 0 : i32
      %ne3A_1905 = arith.cmpi ne, %rem3A_1903, %ne3A_1904 : i32
      %and3A_1906 = arith.andi %ne3A_1902, %ne3A_1905 : i1
      %sub3A_1907 = arith.constant 1 : i32
      %sub3A_1908 = arith.subi %div3A_1887, %sub3A_1907 : i32
      %select_n3A_1909 = arith.select %and3A_1906, %sub3A_1908, %div3A_1887 : i32
      %jit3A_1910 = arith.constant 8 : i32
      %eq3A_1911 = arith.constant 0 : i32
      %eq3A_1912 = arith.cmpi eq, %jit3A_1910, %eq3A_1911 : i32
      %jit3A_1913 = arith.constant 1 : i32
      %select_n3A_1914 = arith.select %eq3A_1912, %jit3A_1913, %jit3A_1910 : i32
      %rem3A_1915 = arith.remsi %add3A_1738, %select_n3A_1914 : i32
      %ne3A_1916 = arith.constant 0 : i32
      %ne3A_1917 = arith.cmpi ne, %rem3A_1915, %ne3A_1916 : i32
      %lt3A_1918 = arith.constant 0 : i32
      %lt3A_1919 = arith.cmpi slt, %rem3A_1915, %lt3A_1918 : i32
      %lt3A_1920 = arith.constant 0 : i32
      %lt3A_1921 = arith.cmpi slt, %select_n3A_1914, %lt3A_1920 : i32
      %ne3A_1922 = arith.xori %lt3A_1919, %lt3A_1921 : i1
      %and3A_1923 = arith.andi %ne3A_1922, %ne3A_1917 : i1
      %add3A_1924 = arith.addi %rem3A_1915, %select_n3A_1914 : i32
      %select_n3A_1925 = arith.select %and3A_1923, %add3A_1924, %rem3A_1915 : i32
      %get3A_1926 = arith.index_cast %select_n3A_1909 : i32 to index
      %get3A_1927 = arith.index_cast %select_n3A_1925 : i32 to index
      %get3A_1928 = arith.constant 48 : index
      %get3A_1929 = tpu.vector_load %arg5[%get3A_1926, %get3A_1927, %get3A_1928] {strides = array<i32>} : memref<25x8x128xi32, #tpu.memory_space<vmem>>, vector<16xi32>,
      %mul3A_1930 = arith.constant 2 : i32
      %mul3A_1931 = vector.broadcast %mul3A_1930 : i32 to vector<16xi32>
      %mul3A_1932 = arith.muli %get3A_1929, %mul3A_1931 : vector<16xi32>
      %swap3A_1933 = arith.constant 48 : index
      %swap3A_1934 = tpu.vector_load %arg8[%swap3A_1933] {strides = array<i32>} : memref<128xi32, #tpu.memory_space<vmem>>, vector<16xi32>,
      tpu.vector_store %arg8[%swap3A_1933], %mul3A_1932 {strides = array<i32>} : memref<128xi32, #tpu.memory_space<vmem>>, vector<16xi32>,
      %jit3A_1935 = arith.constant 8 : i32
      %div3A_1936 = arith.divsi %add3A_1738, %jit3A_1935 : i32
      %sign3A_1937 = arith.constant 0 : i32
      %sign3A_1938 = arith.cmpi sgt, %add3A_1738, %sign3A_1937 : i32
      %sign3A_1939 = arith.extui %sign3A_1938 : i1 to i32
      %sign3A_1940 = arith.constant 0 : i32
      %sign3A_1941 = arith.cmpi slt, %add3A_1738, %sign3A_1940 : i32
      %sign3A_1942 = arith.extui %sign3A_1941 : i1 to i32
      %sign3A_1943 = arith.subi %sign3A_1939, %sign3A_1942 : i32
      %sign3A_1944 = arith.constant 0 : i32
      %sign3A_1945 = arith.cmpi sgt, %jit3A_1935, %sign3A_1944 : i32
      %sign3A_1946 = arith.extui %sign3A_1945 : i1 to i32
      %sign3A_1947 = arith.constant 0 : i32
      %sign3A_1948 = arith.cmpi slt, %jit3A_1935, %sign3A_1947 : i32
      %sign3A_1949 = arith.extui %sign3A_1948 : i1 to i32
      %sign3A_1950 = arith.subi %sign3A_1946, %sign3A_1949 : i32
      %ne3A_1951 = arith.cmpi ne, %sign3A_1943, %sign3A_1950 : i32
      %rem3A_1952 = arith.remsi %add3A_1738, %jit3A_1935 : i32
      %ne3A_1953 = arith.constant 0 : i32
      %ne3A_1954 = arith.cmpi ne, %rem3A_1952, %ne3A_1953 : i32
      %and3A_1955 = arith.andi %ne3A_1951, %ne3A_1954 : i1
      %sub3A_1956 = arith.constant 1 : i32
      %sub3A_1957 = arith.subi %div3A_1936, %sub3A_1956 : i32
      %select_n3A_1958 = arith.select %and3A_1955, %sub3A_1957, %div3A_1936 : i32
      %jit3A_1959 = arith.constant 8 : i32
      %eq3A_1960 = arith.constant 0 : i32
      %eq3A_1961 = arith.cmpi eq, %jit3A_1959, %eq3A_1960 : i32
      %jit3A_1962 = arith.constant 1 : i32
      %select_n3A_1963 = arith.select %eq3A_1961, %jit3A_1962, %jit3A_1959 : i32
      %rem3A_1964 = arith.remsi %add3A_1738, %select_n3A_1963 : i32
      %ne3A_1965 = arith.constant 0 : i32
      %ne3A_1966 = arith.cmpi ne, %rem3A_1964, %ne3A_1965 : i32
      %lt3A_1967 = arith.constant 0 : i32
      %lt3A_1968 = arith.cmpi slt, %rem3A_1964, %lt3A_1967 : i32
      %lt3A_1969 = arith.constant 0 : i32
      %lt3A_1970 = arith.cmpi slt, %select_n3A_1963, %lt3A_1969 : i32
      %ne3A_1971 = arith.xori %lt3A_1968, %lt3A_1970 : i1
      %and3A_1972 = arith.andi %ne3A_1971, %ne3A_1966 : i1
      %add3A_1973 = arith.addi %rem3A_1964, %select_n3A_1963 : i32
      %select_n3A_1974 = arith.select %and3A_1972, %add3A_1973, %rem3A_1964 : i32
      %get3A_1975 = arith.index_cast %select_n3A_1958 : i32 to index
      %get3A_1976 = arith.index_cast %select_n3A_1974 : i32 to index
      %get3A_1977 = arith.constant 64 : index
      %get3A_1978 = tpu.vector_load %arg5[%get3A_1975, %get3A_1976, %get3A_1977] {strides = array<i32>} : memref<25x8x128xi32, #tpu.memory_space<vmem>>, vector<16xi32>,
      %mul3A_1979 = arith.constant 2 : i32
      %mul3A_1980 = vector.broadcast %mul3A_1979 : i32 to vector<16xi32>
      %mul3A_1981 = arith.muli %get3A_1978, %mul3A_1980 : vector<16xi32>
      %swap3A_1982 = arith.constant 64 : index
      %swap3A_1983 = tpu.vector_load %arg8[%swap3A_1982] {strides = array<i32>} : memref<128xi32, #tpu.memory_space<vmem>>, vector<16xi32>,
      tpu.vector_store %arg8[%swap3A_1982], %mul3A_1981 {strides = array<i32>} : memref<128xi32, #tpu.memory_space<vmem>>, vector<16xi32>,
      %jit3A_1984 = arith.constant 8 : i32
      %div3A_1985 = arith.divsi %add3A_1738, %jit3A_1984 : i32
      %sign3A_1986 = arith.constant 0 : i32
      %sign3A_1987 = arith.cmpi sgt, %add3A_1738, %sign3A_1986 : i32
      %sign3A_1988 = arith.extui %sign3A_1987 : i1 to i32
      %sign3A_1989 = arith.constant 0 : i32
      %sign3A_1990 = arith.cmpi slt, %add3A_1738, %sign3A_1989 : i32
      %sign3A_1991 = arith.extui %sign3A_1990 : i1 to i32
      %sign3A_1992 = arith.subi %sign3A_1988, %sign3A_1991 : i32
      %sign3A_1993 = arith.constant 0 : i32
      %sign3A_1994 = arith.cmpi sgt, %jit3A_1984, %sign3A_1993 : i32
      %sign3A_1995 = arith.extui %sign3A_1994 : i1 to i32
      %sign3A_1996 = arith.constant 0 : i32
      %sign3A_1997 = arith.cmpi slt, %jit3A_1984, %sign3A_1996 : i32
      %sign3A_1998 = arith.extui %sign3A_1997 : i1 to i32
      %sign3A_1999 = arith.subi %sign3A_1995, %sign3A_1998 : i32
      %ne3A_2000 = arith.cmpi ne, %sign3A_1992, %sign3A_1999 : i32
      %rem3A_2001 = arith.remsi %add3A_1738, %jit3A_1984 : i32
      %ne3A_2002 = arith.constant 0 : i32
      %ne3A_2003 = arith.cmpi ne, %rem3A_2001, %ne3A_2002 : i32
      %and3A_2004 = arith.andi %ne3A_2000, %ne3A_2003 : i1
      %sub3A_2005 = arith.constant 1 : i32
      %sub3A_2006 = arith.subi %div3A_1985, %sub3A_2005 : i32
      %select_n3A_2007 = arith.select %and3A_2004, %sub3A_2006, %div3A_1985 : i32
      %jit3A_2008 = arith.constant 8 : i32
      %eq3A_2009 = arith.constant 0 : i32
      %eq3A_2010 = arith.cmpi eq, %jit3A_2008, %eq3A_2009 : i32
      %jit3A_2011 = arith.constant 1 : i32
      %select_n3A_2012 = arith.select %eq3A_2010, %jit3A_2011, %jit3A_2008 : i32
      %rem3A_2013 = arith.remsi %add3A_1738, %select_n3A_2012 : i32
      %ne3A_2014 = arith.constant 0 : i32
      %ne3A_2015 = arith.cmpi ne, %rem3A_2013, %ne3A_2014 : i32
      %lt3A_2016 = arith.constant 0 : i32
      %lt3A_2017 = arith.cmpi slt, %rem3A_2013, %lt3A_2016 : i32
      %lt3A_2018 = arith.constant 0 : i32
      %lt3A_2019 = arith.cmpi slt, %select_n3A_2012, %lt3A_2018 : i32
      %ne3A_2020 = arith.xori %lt3A_2017, %lt3A_2019 : i1
      %and3A_2021 = arith.andi %ne3A_2020, %ne3A_2015 : i1
      %add3A_2022 = arith.addi %rem3A_2013, %select_n3A_2012 : i32
      %select_n3A_2023 = arith.select %and3A_2021, %add3A_2022, %rem3A_2013 : i32
      %get3A_2024 = arith.index_cast %select_n3A_2007 : i32 to index
      %get3A_2025 = arith.index_cast %select_n3A_2023 : i32 to index
      %get3A_2026 = arith.constant 80 : index
      %get3A_2027 = tpu.vector_load %arg5[%get3A_2024, %get3A_2025, %get3A_2026] {strides = array<i32>} : memref<25x8x128xi32, #tpu.memory_space<vmem>>, vector<16xi32>,
      %mul3A_2028 = arith.constant 2 : i32
      %mul3A_2029 = vector.broadcast %mul3A_2028 : i32 to vector<16xi32>
      %mul3A_2030 = arith.muli %get3A_2027, %mul3A_2029 : vector<16xi32>
      %swap3A_2031 = arith.constant 80 : index
      %swap3A_2032 = tpu.vector_load %arg8[%swap3A_2031] {strides = array<i32>} : memref<128xi32, #tpu.memory_space<vmem>>, vector<16xi32>,
      tpu.vector_store %arg8[%swap3A_2031], %mul3A_2030 {strides = array<i32>} : memref<128xi32, #tpu.memory_space<vmem>>, vector<16xi32>,
      %jit3A_2033 = arith.constant 8 : i32
      %div3A_2034 = arith.divsi %add3A_1738, %jit3A_2033 : i32
      %sign3A_2035 = arith.constant 0 : i32
      %sign3A_2036 = arith.cmpi sgt, %add3A_1738, %sign3A_2035 : i32
      %sign3A_2037 = arith.extui %sign3A_2036 : i1 to i32
      %sign3A_2038 = arith.constant 0 : i32
      %sign3A_2039 = arith.cmpi slt, %add3A_1738, %sign3A_2038 : i32
      %sign3A_2040 = arith.extui %sign3A_2039 : i1 to i32
      %sign3A_2041 = arith.subi %sign3A_2037, %sign3A_2040 : i32
      %sign3A_2042 = arith.constant 0 : i32
      %sign3A_2043 = arith.cmpi sgt, %jit3A_2033, %sign3A_2042 : i32
      %sign3A_2044 = arith.extui %sign3A_2043 : i1 to i32
      %sign3A_2045 = arith.constant 0 : i32
      %sign3A_2046 = arith.cmpi slt, %jit3A_2033, %sign3A_2045 : i32
      %sign3A_2047 = arith.extui %sign3A_2046 : i1 to i32
      %sign3A_2048 = arith.subi %sign3A_2044, %sign3A_2047 : i32
      %ne3A_2049 = arith.cmpi ne, %sign3A_2041, %sign3A_2048 : i32
      %rem3A_2050 = arith.remsi %add3A_1738, %jit3A_2033 : i32
      %ne3A_2051 = arith.constant 0 : i32
      %ne3A_2052 = arith.cmpi ne, %rem3A_2050, %ne3A_2051 : i32
      %and3A_2053 = arith.andi %ne3A_2049, %ne3A_2052 : i1
      %sub3A_2054 = arith.constant 1 : i32
      %sub3A_2055 = arith.subi %div3A_2034, %sub3A_2054 : i32
      %select_n3A_2056 = arith.select %and3A_2053, %sub3A_2055, %div3A_2034 : i32
      %jit3A_2057 = arith.constant 8 : i32
      %eq3A_2058 = arith.constant 0 : i32
      %eq3A_2059 = arith.cmpi eq, %jit3A_2057, %eq3A_2058 : i32
      %jit3A_2060 = arith.constant 1 : i32
      %select_n3A_2061 = arith.select %eq3A_2059, %jit3A_2060, %jit3A_2057 : i32
      %rem3A_2062 = arith.remsi %add3A_1738, %select_n3A_2061 : i32
      %ne3A_2063 = arith.constant 0 : i32
      %ne3A_2064 = arith.cmpi ne, %rem3A_2062, %ne3A_2063 : i32
      %lt3A_2065 = arith.constant 0 : i32
      %lt3A_2066 = arith.cmpi slt, %rem3A_2062, %lt3A_2065 : i32
      %lt3A_2067 = arith.constant 0 : i32
      %lt3A_2068 = arith.cmpi slt, %select_n3A_2061, %lt3A_2067 : i32
      %ne3A_2069 = arith.xori %lt3A_2066, %lt3A_2068 : i1
      %and3A_2070 = arith.andi %ne3A_2069, %ne3A_2064 : i1
      %add3A_2071 = arith.addi %rem3A_2062, %select_n3A_2061 : i32
      %select_n3A_2072 = arith.select %and3A_2070, %add3A_2071, %rem3A_2062 : i32
      %get3A_2073 = arith.index_cast %select_n3A_2056 : i32 to index
      %get3A_2074 = arith.index_cast %select_n3A_2072 : i32 to index
      %get3A_2075 = arith.constant 96 : index
      %get3A_2076 = tpu.vector_load %arg5[%get3A_2073, %get3A_2074, %get3A_2075] {strides = array<i32>} : memref<25x8x128xi32, #tpu.memory_space<vmem>>, vector<16xi32>,
      %mul3A_2077 = arith.constant 2 : i32
      %mul3A_2078 = vector.broadcast %mul3A_2077 : i32 to vector<16xi32>
      %mul3A_2079 = arith.muli %get3A_2076, %mul3A_2078 : vector<16xi32>
      %swap3A_2080 = arith.constant 96 : index
      %swap3A_2081 = tpu.vector_load %arg8[%swap3A_2080] {strides = array<i32>} : memref<128xi32, #tpu.memory_space<vmem>>, vector<16xi32>,
      tpu.vector_store %arg8[%swap3A_2080], %mul3A_2079 {strides = array<i32>} : memref<128xi32, #tpu.memory_space<vmem>>, vector<16xi32>,
      %jit3A_2082 = arith.constant 8 : i32
      %div3A_2083 = arith.divsi %add3A_1738, %jit3A_2082 : i32
      %sign3A_2084 = arith.constant 0 : i32
      %sign3A_2085 = arith.cmpi sgt, %add3A_1738, %sign3A_2084 : i32
      %sign3A_2086 = arith.extui %sign3A_2085 : i1 to i32
      %sign3A_2087 = arith.constant 0 : i32
      %sign3A_2088 = arith.cmpi slt, %add3A_1738, %sign3A_2087 : i32
      %sign3A_2089 = arith.extui %sign3A_2088 : i1 to i32
      %sign3A_2090 = arith.subi %sign3A_2086, %sign3A_2089 : i32
      %sign3A_2091 = arith.constant 0 : i32
      %sign3A_2092 = arith.cmpi sgt, %jit3A_2082, %sign3A_2091 : i32
      %sign3A_2093 = arith.extui %sign3A_2092 : i1 to i32
      %sign3A_2094 = arith.constant 0 : i32
      %sign3A_2095 = arith.cmpi slt, %jit3A_2082, %sign3A_2094 : i32
      %sign3A_2096 = arith.extui %sign3A_2095 : i1 to i32
      %sign3A_2097 = arith.subi %sign3A_2093, %sign3A_2096 : i32
      %ne3A_2098 = arith.cmpi ne, %sign3A_2090, %sign3A_2097 : i32
      %rem3A_2099 = arith.remsi %add3A_1738, %jit3A_2082 : i32
      %ne3A_2100 = arith.constant 0 : i32
      %ne3A_2101 = arith.cmpi ne, %rem3A_2099, %ne3A_2100 : i32
      %and3A_2102 = arith.andi %ne3A_2098, %ne3A_2101 : i1
      %sub3A_2103 = arith.constant 1 : i32
      %sub3A_2104 = arith.subi %div3A_2083, %sub3A_2103 : i32
      %select_n3A_2105 = arith.select %and3A_2102, %sub3A_2104, %div3A_2083 : i32
      %jit3A_2106 = arith.constant 8 : i32
      %eq3A_2107 = arith.constant 0 : i32
      %eq3A_2108 = arith.cmpi eq, %jit3A_2106, %eq3A_2107 : i32
      %jit3A_2109 = arith.constant 1 : i32
      %select_n3A_2110 = arith.select %eq3A_2108, %jit3A_2109, %jit3A_2106 : i32
      %rem3A_2111 = arith.remsi %add3A_1738, %select_n3A_2110 : i32
      %ne3A_2112 = arith.constant 0 : i32
      %ne3A_2113 = arith.cmpi ne, %rem3A_2111, %ne3A_2112 : i32
      %lt3A_2114 = arith.constant 0 : i32
      %lt3A_2115 = arith.cmpi slt, %rem3A_2111, %lt3A_2114 : i32
      %lt3A_2116 = arith.constant 0 : i32
      %lt3A_2117 = arith.cmpi slt, %select_n3A_2110, %lt3A_2116 : i32
      %ne3A_2118 = arith.xori %lt3A_2115, %lt3A_2117 : i1
      %and3A_2119 = arith.andi %ne3A_2118, %ne3A_2113 : i1
      %add3A_2120 = arith.addi %rem3A_2111, %select_n3A_2110 : i32
      %select_n3A_2121 = arith.select %and3A_2119, %add3A_2120, %rem3A_2111 : i32
      %get3A_2122 = arith.index_cast %select_n3A_2105 : i32 to index
      %get3A_2123 = arith.index_cast %select_n3A_2121 : i32 to index
      %get3A_2124 = arith.constant 112 : index
      %get3A_2125 = tpu.vector_load %arg5[%get3A_2122, %get3A_2123, %get3A_2124] {strides = array<i32>} : memref<25x8x128xi32, #tpu.memory_space<vmem>>, vector<16xi32>,
      %mul3A_2126 = arith.constant 2 : i32
      %mul3A_2127 = vector.broadcast %mul3A_2126 : i32 to vector<16xi32>
      %mul3A_2128 = arith.muli %get3A_2125, %mul3A_2127 : vector<16xi32>
      %swap3A_2129 = arith.constant 112 : index
      %swap3A_2130 = tpu.vector_load %arg8[%swap3A_2129] {strides = array<i32>} : memref<128xi32, #tpu.memory_space<vmem>>, vector<16xi32>,
      tpu.vector_store %arg8[%swap3A_2129], %mul3A_2128 {strides = array<i32>} : memref<128xi32, #tpu.memory_space<vmem>>, vector<16xi32>,
      %dma_start3A_2131 = arith.constant 0 : i32
      %dma_start3A_2132 = arith.constant 0 : i32
      %dma_start3A_2133 = tpu.memref_slice %arg3[%dma_start3A_2131, %dma_start3A_2132] : memref<200000x64xf32, #tpu.memory_space<hbm>> -> memref<200000x64xf32, #tpu.memory_space<hbm>>
      tpu.enqueue_indirect_dma source(%dma_start3A_2133 : memref<200000x64xf32, #tpu.memory_space<hbm>>) target(%arg12 : memref<128x64xf32, #tpu.memory_space<vmem>>) offsets(%arg8 : memref<128xi32, #tpu.memory_space<vmem>>) semaphore(%arg20 : memref<!tpu.dma_semaphore, #tpu.memory_space<semaphore_mem>>)
      %gt3A_2134 = arith.constant 0 : i32
      %gt3A_2135 = arith.cmpi sgt, %scan3A_844, %gt3A_2134 : i32
      %convert_element_type3A_2136 = arith.extui %gt3A_2135 : i1 to i32
      %cond3A_2137 = arith.constant 0 : i32
      %cond3A_2138 = arith.cmpi ne, %convert_element_type3A_2136, %cond3A_2137 : i32
      scf.if %cond3A_2138 {
        %sub3A_2564 = arith.constant 4 : i32
        %sub3A_2565 = arith.subi %mul3A_846, %sub3A_2564 : i32
        %add3A_2566 = arith.constant 3 : i32
        %add3A_2567 = arith.addi %sub3A_2565, %add3A_2566 : i32
        %dma_wait3A_2568 = arith.constant 0 : i32
        %dma_wait3A_2569 = arith.constant 0 : i32
        %dma_wait3A_2570 = arith.constant 0 : i32
        %dma_wait3A_2571 = tpu.memref_slice %arg17[%dma_wait3A_2568, %dma_wait3A_2569, %dma_wait3A_2570] : memref<8x8x130xf32, #tpu.memory_space<vmem>> -> memref<8x8x128xf32, #tpu.memory_space<vmem>>
        %dma_wait3A_2572 = arith.constant 0 : i32
        %dma_wait3A_2573 = arith.constant 0 : i32
        %dma_wait3A_2574 = arith.constant 0 : i32
        %dma_wait3A_2575 = tpu.memref_slice %arg4[%add3A_2567, %dma_wait3A_2572, %add3A, %dma_wait3A_2573, %dma_wait3A_2574] : memref<200x8x32x8x128xf32, #tpu.memory_space<hbm>> -> memref<1x8x1x8x128xf32, #tpu.memory_space<hbm>>
        %dma_wait3A_2576 = tpu.memref_squeeze %dma_wait3A_2575 : memref<1x8x1x8x128xf32, #tpu.memory_space<hbm>> -> memref<8x8x128xf32, #tpu.memory_space<hbm>>
        %dma_wait3A_2577 = arith.constant 0 : i32
        %dma_wait3A_2578 = arith.constant 0 : i32
        %dma_wait3A_2579 = arith.constant 0 : i32
        %dma_wait3A_2580 = tpu.memref_slice %arg4[%add3A_2567, %dma_wait3A_2577, %add3A, %dma_wait3A_2578, %dma_wait3A_2579] : memref<200x8x32x8x128xf32, #tpu.memory_space<hbm>> -> memref<1x8x1x8x128xf32, #tpu.memory_space<hbm>>
        %dma_wait3A_2581 = tpu.memref_squeeze %dma_wait3A_2580 : memref<1x8x1x8x128xf32, #tpu.memory_space<hbm>> -> memref<8x8x128xf32, #tpu.memory_space<hbm>>
        %dma_wait3A_2582 = arith.constant 0 : i32
        %dma_wait3A_2583 = arith.constant 0 : i32
        %dma_wait3A_2584 = arith.constant 0 : i32
        %dma_wait3A_2585 = tpu.memref_slice %arg17[%dma_wait3A_2582, %dma_wait3A_2583, %dma_wait3A_2584] : memref<8x8x130xf32, #tpu.memory_space<vmem>> -> memref<8x8x128xf32, #tpu.memory_space<vmem>>
        tpu.wait_dma2 semaphore(%arg25 : memref<!tpu.dma_semaphore, #tpu.memory_space<semaphore_mem>>) src(%dma_wait3A_2585 : memref<8x8x128xf32, #tpu.memory_space<vmem>>) dst(%dma_wait3A_2581 : memref<8x8x128xf32, #tpu.memory_space<hbm>>)
      } else {
      }
      %dma_wait3A_2139 = arith.constant 0 : i32
      %dma_wait3A_2140 = arith.constant 0 : i32
      %dma_wait3A_2141 = tpu.memref_slice %arg3[%dma_wait3A_2139, %dma_wait3A_2140] : memref<200000x64xf32, #tpu.memory_space<hbm>> -> memref<200000x64xf32, #tpu.memory_space<hbm>>
      tpu.wait_indirect_dma semaphore(%arg21 : memref<!tpu.dma_semaphore, #tpu.memory_space<semaphore_mem>>) src(%dma_wait3A_2141 : memref<200000x64xf32, #tpu.memory_space<hbm>>) dst(%arg13 : memref<128x64xf32, #tpu.memory_space<vmem>>)
      %parallel_loop3A_2142 = arith.constant 0 : i32
      %parallel_loop3A_2143 = arith.constant 128 : i32
      %parallel_loop3A_2144 = arith.constant 1 : i32
      scf.for %parallel_loop3A_2564 = %parallel_loop3A_2142 to %parallel_loop3A_2143 step %parallel_loop3A_2144  : i32 {
        %parallel_loop3A_2565 = vector.broadcast %parallel_loop3A_2564 : i32 to vector<16xi32>
        %parallel_loop3A_2566 = arith.addi %broadcast_in_dim3A_1, %parallel_loop3A_2565 : vector<16xi32>
        %parallel_loop3A_2567 = arith.index_cast %parallel_loop3A_2564 : i32 to index
        %parallel_loop3A_2568 = arith.constant 0 : index
        %parallel_loop3A_2569 = tpu.vector_load %arg13[%parallel_loop3A_2567, %parallel_loop3A_2568] {strides = array<i32>} : memref<128x64xf32, #tpu.memory_space<vmem>>, vector<16xf32>,
        tpu.vector_store_idx %arg17[%select_n3A, %select_n3A_50, %parallel_loop3A_2566], %parallel_loop3A_2569 : memref<8x8x130xf32, #tpu.memory_space<vmem>>[vector<16xi32>, vector<16xi32>, vector<16xi32>], vector<16xf32>,
        %parallel_loop3A_2570 = arith.index_cast %parallel_loop3A_2564 : i32 to index
        %parallel_loop3A_2571 = arith.constant 16 : index
        %parallel_loop3A_2572 = tpu.vector_load %arg13[%parallel_loop3A_2570, %parallel_loop3A_2571] {strides = array<i32>} : memref<128x64xf32, #tpu.memory_space<vmem>>, vector<16xf32>,
        tpu.vector_store_idx %arg17[%select_n3A_84, %select_n3A_109, %parallel_loop3A_2566], %parallel_loop3A_2572 : memref<8x8x130xf32, #tpu.memory_space<vmem>>[vector<16xi32>, vector<16xi32>, vector<16xi32>], vector<16xf32>,
        %parallel_loop3A_2573 = arith.index_cast %parallel_loop3A_2564 : i32 to index
        %parallel_loop3A_2574 = arith.constant 32 : index
        %parallel_loop3A_2575 = tpu.vector_load %arg13[%parallel_loop3A_2573, %parallel_loop3A_2574] {strides = array<i32>} : memref<128x64xf32, #tpu.memory_space<vmem>>, vector<16xf32>,
        tpu.vector_store_idx %arg17[%select_n3A_143, %select_n3A_168, %parallel_loop3A_2566], %parallel_loop3A_2575 : memref<8x8x130xf32, #tpu.memory_space<vmem>>[vector<16xi32>, vector<16xi32>, vector<16xi32>], vector<16xf32>,
        %parallel_loop3A_2576 = arith.index_cast %parallel_loop3A_2564 : i32 to index
        %parallel_loop3A_2577 = arith.constant 48 : index
        %parallel_loop3A_2578 = tpu.vector_load %arg13[%parallel_loop3A_2576, %parallel_loop3A_2577] {strides = array<i32>} : memref<128x64xf32, #tpu.memory_space<vmem>>, vector<16xf32>,
        tpu.vector_store_idx %arg17[%select_n3A_202, %select_n3A_227, %parallel_loop3A_2566], %parallel_loop3A_2578 : memref<8x8x130xf32, #tpu.memory_space<vmem>>[vector<16xi32>, vector<16xi32>, vector<16xi32>], vector<16xf32>,
      } {sc.loop_unroll_factor = 4 : i64, sc.parallel_access}
      %add3A_2145 = arith.constant 3 : i32
      %add3A_2146 = arith.addi %mul3A_846, %add3A_2145 : i32
      %dma_start3A_2147 = arith.constant 0 : i32
      %dma_start3A_2148 = arith.constant 0 : i32
      %dma_start3A_2149 = arith.constant 0 : i32
      %dma_start3A_2150 = tpu.memref_slice %arg17[%dma_start3A_2147, %dma_start3A_2148, %dma_start3A_2149] : memref<8x8x130xf32, #tpu.memory_space<vmem>> -> memref<8x8x128xf32, #tpu.memory_space<vmem>>
      %dma_start3A_2151 = arith.constant 0 : i32
      %dma_start3A_2152 = arith.constant 0 : i32
      %dma_start3A_2153 = arith.constant 0 : i32
      %dma_start3A_2154 = tpu.memref_slice %arg4[%add3A_2146, %dma_start3A_2151, %add3A, %dma_start3A_2152, %dma_start3A_2153] : memref<200x8x32x8x128xf32, #tpu.memory_space<hbm>> -> memref<1x8x1x8x128xf32, #tpu.memory_space<hbm>>
      %dma_start3A_2155 = tpu.memref_squeeze %dma_start3A_2154 : memref<1x8x1x8x128xf32, #tpu.memory_space<hbm>> -> memref<8x8x128xf32, #tpu.memory_space<hbm>>
      %dma_start3A_2156 = arith.constant 0 : i32
      %dma_start3A_2157 = arith.constant 0 : i32
      %dma_start3A_2158 = arith.constant 0 : i32
      %dma_start3A_2159 = tpu.memref_slice %arg4[%add3A_2146, %dma_start3A_2156, %add3A, %dma_start3A_2157, %dma_start3A_2158] : memref<200x8x32x8x128xf32, #tpu.memory_space<hbm>> -> memref<1x8x1x8x128xf32, #tpu.memory_space<hbm>>
      %dma_start3A_2160 = tpu.memref_squeeze %dma_start3A_2159 : memref<1x8x1x8x128xf32, #tpu.memory_space<hbm>> -> memref<8x8x128xf32, #tpu.memory_space<hbm>>
      %dma_start3A_2161 = arith.constant 0 : i32
      %dma_start3A_2162 = arith.constant 0 : i32
      %dma_start3A_2163 = arith.constant 0 : i32
      %dma_start3A_2164 = tpu.memref_slice %arg17[%dma_start3A_2161, %dma_start3A_2162, %dma_start3A_2163] : memref<8x8x130xf32, #tpu.memory_space<vmem>> -> memref<8x8x128xf32, #tpu.memory_space<vmem>>
      tpu.enqueue_dma source(%dma_start3A_2164 : memref<8x8x128xf32, #tpu.memory_space<vmem>>) target(%dma_start3A_2160 : memref<8x8x128xf32, #tpu.memory_space<hbm>>) target_semaphore(%arg25 : memref<!tpu.dma_semaphore, #tpu.memory_space<semaphore_mem>>)
      %add3A_2165 = arith.constant 4 : i32
      %add3A_2166 = arith.addi %mul3A_846, %add3A_2165 : i32
      %add3A_2167 = arith.constant 3 : i32
      %add3A_2168 = arith.addi %add3A_2166, %add3A_2167 : i32
      %jit3A_2169 = arith.constant 8 : i32
      %div3A_2170 = arith.divsi %add3A_2168, %jit3A_2169 : i32
      %sign3A_2171 = arith.constant 0 : i32
      %sign3A_2172 = arith.cmpi sgt, %add3A_2168, %sign3A_2171 : i32
      %sign3A_2173 = arith.extui %sign3A_2172 : i1 to i32
      %sign3A_2174 = arith.constant 0 : i32
      %sign3A_2175 = arith.cmpi slt, %add3A_2168, %sign3A_2174 : i32
      %sign3A_2176 = arith.extui %sign3A_2175 : i1 to i32
      %sign3A_2177 = arith.subi %sign3A_2173, %sign3A_2176 : i32
      %sign3A_2178 = arith.constant 0 : i32
      %sign3A_2179 = arith.cmpi sgt, %jit3A_2169, %sign3A_2178 : i32
      %sign3A_2180 = arith.extui %sign3A_2179 : i1 to i32
      %sign3A_2181 = arith.constant 0 : i32
      %sign3A_2182 = arith.cmpi slt, %jit3A_2169, %sign3A_2181 : i32
      %sign3A_2183 = arith.extui %sign3A_2182 : i1 to i32
      %sign3A_2184 = arith.subi %sign3A_2180, %sign3A_2183 : i32
      %ne3A_2185 = arith.cmpi ne, %sign3A_2177, %sign3A_2184 : i32
      %rem3A_2186 = arith.remsi %add3A_2168, %jit3A_2169 : i32
      %ne3A_2187 = arith.constant 0 : i32
      %ne3A_2188 = arith.cmpi ne, %rem3A_2186, %ne3A_2187 : i32
      %and3A_2189 = arith.andi %ne3A_2185, %ne3A_2188 : i1
      %sub3A_2190 = arith.constant 1 : i32
      %sub3A_2191 = arith.subi %div3A_2170, %sub3A_2190 : i32
      %select_n3A_2192 = arith.select %and3A_2189, %sub3A_2191, %div3A_2170 : i32
      %jit3A_2193 = arith.constant 8 : i32
      %eq3A_2194 = arith.constant 0 : i32
      %eq3A_2195 = arith.cmpi eq, %jit3A_2193, %eq3A_2194 : i32
      %jit3A_2196 = arith.constant 1 : i32
      %select_n3A_2197 = arith.select %eq3A_2195, %jit3A_2196, %jit3A_2193 : i32
      %rem3A_2198 = arith.remsi %add3A_2168, %select_n3A_2197 : i32
      %ne3A_2199 = arith.constant 0 : i32
      %ne3A_2200 = arith.cmpi ne, %rem3A_2198, %ne3A_2199 : i32
      %lt3A_2201 = arith.constant 0 : i32
      %lt3A_2202 = arith.cmpi slt, %rem3A_2198, %lt3A_2201 : i32
      %lt3A_2203 = arith.constant 0 : i32
      %lt3A_2204 = arith.cmpi slt, %select_n3A_2197, %lt3A_2203 : i32
      %ne3A_2205 = arith.xori %lt3A_2202, %lt3A_2204 : i1
      %and3A_2206 = arith.andi %ne3A_2205, %ne3A_2200 : i1
      %add3A_2207 = arith.addi %rem3A_2198, %select_n3A_2197 : i32
      %select_n3A_2208 = arith.select %and3A_2206, %add3A_2207, %rem3A_2198 : i32
      %get3A_2209 = arith.index_cast %select_n3A_2192 : i32 to index
      %get3A_2210 = arith.index_cast %select_n3A_2208 : i32 to index
      %get3A_2211 = arith.constant 0 : index
      %get3A_2212 = tpu.vector_load %arg5[%get3A_2209, %get3A_2210, %get3A_2211] {strides = array<i32>} : memref<25x8x128xi32, #tpu.memory_space<vmem>>, vector<16xi32>,
      %mul3A_2213 = arith.constant 2 : i32
      %mul3A_2214 = vector.broadcast %mul3A_2213 : i32 to vector<16xi32>
      %mul3A_2215 = arith.muli %get3A_2212, %mul3A_2214 : vector<16xi32>
      %swap3A_2216 = arith.constant 0 : index
      %swap3A_2217 = tpu.vector_load %arg9[%swap3A_2216] {strides = array<i32>} : memref<128xi32, #tpu.memory_space<vmem>>, vector<16xi32>,
      tpu.vector_store %arg9[%swap3A_2216], %mul3A_2215 {strides = array<i32>} : memref<128xi32, #tpu.memory_space<vmem>>, vector<16xi32>,
      %jit3A_2218 = arith.constant 8 : i32
      %div3A_2219 = arith.divsi %add3A_2168, %jit3A_2218 : i32
      %sign3A_2220 = arith.constant 0 : i32
      %sign3A_2221 = arith.cmpi sgt, %add3A_2168, %sign3A_2220 : i32
      %sign3A_2222 = arith.extui %sign3A_2221 : i1 to i32
      %sign3A_2223 = arith.constant 0 : i32
      %sign3A_2224 = arith.cmpi slt, %add3A_2168, %sign3A_2223 : i32
      %sign3A_2225 = arith.extui %sign3A_2224 : i1 to i32
      %sign3A_2226 = arith.subi %sign3A_2222, %sign3A_2225 : i32
      %sign3A_2227 = arith.constant 0 : i32
      %sign3A_2228 = arith.cmpi sgt, %jit3A_2218, %sign3A_2227 : i32
      %sign3A_2229 = arith.extui %sign3A_2228 : i1 to i32
      %sign3A_2230 = arith.constant 0 : i32
      %sign3A_2231 = arith.cmpi slt, %jit3A_2218, %sign3A_2230 : i32
      %sign3A_2232 = arith.extui %sign3A_2231 : i1 to i32
      %sign3A_2233 = arith.subi %sign3A_2229, %sign3A_2232 : i32
      %ne3A_2234 = arith.cmpi ne, %sign3A_2226, %sign3A_2233 : i32
      %rem3A_2235 = arith.remsi %add3A_2168, %jit3A_2218 : i32
      %ne3A_2236 = arith.constant 0 : i32
      %ne3A_2237 = arith.cmpi ne, %rem3A_2235, %ne3A_2236 : i32
      %and3A_2238 = arith.andi %ne3A_2234, %ne3A_2237 : i1
      %sub3A_2239 = arith.constant 1 : i32
      %sub3A_2240 = arith.subi %div3A_2219, %sub3A_2239 : i32
      %select_n3A_2241 = arith.select %and3A_2238, %sub3A_2240, %div3A_2219 : i32
      %jit3A_2242 = arith.constant 8 : i32
      %eq3A_2243 = arith.constant 0 : i32
      %eq3A_2244 = arith.cmpi eq, %jit3A_2242, %eq3A_2243 : i32
      %jit3A_2245 = arith.constant 1 : i32
      %select_n3A_2246 = arith.select %eq3A_2244, %jit3A_2245, %jit3A_2242 : i32
      %rem3A_2247 = arith.remsi %add3A_2168, %select_n3A_2246 : i32
      %ne3A_2248 = arith.constant 0 : i32
      %ne3A_2249 = arith.cmpi ne, %rem3A_2247, %ne3A_2248 : i32
      %lt3A_2250 = arith.constant 0 : i32
      %lt3A_2251 = arith.cmpi slt, %rem3A_2247, %lt3A_2250 : i32
      %lt3A_2252 = arith.constant 0 : i32
      %lt3A_2253 = arith.cmpi slt, %select_n3A_2246, %lt3A_2252 : i32
      %ne3A_2254 = arith.xori %lt3A_2251, %lt3A_2253 : i1
      %and3A_2255 = arith.andi %ne3A_2254, %ne3A_2249 : i1
      %add3A_2256 = arith.addi %rem3A_2247, %select_n3A_2246 : i32
      %select_n3A_2257 = arith.select %and3A_2255, %add3A_2256, %rem3A_2247 : i32
      %get3A_2258 = arith.index_cast %select_n3A_2241 : i32 to index
      %get3A_2259 = arith.index_cast %select_n3A_2257 : i32 to index
      %get3A_2260 = arith.constant 16 : index
      %get3A_2261 = tpu.vector_load %arg5[%get3A_2258, %get3A_2259, %get3A_2260] {strides = array<i32>} : memref<25x8x128xi32, #tpu.memory_space<vmem>>, vector<16xi32>,
      %mul3A_2262 = arith.constant 2 : i32
      %mul3A_2263 = vector.broadcast %mul3A_2262 : i32 to vector<16xi32>
      %mul3A_2264 = arith.muli %get3A_2261, %mul3A_2263 : vector<16xi32>
      %swap3A_2265 = arith.constant 16 : index
      %swap3A_2266 = tpu.vector_load %arg9[%swap3A_2265] {strides = array<i32>} : memref<128xi32, #tpu.memory_space<vmem>>, vector<16xi32>,
      tpu.vector_store %arg9[%swap3A_2265], %mul3A_2264 {strides = array<i32>} : memref<128xi32, #tpu.memory_space<vmem>>, vector<16xi32>,
      %jit3A_2267 = arith.constant 8 : i32
      %div3A_2268 = arith.divsi %add3A_2168, %jit3A_2267 : i32
      %sign3A_2269 = arith.constant 0 : i32
      %sign3A_2270 = arith.cmpi sgt, %add3A_2168, %sign3A_2269 : i32
      %sign3A_2271 = arith.extui %sign3A_2270 : i1 to i32
      %sign3A_2272 = arith.constant 0 : i32
      %sign3A_2273 = arith.cmpi slt, %add3A_2168, %sign3A_2272 : i32
      %sign3A_2274 = arith.extui %sign3A_2273 : i1 to i32
      %sign3A_2275 = arith.subi %sign3A_2271, %sign3A_2274 : i32
      %sign3A_2276 = arith.constant 0 : i32
      %sign3A_2277 = arith.cmpi sgt, %jit3A_2267, %sign3A_2276 : i32
      %sign3A_2278 = arith.extui %sign3A_2277 : i1 to i32
      %sign3A_2279 = arith.constant 0 : i32
      %sign3A_2280 = arith.cmpi slt, %jit3A_2267, %sign3A_2279 : i32
      %sign3A_2281 = arith.extui %sign3A_2280 : i1 to i32
      %sign3A_2282 = arith.subi %sign3A_2278, %sign3A_2281 : i32
      %ne3A_2283 = arith.cmpi ne, %sign3A_2275, %sign3A_2282 : i32
      %rem3A_2284 = arith.remsi %add3A_2168, %jit3A_2267 : i32
      %ne3A_2285 = arith.constant 0 : i32
      %ne3A_2286 = arith.cmpi ne, %rem3A_2284, %ne3A_2285 : i32
      %and3A_2287 = arith.andi %ne3A_2283, %ne3A_2286 : i1
      %sub3A_2288 = arith.constant 1 : i32
      %sub3A_2289 = arith.subi %div3A_2268, %sub3A_2288 : i32
      %select_n3A_2290 = arith.select %and3A_2287, %sub3A_2289, %div3A_2268 : i32
      %jit3A_2291 = arith.constant 8 : i32
      %eq3A_2292 = arith.constant 0 : i32
      %eq3A_2293 = arith.cmpi eq, %jit3A_2291, %eq3A_2292 : i32
      %jit3A_2294 = arith.constant 1 : i32
      %select_n3A_2295 = arith.select %eq3A_2293, %jit3A_2294, %jit3A_2291 : i32
      %rem3A_2296 = arith.remsi %add3A_2168, %select_n3A_2295 : i32
      %ne3A_2297 = arith.constant 0 : i32
      %ne3A_2298 = arith.cmpi ne, %rem3A_2296, %ne3A_2297 : i32
      %lt3A_2299 = arith.constant 0 : i32
      %lt3A_2300 = arith.cmpi slt, %rem3A_2296, %lt3A_2299 : i32
      %lt3A_2301 = arith.constant 0 : i32
      %lt3A_2302 = arith.cmpi slt, %select_n3A_2295, %lt3A_2301 : i32
      %ne3A_2303 = arith.xori %lt3A_2300, %lt3A_2302 : i1
      %and3A_2304 = arith.andi %ne3A_2303, %ne3A_2298 : i1
      %add3A_2305 = arith.addi %rem3A_2296, %select_n3A_2295 : i32
      %select_n3A_2306 = arith.select %and3A_2304, %add3A_2305, %rem3A_2296 : i32
      %get3A_2307 = arith.index_cast %select_n3A_2290 : i32 to index
      %get3A_2308 = arith.index_cast %select_n3A_2306 : i32 to index
      %get3A_2309 = arith.constant 32 : index
      %get3A_2310 = tpu.vector_load %arg5[%get3A_2307, %get3A_2308, %get3A_2309] {strides = array<i32>} : memref<25x8x128xi32, #tpu.memory_space<vmem>>, vector<16xi32>,
      %mul3A_2311 = arith.constant 2 : i32
      %mul3A_2312 = vector.broadcast %mul3A_2311 : i32 to vector<16xi32>
      %mul3A_2313 = arith.muli %get3A_2310, %mul3A_2312 : vector<16xi32>
      %swap3A_2314 = arith.constant 32 : index
      %swap3A_2315 = tpu.vector_load %arg9[%swap3A_2314] {strides = array<i32>} : memref<128xi32, #tpu.memory_space<vmem>>, vector<16xi32>,
      tpu.vector_store %arg9[%swap3A_2314], %mul3A_2313 {strides = array<i32>} : memref<128xi32, #tpu.memory_space<vmem>>, vector<16xi32>,
      %jit3A_2316 = arith.constant 8 : i32
      %div3A_2317 = arith.divsi %add3A_2168, %jit3A_2316 : i32
      %sign3A_2318 = arith.constant 0 : i32
      %sign3A_2319 = arith.cmpi sgt, %add3A_2168, %sign3A_2318 : i32
      %sign3A_2320 = arith.extui %sign3A_2319 : i1 to i32
      %sign3A_2321 = arith.constant 0 : i32
      %sign3A_2322 = arith.cmpi slt, %add3A_2168, %sign3A_2321 : i32
      %sign3A_2323 = arith.extui %sign3A_2322 : i1 to i32
      %sign3A_2324 = arith.subi %sign3A_2320, %sign3A_2323 : i32
      %sign3A_2325 = arith.constant 0 : i32
      %sign3A_2326 = arith.cmpi sgt, %jit3A_2316, %sign3A_2325 : i32
      %sign3A_2327 = arith.extui %sign3A_2326 : i1 to i32
      %sign3A_2328 = arith.constant 0 : i32
      %sign3A_2329 = arith.cmpi slt, %jit3A_2316, %sign3A_2328 : i32
      %sign3A_2330 = arith.extui %sign3A_2329 : i1 to i32
      %sign3A_2331 = arith.subi %sign3A_2327, %sign3A_2330 : i32
      %ne3A_2332 = arith.cmpi ne, %sign3A_2324, %sign3A_2331 : i32
      %rem3A_2333 = arith.remsi %add3A_2168, %jit3A_2316 : i32
      %ne3A_2334 = arith.constant 0 : i32
      %ne3A_2335 = arith.cmpi ne, %rem3A_2333, %ne3A_2334 : i32
      %and3A_2336 = arith.andi %ne3A_2332, %ne3A_2335 : i1
      %sub3A_2337 = arith.constant 1 : i32
      %sub3A_2338 = arith.subi %div3A_2317, %sub3A_2337 : i32
      %select_n3A_2339 = arith.select %and3A_2336, %sub3A_2338, %div3A_2317 : i32
      %jit3A_2340 = arith.constant 8 : i32
      %eq3A_2341 = arith.constant 0 : i32
      %eq3A_2342 = arith.cmpi eq, %jit3A_2340, %eq3A_2341 : i32
      %jit3A_2343 = arith.constant 1 : i32
      %select_n3A_2344 = arith.select %eq3A_2342, %jit3A_2343, %jit3A_2340 : i32
      %rem3A_2345 = arith.remsi %add3A_2168, %select_n3A_2344 : i32
      %ne3A_2346 = arith.constant 0 : i32
      %ne3A_2347 = arith.cmpi ne, %rem3A_2345, %ne3A_2346 : i32
      %lt3A_2348 = arith.constant 0 : i32
      %lt3A_2349 = arith.cmpi slt, %rem3A_2345, %lt3A_2348 : i32
      %lt3A_2350 = arith.constant 0 : i32
      %lt3A_2351 = arith.cmpi slt, %select_n3A_2344, %lt3A_2350 : i32
      %ne3A_2352 = arith.xori %lt3A_2349, %lt3A_2351 : i1
      %and3A_2353 = arith.andi %ne3A_2352, %ne3A_2347 : i1
      %add3A_2354 = arith.addi %rem3A_2345, %select_n3A_2344 : i32
      %select_n3A_2355 = arith.select %and3A_2353, %add3A_2354, %rem3A_2345 : i32
      %get3A_2356 = arith.index_cast %select_n3A_2339 : i32 to index
      %get3A_2357 = arith.index_cast %select_n3A_2355 : i32 to index
      %get3A_2358 = arith.constant 48 : index
      %get3A_2359 = tpu.vector_load %arg5[%get3A_2356, %get3A_2357, %get3A_2358] {strides = array<i32>} : memref<25x8x128xi32, #tpu.memory_space<vmem>>, vector<16xi32>,
      %mul3A_2360 = arith.constant 2 : i32
      %mul3A_2361 = vector.broadcast %mul3A_2360 : i32 to vector<16xi32>
      %mul3A_2362 = arith.muli %get3A_2359, %mul3A_2361 : vector<16xi32>
      %swap3A_2363 = arith.constant 48 : index
      %swap3A_2364 = tpu.vector_load %arg9[%swap3A_2363] {strides = array<i32>} : memref<128xi32, #tpu.memory_space<vmem>>, vector<16xi32>,
      tpu.vector_store %arg9[%swap3A_2363], %mul3A_2362 {strides = array<i32>} : memref<128xi32, #tpu.memory_space<vmem>>, vector<16xi32>,
      %jit3A_2365 = arith.constant 8 : i32
      %div3A_2366 = arith.divsi %add3A_2168, %jit3A_2365 : i32
      %sign3A_2367 = arith.constant 0 : i32
      %sign3A_2368 = arith.cmpi sgt, %add3A_2168, %sign3A_2367 : i32
      %sign3A_2369 = arith.extui %sign3A_2368 : i1 to i32
      %sign3A_2370 = arith.constant 0 : i32
      %sign3A_2371 = arith.cmpi slt, %add3A_2168, %sign3A_2370 : i32
      %sign3A_2372 = arith.extui %sign3A_2371 : i1 to i32
      %sign3A_2373 = arith.subi %sign3A_2369, %sign3A_2372 : i32
      %sign3A_2374 = arith.constant 0 : i32
      %sign3A_2375 = arith.cmpi sgt, %jit3A_2365, %sign3A_2374 : i32
      %sign3A_2376 = arith.extui %sign3A_2375 : i1 to i32
      %sign3A_2377 = arith.constant 0 : i32
      %sign3A_2378 = arith.cmpi slt, %jit3A_2365, %sign3A_2377 : i32
      %sign3A_2379 = arith.extui %sign3A_2378 : i1 to i32
      %sign3A_2380 = arith.subi %sign3A_2376, %sign3A_2379 : i32
      %ne3A_2381 = arith.cmpi ne, %sign3A_2373, %sign3A_2380 : i32
      %rem3A_2382 = arith.remsi %add3A_2168, %jit3A_2365 : i32
      %ne3A_2383 = arith.constant 0 : i32
      %ne3A_2384 = arith.cmpi ne, %rem3A_2382, %ne3A_2383 : i32
      %and3A_2385 = arith.andi %ne3A_2381, %ne3A_2384 : i1
      %sub3A_2386 = arith.constant 1 : i32
      %sub3A_2387 = arith.subi %div3A_2366, %sub3A_2386 : i32
      %select_n3A_2388 = arith.select %and3A_2385, %sub3A_2387, %div3A_2366 : i32
      %jit3A_2389 = arith.constant 8 : i32
      %eq3A_2390 = arith.constant 0 : i32
      %eq3A_2391 = arith.cmpi eq, %jit3A_2389, %eq3A_2390 : i32
      %jit3A_2392 = arith.constant 1 : i32
      %select_n3A_2393 = arith.select %eq3A_2391, %jit3A_2392, %jit3A_2389 : i32
      %rem3A_2394 = arith.remsi %add3A_2168, %select_n3A_2393 : i32
      %ne3A_2395 = arith.constant 0 : i32
      %ne3A_2396 = arith.cmpi ne, %rem3A_2394, %ne3A_2395 : i32
      %lt3A_2397 = arith.constant 0 : i32
      %lt3A_2398 = arith.cmpi slt, %rem3A_2394, %lt3A_2397 : i32
      %lt3A_2399 = arith.constant 0 : i32
      %lt3A_2400 = arith.cmpi slt, %select_n3A_2393, %lt3A_2399 : i32
      %ne3A_2401 = arith.xori %lt3A_2398, %lt3A_2400 : i1
      %and3A_2402 = arith.andi %ne3A_2401, %ne3A_2396 : i1
      %add3A_2403 = arith.addi %rem3A_2394, %select_n3A_2393 : i32
      %select_n3A_2404 = arith.select %and3A_2402, %add3A_2403, %rem3A_2394 : i32
      %get3A_2405 = arith.index_cast %select_n3A_2388 : i32 to index
      %get3A_2406 = arith.index_cast %select_n3A_2404 : i32 to index
      %get3A_2407 = arith.constant 64 : index
      %get3A_2408 = tpu.vector_load %arg5[%get3A_2405, %get3A_2406, %get3A_2407] {strides = array<i32>} : memref<25x8x128xi32, #tpu.memory_space<vmem>>, vector<16xi32>,
      %mul3A_2409 = arith.constant 2 : i32
      %mul3A_2410 = vector.broadcast %mul3A_2409 : i32 to vector<16xi32>
      %mul3A_2411 = arith.muli %get3A_2408, %mul3A_2410 : vector<16xi32>
      %swap3A_2412 = arith.constant 64 : index
      %swap3A_2413 = tpu.vector_load %arg9[%swap3A_2412] {strides = array<i32>} : memref<128xi32, #tpu.memory_space<vmem>>, vector<16xi32>,
      tpu.vector_store %arg9[%swap3A_2412], %mul3A_2411 {strides = array<i32>} : memref<128xi32, #tpu.memory_space<vmem>>, vector<16xi32>,
      %jit3A_2414 = arith.constant 8 : i32
      %div3A_2415 = arith.divsi %add3A_2168, %jit3A_2414 : i32
      %sign3A_2416 = arith.constant 0 : i32
      %sign3A_2417 = arith.cmpi sgt, %add3A_2168, %sign3A_2416 : i32
      %sign3A_2418 = arith.extui %sign3A_2417 : i1 to i32
      %sign3A_2419 = arith.constant 0 : i32
      %sign3A_2420 = arith.cmpi slt, %add3A_2168, %sign3A_2419 : i32
      %sign3A_2421 = arith.extui %sign3A_2420 : i1 to i32
      %sign3A_2422 = arith.subi %sign3A_2418, %sign3A_2421 : i32
      %sign3A_2423 = arith.constant 0 : i32
      %sign3A_2424 = arith.cmpi sgt, %jit3A_2414, %sign3A_2423 : i32
      %sign3A_2425 = arith.extui %sign3A_2424 : i1 to i32
      %sign3A_2426 = arith.constant 0 : i32
      %sign3A_2427 = arith.cmpi slt, %jit3A_2414, %sign3A_2426 : i32
      %sign3A_2428 = arith.extui %sign3A_2427 : i1 to i32
      %sign3A_2429 = arith.subi %sign3A_2425, %sign3A_2428 : i32
      %ne3A_2430 = arith.cmpi ne, %sign3A_2422, %sign3A_2429 : i32
      %rem3A_2431 = arith.remsi %add3A_2168, %jit3A_2414 : i32
      %ne3A_2432 = arith.constant 0 : i32
      %ne3A_2433 = arith.cmpi ne, %rem3A_2431, %ne3A_2432 : i32
      %and3A_2434 = arith.andi %ne3A_2430, %ne3A_2433 : i1
      %sub3A_2435 = arith.constant 1 : i32
      %sub3A_2436 = arith.subi %div3A_2415, %sub3A_2435 : i32
      %select_n3A_2437 = arith.select %and3A_2434, %sub3A_2436, %div3A_2415 : i32
      %jit3A_2438 = arith.constant 8 : i32
      %eq3A_2439 = arith.constant 0 : i32
      %eq3A_2440 = arith.cmpi eq, %jit3A_2438, %eq3A_2439 : i32
      %jit3A_2441 = arith.constant 1 : i32
      %select_n3A_2442 = arith.select %eq3A_2440, %jit3A_2441, %jit3A_2438 : i32
      %rem3A_2443 = arith.remsi %add3A_2168, %select_n3A_2442 : i32
      %ne3A_2444 = arith.constant 0 : i32
      %ne3A_2445 = arith.cmpi ne, %rem3A_2443, %ne3A_2444 : i32
      %lt3A_2446 = arith.constant 0 : i32
      %lt3A_2447 = arith.cmpi slt, %rem3A_2443, %lt3A_2446 : i32
      %lt3A_2448 = arith.constant 0 : i32
      %lt3A_2449 = arith.cmpi slt, %select_n3A_2442, %lt3A_2448 : i32
      %ne3A_2450 = arith.xori %lt3A_2447, %lt3A_2449 : i1
      %and3A_2451 = arith.andi %ne3A_2450, %ne3A_2445 : i1
      %add3A_2452 = arith.addi %rem3A_2443, %select_n3A_2442 : i32
      %select_n3A_2453 = arith.select %and3A_2451, %add3A_2452, %rem3A_2443 : i32
      %get3A_2454 = arith.index_cast %select_n3A_2437 : i32 to index
      %get3A_2455 = arith.index_cast %select_n3A_2453 : i32 to index
      %get3A_2456 = arith.constant 80 : index
      %get3A_2457 = tpu.vector_load %arg5[%get3A_2454, %get3A_2455, %get3A_2456] {strides = array<i32>} : memref<25x8x128xi32, #tpu.memory_space<vmem>>, vector<16xi32>,
      %mul3A_2458 = arith.constant 2 : i32
      %mul3A_2459 = vector.broadcast %mul3A_2458 : i32 to vector<16xi32>
      %mul3A_2460 = arith.muli %get3A_2457, %mul3A_2459 : vector<16xi32>
      %swap3A_2461 = arith.constant 80 : index
      %swap3A_2462 = tpu.vector_load %arg9[%swap3A_2461] {strides = array<i32>} : memref<128xi32, #tpu.memory_space<vmem>>, vector<16xi32>,
      tpu.vector_store %arg9[%swap3A_2461], %mul3A_2460 {strides = array<i32>} : memref<128xi32, #tpu.memory_space<vmem>>, vector<16xi32>,
      %jit3A_2463 = arith.constant 8 : i32
      %div3A_2464 = arith.divsi %add3A_2168, %jit3A_2463 : i32
      %sign3A_2465 = arith.constant 0 : i32
      %sign3A_2466 = arith.cmpi sgt, %add3A_2168, %sign3A_2465 : i32
      %sign3A_2467 = arith.extui %sign3A_2466 : i1 to i32
      %sign3A_2468 = arith.constant 0 : i32
      %sign3A_2469 = arith.cmpi slt, %add3A_2168, %sign3A_2468 : i32
      %sign3A_2470 = arith.extui %sign3A_2469 : i1 to i32
      %sign3A_2471 = arith.subi %sign3A_2467, %sign3A_2470 : i32
      %sign3A_2472 = arith.constant 0 : i32
      %sign3A_2473 = arith.cmpi sgt, %jit3A_2463, %sign3A_2472 : i32
      %sign3A_2474 = arith.extui %sign3A_2473 : i1 to i32
      %sign3A_2475 = arith.constant 0 : i32
      %sign3A_2476 = arith.cmpi slt, %jit3A_2463, %sign3A_2475 : i32
      %sign3A_2477 = arith.extui %sign3A_2476 : i1 to i32
      %sign3A_2478 = arith.subi %sign3A_2474, %sign3A_2477 : i32
      %ne3A_2479 = arith.cmpi ne, %sign3A_2471, %sign3A_2478 : i32
      %rem3A_2480 = arith.remsi %add3A_2168, %jit3A_2463 : i32
      %ne3A_2481 = arith.constant 0 : i32
      %ne3A_2482 = arith.cmpi ne, %rem3A_2480, %ne3A_2481 : i32
      %and3A_2483 = arith.andi %ne3A_2479, %ne3A_2482 : i1
      %sub3A_2484 = arith.constant 1 : i32
      %sub3A_2485 = arith.subi %div3A_2464, %sub3A_2484 : i32
      %select_n3A_2486 = arith.select %and3A_2483, %sub3A_2485, %div3A_2464 : i32
      %jit3A_2487 = arith.constant 8 : i32
      %eq3A_2488 = arith.constant 0 : i32
      %eq3A_2489 = arith.cmpi eq, %jit3A_2487, %eq3A_2488 : i32
      %jit3A_2490 = arith.constant 1 : i32
      %select_n3A_2491 = arith.select %eq3A_2489, %jit3A_2490, %jit3A_2487 : i32
      %rem3A_2492 = arith.remsi %add3A_2168, %select_n3A_2491 : i32
      %ne3A_2493 = arith.constant 0 : i32
      %ne3A_2494 = arith.cmpi ne, %rem3A_2492, %ne3A_2493 : i32
      %lt3A_2495 = arith.constant 0 : i32
      %lt3A_2496 = arith.cmpi slt, %rem3A_2492, %lt3A_2495 : i32
      %lt3A_2497 = arith.constant 0 : i32
      %lt3A_2498 = arith.cmpi slt, %select_n3A_2491, %lt3A_2497 : i32
      %ne3A_2499 = arith.xori %lt3A_2496, %lt3A_2498 : i1
      %and3A_2500 = arith.andi %ne3A_2499, %ne3A_2494 : i1
      %add3A_2501 = arith.addi %rem3A_2492, %select_n3A_2491 : i32
      %select_n3A_2502 = arith.select %and3A_2500, %add3A_2501, %rem3A_2492 : i32
      %get3A_2503 = arith.index_cast %select_n3A_2486 : i32 to index
      %get3A_2504 = arith.index_cast %select_n3A_2502 : i32 to index
      %get3A_2505 = arith.constant 96 : index
      %get3A_2506 = tpu.vector_load %arg5[%get3A_2503, %get3A_2504, %get3A_2505] {strides = array<i32>} : memref<25x8x128xi32, #tpu.memory_space<vmem>>, vector<16xi32>,
      %mul3A_2507 = arith.constant 2 : i32
      %mul3A_2508 = vector.broadcast %mul3A_2507 : i32 to vector<16xi32>
      %mul3A_2509 = arith.muli %get3A_2506, %mul3A_2508 : vector<16xi32>
      %swap3A_2510 = arith.constant 96 : index
      %swap3A_2511 = tpu.vector_load %arg9[%swap3A_2510] {strides = array<i32>} : memref<128xi32, #tpu.memory_space<vmem>>, vector<16xi32>,
      tpu.vector_store %arg9[%swap3A_2510], %mul3A_2509 {strides = array<i32>} : memref<128xi32, #tpu.memory_space<vmem>>, vector<16xi32>,
      %jit3A_2512 = arith.constant 8 : i32
      %div3A_2513 = arith.divsi %add3A_2168, %jit3A_2512 : i32
      %sign3A_2514 = arith.constant 0 : i32
      %sign3A_2515 = arith.cmpi sgt, %add3A_2168, %sign3A_2514 : i32
      %sign3A_2516 = arith.extui %sign3A_2515 : i1 to i32
      %sign3A_2517 = arith.constant 0 : i32
      %sign3A_2518 = arith.cmpi slt, %add3A_2168, %sign3A_2517 : i32
      %sign3A_2519 = arith.extui %sign3A_2518 : i1 to i32
      %sign3A_2520 = arith.subi %sign3A_2516, %sign3A_2519 : i32
      %sign3A_2521 = arith.constant 0 : i32
      %sign3A_2522 = arith.cmpi sgt, %jit3A_2512, %sign3A_2521 : i32
      %sign3A_2523 = arith.extui %sign3A_2522 : i1 to i32
      %sign3A_2524 = arith.constant 0 : i32
      %sign3A_2525 = arith.cmpi slt, %jit3A_2512, %sign3A_2524 : i32
      %sign3A_2526 = arith.extui %sign3A_2525 : i1 to i32
      %sign3A_2527 = arith.subi %sign3A_2523, %sign3A_2526 : i32
      %ne3A_2528 = arith.cmpi ne, %sign3A_2520, %sign3A_2527 : i32
      %rem3A_2529 = arith.remsi %add3A_2168, %jit3A_2512 : i32
      %ne3A_2530 = arith.constant 0 : i32
      %ne3A_2531 = arith.cmpi ne, %rem3A_2529, %ne3A_2530 : i32
      %and3A_2532 = arith.andi %ne3A_2528, %ne3A_2531 : i1
      %sub3A_2533 = arith.constant 1 : i32
      %sub3A_2534 = arith.subi %div3A_2513, %sub3A_2533 : i32
      %select_n3A_2535 = arith.select %and3A_2532, %sub3A_2534, %div3A_2513 : i32
      %jit3A_2536 = arith.constant 8 : i32
      %eq3A_2537 = arith.constant 0 : i32
      %eq3A_2538 = arith.cmpi eq, %jit3A_2536, %eq3A_2537 : i32
      %jit3A_2539 = arith.constant 1 : i32
      %select_n3A_2540 = arith.select %eq3A_2538, %jit3A_2539, %jit3A_2536 : i32
      %rem3A_2541 = arith.remsi %add3A_2168, %select_n3A_2540 : i32
      %ne3A_2542 = arith.constant 0 : i32
      %ne3A_2543 = arith.cmpi ne, %rem3A_2541, %ne3A_2542 : i32
      %lt3A_2544 = arith.constant 0 : i32
      %lt3A_2545 = arith.cmpi slt, %rem3A_2541, %lt3A_2544 : i32
      %lt3A_2546 = arith.constant 0 : i32
      %lt3A_2547 = arith.cmpi slt, %select_n3A_2540, %lt3A_2546 : i32
      %ne3A_2548 = arith.xori %lt3A_2545, %lt3A_2547 : i1
      %and3A_2549 = arith.andi %ne3A_2548, %ne3A_2543 : i1
      %add3A_2550 = arith.addi %rem3A_2541, %select_n3A_2540 : i32
      %select_n3A_2551 = arith.select %and3A_2549, %add3A_2550, %rem3A_2541 : i32
      %get3A_2552 = arith.index_cast %select_n3A_2535 : i32 to index
      %get3A_2553 = arith.index_cast %select_n3A_2551 : i32 to index
      %get3A_2554 = arith.constant 112 : index
      %get3A_2555 = tpu.vector_load %arg5[%get3A_2552, %get3A_2553, %get3A_2554] {strides = array<i32>} : memref<25x8x128xi32, #tpu.memory_space<vmem>>, vector<16xi32>,
      %mul3A_2556 = arith.constant 2 : i32
      %mul3A_2557 = vector.broadcast %mul3A_2556 : i32 to vector<16xi32>
      %mul3A_2558 = arith.muli %get3A_2555, %mul3A_2557 : vector<16xi32>
      %swap3A_2559 = arith.constant 112 : index
      %swap3A_2560 = tpu.vector_load %arg9[%swap3A_2559] {strides = array<i32>} : memref<128xi32, #tpu.memory_space<vmem>>, vector<16xi32>,
      tpu.vector_store %arg9[%swap3A_2559], %mul3A_2558 {strides = array<i32>} : memref<128xi32, #tpu.memory_space<vmem>>, vector<16xi32>,
      %dma_start3A_2561 = arith.constant 0 : i32
      %dma_start3A_2562 = arith.constant 0 : i32
      %dma_start3A_2563 = tpu.memref_slice %arg3[%dma_start3A_2561, %dma_start3A_2562] : memref<200000x64xf32, #tpu.memory_space<hbm>> -> memref<200000x64xf32, #tpu.memory_space<hbm>>
      tpu.enqueue_indirect_dma source(%dma_start3A_2563 : memref<200000x64xf32, #tpu.memory_space<hbm>>) target(%arg13 : memref<128x64xf32, #tpu.memory_space<vmem>>) offsets(%arg9 : memref<128xi32, #tpu.memory_space<vmem>>) semaphore(%arg21 : memref<!tpu.dma_semaphore, #tpu.memory_space<semaphore_mem>>)
    }
    %scan3A_593 = arith.constant 49 : i32
    %dma_wait3A = arith.constant 192 : i32
    %dma_wait3A_594 = arith.constant 0 : i32
    %dma_wait3A_595 = arith.constant 0 : i32
    %dma_wait3A_596 = arith.constant 0 : i32
    %dma_wait3A_597 = tpu.memref_slice %arg14[%dma_wait3A_594, %dma_wait3A_595, %dma_wait3A_596] : memref<8x8x130xf32, #tpu.memory_space<vmem>> -> memref<8x8x128xf32, #tpu.memory_space<vmem>>
    %dma_wait3A_598 = arith.constant 0 : i32
    %dma_wait3A_599 = arith.constant 0 : i32
    %dma_wait3A_600 = arith.constant 0 : i32
    %dma_wait3A_601 = tpu.memref_slice %arg4[%dma_wait3A, %dma_wait3A_598, %add3A, %dma_wait3A_599, %dma_wait3A_600] : memref<200x8x32x8x128xf32, #tpu.memory_space<hbm>> -> memref<1x8x1x8x128xf32, #tpu.memory_space<hbm>>
    %dma_wait3A_602 = tpu.memref_squeeze %dma_wait3A_601 : memref<1x8x1x8x128xf32, #tpu.memory_space<hbm>> -> memref<8x8x128xf32, #tpu.memory_space<hbm>>
    %dma_wait3A_603 = arith.constant 0 : i32
    %dma_wait3A_604 = arith.constant 0 : i32
    %dma_wait3A_605 = arith.constant 0 : i32
    %dma_wait3A_606 = tpu.memref_slice %arg4[%dma_wait3A, %dma_wait3A_603, %add3A, %dma_wait3A_604, %dma_wait3A_605] : memref<200x8x32x8x128xf32, #tpu.memory_space<hbm>> -> memref<1x8x1x8x128xf32, #tpu.memory_space<hbm>>
    %dma_wait3A_607 = tpu.memref_squeeze %dma_wait3A_606 : memref<1x8x1x8x128xf32, #tpu.memory_space<hbm>> -> memref<8x8x128xf32, #tpu.memory_space<hbm>>
    %dma_wait3A_608 = arith.constant 0 : i32
    %dma_wait3A_609 = arith.constant 0 : i32
    %dma_wait3A_610 = arith.constant 0 : i32
    %dma_wait3A_611 = tpu.memref_slice %arg14[%dma_wait3A_608, %dma_wait3A_609, %dma_wait3A_610] : memref<8x8x130xf32, #tpu.memory_space<vmem>> -> memref<8x8x128xf32, #tpu.memory_space<vmem>>
    tpu.wait_dma2 semaphore(%arg22 : memref<!tpu.dma_semaphore, #tpu.memory_space<semaphore_mem>>) src(%dma_wait3A_611 : memref<8x8x128xf32, #tpu.memory_space<vmem>>) dst(%dma_wait3A_607 : memref<8x8x128xf32, #tpu.memory_space<hbm>>)
    %dma_wait3A_612 = arith.constant 0 : i32
    %dma_wait3A_613 = arith.constant 0 : i32
    %dma_wait3A_614 = tpu.memref_slice %arg3[%dma_wait3A_612, %dma_wait3A_613] : memref<200000x64xf32, #tpu.memory_space<hbm>> -> memref<200000x64xf32, #tpu.memory_space<hbm>>
    tpu.wait_indirect_dma semaphore(%arg18 : memref<!tpu.dma_semaphore, #tpu.memory_space<semaphore_mem>>) src(%dma_wait3A_614 : memref<200000x64xf32, #tpu.memory_space<hbm>>) dst(%arg10 : memref<128x64xf32, #tpu.memory_space<vmem>>)
    %parallel_loop3A = arith.constant 0 : i32
    %parallel_loop3A_615 = arith.constant 128 : i32
    %parallel_loop3A_616 = arith.constant 1 : i32
    scf.for %parallel_loop3A_844 = %parallel_loop3A to %parallel_loop3A_615 step %parallel_loop3A_616  : i32 {
      %parallel_loop3A_845 = vector.broadcast %parallel_loop3A_844 : i32 to vector<16xi32>
      %parallel_loop3A_846 = arith.addi %broadcast_in_dim3A_1, %parallel_loop3A_845 : vector<16xi32>
      %parallel_loop3A_847 = arith.index_cast %parallel_loop3A_844 : i32 to index
      %parallel_loop3A_848 = arith.constant 0 : index
      %parallel_loop3A_849 = tpu.vector_load %arg10[%parallel_loop3A_847, %parallel_loop3A_848] {strides = array<i32>} : memref<128x64xf32, #tpu.memory_space<vmem>>, vector<16xf32>,
      tpu.vector_store_idx %arg14[%select_n3A, %select_n3A_50, %parallel_loop3A_846], %parallel_loop3A_849 : memref<8x8x130xf32, #tpu.memory_space<vmem>>[vector<16xi32>, vector<16xi32>, vector<16xi32>], vector<16xf32>,
      %parallel_loop3A_850 = arith.index_cast %parallel_loop3A_844 : i32 to index
      %parallel_loop3A_851 = arith.constant 16 : index
      %parallel_loop3A_852 = tpu.vector_load %arg10[%parallel_loop3A_850, %parallel_loop3A_851] {strides = array<i32>} : memref<128x64xf32, #tpu.memory_space<vmem>>, vector<16xf32>,
      tpu.vector_store_idx %arg14[%select_n3A_84, %select_n3A_109, %parallel_loop3A_846], %parallel_loop3A_852 : memref<8x8x130xf32, #tpu.memory_space<vmem>>[vector<16xi32>, vector<16xi32>, vector<16xi32>], vector<16xf32>,
      %parallel_loop3A_853 = arith.index_cast %parallel_loop3A_844 : i32 to index
      %parallel_loop3A_854 = arith.constant 32 : index
      %parallel_loop3A_855 = tpu.vector_load %arg10[%parallel_loop3A_853, %parallel_loop3A_854] {strides = array<i32>} : memref<128x64xf32, #tpu.memory_space<vmem>>, vector<16xf32>,
      tpu.vector_store_idx %arg14[%select_n3A_143, %select_n3A_168, %parallel_loop3A_846], %parallel_loop3A_855 : memref<8x8x130xf32, #tpu.memory_space<vmem>>[vector<16xi32>, vector<16xi32>, vector<16xi32>], vector<16xf32>,
      %parallel_loop3A_856 = arith.index_cast %parallel_loop3A_844 : i32 to index
      %parallel_loop3A_857 = arith.constant 48 : index
      %parallel_loop3A_858 = tpu.vector_load %arg10[%parallel_loop3A_856, %parallel_loop3A_857] {strides = array<i32>} : memref<128x64xf32, #tpu.memory_space<vmem>>, vector<16xf32>,
      tpu.vector_store_idx %arg14[%select_n3A_202, %select_n3A_227, %parallel_loop3A_846], %parallel_loop3A_858 : memref<8x8x130xf32, #tpu.memory_space<vmem>>[vector<16xi32>, vector<16xi32>, vector<16xi32>], vector<16xf32>,
    } {sc.loop_unroll_factor = 4 : i64, sc.parallel_access}
    %dma_start3A_617 = arith.constant 196 : i32
    %dma_start3A_618 = arith.constant 0 : i32
    %dma_start3A_619 = arith.constant 0 : i32
    %dma_start3A_620 = arith.constant 0 : i32
    %dma_start3A_621 = tpu.memref_slice %arg14[%dma_start3A_618, %dma_start3A_619, %dma_start3A_620] : memref<8x8x130xf32, #tpu.memory_space<vmem>> -> memref<8x8x128xf32, #tpu.memory_space<vmem>>
    %dma_start3A_622 = arith.constant 0 : i32
    %dma_start3A_623 = arith.constant 0 : i32
    %dma_start3A_624 = arith.constant 0 : i32
    %dma_start3A_625 = tpu.memref_slice %arg4[%dma_start3A_617, %dma_start3A_622, %add3A, %dma_start3A_623, %dma_start3A_624] : memref<200x8x32x8x128xf32, #tpu.memory_space<hbm>> -> memref<1x8x1x8x128xf32, #tpu.memory_space<hbm>>
    %dma_start3A_626 = tpu.memref_squeeze %dma_start3A_625 : memref<1x8x1x8x128xf32, #tpu.memory_space<hbm>> -> memref<8x8x128xf32, #tpu.memory_space<hbm>>
    %dma_start3A_627 = arith.constant 0 : i32
    %dma_start3A_628 = arith.constant 0 : i32
    %dma_start3A_629 = arith.constant 0 : i32
    %dma_start3A_630 = tpu.memref_slice %arg4[%dma_start3A_617, %dma_start3A_627, %add3A, %dma_start3A_628, %dma_start3A_629] : memref<200x8x32x8x128xf32, #tpu.memory_space<hbm>> -> memref<1x8x1x8x128xf32, #tpu.memory_space<hbm>>
    %dma_start3A_631 = tpu.memref_squeeze %dma_start3A_630 : memref<1x8x1x8x128xf32, #tpu.memory_space<hbm>> -> memref<8x8x128xf32, #tpu.memory_space<hbm>>
    %dma_start3A_632 = arith.constant 0 : i32
    %dma_start3A_633 = arith.constant 0 : i32
    %dma_start3A_634 = arith.constant 0 : i32
    %dma_start3A_635 = tpu.memref_slice %arg14[%dma_start3A_632, %dma_start3A_633, %dma_start3A_634] : memref<8x8x130xf32, #tpu.memory_space<vmem>> -> memref<8x8x128xf32, #tpu.memory_space<vmem>>
    tpu.enqueue_dma source(%dma_start3A_635 : memref<8x8x128xf32, #tpu.memory_space<vmem>>) target(%dma_start3A_631 : memref<8x8x128xf32, #tpu.memory_space<hbm>>) target_semaphore(%arg22 : memref<!tpu.dma_semaphore, #tpu.memory_space<semaphore_mem>>)
    %dma_wait3A_636 = arith.constant 193 : i32
    %dma_wait3A_637 = arith.constant 0 : i32
    %dma_wait3A_638 = arith.constant 0 : i32
    %dma_wait3A_639 = arith.constant 0 : i32
    %dma_wait3A_640 = tpu.memref_slice %arg15[%dma_wait3A_637, %dma_wait3A_638, %dma_wait3A_639] : memref<8x8x130xf32, #tpu.memory_space<vmem>> -> memref<8x8x128xf32, #tpu.memory_space<vmem>>
    %dma_wait3A_641 = arith.constant 0 : i32
    %dma_wait3A_642 = arith.constant 0 : i32
    %dma_wait3A_643 = arith.constant 0 : i32
    %dma_wait3A_644 = tpu.memref_slice %arg4[%dma_wait3A_636, %dma_wait3A_641, %add3A, %dma_wait3A_642, %dma_wait3A_643] : memref<200x8x32x8x128xf32, #tpu.memory_space<hbm>> -> memref<1x8x1x8x128xf32, #tpu.memory_space<hbm>>
    %dma_wait3A_645 = tpu.memref_squeeze %dma_wait3A_644 : memref<1x8x1x8x128xf32, #tpu.memory_space<hbm>> -> memref<8x8x128xf32, #tpu.memory_space<hbm>>
    %dma_wait3A_646 = arith.constant 0 : i32
    %dma_wait3A_647 = arith.constant 0 : i32
    %dma_wait3A_648 = arith.constant 0 : i32
    %dma_wait3A_649 = tpu.memref_slice %arg4[%dma_wait3A_636, %dma_wait3A_646, %add3A, %dma_wait3A_647, %dma_wait3A_648] : memref<200x8x32x8x128xf32, #tpu.memory_space<hbm>> -> memref<1x8x1x8x128xf32, #tpu.memory_space<hbm>>
    %dma_wait3A_650 = tpu.memref_squeeze %dma_wait3A_649 : memref<1x8x1x8x128xf32, #tpu.memory_space<hbm>> -> memref<8x8x128xf32, #tpu.memory_space<hbm>>
    %dma_wait3A_651 = arith.constant 0 : i32
    %dma_wait3A_652 = arith.constant 0 : i32
    %dma_wait3A_653 = arith.constant 0 : i32
    %dma_wait3A_654 = tpu.memref_slice %arg15[%dma_wait3A_651, %dma_wait3A_652, %dma_wait3A_653] : memref<8x8x130xf32, #tpu.memory_space<vmem>> -> memref<8x8x128xf32, #tpu.memory_space<vmem>>
    tpu.wait_dma2 semaphore(%arg23 : memref<!tpu.dma_semaphore, #tpu.memory_space<semaphore_mem>>) src(%dma_wait3A_654 : memref<8x8x128xf32, #tpu.memory_space<vmem>>) dst(%dma_wait3A_650 : memref<8x8x128xf32, #tpu.memory_space<hbm>>)
    %dma_wait3A_655 = arith.constant 0 : i32
    %dma_wait3A_656 = arith.constant 0 : i32
    %dma_wait3A_657 = tpu.memref_slice %arg3[%dma_wait3A_655, %dma_wait3A_656] : memref<200000x64xf32, #tpu.memory_space<hbm>> -> memref<200000x64xf32, #tpu.memory_space<hbm>>
    tpu.wait_indirect_dma semaphore(%arg19 : memref<!tpu.dma_semaphore, #tpu.memory_space<semaphore_mem>>) src(%dma_wait3A_657 : memref<200000x64xf32, #tpu.memory_space<hbm>>) dst(%arg11 : memref<128x64xf32, #tpu.memory_space<vmem>>)
    %parallel_loop3A_658 = arith.constant 0 : i32
    %parallel_loop3A_659 = arith.constant 128 : i32
    %parallel_loop3A_660 = arith.constant 1 : i32
    scf.for %parallel_loop3A_844 = %parallel_loop3A_658 to %parallel_loop3A_659 step %parallel_loop3A_660  : i32 {
      %parallel_loop3A_845 = vector.broadcast %parallel_loop3A_844 : i32 to vector<16xi32>
      %parallel_loop3A_846 = arith.addi %broadcast_in_dim3A_1, %parallel_loop3A_845 : vector<16xi32>
      %parallel_loop3A_847 = arith.index_cast %parallel_loop3A_844 : i32 to index
      %parallel_loop3A_848 = arith.constant 0 : index
      %parallel_loop3A_849 = tpu.vector_load %arg11[%parallel_loop3A_847, %parallel_loop3A_848] {strides = array<i32>} : memref<128x64xf32, #tpu.memory_space<vmem>>, vector<16xf32>,
      tpu.vector_store_idx %arg15[%select_n3A, %select_n3A_50, %parallel_loop3A_846], %parallel_loop3A_849 : memref<8x8x130xf32, #tpu.memory_space<vmem>>[vector<16xi32>, vector<16xi32>, vector<16xi32>], vector<16xf32>,
      %parallel_loop3A_850 = arith.index_cast %parallel_loop3A_844 : i32 to index
      %parallel_loop3A_851 = arith.constant 16 : index
      %parallel_loop3A_852 = tpu.vector_load %arg11[%parallel_loop3A_850, %parallel_loop3A_851] {strides = array<i32>} : memref<128x64xf32, #tpu.memory_space<vmem>>, vector<16xf32>,
      tpu.vector_store_idx %arg15[%select_n3A_84, %select_n3A_109, %parallel_loop3A_846], %parallel_loop3A_852 : memref<8x8x130xf32, #tpu.memory_space<vmem>>[vector<16xi32>, vector<16xi32>, vector<16xi32>], vector<16xf32>,
      %parallel_loop3A_853 = arith.index_cast %parallel_loop3A_844 : i32 to index
      %parallel_loop3A_854 = arith.constant 32 : index
      %parallel_loop3A_855 = tpu.vector_load %arg11[%parallel_loop3A_853, %parallel_loop3A_854] {strides = array<i32>} : memref<128x64xf32, #tpu.memory_space<vmem>>, vector<16xf32>,
      tpu.vector_store_idx %arg15[%select_n3A_143, %select_n3A_168, %parallel_loop3A_846], %parallel_loop3A_855 : memref<8x8x130xf32, #tpu.memory_space<vmem>>[vector<16xi32>, vector<16xi32>, vector<16xi32>], vector<16xf32>,
      %parallel_loop3A_856 = arith.index_cast %parallel_loop3A_844 : i32 to index
      %parallel_loop3A_857 = arith.constant 48 : index
      %parallel_loop3A_858 = tpu.vector_load %arg11[%parallel_loop3A_856, %parallel_loop3A_857] {strides = array<i32>} : memref<128x64xf32, #tpu.memory_space<vmem>>, vector<16xf32>,
      tpu.vector_store_idx %arg15[%select_n3A_202, %select_n3A_227, %parallel_loop3A_846], %parallel_loop3A_858 : memref<8x8x130xf32, #tpu.memory_space<vmem>>[vector<16xi32>, vector<16xi32>, vector<16xi32>], vector<16xf32>,
    } {sc.loop_unroll_factor = 4 : i64, sc.parallel_access}
    %dma_start3A_661 = arith.constant 197 : i32
    %dma_start3A_662 = arith.constant 0 : i32
    %dma_start3A_663 = arith.constant 0 : i32
    %dma_start3A_664 = arith.constant 0 : i32
    %dma_start3A_665 = tpu.memref_slice %arg15[%dma_start3A_662, %dma_start3A_663, %dma_start3A_664] : memref<8x8x130xf32, #tpu.memory_space<vmem>> -> memref<8x8x128xf32, #tpu.memory_space<vmem>>
    %dma_start3A_666 = arith.constant 0 : i32
    %dma_start3A_667 = arith.constant 0 : i32
    %dma_start3A_668 = arith.constant 0 : i32
    %dma_start3A_669 = tpu.memref_slice %arg4[%dma_start3A_661, %dma_start3A_666, %add3A, %dma_start3A_667, %dma_start3A_668] : memref<200x8x32x8x128xf32, #tpu.memory_space<hbm>> -> memref<1x8x1x8x128xf32, #tpu.memory_space<hbm>>
    %dma_start3A_670 = tpu.memref_squeeze %dma_start3A_669 : memref<1x8x1x8x128xf32, #tpu.memory_space<hbm>> -> memref<8x8x128xf32, #tpu.memory_space<hbm>>
    %dma_start3A_671 = arith.constant 0 : i32
    %dma_start3A_672 = arith.constant 0 : i32
    %dma_start3A_673 = arith.constant 0 : i32
    %dma_start3A_674 = tpu.memref_slice %arg4[%dma_start3A_661, %dma_start3A_671, %add3A, %dma_start3A_672, %dma_start3A_673] : memref<200x8x32x8x128xf32, #tpu.memory_space<hbm>> -> memref<1x8x1x8x128xf32, #tpu.memory_space<hbm>>
    %dma_start3A_675 = tpu.memref_squeeze %dma_start3A_674 : memref<1x8x1x8x128xf32, #tpu.memory_space<hbm>> -> memref<8x8x128xf32, #tpu.memory_space<hbm>>
    %dma_start3A_676 = arith.constant 0 : i32
    %dma_start3A_677 = arith.constant 0 : i32
    %dma_start3A_678 = arith.constant 0 : i32
    %dma_start3A_679 = tpu.memref_slice %arg15[%dma_start3A_676, %dma_start3A_677, %dma_start3A_678] : memref<8x8x130xf32, #tpu.memory_space<vmem>> -> memref<8x8x128xf32, #tpu.memory_space<vmem>>
    tpu.enqueue_dma source(%dma_start3A_679 : memref<8x8x128xf32, #tpu.memory_space<vmem>>) target(%dma_start3A_675 : memref<8x8x128xf32, #tpu.memory_space<hbm>>) target_semaphore(%arg23 : memref<!tpu.dma_semaphore, #tpu.memory_space<semaphore_mem>>)
    %dma_wait3A_680 = arith.constant 194 : i32
    %dma_wait3A_681 = arith.constant 0 : i32
    %dma_wait3A_682 = arith.constant 0 : i32
    %dma_wait3A_683 = arith.constant 0 : i32
    %dma_wait3A_684 = tpu.memref_slice %arg16[%dma_wait3A_681, %dma_wait3A_682, %dma_wait3A_683] : memref<8x8x130xf32, #tpu.memory_space<vmem>> -> memref<8x8x128xf32, #tpu.memory_space<vmem>>
    %dma_wait3A_685 = arith.constant 0 : i32
    %dma_wait3A_686 = arith.constant 0 : i32
    %dma_wait3A_687 = arith.constant 0 : i32
    %dma_wait3A_688 = tpu.memref_slice %arg4[%dma_wait3A_680, %dma_wait3A_685, %add3A, %dma_wait3A_686, %dma_wait3A_687] : memref<200x8x32x8x128xf32, #tpu.memory_space<hbm>> -> memref<1x8x1x8x128xf32, #tpu.memory_space<hbm>>
    %dma_wait3A_689 = tpu.memref_squeeze %dma_wait3A_688 : memref<1x8x1x8x128xf32, #tpu.memory_space<hbm>> -> memref<8x8x128xf32, #tpu.memory_space<hbm>>
    %dma_wait3A_690 = arith.constant 0 : i32
    %dma_wait3A_691 = arith.constant 0 : i32
    %dma_wait3A_692 = arith.constant 0 : i32
    %dma_wait3A_693 = tpu.memref_slice %arg4[%dma_wait3A_680, %dma_wait3A_690, %add3A, %dma_wait3A_691, %dma_wait3A_692] : memref<200x8x32x8x128xf32, #tpu.memory_space<hbm>> -> memref<1x8x1x8x128xf32, #tpu.memory_space<hbm>>
    %dma_wait3A_694 = tpu.memref_squeeze %dma_wait3A_693 : memref<1x8x1x8x128xf32, #tpu.memory_space<hbm>> -> memref<8x8x128xf32, #tpu.memory_space<hbm>>
    %dma_wait3A_695 = arith.constant 0 : i32
    %dma_wait3A_696 = arith.constant 0 : i32
    %dma_wait3A_697 = arith.constant 0 : i32
    %dma_wait3A_698 = tpu.memref_slice %arg16[%dma_wait3A_695, %dma_wait3A_696, %dma_wait3A_697] : memref<8x8x130xf32, #tpu.memory_space<vmem>> -> memref<8x8x128xf32, #tpu.memory_space<vmem>>
    tpu.wait_dma2 semaphore(%arg24 : memref<!tpu.dma_semaphore, #tpu.memory_space<semaphore_mem>>) src(%dma_wait3A_698 : memref<8x8x128xf32, #tpu.memory_space<vmem>>) dst(%dma_wait3A_694 : memref<8x8x128xf32, #tpu.memory_space<hbm>>)
    %dma_wait3A_699 = arith.constant 0 : i32
    %dma_wait3A_700 = arith.constant 0 : i32
    %dma_wait3A_701 = tpu.memref_slice %arg3[%dma_wait3A_699, %dma_wait3A_700] : memref<200000x64xf32, #tpu.memory_space<hbm>> -> memref<200000x64xf32, #tpu.memory_space<hbm>>
    tpu.wait_indirect_dma semaphore(%arg20 : memref<!tpu.dma_semaphore, #tpu.memory_space<semaphore_mem>>) src(%dma_wait3A_701 : memref<200000x64xf32, #tpu.memory_space<hbm>>) dst(%arg12 : memref<128x64xf32, #tpu.memory_space<vmem>>)
    %parallel_loop3A_702 = arith.constant 0 : i32
    %parallel_loop3A_703 = arith.constant 128 : i32
    %parallel_loop3A_704 = arith.constant 1 : i32
    scf.for %parallel_loop3A_844 = %parallel_loop3A_702 to %parallel_loop3A_703 step %parallel_loop3A_704  : i32 {
      %parallel_loop3A_845 = vector.broadcast %parallel_loop3A_844 : i32 to vector<16xi32>
      %parallel_loop3A_846 = arith.addi %broadcast_in_dim3A_1, %parallel_loop3A_845 : vector<16xi32>
      %parallel_loop3A_847 = arith.index_cast %parallel_loop3A_844 : i32 to index
      %parallel_loop3A_848 = arith.constant 0 : index
      %parallel_loop3A_849 = tpu.vector_load %arg12[%parallel_loop3A_847, %parallel_loop3A_848] {strides = array<i32>} : memref<128x64xf32, #tpu.memory_space<vmem>>, vector<16xf32>,
      tpu.vector_store_idx %arg16[%select_n3A, %select_n3A_50, %parallel_loop3A_846], %parallel_loop3A_849 : memref<8x8x130xf32, #tpu.memory_space<vmem>>[vector<16xi32>, vector<16xi32>, vector<16xi32>], vector<16xf32>,
      %parallel_loop3A_850 = arith.index_cast %parallel_loop3A_844 : i32 to index
      %parallel_loop3A_851 = arith.constant 16 : index
      %parallel_loop3A_852 = tpu.vector_load %arg12[%parallel_loop3A_850, %parallel_loop3A_851] {strides = array<i32>} : memref<128x64xf32, #tpu.memory_space<vmem>>, vector<16xf32>,
      tpu.vector_store_idx %arg16[%select_n3A_84, %select_n3A_109, %parallel_loop3A_846], %parallel_loop3A_852 : memref<8x8x130xf32, #tpu.memory_space<vmem>>[vector<16xi32>, vector<16xi32>, vector<16xi32>], vector<16xf32>,
      %parallel_loop3A_853 = arith.index_cast %parallel_loop3A_844 : i32 to index
      %parallel_loop3A_854 = arith.constant 32 : index
      %parallel_loop3A_855 = tpu.vector_load %arg12[%parallel_loop3A_853, %parallel_loop3A_854] {strides = array<i32>} : memref<128x64xf32, #tpu.memory_space<vmem>>, vector<16xf32>,
      tpu.vector_store_idx %arg16[%select_n3A_143, %select_n3A_168, %parallel_loop3A_846], %parallel_loop3A_855 : memref<8x8x130xf32, #tpu.memory_space<vmem>>[vector<16xi32>, vector<16xi32>, vector<16xi32>], vector<16xf32>,
      %parallel_loop3A_856 = arith.index_cast %parallel_loop3A_844 : i32 to index
      %parallel_loop3A_857 = arith.constant 48 : index
      %parallel_loop3A_858 = tpu.vector_load %arg12[%parallel_loop3A_856, %parallel_loop3A_857] {strides = array<i32>} : memref<128x64xf32, #tpu.memory_space<vmem>>, vector<16xf32>,
      tpu.vector_store_idx %arg16[%select_n3A_202, %select_n3A_227, %parallel_loop3A_846], %parallel_loop3A_858 : memref<8x8x130xf32, #tpu.memory_space<vmem>>[vector<16xi32>, vector<16xi32>, vector<16xi32>], vector<16xf32>,
    } {sc.loop_unroll_factor = 4 : i64, sc.parallel_access}
    %dma_start3A_705 = arith.constant 198 : i32
    %dma_start3A_706 = arith.constant 0 : i32
    %dma_start3A_707 = arith.constant 0 : i32
    %dma_start3A_708 = arith.constant 0 : i32
    %dma_start3A_709 = tpu.memref_slice %arg16[%dma_start3A_706, %dma_start3A_707, %dma_start3A_708] : memref<8x8x130xf32, #tpu.memory_space<vmem>> -> memref<8x8x128xf32, #tpu.memory_space<vmem>>
    %dma_start3A_710 = arith.constant 0 : i32
    %dma_start3A_711 = arith.constant 0 : i32
    %dma_start3A_712 = arith.constant 0 : i32
    %dma_start3A_713 = tpu.memref_slice %arg4[%dma_start3A_705, %dma_start3A_710, %add3A, %dma_start3A_711, %dma_start3A_712] : memref<200x8x32x8x128xf32, #tpu.memory_space<hbm>> -> memref<1x8x1x8x128xf32, #tpu.memory_space<hbm>>
    %dma_start3A_714 = tpu.memref_squeeze %dma_start3A_713 : memref<1x8x1x8x128xf32, #tpu.memory_space<hbm>> -> memref<8x8x128xf32, #tpu.memory_space<hbm>>
    %dma_start3A_715 = arith.constant 0 : i32
    %dma_start3A_716 = arith.constant 0 : i32
    %dma_start3A_717 = arith.constant 0 : i32
    %dma_start3A_718 = tpu.memref_slice %arg4[%dma_start3A_705, %dma_start3A_715, %add3A, %dma_start3A_716, %dma_start3A_717] : memref<200x8x32x8x128xf32, #tpu.memory_space<hbm>> -> memref<1x8x1x8x128xf32, #tpu.memory_space<hbm>>
    %dma_start3A_719 = tpu.memref_squeeze %dma_start3A_718 : memref<1x8x1x8x128xf32, #tpu.memory_space<hbm>> -> memref<8x8x128xf32, #tpu.memory_space<hbm>>
    %dma_start3A_720 = arith.constant 0 : i32
    %dma_start3A_721 = arith.constant 0 : i32
    %dma_start3A_722 = arith.constant 0 : i32
    %dma_start3A_723 = tpu.memref_slice %arg16[%dma_start3A_720, %dma_start3A_721, %dma_start3A_722] : memref<8x8x130xf32, #tpu.memory_space<vmem>> -> memref<8x8x128xf32, #tpu.memory_space<vmem>>
    tpu.enqueue_dma source(%dma_start3A_723 : memref<8x8x128xf32, #tpu.memory_space<vmem>>) target(%dma_start3A_719 : memref<8x8x128xf32, #tpu.memory_space<hbm>>) target_semaphore(%arg24 : memref<!tpu.dma_semaphore, #tpu.memory_space<semaphore_mem>>)
    %dma_wait3A_724 = arith.constant 195 : i32
    %dma_wait3A_725 = arith.constant 0 : i32
    %dma_wait3A_726 = arith.constant 0 : i32
    %dma_wait3A_727 = arith.constant 0 : i32
    %dma_wait3A_728 = tpu.memref_slice %arg17[%dma_wait3A_725, %dma_wait3A_726, %dma_wait3A_727] : memref<8x8x130xf32, #tpu.memory_space<vmem>> -> memref<8x8x128xf32, #tpu.memory_space<vmem>>
    %dma_wait3A_729 = arith.constant 0 : i32
    %dma_wait3A_730 = arith.constant 0 : i32
    %dma_wait3A_731 = arith.constant 0 : i32
    %dma_wait3A_732 = tpu.memref_slice %arg4[%dma_wait3A_724, %dma_wait3A_729, %add3A, %dma_wait3A_730, %dma_wait3A_731] : memref<200x8x32x8x128xf32, #tpu.memory_space<hbm>> -> memref<1x8x1x8x128xf32, #tpu.memory_space<hbm>>
    %dma_wait3A_733 = tpu.memref_squeeze %dma_wait3A_732 : memref<1x8x1x8x128xf32, #tpu.memory_space<hbm>> -> memref<8x8x128xf32, #tpu.memory_space<hbm>>
    %dma_wait3A_734 = arith.constant 0 : i32
    %dma_wait3A_735 = arith.constant 0 : i32
    %dma_wait3A_736 = arith.constant 0 : i32
    %dma_wait3A_737 = tpu.memref_slice %arg4[%dma_wait3A_724, %dma_wait3A_734, %add3A, %dma_wait3A_735, %dma_wait3A_736] : memref<200x8x32x8x128xf32, #tpu.memory_space<hbm>> -> memref<1x8x1x8x128xf32, #tpu.memory_space<hbm>>
    %dma_wait3A_738 = tpu.memref_squeeze %dma_wait3A_737 : memref<1x8x1x8x128xf32, #tpu.memory_space<hbm>> -> memref<8x8x128xf32, #tpu.memory_space<hbm>>
    %dma_wait3A_739 = arith.constant 0 : i32
    %dma_wait3A_740 = arith.constant 0 : i32
    %dma_wait3A_741 = arith.constant 0 : i32
    %dma_wait3A_742 = tpu.memref_slice %arg17[%dma_wait3A_739, %dma_wait3A_740, %dma_wait3A_741] : memref<8x8x130xf32, #tpu.memory_space<vmem>> -> memref<8x8x128xf32, #tpu.memory_space<vmem>>
    tpu.wait_dma2 semaphore(%arg25 : memref<!tpu.dma_semaphore, #tpu.memory_space<semaphore_mem>>) src(%dma_wait3A_742 : memref<8x8x128xf32, #tpu.memory_space<vmem>>) dst(%dma_wait3A_738 : memref<8x8x128xf32, #tpu.memory_space<hbm>>)
    %dma_wait3A_743 = arith.constant 0 : i32
    %dma_wait3A_744 = arith.constant 0 : i32
    %dma_wait3A_745 = tpu.memref_slice %arg3[%dma_wait3A_743, %dma_wait3A_744] : memref<200000x64xf32, #tpu.memory_space<hbm>> -> memref<200000x64xf32, #tpu.memory_space<hbm>>
    tpu.wait_indirect_dma semaphore(%arg21 : memref<!tpu.dma_semaphore, #tpu.memory_space<semaphore_mem>>) src(%dma_wait3A_745 : memref<200000x64xf32, #tpu.memory_space<hbm>>) dst(%arg13 : memref<128x64xf32, #tpu.memory_space<vmem>>)
    %parallel_loop3A_746 = arith.constant 0 : i32
    %parallel_loop3A_747 = arith.constant 128 : i32
    %parallel_loop3A_748 = arith.constant 1 : i32
    scf.for %parallel_loop3A_844 = %parallel_loop3A_746 to %parallel_loop3A_747 step %parallel_loop3A_748  : i32 {
      %parallel_loop3A_845 = vector.broadcast %parallel_loop3A_844 : i32 to vector<16xi32>
      %parallel_loop3A_846 = arith.addi %broadcast_in_dim3A_1, %parallel_loop3A_845 : vector<16xi32>
      %parallel_loop3A_847 = arith.index_cast %parallel_loop3A_844 : i32 to index
      %parallel_loop3A_848 = arith.constant 0 : index
      %parallel_loop3A_849 = tpu.vector_load %arg13[%parallel_loop3A_847, %parallel_loop3A_848] {strides = array<i32>} : memref<128x64xf32, #tpu.memory_space<vmem>>, vector<16xf32>,
      tpu.vector_store_idx %arg17[%select_n3A, %select_n3A_50, %parallel_loop3A_846], %parallel_loop3A_849 : memref<8x8x130xf32, #tpu.memory_space<vmem>>[vector<16xi32>, vector<16xi32>, vector<16xi32>], vector<16xf32>,
      %parallel_loop3A_850 = arith.index_cast %parallel_loop3A_844 : i32 to index
      %parallel_loop3A_851 = arith.constant 16 : index
      %parallel_loop3A_852 = tpu.vector_load %arg13[%parallel_loop3A_850, %parallel_loop3A_851] {strides = array<i32>} : memref<128x64xf32, #tpu.memory_space<vmem>>, vector<16xf32>,
      tpu.vector_store_idx %arg17[%select_n3A_84, %select_n3A_109, %parallel_loop3A_846], %parallel_loop3A_852 : memref<8x8x130xf32, #tpu.memory_space<vmem>>[vector<16xi32>, vector<16xi32>, vector<16xi32>], vector<16xf32>,
      %parallel_loop3A_853 = arith.index_cast %parallel_loop3A_844 : i32 to index
      %parallel_loop3A_854 = arith.constant 32 : index
      %parallel_loop3A_855 = tpu.vector_load %arg13[%parallel_loop3A_853, %parallel_loop3A_854] {strides = array<i32>} : memref<128x64xf32, #tpu.memory_space<vmem>>, vector<16xf32>,
      tpu.vector_store_idx %arg17[%select_n3A_143, %select_n3A_168, %parallel_loop3A_846], %parallel_loop3A_855 : memref<8x8x130xf32, #tpu.memory_space<vmem>>[vector<16xi32>, vector<16xi32>, vector<16xi32>], vector<16xf32>,
      %parallel_loop3A_856 = arith.index_cast %parallel_loop3A_844 : i32 to index
      %parallel_loop3A_857 = arith.constant 48 : index
      %parallel_loop3A_858 = tpu.vector_load %arg13[%parallel_loop3A_856, %parallel_loop3A_857] {strides = array<i32>} : memref<128x64xf32, #tpu.memory_space<vmem>>, vector<16xf32>,
      tpu.vector_store_idx %arg17[%select_n3A_202, %select_n3A_227, %parallel_loop3A_846], %parallel_loop3A_858 : memref<8x8x130xf32, #tpu.memory_space<vmem>>[vector<16xi32>, vector<16xi32>, vector<16xi32>], vector<16xf32>,
    } {sc.loop_unroll_factor = 4 : i64, sc.parallel_access}
    %dma_start3A_749 = arith.constant 199 : i32
    %dma_start3A_750 = arith.constant 0 : i32
    %dma_start3A_751 = arith.constant 0 : i32
    %dma_start3A_752 = arith.constant 0 : i32
    %dma_start3A_753 = tpu.memref_slice %arg17[%dma_start3A_750, %dma_start3A_751, %dma_start3A_752] : memref<8x8x130xf32, #tpu.memory_space<vmem>> -> memref<8x8x128xf32, #tpu.memory_space<vmem>>
    %dma_start3A_754 = arith.constant 0 : i32
    %dma_start3A_755 = arith.constant 0 : i32
    %dma_start3A_756 = arith.constant 0 : i32
    %dma_start3A_757 = tpu.memref_slice %arg4[%dma_start3A_749, %dma_start3A_754, %add3A, %dma_start3A_755, %dma_start3A_756] : memref<200x8x32x8x128xf32, #tpu.memory_space<hbm>> -> memref<1x8x1x8x128xf32, #tpu.memory_space<hbm>>
    %dma_start3A_758 = tpu.memref_squeeze %dma_start3A_757 : memref<1x8x1x8x128xf32, #tpu.memory_space<hbm>> -> memref<8x8x128xf32, #tpu.memory_space<hbm>>
    %dma_start3A_759 = arith.constant 0 : i32
    %dma_start3A_760 = arith.constant 0 : i32
    %dma_start3A_761 = arith.constant 0 : i32
    %dma_start3A_762 = tpu.memref_slice %arg4[%dma_start3A_749, %dma_start3A_759, %add3A, %dma_start3A_760, %dma_start3A_761] : memref<200x8x32x8x128xf32, #tpu.memory_space<hbm>> -> memref<1x8x1x8x128xf32, #tpu.memory_space<hbm>>
    %dma_start3A_763 = tpu.memref_squeeze %dma_start3A_762 : memref<1x8x1x8x128xf32, #tpu.memory_space<hbm>> -> memref<8x8x128xf32, #tpu.memory_space<hbm>>
    %dma_start3A_764 = arith.constant 0 : i32
    %dma_start3A_765 = arith.constant 0 : i32
    %dma_start3A_766 = arith.constant 0 : i32
    %dma_start3A_767 = tpu.memref_slice %arg17[%dma_start3A_764, %dma_start3A_765, %dma_start3A_766] : memref<8x8x130xf32, #tpu.memory_space<vmem>> -> memref<8x8x128xf32, #tpu.memory_space<vmem>>
    tpu.enqueue_dma source(%dma_start3A_767 : memref<8x8x128xf32, #tpu.memory_space<vmem>>) target(%dma_start3A_763 : memref<8x8x128xf32, #tpu.memory_space<hbm>>) target_semaphore(%arg25 : memref<!tpu.dma_semaphore, #tpu.memory_space<semaphore_mem>>)
    %dma_wait3A_768 = arith.constant 196 : i32
    %dma_wait3A_769 = arith.constant 0 : i32
    %dma_wait3A_770 = arith.constant 0 : i32
    %dma_wait3A_771 = arith.constant 0 : i32
    %dma_wait3A_772 = tpu.memref_slice %arg14[%dma_wait3A_769, %dma_wait3A_770, %dma_wait3A_771] : memref<8x8x130xf32, #tpu.memory_space<vmem>> -> memref<8x8x128xf32, #tpu.memory_space<vmem>>
    %dma_wait3A_773 = arith.constant 0 : i32
    %dma_wait3A_774 = arith.constant 0 : i32
    %dma_wait3A_775 = arith.constant 0 : i32
    %dma_wait3A_776 = tpu.memref_slice %arg4[%dma_wait3A_768, %dma_wait3A_773, %add3A, %dma_wait3A_774, %dma_wait3A_775] : memref<200x8x32x8x128xf32, #tpu.memory_space<hbm>> -> memref<1x8x1x8x128xf32, #tpu.memory_space<hbm>>
    %dma_wait3A_777 = tpu.memref_squeeze %dma_wait3A_776 : memref<1x8x1x8x128xf32, #tpu.memory_space<hbm>> -> memref<8x8x128xf32, #tpu.memory_space<hbm>>
    %dma_wait3A_778 = arith.constant 0 : i32
    %dma_wait3A_779 = arith.constant 0 : i32
    %dma_wait3A_780 = arith.constant 0 : i32
    %dma_wait3A_781 = tpu.memref_slice %arg4[%dma_wait3A_768, %dma_wait3A_778, %add3A, %dma_wait3A_779, %dma_wait3A_780] : memref<200x8x32x8x128xf32, #tpu.memory_space<hbm>> -> memref<1x8x1x8x128xf32, #tpu.memory_space<hbm>>
    %dma_wait3A_782 = tpu.memref_squeeze %dma_wait3A_781 : memref<1x8x1x8x128xf32, #tpu.memory_space<hbm>> -> memref<8x8x128xf32, #tpu.memory_space<hbm>>
    %dma_wait3A_783 = arith.constant 0 : i32
    %dma_wait3A_784 = arith.constant 0 : i32
    %dma_wait3A_785 = arith.constant 0 : i32
    %dma_wait3A_786 = tpu.memref_slice %arg14[%dma_wait3A_783, %dma_wait3A_784, %dma_wait3A_785] : memref<8x8x130xf32, #tpu.memory_space<vmem>> -> memref<8x8x128xf32, #tpu.memory_space<vmem>>
    tpu.wait_dma2 semaphore(%arg22 : memref<!tpu.dma_semaphore, #tpu.memory_space<semaphore_mem>>) src(%dma_wait3A_786 : memref<8x8x128xf32, #tpu.memory_space<vmem>>) dst(%dma_wait3A_782 : memref<8x8x128xf32, #tpu.memory_space<hbm>>)
    %dma_wait3A_787 = arith.constant 197 : i32
    %dma_wait3A_788 = arith.constant 0 : i32
    %dma_wait3A_789 = arith.constant 0 : i32
    %dma_wait3A_790 = arith.constant 0 : i32
    %dma_wait3A_791 = tpu.memref_slice %arg15[%dma_wait3A_788, %dma_wait3A_789, %dma_wait3A_790] : memref<8x8x130xf32, #tpu.memory_space<vmem>> -> memref<8x8x128xf32, #tpu.memory_space<vmem>>
    %dma_wait3A_792 = arith.constant 0 : i32
    %dma_wait3A_793 = arith.constant 0 : i32
    %dma_wait3A_794 = arith.constant 0 : i32
    %dma_wait3A_795 = tpu.memref_slice %arg4[%dma_wait3A_787, %dma_wait3A_792, %add3A, %dma_wait3A_793, %dma_wait3A_794] : memref<200x8x32x8x128xf32, #tpu.memory_space<hbm>> -> memref<1x8x1x8x128xf32, #tpu.memory_space<hbm>>
    %dma_wait3A_796 = tpu.memref_squeeze %dma_wait3A_795 : memref<1x8x1x8x128xf32, #tpu.memory_space<hbm>> -> memref<8x8x128xf32, #tpu.memory_space<hbm>>
    %dma_wait3A_797 = arith.constant 0 : i32
    %dma_wait3A_798 = arith.constant 0 : i32
    %dma_wait3A_799 = arith.constant 0 : i32
    %dma_wait3A_800 = tpu.memref_slice %arg4[%dma_wait3A_787, %dma_wait3A_797, %add3A, %dma_wait3A_798, %dma_wait3A_799] : memref<200x8x32x8x128xf32, #tpu.memory_space<hbm>> -> memref<1x8x1x8x128xf32, #tpu.memory_space<hbm>>
    %dma_wait3A_801 = tpu.memref_squeeze %dma_wait3A_800 : memref<1x8x1x8x128xf32, #tpu.memory_space<hbm>> -> memref<8x8x128xf32, #tpu.memory_space<hbm>>
    %dma_wait3A_802 = arith.constant 0 : i32
    %dma_wait3A_803 = arith.constant 0 : i32
    %dma_wait3A_804 = arith.constant 0 : i32
    %dma_wait3A_805 = tpu.memref_slice %arg15[%dma_wait3A_802, %dma_wait3A_803, %dma_wait3A_804] : memref<8x8x130xf32, #tpu.memory_space<vmem>> -> memref<8x8x128xf32, #tpu.memory_space<vmem>>
    tpu.wait_dma2 semaphore(%arg23 : memref<!tpu.dma_semaphore, #tpu.memory_space<semaphore_mem>>) src(%dma_wait3A_805 : memref<8x8x128xf32, #tpu.memory_space<vmem>>) dst(%dma_wait3A_801 : memref<8x8x128xf32, #tpu.memory_space<hbm>>)
    %dma_wait3A_806 = arith.constant 198 : i32
    %dma_wait3A_807 = arith.constant 0 : i32
    %dma_wait3A_808 = arith.constant 0 : i32
    %dma_wait3A_809 = arith.constant 0 : i32
    %dma_wait3A_810 = tpu.memref_slice %arg16[%dma_wait3A_807, %dma_wait3A_808, %dma_wait3A_809] : memref<8x8x130xf32, #tpu.memory_space<vmem>> -> memref<8x8x128xf32, #tpu.memory_space<vmem>>
    %dma_wait3A_811 = arith.constant 0 : i32
    %dma_wait3A_812 = arith.constant 0 : i32
    %dma_wait3A_813 = arith.constant 0 : i32
    %dma_wait3A_814 = tpu.memref_slice %arg4[%dma_wait3A_806, %dma_wait3A_811, %add3A, %dma_wait3A_812, %dma_wait3A_813] : memref<200x8x32x8x128xf32, #tpu.memory_space<hbm>> -> memref<1x8x1x8x128xf32, #tpu.memory_space<hbm>>
    %dma_wait3A_815 = tpu.memref_squeeze %dma_wait3A_814 : memref<1x8x1x8x128xf32, #tpu.memory_space<hbm>> -> memref<8x8x128xf32, #tpu.memory_space<hbm>>
    %dma_wait3A_816 = arith.constant 0 : i32
    %dma_wait3A_817 = arith.constant 0 : i32
    %dma_wait3A_818 = arith.constant 0 : i32
    %dma_wait3A_819 = tpu.memref_slice %arg4[%dma_wait3A_806, %dma_wait3A_816, %add3A, %dma_wait3A_817, %dma_wait3A_818] : memref<200x8x32x8x128xf32, #tpu.memory_space<hbm>> -> memref<1x8x1x8x128xf32, #tpu.memory_space<hbm>>
    %dma_wait3A_820 = tpu.memref_squeeze %dma_wait3A_819 : memref<1x8x1x8x128xf32, #tpu.memory_space<hbm>> -> memref<8x8x128xf32, #tpu.memory_space<hbm>>
    %dma_wait3A_821 = arith.constant 0 : i32
    %dma_wait3A_822 = arith.constant 0 : i32
    %dma_wait3A_823 = arith.constant 0 : i32
    %dma_wait3A_824 = tpu.memref_slice %arg16[%dma_wait3A_821, %dma_wait3A_822, %dma_wait3A_823] : memref<8x8x130xf32, #tpu.memory_space<vmem>> -> memref<8x8x128xf32, #tpu.memory_space<vmem>>
    tpu.wait_dma2 semaphore(%arg24 : memref<!tpu.dma_semaphore, #tpu.memory_space<semaphore_mem>>) src(%dma_wait3A_824 : memref<8x8x128xf32, #tpu.memory_space<vmem>>) dst(%dma_wait3A_820 : memref<8x8x128xf32, #tpu.memory_space<hbm>>)
    %dma_wait3A_825 = arith.constant 199 : i32
    %dma_wait3A_826 = arith.constant 0 : i32
    %dma_wait3A_827 = arith.constant 0 : i32
    %dma_wait3A_828 = arith.constant 0 : i32
    %dma_wait3A_829 = tpu.memref_slice %arg17[%dma_wait3A_826, %dma_wait3A_827, %dma_wait3A_828] : memref<8x8x130xf32, #tpu.memory_space<vmem>> -> memref<8x8x128xf32, #tpu.memory_space<vmem>>
    %dma_wait3A_830 = arith.constant 0 : i32
    %dma_wait3A_831 = arith.constant 0 : i32
    %dma_wait3A_832 = arith.constant 0 : i32
    %dma_wait3A_833 = tpu.memref_slice %arg4[%dma_wait3A_825, %dma_wait3A_830, %add3A, %dma_wait3A_831, %dma_wait3A_832] : memref<200x8x32x8x128xf32, #tpu.memory_space<hbm>> -> memref<1x8x1x8x128xf32, #tpu.memory_space<hbm>>
    %dma_wait3A_834 = tpu.memref_squeeze %dma_wait3A_833 : memref<1x8x1x8x128xf32, #tpu.memory_space<hbm>> -> memref<8x8x128xf32, #tpu.memory_space<hbm>>
    %dma_wait3A_835 = arith.constant 0 : i32
    %dma_wait3A_836 = arith.constant 0 : i32
    %dma_wait3A_837 = arith.constant 0 : i32
    %dma_wait3A_838 = tpu.memref_slice %arg4[%dma_wait3A_825, %dma_wait3A_835, %add3A, %dma_wait3A_836, %dma_wait3A_837] : memref<200x8x32x8x128xf32, #tpu.memory_space<hbm>> -> memref<1x8x1x8x128xf32, #tpu.memory_space<hbm>>
    %dma_wait3A_839 = tpu.memref_squeeze %dma_wait3A_838 : memref<1x8x1x8x128xf32, #tpu.memory_space<hbm>> -> memref<8x8x128xf32, #tpu.memory_space<hbm>>
    %dma_wait3A_840 = arith.constant 0 : i32
    %dma_wait3A_841 = arith.constant 0 : i32
    %dma_wait3A_842 = arith.constant 0 : i32
    %dma_wait3A_843 = tpu.memref_slice %arg17[%dma_wait3A_840, %dma_wait3A_841, %dma_wait3A_842] : memref<8x8x130xf32, #tpu.memory_space<vmem>> -> memref<8x8x128xf32, #tpu.memory_space<vmem>>
    tpu.wait_dma2 semaphore(%arg25 : memref<!tpu.dma_semaphore, #tpu.memory_space<semaphore_mem>>) src(%dma_wait3A_843 : memref<8x8x128xf32, #tpu.memory_space<vmem>>) dst(%dma_wait3A_839 : memref<8x8x128xf32, #tpu.memory_space<hbm>>)
    return
  }
}

</mosaic_0001>

<sc_bundles>
// kernel: kernel.3.cloned.1.call-start
scs
__scs_entry_jumppad:
0x0: {  	(pc) =	sbr.rel $0x88, $3  }
0x1: {  	(tag) =	ssettag $0x0;
	lr =	simm.s32 $0x1  }
0x2: {  	[smem:$0x3F9F] =	sst lr;
	_ =	strace $0xD0000000  }
0x3: {  	_ = 	snop  }
0x4: {  	_ = 	snop  }
0x5: {  	_ = 	snop  }
0x6: {  	_ = 	snop  }
0x7: {  	_ = 	snop  }
__scs_overlays_trampoline_lowered:
0x8: {  	[smem:$0x3FAE] =	sst s0  }
0x9: {  	[smem:$0x3FAF] =	sst s1  }
0xa: {  	[smem:$0x3FB0] =	sst s2  }
0xb: {  	[smem:$0x3FB1] =	sst s3  }
0xc: {  	[smem:$0x3FB2] =	sst s4  }
0xd: {  	[smem:$0x3FB3] =	sst s5  }
0xe: {  	[smem:$0x3FB4] =	sst s6  }
0xf: {  	[smem:$0x3FB5] =	sst s7  }
0x10: {  	[smem:$0x3FB6] =	sst s8  }
0x11: {  	[smem:$0x3FB7] =	sst s9;
	s0 =	simm.s32 @!p0 $0x0  }
0x12: {  	s1 =	sld [smem:$0x3F9D];
	s0 =	simm.s32 @p0 $0x1  }
0x13: {  	[smem:$0x3FB8] =	sst s0;
	s0 =	simm.s32 @!p1 $0x0  }
0x14: {  	s2 =	sld [smem:$0x3F9C];
	s0 =	simm.s32 @p1 $0x1  }
0x15: {  	[smem:$0x3FB9] =	sst s0;
	s0 =	simm.s32 @!p2 $0x0  }
0x16: {  	s3 =	sld [smem:$0x3FDB];
	s0 =	simm.s32 @p2 $0x1  }
0x17: {  	s4 =	simm.s32 $0x1BF5;
	[smem:$0x3FBB] =	sst s0  }
0x18: {  	s0 =	sld [smem:$0x3F9E];
	_ =	swait.ge [sflag:s4], $0x0  }
0x19: {  	s7 =	sld [smem:$0x3F9F]  }
0x1a: {  	s8 =	sadd.s32 $0xFFFFE003, lr  }
0x1b: {  	s9 =	sadd.s32 $0xFFFFFEF7, lr;
	s5 =	simm.s32 $0xFFFFFFFF;
	p2 =	slt.u32 s8, $0xFFFFF086  }
0x1c: {  	p1 =	slt.u32 s9, $0xF7A;
	s5 =	simm.s32 @!p2 $0x0  }
0x1d: {  	s5 =	simm.s32 @p1 $0x1;
	p0 =	seq.s32 s7, s2  }
0x1e: {  	s7 =	smul.u32 @!p0 $0xF7A, s2;
	p2 =	seq.s32 @!p0 s5, $0x0  }
0x1f: {  	s9 =	smul.u32 $0xF7A, s1;
	s8 =	simm.s32 @!p0 $0x1BF5;
	p2 =	por !p2, p0  }
0x20: {  	[sflag:s8] =	ssyncset.s32 @!p0 $0xFFFFF086;
	s6 =	sadd.s32 @!p0 s3, s7;
	s7 =	simm.s32 @!p0 $0x108  }
0x21: {  	s3 =	sadd.s32 s3, s9;
	s6 =	sadd.s32 @!p0 $0x88, s6;
	s7 =	simm.s32 @p2 $0x1082  }
0x22: {  	[simem:s7], [sflag:s8] =	dma.local @!p0 [hbm:s6], $0xF7A  }
0x23: {  	s9 =	sor.u32 $0xD0000000, s2;
	s6 =	simm.s32 $0x108;
	_ =	swait.ge @!p0 [sflag:s8], $0x0  }
0x24: {  	s3 =	sadd.s32 $0x88, s3;
	s6 =	simm.s32 @!p1 $0x1082;
	[sflag:s4] =	ssyncset.s32 $0xFFFFF086  }
0x25: {  	[simem:s6], [sflag:s4] =	dma.local [hbm:s3], $0xF7A  }
0x26: {  	[smem:$0x3F9F] =	sst s1;
	(tag) =	ssettag s2;
	_ =	strace s9  }
0x27: {  	s1 =	sld [smem:$0x3FAF]  }
0x28: {  	s2 =	sld [smem:$0x3FB0]  }
0x29: {  	s4 =	sld [smem:$0x3FB2]  }
0x2a: {  	p0 =	seq.s32 s5, $0x0;
	s5 =	sld [smem:$0x3FB3]  }
0x2b: {  	s6 =	sld [smem:$0x3FB4]  }
0x2c: {  	s7 =	sld [smem:$0x3FB5]  }
0x2d: {  	s3 =	simm.s32 $0x108;
	s8 =	sld [smem:$0x3FB6]  }
0x2e: {  	s3 =	simm.s32 @!p0 $0x1082;
	s9 =	sld [smem:$0x3FB7]  }
0x2f: {  	lr =	sadd.s32 s0, s3;
	s0 =	sld [smem:$0x3FAE]  }
0x30: {  	s3 =	sld [smem:$0x3FB1]  }
0x31: {  	[smem:$0x3FBA] =	sst s10  }
0x32: {  	s10 =	sld [smem:$0x3FB8];
	_ =	sdelay $0x3  }
0x33: {  	p0 =	seq.s32 s10, $0x1;
	s10 =	sld [smem:$0x3FBA];
	_ =	sdelay $0x3  }
0x34: {  	[smem:$0x3FBA] =	sst s10  }
0x35: {  	s10 =	sld [smem:$0x3FB9];
	_ =	sdelay $0x3  }
0x36: {  	p1 =	seq.s32 s10, $0x1;
	s10 =	sld [smem:$0x3FBA];
	_ =	sdelay $0x3  }
0x37: {  	[smem:$0x3FBA] =	sst s10  }
0x38: {  	s10 =	sld [smem:$0x3FBB]  }
0x39: {  	_ = 	snop;
	(pc) =	sbr.ind lr, $3  }
0x3a: {  	_ = 	snop  }
0x3b: {  	_ = 	snop  }
0x3c: {  	p2 =	seq.s32 s10, $0x1;
	s10 =	sld [smem:$0x3FBA]  }
0x3d: {  	_ =	shalt  }
0x3e: {  	_ =	shalt  }
0x3f: {  	_ =	shalt  }
0x40: {  	_ =	shalt  }
0x41: {  	_ =	shalt  }
0x42: {  	_ =	shalt  }
0x43: {  	_ =	shalt  }
0x44: {  	_ =	shalt  }
0x45: {  	_ =	shalt  }
0x46: {  	_ =	shalt  }
0x47: {  	_ =	shalt  }
0x48: {  	_ =	shalt  }
0x49: {  	_ =	shalt  }
0x4a: {  	_ =	shalt  }
0x4b: {  	_ =	shalt  }
0x4c: {  	_ =	shalt  }
0x4d: {  	_ =	shalt  }
0x4e: {  	_ =	shalt  }
0x4f: {  	_ =	shalt  }
0x50: {  	_ =	shalt  }
0x51: {  	_ =	shalt  }
0x52: {  	_ =	shalt  }
0x53: {  	_ =	shalt  }
0x54: {  	_ =	shalt  }
0x55: {  	_ =	shalt  }
0x56: {  	_ =	shalt  }
0x57: {  	_ =	shalt  }
0x58: {  	_ =	shalt  }
0x59: {  	_ =	shalt  }
0x5a: {  	_ =	shalt  }
0x5b: {  	_ =	shalt  }
0x5c: {  	_ =	shalt  }
0x5d: {  	_ =	shalt  }
0x5e: {  	_ =	shalt  }
0x5f: {  	_ =	shalt  }
0x60: {  	_ =	shalt  }
0x61: {  	_ =	shalt  }
0x62: {  	_ =	shalt  }
0x63: {  	_ =	shalt  }
0x64: {  	_ =	shalt  }
0x65: {  	_ =	shalt  }
0x66: {  	_ =	shalt  }
0x67: {  	_ =	shalt  }
0x68: {  	_ =	shalt  }
0x69: {  	_ =	shalt  }
0x6a: {  	_ =	shalt  }
0x6b: {  	_ =	shalt  }
0x6c: {  	_ =	shalt  }
0x6d: {  	_ =	shalt  }
0x6e: {  	_ =	shalt  }
0x6f: {  	_ =	shalt  }
0x70: {  	_ =	shalt  }
0x71: {  	_ =	shalt  }
0x72: {  	_ =	shalt  }
0x73: {  	_ =	shalt  }
0x74: {  	_ =	shalt  }
0x75: {  	_ =	shalt  }
0x76: {  	_ =	shalt  }
0x77: {  	_ =	shalt  }
0x78: {  	_ =	shalt  }
0x79: {  	_ =	shalt  }
0x7a: {  	_ =	shalt  }
0x7b: {  	_ =	shalt  }
0x7c: {  	_ =	shalt  }
0x7d: {  	_ =	shalt  }
0x7e: {  	_ =	shalt  }
0x7f: {  	_ =	shalt  }
0x80: {  	_ =	shalt  }
0x81: {  	_ =	shalt  }
0x82: {  	_ =	shalt  }
0x83: {  	_ =	shalt  }
0x84: {  	_ =	shalt  }
0x85: {  	_ =	shalt  }
0x86: {  	_ =	shalt  }
0x87: {  	_ =	shalt  }
.Lfunc_end0:
.L_simem_size_0:
called_computation_lowered:
.L_overlay_start_0:
0x88: {  	s2 =	sld [smem:$0x3FD9]  }
0x89: {  	s3 =	sld [smem:$0x3FFE];
	_ =	sdelay $0x1  }
0x8a: {  	s1 =	srdreg.scid  }
0x8b: {  	s0 =	sand.u32 $0x1, s1  }
0x8c: {  	s17 =	sshll.u32 s0, $0xA;
	s2 =	sadd.s32 s3, s2  }
0x8d: {  	s2 =	sadd.s32 s2, s17  }
0x8e: {  	[smem:$0x3FC6] =	sst s2  }
0x8f: {  	_ = 	snop  }
0x90: {  	s2 =	sld [smem:$0x3FC9]  }
0x91: {  	s18 =	sld [smem:$0x3FD0];
	(tm) =	ssettm $0x1  }
0x92: {  	s4 =	sld [smem:$0x3FFB];
	_ =	sdelay $0x3  }
0x93: {  	_ =	strace s4  }
0x94: {  	s4 =	sld [smem:$0x3FFC];
	_ =	sdelay $0x3  }
0x95: {  	_ =	strace s4  }
0x96: {  	s4 =	sld [smem:$0x3FFD];
	_ =	sdelay $0x3  }
0x97: {  	_ =	strace s4  }
0x98: {  	_ =	strace $0x8FFFFFFF  }
0x99: {  	s19 =	sld [smem:$0x3FDB];
	_ =	sdelay $0x1  }
0x9a: {  	s5 =	simm.s32 $_scs_section_size  }
0x9b: {  	s6 =	simm.s32 $_size__tile_overlayer_lowered;
	s7 =	simm.s32 $_tile_overlayer_lowered  }
0x9c: {  	s22 =	simm.s32 $0x1BFF;
	s21 =	sshll.u32 s7, $0x1;
	s4 =	sadd.s32 s5, s19  }
0x9d: {  	s8 =	simm.s32 $0x0;
	s20 =	sshll.u32 s6, $0x1;
	s6 =	sadd.s32 s21, s4  }
0x9e: {  	[timem:s8], [sflag:s22] =	dma.local [hbm:s6], s20  }
0x9f: {  	_ =	swait.ge [sflag:s22], s20  }
0xa0: {  	s5 =	ssub.s32 $0x0, s20;
	[sflag:s22] =	ssyncset.done $0x0  }
0xa1: {  	[sflag:s22] =	ssyncadd.s32 s5;
	_ =	sdelay $0x1  }
0xa2: {  	s23 =	simm.s32 $0x1B8B  }
0xa3: {  	_ =	swait.ge [sflag:s23], $0x1  }
0xa4: {  	[sflag:s23] =	ssyncset.done $0x0  }
0xa5: {  	s25 =	simm.s32 $0x1B8E;
	s24 =	sld [smem:$0x3FFE];
	[sflag:s23] =	ssyncadd.s32 $0xFFFFFFFF  }
0xa6: {  	s26 =	simm.s32 $execute0_lowered;
	[smem:$0x3FD2] =	sst s25  }
0xa7: {  	s6 =	sshll.u32 s26, $0x1;
	_ =	strace $0x80000046;
	[dreg:$0x1] =	wrdreg $0xFFFFFFFF  }
0xa8: {  	s28 =	simm.s32 $_size_execute0_lowered;
	s4 =	sadd.s32 s4, s6;
	[dreg:$0x0] =	wrdreg $0x0  }
0xa9: {  	s6 =	sshll.u32 s28, $0x1;
	[dreg:$0x2] =	wrdreg s4  }
0xaa: {  	[dreg:$0x3] =	wrdreg s6  }
0xab: {  	[dreg:$0x4] =	wrdreg $0xC0  }
0xac: {  	_ =	task [dreg:s8], $0x5FFFF  }
0xad: {  	[dreg:$0x1] =	wrdreg $0xFFFFFFFF  }
0xae: {  	[dreg:$0x0] =	wrdreg $0x60  }
0xaf: {  	[dreg:$0x2] =	wrdreg s2  }
0xb0: {  	[dreg:$0x3] =	wrdreg s24  }
0xb1: {  	[dreg:$0x4] =	wrdreg s18  }
0xb2: {  	[dreg:$0x5] =	wrdreg $0x9  }
0xb3: {  	_ =	task.clear_ibuf [dreg:s8], $0x6FFFF;
	_ =	strace $0x90000046  }
0xb4: {  	s29 =	simm.s32 $0x9;
	_ =	strace $0x80000048  }
0xb5: {  	_ =	swait.ge [sflag:s29], $0x1  }
0xb6: {  	[sflag:s29] =	ssyncadd.s32 $0xFFFFFFFF  }
0xb7: {  	_ =	strace $0x90000048  }
0xb8: {  	_ =	sfence  }
0xb9: {  	s30 =	sld [smem:$0x0];
	_ =	sdelay $0x2  }
0xba: {  	s31 =	sshll.u32 s1, $0xD;
	s1 =	sshrl.u32 s1, $0x2  }
0xbb: {  	s3 =	sand.u32 $0x4000, s31;
	s1 =	sadd.s32 s1, s30  }
0xbc: {  	s0 =	sor.u32 s3, s0;
	s1 =	sshll.u32 s1, $0x11  }
0xbd: {  	s0 =	sor.u32 s1, s0  }
0xbe: {  	s0 =	sadd.s32 $0x8F2B, s0  }
0xbf: {  	[sflag:s0] =	ssyncadd.remote.s32 $0x1  }
0xc0: {  	_ =	sfence.sel $0xFFFF  }
0xc1: {  	[dreg:$0x0] =	wrdreg $0xFFFFFFFF;
	(pc) =	sbr.abs _section_cstart, $3  }
0xc2: {  	[dreg:$0x1] =	wrdreg $0xFFFFFFFF  }
0xc3: {  	_ =	task.clear_ibuf [dreg:s8], $0x2FFFF;
	_ =	strace $0x9FFFFFFF  }
0xc4: {  	(tm) =	ssettm $0x7FFFFFFF  }
0xc5: {  	_ =	shalt  }
tec
execute0_lowered:
.L_overlay_start_1:
0x0: {  	(tag) =	ssettag $0x1  }
0x1: {  	s0 =	rddreg [dreg:$0x0]  }
0x2: {  	s1 =	rddreg [dreg:$0x1]  }
0x3: {  	s10 =	rddreg [dreg:$0x2];
	s2 =	srdreg.scid;
	s3 =	simm.s32 $0x0  }
0x4: {  	s4 =	stileid.u32;
	s18 =	simm.s32 $0x80;
	s20 =	simm.s32 $0x6600  }
0x5: {  	s28 =	simm.s32 $0x1;
	s29 =	simm.s32 $0xE600;
	s30 =	simm.s32 $0x2  }
0x6: {  	s31 =	simm.s32 $0x10800;
	s15 =	simm.s32 $0x4;
	s16 =	simm.s32 $0x14C00  }
0x7: {  	s2 =	sand.u32 $0x1, s2;
	[smem:$0x7FF] =	sst s3;
	s4 =	sshll.u32 s4, $0xB  }
0x8: {  	s7 =	sadd.s32 $0x8000, s10;
	s8 =	sadd.s32 $0x10000, s10;
	s5 =	sshll.u32 s2, $0xA  }
0x9: {  	s9 =	sadd.s32 $0x18000, s10;
	s2 =	ssub.s32 $0x2, s2;
	s4 =	sor.u32 s5, s4  }
0xa: {  	_ =	strace $0x80000047;
	s21 =	sshrl.u32 s2, $0x1;
	s6 =	sshrl.u32 s4, $0x3  }
0xb: {  	s5 =	sadd.s32 $0x400, s1;
	s1 =	ssub.s32 s2, s21;
	s0 =	sadd.s32 s0, s6  }
0xc: {  	s22 =	sadd.s32 s6, s10;
	s26 =	smax.u32 s1, $0x1;
	[dreg:$0x4] =	wrdreg s0  }
0xd: {  	s21 =	simm.s32 $0x6480;
	s23 =	sadd.s32 $0x620000, s22;
	[dreg:$0x9] =	wrdreg s26  }
0xe: {  	s1 =	simm.s32 $0x12A00;
	s24 =	sadd.s32 $0x628000, s22;
	[dreg:$0x5] =	wrdreg s23  }
0xf: {  	v0 =	vlaneseq.u32;
	s10 =	simm.s32 $0x0;
	s25 =	sadd.s32 $0x630000, s22;
	[dreg:$0x6] =	wrdreg s24  }
0x10: {  	v0 =	vmul.u32 $0x88, v0;
	s0 =	sadd.s32 $0x638000, s22;
	s22 =	simm.s32 $0x8600;
	[dreg:$0x7] =	wrdreg s25  }
0x11: {  	s26 =	simm.s32 $0xC600;
	[dreg:$0x8] =	wrdreg s0;
	s23 =	simm.s32 $0x6500  }
0x12: {  	v1 =	vadd.s32 $0x880, v0;
	v2 =	vadd.s32 $0x1100, v0;
	v3 =	vadd.s32 $0x1980, v0;
	s24 =	simm.s32 $0xA600;
	s25 =	simm.s32 $0x6580;
	s0 =	simm.s32 $0x3  }
.LBB2_1:
0x13: {  	[dreg:$0xa] =	wrdreg s10  }
0x14: {  	s2 =	rddreg [dreg:$0x4]  }
0x15: {  	s6 =	simm.s32 $0x400;
	s14 =	simm.s32 $0x8000;
	s17 =	simm.s32 $0x9  }
0x16: {  	[tilespmem:s3], [sflag:$0x9] =	stream.strided.gather [hbm4b:s2+s6], $0x6400, s14, s6, $0x38;
	[tilespmem:$0x16E00] =	vst v63  }
0x17: {  	_ =	swait.ge [sflag:s17], $0x6400  }
0x18: {  	[sflag:s17] =	ssyncset.done $0x0  }
0x19: {  	[sflag:s17] =	ssyncadd.s32 $0xFFFF9C00  }
0x1a: {  	v4 =	vld [tilespmem:$0x0]  }
0x1b: {  	v5 =	vld [tilespmem:$0x10]  }
0x1c: {  	v6 =	vld [tilespmem:$0x20]  }
0x1d: {  	v7 =	vld [tilespmem:$0x30]  }
0x1e: {  	v8 =	vld [tilespmem:$0x40]  }
0x1f: {  	v9 =	vld [tilespmem:$0x50];
	v4 =	vshll.u32 v4, $0x1  }
0x20: {  	[tilespmem:$0x6400] =	vst v4;
	v4 =	vshll.u32 v5, $0x1;
	v5 =	vld [tilespmem:$0x60]  }
0x21: {  	v48 =	vld [tilespmem:$0x70];
	[tilespmem:$0x6410] =	vst v4;
	v4 =	vshll.u32 v6, $0x1  }
0x22: {  	[tilespmem:$0x6420] =	vst v4;
	v4 =	vshll.u32 v7, $0x1  }
0x23: {  	[tilespmem:$0x6430] =	vst v4;
	v4 =	vshll.u32 v8, $0x1  }
0x24: {  	[tilespmem:$0x6440] =	vst v4;
	v4 =	vshll.u32 v9, $0x1  }
0x25: {  	[tilespmem:$0x6450] =	vst v4;
	v4 =	vshll.u32 v5, $0x1  }
0x26: {  	[tilespmem:$0x6460] =	vst v4;
	v4 =	vshll.u32 v48, $0x1  }
0x27: {  	s19 =	simm.s32 $0x6400;
	[tilespmem:$0x6470] =	vst v4  }
0x28: {  	[tilespmem:s20], [sflag:$0x1] =	stream.indirect.gather [hbm4b:s5+s18], $0x40, s19, s18, $0xb8;
	[tilespmem:$0x16E00] =	vst v63  }
0x29: {  	v4 =	vld [tilespmem:$0x80]  }
0x2a: {  	v5 =	vld [tilespmem:$0x90]  }
0x2b: {  	v49 =	vld [tilespmem:$0xA0]  }
0x2c: {  	v50 =	vld [tilespmem:$0xB0]  }
0x2d: {  	v51 =	vld [tilespmem:$0xC0]  }
0x2e: {  	v52 =	vld [tilespmem:$0xD0];
	v4 =	vshll.u32 v4, $0x1  }
0x2f: {  	[tilespmem:$0x6480] =	vst v4;
	v4 =	vshll.u32 v5, $0x1;
	v5 =	vld [tilespmem:$0xE0]  }
0x30: {  	v53 =	vld [tilespmem:$0xF0];
	[tilespmem:$0x6490] =	vst v4;
	v4 =	vshll.u32 v49, $0x1  }
0x31: {  	[tilespmem:$0x64A0] =	vst v4;
	v4 =	vshll.u32 v50, $0x1  }
0x32: {  	[tilespmem:$0x64B0] =	vst v4;
	v4 =	vshll.u32 v51, $0x1  }
0x33: {  	[tilespmem:$0x64C0] =	vst v4;
	v4 =	vshll.u32 v52, $0x1  }
0x34: {  	[tilespmem:$0x64D0] =	vst v4;
	v4 =	vshll.u32 v5, $0x1  }
0x35: {  	[tilespmem:$0x64E0] =	vst v4;
	v4 =	vshll.u32 v53, $0x1  }
0x36: {  	[tilespmem:$0x64F0] =	vst v4  }
0x37: {  	[tilespmem:s22], [sflag:$0x2] =	stream.indirect.gather [hbm4b:s5+s18], $0x40, s21, s18, $0xb8;
	[tilespmem:$0x16E00] =	vst v63  }
0x38: {  	v4 =	vld [tilespmem:$0x100]  }
0x39: {  	v5 =	vld [tilespmem:$0x110]  }
0x3a: {  	v54 =	vld [tilespmem:$0x120]  }
0x3b: {  	v55 =	vld [tilespmem:$0x130]  }
0x3c: {  	v56 =	vld [tilespmem:$0x140]  }
0x3d: {  	v57 =	vld [tilespmem:$0x150];
	v4 =	vshll.u32 v4, $0x1  }
0x3e: {  	[tilespmem:$0x6500] =	vst v4;
	v4 =	vshll.u32 v5, $0x1;
	v5 =	vld [tilespmem:$0x160]  }
0x3f: {  	v58 =	vld [tilespmem:$0x170];
	[tilespmem:$0x6510] =	vst v4;
	v4 =	vshll.u32 v54, $0x1  }
0x40: {  	[tilespmem:$0x6520] =	vst v4;
	v4 =	vshll.u32 v55, $0x1  }
0x41: {  	[tilespmem:$0x6530] =	vst v4;
	v4 =	vshll.u32 v56, $0x1  }
0x42: {  	[tilespmem:$0x6540] =	vst v4;
	v4 =	vshll.u32 v57, $0x1  }
0x43: {  	[tilespmem:$0x6550] =	vst v4;
	v4 =	vshll.u32 v5, $0x1  }
0x44: {  	[tilespmem:$0x6560] =	vst v4;
	v4 =	vshll.u32 v58, $0x1  }
0x45: {  	[tilespmem:$0x6570] =	vst v4  }
0x46: {  	[tilespmem:s24], [sflag:$0x3] =	stream.indirect.gather [hbm4b:s5+s18], $0x40, s23, s18, $0xb8;
	[tilespmem:$0x16E00] =	vst v63  }
0x47: {  	v4 =	vld [tilespmem:$0x180]  }
0x48: {  	v5 =	vld [tilespmem:$0x190]  }
0x49: {  	v59 =	vld [tilespmem:$0x1A0]  }
0x4a: {  	v60 =	vld [tilespmem:$0x1B0]  }
0x4b: {  	v61 =	vld [tilespmem:$0x1C0]  }
0x4c: {  	v62 =	vld [tilespmem:$0x1D0];
	v4 =	vshll.u32 v4, $0x1  }
0x4d: {  	[tilespmem:$0x6580] =	vst v4;
	v4 =	vshll.u32 v5, $0x1;
	v5 =	vld [tilespmem:$0x1E0]  }
0x4e: {  	v63 =	vld [tilespmem:$0x1F0];
	[tilespmem:$0x6590] =	vst v4;
	v4 =	vshll.u32 v59, $0x1  }
0x4f: {  	[tilespmem:$0x65A0] =	vst v4;
	v4 =	vshll.u32 v60, $0x1  }
0x50: {  	[tilespmem:$0x65B0] =	vst v4;
	v4 =	vshll.u32 v61, $0x1  }
0x51: {  	[tilespmem:$0x65C0] =	vst v4;
	v4 =	vshll.u32 v62, $0x1  }
0x52: {  	[tilespmem:$0x65D0] =	vst v4;
	v4 =	vshll.u32 v5, $0x1  }
0x53: {  	[tilespmem:$0x65E0] =	vst v4;
	v4 =	vshll.u32 v63, $0x1  }
0x54: {  	s17 =	simm.s32 $0x0;
	[tilespmem:$0x65F0] =	vst v4  }
0x55: {  	[tilespmem:s26], [sflag:$0x4] =	stream.indirect.gather [hbm4b:s5+s18], $0x40, s25, s18, $0xb8;
	[tilespmem:$0x16E00] =	vst v63  }
.LBB2_2:
0x56: {  	p0 =	seq.s32 s17, $0x0  }
0x57: {  	s2 =	simm.s32 @!p0 $0x5  }
0x58: {  	_ =	swait.ge @!p0 [sflag:s2], $0x2000  }
0x59: {  	[sflag:s2] =	ssyncset.done @!p0 $0x0  }
0x5a: {  	[sflag:s2] =	ssyncadd.s32 @!p0 $0xFFFFE000  }
0x5b: {  	s19 =	simm.s32 $0x3;
	_ =	swait.ge [sflag:s28], $0x2000  }
0x5c: {  	s6 =	simm.s32 $0x0;
	v4 =	vmov s19;
	[sflag:s28] =	ssyncset.done $0x0  }
0x5d: {  	s10 =	simm.s32 $0x6680;
	s11 =	simm.s32 $0x1;
	v5 =	vand.u32 $0x7F, v4;
	v4 =	vmov s6;
	[sflag:s28] =	ssyncadd.s32 $0xFFFFE000  }
0x5e: {  	v8 =	vadd.s32 v0, v5;
	v6 =	vand.u32 $0x7C, v4;
	v4 =	vmov s11;
	v7 =	vld [tilespmem:s10+$0x40]  }
0x5f: {  	v10 =	vadd.s32 v0, v6;
	v11 =	vand.u32 $0x7D, v4;
	v9 =	vld [tilespmem:s10+$0xFFFFFF80]  }
0x60: {  	s12 =	simm.s32 $0x2;
	v12 =	vadd.s32 v0, v11;
	v4 =	vld [tilespmem:s10+$0xFFFFFFC0]  }
0x61: {  	v13 =	vmov s12  }
0x62: {  	v13 =	vand.u32 $0x7E, v13  }
0x63: {  	v15 =	vadd.s32 v0, v13;
	v14 =	vld [tilespmem:s10+$0x0];
	[tilespmem:v8+s29+$0x0] =	vst.idx.msk $0xffff, v7  }
0x64: {  	v8 =	vadd.s32 v1, v5;
	[tilespmem:v10+s29+$0x0] =	vst.idx.msk $0xffff, v9;
	v7 =	vld [tilespmem:s10+$0x50]  }
0x65: {  	v10 =	vadd.s32 v1, v6;
	[tilespmem:v12+s29+$0x0] =	vst.idx.msk $0xffff, v4;
	v9 =	vld [tilespmem:s10+$0xFFFFFF90]  }
0x66: {  	v12 =	vadd.s32 v1, v11;
	v4 =	vld [tilespmem:s10+$0xFFFFFFD0];
	_ =	sdelay $0x1  }
0x67: {  	[tilespmem:v15+s29+$0x0] =	vst.idx.msk $0xffff, v14  }
0x68: {  	v16 =	vadd.s32 v1, v13;
	v15 =	vld [tilespmem:s10+$0x10];
	[tilespmem:v8+s29+$0x0] =	vst.idx.msk $0xffff, v7  }
0x69: {  	s13 =	simm.s32 $0x7;
	v14 =	vadd.s32 v2, v5;
	[tilespmem:v10+s29+$0x0] =	vst.idx.msk $0xffff, v9;
	v7 =	vld [tilespmem:s10+$0x60]  }
0x6a: {  	s6 =	simm.s32 $0x4;
	v10 =	vadd.s32 v2, v6;
	v8 =	vmov s13;
	[tilespmem:v12+s29+$0x0] =	vst.idx.msk $0xffff, v4;
	v9 =	vld [tilespmem:s10+$0xFFFFFFA0]  }
0x6b: {  	v17 =	vadd.s32 v2, v11;
	v4 =	vmov s6;
	s6 =	simm.s32 $0x6780;
	v8 =	vand.u32 $0x7F, v8;
	v12 =	vld [tilespmem:s10+$0xFFFFFFE0]  }
0x6c: {  	v18 =	vld [tilespmem:s6+$0x40];
	v19 =	vadd.s32 v0, v8  }
0x6d: {  	s14 =	simm.s32 $0x5;
	[tilespmem:v16+s29+$0x0] =	vst.idx.msk $0xffff, v15  }
0x6e: {  	v22 =	vmov s14;
	v4 =	vand.u32 $0x7C, v4;
	[tilespmem:v14+s29+$0x0] =	vst.idx.msk $0xffff, v7  }
0x6f: {  	s19 =	simm.s32 $0x6;
	v20 =	vld [tilespmem:s6+$0xFFFFFF80];
	v21 =	vadd.s32 v0, v4;
	v7 =	vand.u32 $0x7D, v22;
	[tilespmem:v10+s29+$0x0] =	vst.idx.msk $0xffff, v9  }
0x70: {  	v14 =	vmov s19;
	v9 =	vld [tilespmem:s6+$0xFFFFFFC0];
	[tilespmem:v17+s29+$0x0] =	vst.idx.msk $0xffff, v12;
	v10 =	vadd.s32 v0, v7  }
0x71: {  	v16 =	vadd.s32 v3, v5;
	v12 =	vld [tilespmem:s10+$0x20];
	v5 =	vand.u32 $0x7E, v14;
	[tilespmem:v19+s29+$0x0] =	vst.idx.msk $0xffff, v18;
	v18 =	vadd.s32 v2, v13  }
0x72: {  	v14 =	vld [tilespmem:s6+$0x0];
	v63 =	vadd.s32 v0, v5  }
0x73: {  	v15 =	vld [tilespmem:s10+$0x70]  }
0x74: {  	[tilespmem:v21+s29+$0x0] =	vst.idx.msk $0xffff, v20;
	v20 =	vadd.s32 v1, v8;
	v19 =	vld [tilespmem:s6+$0x50]  }
0x75: {  	v23 =	vadd.s32 v1, v4;
	v21 =	vld [tilespmem:s6+$0xFFFFFF90];
	[tilespmem:v10+s29+$0x0] =	vst.idx.msk $0xffff, v9  }
0x76: {  	v25 =	vadd.s32 v3, v11;
	v24 =	vld [tilespmem:s10+$0xFFFFFFF0];
	[tilespmem:v18+s29+$0x0] =	vst.idx.msk $0xffff, v12  }
0x77: {  	v18 =	vadd.s32 v1, v7;
	v17 =	vld [tilespmem:s6+$0xFFFFFFD0];
	[tilespmem:v63+s29+$0x0] =	vst.idx.msk $0xffff, v14  }
0x78: {  	[tilespmem:v16+s29+$0x0] =	vst.idx.msk $0xffff, v15;
	v16 =	vadd.s32 v1, v5;
	v15 =	vld [tilespmem:s6+$0x10]  }
0x79: {  	[tilespmem:v20+s29+$0x0] =	vst.idx.msk $0xffff, v19;
	v11 =	vld [tilespmem:s10+$0x30];
	v14 =	vadd.s32 v3, v13  }
0x7a: {  	v12 =	vadd.s32 v2, v8;
	[tilespmem:v23+s29+$0x0] =	vst.idx.msk $0xffff, v21;
	v9 =	vld [tilespmem:s6+$0x60]  }
0x7b: {  	s12 =	simm.s32 $0xC;
	s11 =	simm.s32 $0x8;
	s13 =	simm.s32 $0xB;
	[tilespmem:v25+s29+$0x0] =	vst.idx.msk $0xffff, v24;
	v13 =	vadd.s32 v2, v4;
	v10 =	vld [tilespmem:s6+$0xFFFFFFA0]  }
.LBB2_3:
0x7c: {  	p1 =	slt.u32 s12, $0x7C;
	v19 =	vmov s13;
	[tilespmem:v18+s29+$0x0] =	vst.idx.msk $0xffff, v17;
	v17 =	vld [tilespmem:s10+$0xFFFFFFB0];
	v18 =	vadd.s32 v3, v6;
	v6 =	vmov v4;
	s10 =	smov.u32 s6  }
0x7d: {  	v4 =	vmov s11;
	v21 =	vadd.s32 v2, v7;
	s6 =	sadd.s32 $0x100, s6;
	v19 =	vand.u32 $0x7F, v19;
	v20 =	vld [tilespmem:s10+$0xFFFFFFE0];
	[tilespmem:v16+s29+$0x0] =	vst.idx.msk $0xffff, v15  }
0x7e: {  	s2 =	sadd.s32 $0x1, s11;
	v4 =	vand.u32 $0x7C, v4;
	v15 =	vld [tilespmem:s6+$0x40];
	v16 =	vadd.s32 v0, v19;
	[tilespmem:v14+s29+$0x0] =	vst.idx.msk $0xffff, v11  }
0x7f: {  	v22 =	vmov s2;
	s2 =	sadd.s32 $0x2, s11;
	s11 =	smov.u32 s12;
	v14 =	vadd.s32 v0, v4;
	v11 =	vld [tilespmem:s6+$0xFFFFFF80];
	[tilespmem:v12+s29+$0x0] =	vst.idx.msk $0xffff, v9  }
0x80: {  	v9 =	vand.u32 $0x7D, v22;
	v12 =	vmov s2;
	[tilespmem:v13+s29+$0x0] =	vst.idx.msk $0xffff, v10;
	v10 =	vld [tilespmem:s10+$0x70];
	v13 =	vadd.s32 v3, v8;
	v8 =	vmovc v19  }
0x81: {  	v22 =	vadd.s32 v0, v9;
	v12 =	vand.u32 $0x7E, v12;
	v19 =	vld [tilespmem:s6+$0xFFFFFFC0];
	[tilespmem:v18+s29+$0x0] =	vst.idx.msk $0xffff, v17  }
0x82: {  	v24 =	vadd.s32 v0, v12;
	v23 =	vld [tilespmem:s6+$0x0];
	[tilespmem:v21+s29+$0x0] =	vst.idx.msk $0xffff, v20  }
0x83: {  	v21 =	vadd.s32 v2, v5;
	[tilespmem:v16+s29+$0x0] =	vst.idx.msk $0xffff, v15;
	v20 =	vld [tilespmem:s10+$0x20]  }
0x84: {  	[tilespmem:v14+s29+$0x0] =	vst.idx.msk $0xffff, v11;
	v11 =	vld [tilespmem:s6+$0x50];
	v14 =	vadd.s32 v1, v8  }
0x85: {  	v26 =	vadd.s32 v1, v4;
	v25 =	vld [tilespmem:s6+$0xFFFFFF90];
	[tilespmem:v13+s29+$0x0] =	vst.idx.msk $0xffff, v10  }
0x86: {  	[tilespmem:v22+s29+$0x0] =	vst.idx.msk $0xffff, v19;
	v19 =	vld [tilespmem:s10+$0xFFFFFFF0];
	v22 =	vadd.s32 v3, v7;
	v7 =	vmov v9  }
.Ltmp0:
0x87: {  	v17 =	vld [tilespmem:s6+$0xFFFFFFD0];
	v18 =	vadd.s32 v1, v7;
	[tilespmem:v24+s29+$0x0] =	vst.idx.msk $0xffff, v23;
	(pc) =	sbr.rel @p1 .LBB2_3-.Ltmp0, $4  }
0x88: {  	v16 =	vadd.s32 v1, v12;
	v15 =	vld [tilespmem:s6+$0x10];
	[tilespmem:v21+s29+$0x0] =	vst.idx.msk $0xffff, v20  }
0x89: {  	[tilespmem:v14+s29+$0x0] =	vst.idx.msk $0xffff, v11;
	v11 =	vld [tilespmem:s10+$0x30];
	v14 =	vadd.s32 v3, v5;
	v5 =	vmov v12  }
0x8a: {  	v12 =	vadd.s32 v2, v8;
	[tilespmem:v26+s29+$0x0] =	vst.idx.msk $0xffff, v25;
	v9 =	vld [tilespmem:s6+$0x60]  }
0x8b: {  	s12 =	sadd.s32 $0x4, s12;
	s13 =	sadd.s32 $0x3, s11;
	v13 =	vadd.s32 v2, v4;
	v10 =	vld [tilespmem:s6+$0xFFFFFFA0];
	[tilespmem:v22+s29+$0x0] =	vst.idx.msk $0xffff, v19  }
0x8c: {  	_ =	sdelay $0x2  }
0x8d: {  	v19 =	vmov s13  }
0x8e: {  	s2 =	sadd.s32 $0x1, s11;
	[tilespmem:v18+s29+$0x0] =	vst.idx.msk $0xffff, v17;
	v30 =	vld [tilespmem:s10+$0xFFFFFFB0];
	v6 =	vadd.s32 v3, v6;
	s12 =	sadd.s32 $0x100, s6;
	v21 =	vmov s11;
	v31 =	vand.u32 $0x7F, v19  }
0x8f: {  	s13 =	sadd.s32 $0x2, s11;
	v32 =	vmov s2;
	[tilespmem:v16+s29+$0x0] =	vst.idx.msk $0xffff, v15;
	v33 =	vld [tilespmem:s12+$0x40];
	v21 =	vand.u32 $0x7C, v21;
	v34 =	vadd.s32 v0, v31  }
0x90: {  	v20 =	vmov s13;
	v22 =	vld [tilespmem:s12+$0xFFFFFF80];
	v19 =	vand.u32 $0x7D, v32;
	[tilespmem:v14+s29+$0x0] =	vst.idx.msk $0xffff, v11;
	v39 =	vadd.s32 v0, v21  }
0x91: {  	v35 =	vld [tilespmem:s12+$0xFFFFFFC0];
	v20 =	vand.u32 $0x7E, v20;
	v36 =	vadd.s32 v0, v19;
	[tilespmem:v12+s29+$0x0] =	vst.idx.msk $0xffff, v9  }
0x92: {  	v37 =	vld [tilespmem:s12+$0x0];
	v38 =	vadd.s32 v0, v20;
	[tilespmem:v13+s29+$0x0] =	vst.idx.msk $0xffff, v10  }
0x93: {  	v41 =	vadd.s32 v2, v7;
	v40 =	vld [tilespmem:s6+$0xFFFFFFE0];
	[tilespmem:v6+s29+$0x0] =	vst.idx.msk $0xffff, v30  }
0x94: {  	v49 =	vadd.s32 v2, v5;
	v48 =	vld [tilespmem:s6+$0x20];
	[tilespmem:v34+s29+$0x0] =	vst.idx.msk $0xffff, v33  }
0x95: {  	v43 =	vadd.s32 v1, v31;
	[tilespmem:v39+s29+$0x0] =	vst.idx.msk $0xffff, v22;
	v15 =	vld [tilespmem:s12+$0x50]  }
0x96: {  	v47 =	vadd.s32 v1, v21;
	[tilespmem:v36+s29+$0x0] =	vst.idx.msk $0xffff, v35;
	v46 =	vld [tilespmem:s12+$0xFFFFFF90]  }
0x97: {  	v44 =	vadd.s32 v1, v19;
	[tilespmem:v38+s29+$0x0] =	vst.idx.msk $0xffff, v37;
	v11 =	vld [tilespmem:s12+$0xFFFFFFD0]  }
0x98: {  	v45 =	vadd.s32 v1, v20;
	[tilespmem:v41+s29+$0x0] =	vst.idx.msk $0xffff, v40;
	v9 =	vld [tilespmem:s12+$0x10]  }
0x99: {  	v8 =	vadd.s32 v3, v8;
	v42 =	vld [tilespmem:s6+$0x70];
	[tilespmem:v49+s29+$0x0] =	vst.idx.msk $0xffff, v48  }
0x9a: {  	v5 =	vadd.s32 v3, v5;
	v13 =	vld [tilespmem:s6+$0x30];
	[tilespmem:v43+s29+$0x0] =	vst.idx.msk $0xffff, v15  }
0x9b: {  	v52 =	vadd.s32 v2, v31;
	[tilespmem:v47+s29+$0x0] =	vst.idx.msk $0xffff, v46;
	v15 =	vld [tilespmem:s12+$0x60]  }
0x9c: {  	v57 =	vadd.s32 v2, v21;
	[tilespmem:v44+s29+$0x0] =	vst.idx.msk $0xffff, v11;
	v56 =	vld [tilespmem:s12+$0xFFFFFFA0]  }
0x9d: {  	v53 =	vadd.s32 v2, v19;
	[tilespmem:v45+s29+$0x0] =	vst.idx.msk $0xffff, v9;
	v11 =	vld [tilespmem:s12+$0xFFFFFFE0]  }
0x9e: {  	v55 =	vadd.s32 v2, v20;
	[tilespmem:v8+s29+$0x0] =	vst.idx.msk $0xffff, v42;
	v54 =	vld [tilespmem:s12+$0x20]  }
0x9f: {  	v4 =	vadd.s32 v3, v4;
	v58 =	vld [tilespmem:s6+$0xFFFFFFB0];
	[tilespmem:v5+s29+$0x0] =	vst.idx.msk $0xffff, v13  }
0xa0: {  	v51 =	vadd.s32 v3, v7;
	v50 =	vld [tilespmem:s6+$0xFFFFFFF0];
	[tilespmem:v52+s29+$0x0] =	vst.idx.msk $0xffff, v15  }
0xa1: {  	v60 =	vadd.s32 v3, v31;
	[tilespmem:v57+s29+$0x0] =	vst.idx.msk $0xffff, v56;
	v59 =	vld [tilespmem:s12+$0x70]  }
0xa2: {  	v63 =	vadd.s32 v3, v21;
	[tilespmem:v53+s29+$0x0] =	vst.idx.msk $0xffff, v11;
	v5 =	vld [tilespmem:s12+$0xFFFFFFB0]  }
0xa3: {  	v61 =	vadd.s32 v3, v19;
	[tilespmem:v55+s29+$0x0] =	vst.idx.msk $0xffff, v54;
	v11 =	vld [tilespmem:s12+$0xFFFFFFF0]  }
0xa4: {  	v62 =	vadd.s32 v3, v20;
	[tilespmem:v4+s29+$0x0] =	vst.idx.msk $0xffff, v58;
	v6 =	vld [tilespmem:s12+$0x30]  }
0xa5: {  	[tilespmem:v51+s29+$0x0] =	vst.idx.msk $0xffff, v50  }
0xa6: {  	s14 =	sshll.u32 s17, $0x14;
	[tilespmem:v60+s29+$0x0] =	vst.idx.msk $0xffff, v59  }
0xa7: {  	s2 =	sor.u32 s4, s14;
	[tilespmem:v63+s29+$0x0] =	vst.idx.msk $0xffff, v5  }
0xa8: {  	s19 =	rddreg [dreg:$0x2];
	s14 =	sshrl.u32 s2, $0x3;
	[tilespmem:v61+s29+$0x0] =	vst.idx.msk $0xffff, v11  }
0xa9: {  	s10 =	sadd.s32 s19, s14;
	s6 =	simm.s32 $0xE600;
	[tilespmem:v62+s29+$0x0] =	vst.idx.msk $0xffff, v6  }
0xaa: {  	[hbm4b:s10+s3] =	stream.linear.scatter [tilespmem:s6], [sflag:$0x5], $0x80, $0x38;
	[tilespmem:$0x16E00] =	vst v63  }
0xab: {  	s11 =	simm.s32 $0xE688;
	s12 =	sadd.s32 $0x10, s10  }
0xac: {  	[hbm4b:s12+s3] =	stream.linear.scatter [tilespmem:s11], [sflag:$0x5], $0x80, $0x38;
	[tilespmem:$0x16E00] =	vst v63  }
0xad: {  	s13 =	simm.s32 $0xE710;
	s2 =	simm.s32 $0xE9B8;
	s19 =	sadd.s32 $0x20, s10  }
0xae: {  	[hbm4b:s19+s3] =	stream.linear.scatter [tilespmem:s13], [sflag:$0x5], $0x80, $0x38;
	[tilespmem:$0x16E00] =	vst v63  }
0xaf: {  	s6 =	simm.s32 $0x440;
	s11 =	simm.s32 $0xE798;
	s12 =	sadd.s32 $0x30, s10  }
0xb0: {  	[hbm4b:s12+s3] =	stream.linear.scatter [tilespmem:s11], [sflag:$0x5], $0x80, $0x38;
	[tilespmem:$0x16E00] =	vst v63  }
0xb1: {  	s13 =	simm.s32 $0xE820;
	s19 =	sadd.s32 $0x40, s10;
	s11 =	simm.s32 $0xE8A8  }
0xb2: {  	[hbm4b:s19+s3] =	stream.linear.scatter [tilespmem:s13], [sflag:$0x5], $0x80, $0x38;
	[tilespmem:$0x16E00] =	vst v63  }
0xb3: {  	s12 =	sadd.s32 $0x50, s10;
	s13 =	simm.s32 $0xE930;
	s19 =	sadd.s32 $0x60, s10  }
0xb4: {  	[hbm4b:s12+s3] =	stream.linear.scatter [tilespmem:s11], [sflag:$0x5], $0x80, $0x38;
	[tilespmem:$0x16E00] =	vst v63  }
0xb5: {  	s11 =	simm.s32 $0x2200;
	s12 =	sadd.s32 $0x70, s10;
	s10 =	sadd.s32 $0x1000, s10  }
0xb6: {  	[hbm4b:s19+s3] =	stream.linear.scatter [tilespmem:s13], [sflag:$0x5], $0x80, $0x38;
	[tilespmem:$0x16E00] =	vst v63  }
.LBB2_5:
0xb7: {  	[hbm4b:s12+s3] =	stream.linear.scatter [tilespmem:s2], [sflag:$0x5], $0x80, $0x38;
	[tilespmem:$0x16E00] =	vst v63  }
0xb8: {  	s2 =	smov.u32 s6;
	s6 =	smov.u32 s11  }
0xb9: {  	s13 =	sadd.s32 $0x1100, s11;
	s6 =	sshra.s32 s6, $0x2;
	s12 =	sadd.s32 $0xE600, s2  }
0xba: {  	[hbm4b:s10+s3] =	stream.linear.scatter [tilespmem:s12], [sflag:$0x5], $0x80, $0x38;
	[tilespmem:$0x16E00] =	vst v63  }
0xbb: {  	p1 =	sne.s32 s11, $0x7700;
	s11 =	sadd.s32 $0xE688, s2;
	s12 =	sadd.s32 $0x10, s10  }
0xbc: {  	[hbm4b:s12+s3] =	stream.linear.scatter [tilespmem:s11], [sflag:$0x5], $0x80, $0x38;
	[tilespmem:$0x16E00] =	vst v63  }
0xbd: {  	s11 =	sadd.s32 $0xE710, s2;
	s12 =	sadd.s32 $0x20, s10  }
0xbe: {  	[hbm4b:s12+s3] =	stream.linear.scatter [tilespmem:s11], [sflag:$0x5], $0x80, $0x38;
	[tilespmem:$0x16E00] =	vst v63  }
0xbf: {  	s11 =	sadd.s32 $0xE798, s2;
	s12 =	sadd.s32 $0x30, s10  }
0xc0: {  	[hbm4b:s12+s3] =	stream.linear.scatter [tilespmem:s11], [sflag:$0x5], $0x80, $0x38;
	[tilespmem:$0x16E00] =	vst v63  }
0xc1: {  	s11 =	sadd.s32 $0xE820, s2;
	s12 =	sadd.s32 $0x40, s10  }
0xc2: {  	[hbm4b:s12+s3] =	stream.linear.scatter [tilespmem:s11], [sflag:$0x5], $0x80, $0x38;
	[tilespmem:$0x16E00] =	vst v63  }
.Ltmp1:
0xc3: {  	s11 =	sadd.s32 $0xE8A8, s2;
	s12 =	sadd.s32 $0x50, s10;
	(pc) =	sbr.rel @p1 .LBB2_5-.Ltmp1, $4  }
0xc4: {  	[hbm4b:s12+s3] =	stream.linear.scatter [tilespmem:s11], [sflag:$0x5], $0x80, $0x38;
	[tilespmem:$0x16E00] =	vst v63  }
0xc5: {  	s11 =	sadd.s32 $0xE930, s2;
	s12 =	sadd.s32 $0x60, s10;
	s2 =	sadd.s32 $0xE9B8, s2  }
0xc6: {  	[hbm4b:s12+s3] =	stream.linear.scatter [tilespmem:s11], [sflag:$0x5], $0x80, $0x38;
	[tilespmem:$0x16E00] =	vst v63  }
0xc7: {  	s12 =	sadd.s32 $0x70, s10;
	s10 =	sadd.s32 $0x1000, s10;
	s11 =	smov.u32 s13  }
0xc8: {  	[hbm4b:s12+s3] =	stream.linear.scatter [tilespmem:s2], [sflag:$0x5], $0x80, $0x38;
	[tilespmem:$0x16E00] =	vst v63  }
0xc9: {  	s13 =	sadd.s32 $0xE600, s6  }
0xca: {  	[hbm4b:s10+s3] =	stream.linear.scatter [tilespmem:s13], [sflag:$0x5], $0x80, $0x38;
	[tilespmem:$0x16E00] =	vst v63  }
0xcb: {  	s19 =	sadd.s32 $0xE688, s6;
	s11 =	sadd.s32 $0x10, s10  }
0xcc: {  	[hbm4b:s11+s3] =	stream.linear.scatter [tilespmem:s19], [sflag:$0x5], $0x80, $0x38;
	[tilespmem:$0x16E00] =	vst v63  }
0xcd: {  	s12 =	sadd.s32 $0x20, s10;
	s11 =	sadd.s32 $0xE710, s6  }
0xce: {  	[hbm4b:s12+s3] =	stream.linear.scatter [tilespmem:s11], [sflag:$0x5], $0x80, $0x38;
	[tilespmem:$0x16E00] =	vst v63  }
0xcf: {  	s13 =	sadd.s32 $0xE798, s6;
	s19 =	sadd.s32 $0x30, s10  }
0xd0: {  	[hbm4b:s19+s3] =	stream.linear.scatter [tilespmem:s13], [sflag:$0x5], $0x80, $0x38;
	[tilespmem:$0x16E00] =	vst v63  }
0xd1: {  	s11 =	sadd.s32 $0xE820, s6;
	s12 =	sadd.s32 $0x40, s10  }
0xd2: {  	[hbm4b:s12+s3] =	stream.linear.scatter [tilespmem:s11], [sflag:$0x5], $0x80, $0x38;
	[tilespmem:$0x16E00] =	vst v63  }
0xd3: {  	s13 =	sadd.s32 $0xE8A8, s6;
	s19 =	sadd.s32 $0x50, s10;
	s11 =	sadd.s32 $0xE930, s6  }
0xd4: {  	[hbm4b:s19+s3] =	stream.linear.scatter [tilespmem:s13], [sflag:$0x5], $0x80, $0x38;
	[tilespmem:$0x16E00] =	vst v63  }
0xd5: {  	s12 =	sadd.s32 $0x60, s10;
	s13 =	sadd.s32 $0xE9B8, s6;
	s6 =	sshll.u32 s17, $0x9  }
0xd6: {  	[hbm4b:s12+s3] =	stream.linear.scatter [tilespmem:s11], [sflag:$0x5], $0x80, $0x38;
	[tilespmem:$0x16E00] =	vst v63  }
0xd7: {  	s19 =	sadd.s32 $0x70, s10;
	s6 =	sand.u32 $0x3FFFFE00, s6  }
0xd8: {  	[hbm4b:s19+s3] =	stream.linear.scatter [tilespmem:s13], [sflag:$0x5], $0x80, $0x38;
	[tilespmem:$0x16E00] =	vst v63  }
0xd9: {  	v4 =	vld [tilespmem:s6+$0x200];
	_ =	sdelay $0x4  }
0xda: {  	v4 =	vshll.u32 v4, $0x1  }
0xdb: {  	[tilespmem:$0x6400] =	vst v4  }
0xdc: {  	v4 =	vld [tilespmem:s6+$0x210];
	_ =	sdelay $0x4  }
0xdd: {  	v4 =	vshll.u32 v4, $0x1  }
0xde: {  	[tilespmem:$0x6410] =	vst v4  }
0xdf: {  	v4 =	vld [tilespmem:s6+$0x220];
	_ =	sdelay $0x4  }
0xe0: {  	v4 =	vshll.u32 v4, $0x1  }
0xe1: {  	[tilespmem:$0x6420] =	vst v4  }
0xe2: {  	v4 =	vld [tilespmem:s6+$0x230];
	_ =	sdelay $0x4  }
0xe3: {  	v4 =	vshll.u32 v4, $0x1  }
0xe4: {  	[tilespmem:$0x6430] =	vst v4  }
0xe5: {  	v4 =	vld [tilespmem:s6+$0x240];
	_ =	sdelay $0x4  }
0xe6: {  	v4 =	vshll.u32 v4, $0x1  }
0xe7: {  	[tilespmem:$0x6440] =	vst v4  }
0xe8: {  	v4 =	vld [tilespmem:s6+$0x250];
	_ =	sdelay $0x4  }
0xe9: {  	v4 =	vshll.u32 v4, $0x1  }
0xea: {  	[tilespmem:$0x6450] =	vst v4  }
0xeb: {  	v4 =	vld [tilespmem:s6+$0x260];
	_ =	sdelay $0x4  }
0xec: {  	v4 =	vshll.u32 v4, $0x1  }
0xed: {  	[tilespmem:$0x6460] =	vst v4  }
0xee: {  	v4 =	vld [tilespmem:s6+$0x270];
	_ =	sdelay $0x4  }
0xef: {  	v4 =	vshll.u32 v4, $0x1  }
0xf0: {  	s2 =	simm.s32 @!p0 $0x6;
	s10 =	simm.s32 $0x6400;
	[tilespmem:$0x6470] =	vst v4  }
0xf1: {  	[tilespmem:s20], [sflag:$0x1] =	stream.indirect.gather [hbm4b:s5+s18], $0x40, s10, s18, $0xb8;
	[tilespmem:$0x16E00] =	vst v63  }
0xf2: {  	_ =	swait.ge @!p0 [sflag:s2], $0x2000  }
0xf3: {  	[sflag:s2] =	ssyncset.done @!p0 $0x0  }
0xf4: {  	[sflag:s2] =	ssyncadd.s32 @!p0 $0xFFFFE000  }
0xf5: {  	s11 =	simm.s32 $0x3;
	_ =	swait.ge [sflag:s30], $0x2000  }
0xf6: {  	s12 =	simm.s32 $0x0;
	v4 =	vmov s11;
	[sflag:s30] =	ssyncset.done $0x0  }
0xf7: {  	s13 =	simm.s32 $0x1;
	s11 =	simm.s32 $0x8680;
	v5 =	vand.u32 $0x7F, v4;
	v4 =	vmov s12;
	[sflag:s30] =	ssyncadd.s32 $0xFFFFE000  }
0xf8: {  	v8 =	vadd.s32 v0, v5;
	v6 =	vand.u32 $0x7C, v4;
	v4 =	vmov s13;
	v7 =	vld [tilespmem:s11+$0x40]  }
0xf9: {  	v10 =	vadd.s32 v0, v6;
	v11 =	vand.u32 $0x7D, v4;
	v9 =	vld [tilespmem:s11+$0xFFFFFF80]  }
0xfa: {  	s19 =	simm.s32 $0x2;
	v12 =	vadd.s32 v0, v11;
	v4 =	vld [tilespmem:s11+$0xFFFFFFC0]  }
0xfb: {  	v13 =	vmov s19  }
0xfc: {  	v13 =	vand.u32 $0x7E, v13  }
0xfd: {  	v15 =	vadd.s32 v0, v13;
	v14 =	vld [tilespmem:s11+$0x0];
	[tilespmem:v8+s31+$0x0] =	vst.idx.msk $0xffff, v7  }
0xfe: {  	v8 =	vadd.s32 v1, v5;
	[tilespmem:v10+s31+$0x0] =	vst.idx.msk $0xffff, v9;
	v7 =	vld [tilespmem:s11+$0x50]  }
0xff: {  	v10 =	vadd.s32 v1, v6;
	[tilespmem:v12+s31+$0x0] =	vst.idx.msk $0xffff, v4;
	v9 =	vld [tilespmem:s11+$0xFFFFFF90]  }
0x100: {  	v12 =	vadd.s32 v1, v11;
	v4 =	vld [tilespmem:s11+$0xFFFFFFD0];
	_ =	sdelay $0x1  }
0x101: {  	[tilespmem:v15+s31+$0x0] =	vst.idx.msk $0xffff, v14  }
0x102: {  	v16 =	vadd.s32 v1, v13;
	v15 =	vld [tilespmem:s11+$0x10];
	[tilespmem:v8+s31+$0x0] =	vst.idx.msk $0xffff, v7  }
0x103: {  	s10 =	simm.s32 $0x7;
	v14 =	vadd.s32 v2, v5;
	[tilespmem:v10+s31+$0x0] =	vst.idx.msk $0xffff, v9;
	v7 =	vld [tilespmem:s11+$0x60]  }
0x104: {  	v10 =	vadd.s32 v2, v6;
	v8 =	vmov s10;
	[tilespmem:v12+s31+$0x0] =	vst.idx.msk $0xffff, v4;
	v9 =	vld [tilespmem:s11+$0xFFFFFFA0]  }
0x105: {  	v17 =	vadd.s32 v2, v11;
	s10 =	simm.s32 $0x8780;
	v8 =	vand.u32 $0x7F, v8;
	v12 =	vld [tilespmem:s11+$0xFFFFFFE0]  }
0x106: {  	s12 =	simm.s32 $0x4;
	v18 =	vld [tilespmem:s10+$0x40];
	v19 =	vadd.s32 v0, v8  }
0x107: {  	s13 =	simm.s32 $0x5;
	v4 =	vmov s12;
	[tilespmem:v16+s31+$0x0] =	vst.idx.msk $0xffff, v15  }
0x108: {  	v22 =	vmov s13;
	v4 =	vand.u32 $0x7C, v4;
	[tilespmem:v14+s31+$0x0] =	vst.idx.msk $0xffff, v7  }
0x109: {  	s19 =	simm.s32 $0x6;
	v20 =	vld [tilespmem:s10+$0xFFFFFF80];
	v21 =	vadd.s32 v0, v4;
	v7 =	vand.u32 $0x7D, v22;
	[tilespmem:v10+s31+$0x0] =	vst.idx.msk $0xffff, v9  }
0x10a: {  	v14 =	vmov s19;
	v9 =	vld [tilespmem:s10+$0xFFFFFFC0];
	[tilespmem:v17+s31+$0x0] =	vst.idx.msk $0xffff, v12;
	v10 =	vadd.s32 v0, v7  }
0x10b: {  	v16 =	vadd.s32 v3, v5;
	v12 =	vld [tilespmem:s11+$0x20];
	v5 =	vand.u32 $0x7E, v14;
	[tilespmem:v19+s31+$0x0] =	vst.idx.msk $0xffff, v18;
	v18 =	vadd.s32 v2, v13  }
0x10c: {  	v14 =	vld [tilespmem:s10+$0x0];
	v63 =	vadd.s32 v0, v5  }
0x10d: {  	v15 =	vld [tilespmem:s11+$0x70]  }
0x10e: {  	[tilespmem:v21+s31+$0x0] =	vst.idx.msk $0xffff, v20;
	v20 =	vadd.s32 v1, v8;
	v19 =	vld [tilespmem:s10+$0x50]  }
0x10f: {  	v23 =	vadd.s32 v1, v4;
	v21 =	vld [tilespmem:s10+$0xFFFFFF90];
	[tilespmem:v10+s31+$0x0] =	vst.idx.msk $0xffff, v9  }
0x110: {  	v25 =	vadd.s32 v3, v11;
	v24 =	vld [tilespmem:s11+$0xFFFFFFF0];
	[tilespmem:v18+s31+$0x0] =	vst.idx.msk $0xffff, v12  }
0x111: {  	v18 =	vadd.s32 v1, v7;
	v17 =	vld [tilespmem:s10+$0xFFFFFFD0];
	[tilespmem:v63+s31+$0x0] =	vst.idx.msk $0xffff, v14  }
0x112: {  	[tilespmem:v16+s31+$0x0] =	vst.idx.msk $0xffff, v15;
	v16 =	vadd.s32 v1, v5;
	v15 =	vld [tilespmem:s10+$0x10]  }
0x113: {  	[tilespmem:v20+s31+$0x0] =	vst.idx.msk $0xffff, v19;
	v11 =	vld [tilespmem:s11+$0x30];
	v14 =	vadd.s32 v3, v13  }
0x114: {  	v12 =	vadd.s32 v2, v8;
	[tilespmem:v23+s31+$0x0] =	vst.idx.msk $0xffff, v21;
	v9 =	vld [tilespmem:s10+$0x60]  }
0x115: {  	s13 =	simm.s32 $0xC;
	s2 =	simm.s32 $0xB;
	s12 =	simm.s32 $0x8;
	[tilespmem:v25+s31+$0x0] =	vst.idx.msk $0xffff, v24;
	v13 =	vadd.s32 v2, v4;
	v10 =	vld [tilespmem:s10+$0xFFFFFFA0]  }
.LBB2_7:
0x116: {  	p1 =	slt.u32 s13, $0x7C;
	v19 =	vmov s2;
	[tilespmem:v18+s31+$0x0] =	vst.idx.msk $0xffff, v17;
	v17 =	vld [tilespmem:s11+$0xFFFFFFB0];
	v18 =	vadd.s32 v3, v6;
	v6 =	vmov v4;
	s11 =	smov.u32 s10  }
0x117: {  	v4 =	vmov s12;
	v21 =	vadd.s32 v2, v7;
	s10 =	sadd.s32 $0x100, s10;
	v19 =	vand.u32 $0x7F, v19;
	v20 =	vld [tilespmem:s11+$0xFFFFFFE0];
	[tilespmem:v16+s31+$0x0] =	vst.idx.msk $0xffff, v15  }
0x118: {  	s2 =	sadd.s32 $0x1, s12;
	v4 =	vand.u32 $0x7C, v4;
	v15 =	vld [tilespmem:s10+$0x40];
	v16 =	vadd.s32 v0, v19;
	[tilespmem:v14+s31+$0x0] =	vst.idx.msk $0xffff, v11  }
0x119: {  	v22 =	vmov s2;
	s2 =	sadd.s32 $0x2, s12;
	s12 =	smov.u32 s13;
	v14 =	vadd.s32 v0, v4;
	v11 =	vld [tilespmem:s10+$0xFFFFFF80];
	[tilespmem:v12+s31+$0x0] =	vst.idx.msk $0xffff, v9  }
0x11a: {  	v9 =	vand.u32 $0x7D, v22;
	v12 =	vmov s2;
	[tilespmem:v13+s31+$0x0] =	vst.idx.msk $0xffff, v10;
	v10 =	vld [tilespmem:s11+$0x70];
	v13 =	vadd.s32 v3, v8;
	v8 =	vmovc v19  }
0x11b: {  	v22 =	vadd.s32 v0, v9;
	v12 =	vand.u32 $0x7E, v12;
	v19 =	vld [tilespmem:s10+$0xFFFFFFC0];
	[tilespmem:v18+s31+$0x0] =	vst.idx.msk $0xffff, v17  }
0x11c: {  	v24 =	vadd.s32 v0, v12;
	v23 =	vld [tilespmem:s10+$0x0];
	[tilespmem:v21+s31+$0x0] =	vst.idx.msk $0xffff, v20  }
0x11d: {  	v21 =	vadd.s32 v2, v5;
	[tilespmem:v16+s31+$0x0] =	vst.idx.msk $0xffff, v15;
	v20 =	vld [tilespmem:s11+$0x20]  }
0x11e: {  	[tilespmem:v14+s31+$0x0] =	vst.idx.msk $0xffff, v11;
	v11 =	vld [tilespmem:s10+$0x50];
	v14 =	vadd.s32 v1, v8  }
0x11f: {  	v26 =	vadd.s32 v1, v4;
	v25 =	vld [tilespmem:s10+$0xFFFFFF90];
	[tilespmem:v13+s31+$0x0] =	vst.idx.msk $0xffff, v10  }
0x120: {  	[tilespmem:v22+s31+$0x0] =	vst.idx.msk $0xffff, v19;
	v19 =	vld [tilespmem:s11+$0xFFFFFFF0];
	v22 =	vadd.s32 v3, v7;
	v7 =	vmov v9  }
.Ltmp2:
0x121: {  	v17 =	vld [tilespmem:s10+$0xFFFFFFD0];
	v18 =	vadd.s32 v1, v7;
	[tilespmem:v24+s31+$0x0] =	vst.idx.msk $0xffff, v23;
	(pc) =	sbr.rel @p1 .LBB2_7-.Ltmp2, $4  }
0x122: {  	v16 =	vadd.s32 v1, v12;
	v15 =	vld [tilespmem:s10+$0x10];
	[tilespmem:v21+s31+$0x0] =	vst.idx.msk $0xffff, v20  }
0x123: {  	[tilespmem:v14+s31+$0x0] =	vst.idx.msk $0xffff, v11;
	v11 =	vld [tilespmem:s11+$0x30];
	v14 =	vadd.s32 v3, v5;
	v5 =	vmov v12  }
0x124: {  	v12 =	vadd.s32 v2, v8;
	[tilespmem:v26+s31+$0x0] =	vst.idx.msk $0xffff, v25;
	v9 =	vld [tilespmem:s10+$0x60]  }
0x125: {  	s13 =	sadd.s32 $0x4, s13;
	s2 =	sadd.s32 $0x3, s12;
	v13 =	vadd.s32 v2, v4;
	v10 =	vld [tilespmem:s10+$0xFFFFFFA0];
	[tilespmem:v22+s31+$0x0] =	vst.idx.msk $0xffff, v19  }
0x126: {  	_ =	sdelay $0x2  }
0x127: {  	v19 =	vmov s2  }
0x128: {  	s13 =	sadd.s32 $0x1, s12;
	[tilespmem:v18+s31+$0x0] =	vst.idx.msk $0xffff, v17;
	v30 =	vld [tilespmem:s11+$0xFFFFFFB0];
	v6 =	vadd.s32 v3, v6;
	s19 =	sadd.s32 $0x100, s10;
	v21 =	vmov s12;
	v31 =	vand.u32 $0x7F, v19  }
0x129: {  	v32 =	vmov s13;
	s13 =	sadd.s32 $0x2, s12;
	[tilespmem:v16+s31+$0x0] =	vst.idx.msk $0xffff, v15;
	v33 =	vld [tilespmem:s19+$0x40];
	v21 =	vand.u32 $0x7C, v21;
	v34 =	vadd.s32 v0, v31  }
0x12a: {  	v22 =	vld [tilespmem:s19+$0xFFFFFF80];
	v19 =	vand.u32 $0x7D, v32;
	v20 =	vmov s13;
	[tilespmem:v14+s31+$0x0] =	vst.idx.msk $0xffff, v11;
	v39 =	vadd.s32 v0, v21  }
0x12b: {  	v35 =	vld [tilespmem:s19+$0xFFFFFFC0];
	v36 =	vadd.s32 v0, v19;
	v20 =	vand.u32 $0x7E, v20;
	[tilespmem:v12+s31+$0x0] =	vst.idx.msk $0xffff, v9  }
0x12c: {  	v37 =	vld [tilespmem:s19+$0x0];
	v38 =	vadd.s32 v0, v20;
	[tilespmem:v13+s31+$0x0] =	vst.idx.msk $0xffff, v10  }
0x12d: {  	v41 =	vadd.s32 v2, v7;
	v40 =	vld [tilespmem:s10+$0xFFFFFFE0];
	[tilespmem:v6+s31+$0x0] =	vst.idx.msk $0xffff, v30  }
0x12e: {  	v49 =	vadd.s32 v2, v5;
	v48 =	vld [tilespmem:s10+$0x20];
	[tilespmem:v34+s31+$0x0] =	vst.idx.msk $0xffff, v33  }
0x12f: {  	v43 =	vadd.s32 v1, v31;
	[tilespmem:v39+s31+$0x0] =	vst.idx.msk $0xffff, v22;
	v15 =	vld [tilespmem:s19+$0x50]  }
0x130: {  	v47 =	vadd.s32 v1, v21;
	[tilespmem:v36+s31+$0x0] =	vst.idx.msk $0xffff, v35;
	v46 =	vld [tilespmem:s19+$0xFFFFFF90]  }
0x131: {  	v44 =	vadd.s32 v1, v19;
	v11 =	vld [tilespmem:s19+$0xFFFFFFD0];
	[tilespmem:v38+s31+$0x0] =	vst.idx.msk $0xffff, v37  }
0x132: {  	v45 =	vadd.s32 v1, v20;
	[tilespmem:v41+s31+$0x0] =	vst.idx.msk $0xffff, v40;
	v9 =	vld [tilespmem:s19+$0x10]  }
0x133: {  	v8 =	vadd.s32 v3, v8;
	v42 =	vld [tilespmem:s10+$0x70];
	[tilespmem:v49+s31+$0x0] =	vst.idx.msk $0xffff, v48  }
0x134: {  	v5 =	vadd.s32 v3, v5;
	v13 =	vld [tilespmem:s10+$0x30];
	[tilespmem:v43+s31+$0x0] =	vst.idx.msk $0xffff, v15  }
0x135: {  	v52 =	vadd.s32 v2, v31;
	[tilespmem:v47+s31+$0x0] =	vst.idx.msk $0xffff, v46;
	v15 =	vld [tilespmem:s19+$0x60]  }
0x136: {  	v57 =	vadd.s32 v2, v21;
	[tilespmem:v44+s31+$0x0] =	vst.idx.msk $0xffff, v11;
	v56 =	vld [tilespmem:s19+$0xFFFFFFA0]  }
0x137: {  	v53 =	vadd.s32 v2, v19;
	v11 =	vld [tilespmem:s19+$0xFFFFFFE0];
	[tilespmem:v45+s31+$0x0] =	vst.idx.msk $0xffff, v9  }
0x138: {  	v55 =	vadd.s32 v2, v20;
	[tilespmem:v8+s31+$0x0] =	vst.idx.msk $0xffff, v42;
	v54 =	vld [tilespmem:s19+$0x20]  }
0x139: {  	v4 =	vadd.s32 v3, v4;
	v58 =	vld [tilespmem:s10+$0xFFFFFFB0];
	[tilespmem:v5+s31+$0x0] =	vst.idx.msk $0xffff, v13  }
0x13a: {  	v51 =	vadd.s32 v3, v7;
	v50 =	vld [tilespmem:s10+$0xFFFFFFF0];
	[tilespmem:v52+s31+$0x0] =	vst.idx.msk $0xffff, v15  }
0x13b: {  	v60 =	vadd.s32 v3, v31;
	[tilespmem:v57+s31+$0x0] =	vst.idx.msk $0xffff, v56;
	v59 =	vld [tilespmem:s19+$0x70]  }
0x13c: {  	v63 =	vadd.s32 v3, v21;
	[tilespmem:v53+s31+$0x0] =	vst.idx.msk $0xffff, v11;
	v5 =	vld [tilespmem:s19+$0xFFFFFFB0]  }
0x13d: {  	v61 =	vadd.s32 v3, v19;
	v11 =	vld [tilespmem:s19+$0xFFFFFFF0];
	[tilespmem:v55+s31+$0x0] =	vst.idx.msk $0xffff, v54  }
0x13e: {  	v62 =	vadd.s32 v3, v20;
	[tilespmem:v4+s31+$0x0] =	vst.idx.msk $0xffff, v58;
	v6 =	vld [tilespmem:s19+$0x30]  }
0x13f: {  	[tilespmem:v51+s31+$0x0] =	vst.idx.msk $0xffff, v50  }
0x140: {  	[tilespmem:v60+s31+$0x0] =	vst.idx.msk $0xffff, v59  }
0x141: {  	[tilespmem:v63+s31+$0x0] =	vst.idx.msk $0xffff, v5  }
0x142: {  	[tilespmem:v61+s31+$0x0] =	vst.idx.msk $0xffff, v11  }
0x143: {  	s11 =	sadd.s32 s14, s7;
	s19 =	simm.s32 $0x10800;
	[tilespmem:v62+s31+$0x0] =	vst.idx.msk $0xffff, v6  }
0x144: {  	[hbm4b:s11+s3] =	stream.linear.scatter [tilespmem:s19], [sflag:$0x6], $0x80, $0x38;
	[tilespmem:$0x16E00] =	vst v63  }
0x145: {  	s12 =	sadd.s32 $0x10, s11;
	s10 =	simm.s32 $0x10888  }
0x146: {  	[hbm4b:s12+s3] =	stream.linear.scatter [tilespmem:s10], [sflag:$0x6], $0x80, $0x38;
	[tilespmem:$0x16E00] =	vst v63  }
0x147: {  	s13 =	simm.s32 $0x10910;
	s19 =	sadd.s32 $0x20, s11  }
0x148: {  	[hbm4b:s19+s3] =	stream.linear.scatter [tilespmem:s13], [sflag:$0x6], $0x80, $0x38;
	[tilespmem:$0x16E00] =	vst v63  }
0x149: {  	s10 =	simm.s32 $0x10998;
	s12 =	sadd.s32 $0x30, s11  }
0x14a: {  	[hbm4b:s12+s3] =	stream.linear.scatter [tilespmem:s10], [sflag:$0x6], $0x80, $0x38;
	[tilespmem:$0x16E00] =	vst v63  }
0x14b: {  	s13 =	simm.s32 $0x10A20;
	s19 =	sadd.s32 $0x40, s11  }
0x14c: {  	[hbm4b:s19+s3] =	stream.linear.scatter [tilespmem:s13], [sflag:$0x6], $0x80, $0x38;
	[tilespmem:$0x16E00] =	vst v63  }
0x14d: {  	s2 =	simm.s32 $0x10BB8;
	s10 =	simm.s32 $0x10AA8;
	s12 =	sadd.s32 $0x50, s11  }
0x14e: {  	[hbm4b:s12+s3] =	stream.linear.scatter [tilespmem:s10], [sflag:$0x6], $0x80, $0x38;
	[tilespmem:$0x16E00] =	vst v63  }
0x14f: {  	s13 =	simm.s32 $0x10B30;
	s19 =	sadd.s32 $0x60, s11;
	s10 =	simm.s32 $0x440  }
0x150: {  	[hbm4b:s19+s3] =	stream.linear.scatter [tilespmem:s13], [sflag:$0x6], $0x80, $0x38;
	[tilespmem:$0x16E00] =	vst v63  }
0x151: {  	s12 =	simm.s32 $0x2200;
	s13 =	sadd.s32 $0x70, s11;
	s11 =	sadd.s32 $0x1000, s11  }
.LBB2_9:
0x152: {  	[hbm4b:s13+s3] =	stream.linear.scatter [tilespmem:s2], [sflag:$0x6], $0x80, $0x38;
	[tilespmem:$0x16E00] =	vst v63  }
0x153: {  	s2 =	smov.u32 s10;
	s10 =	smov.u32 s12  }
0x154: {  	s19 =	sadd.s32 $0x1100, s12;
	s10 =	sshra.s32 s10, $0x2;
	s13 =	sadd.s32 $0x10800, s2  }
0x155: {  	[hbm4b:s11+s3] =	stream.linear.scatter [tilespmem:s13], [sflag:$0x6], $0x80, $0x38;
	[tilespmem:$0x16E00] =	vst v63  }
0x156: {  	p1 =	sne.s32 s12, $0x7700;
	s12 =	sadd.s32 $0x10888, s2;
	s13 =	sadd.s32 $0x10, s11  }
0x157: {  	[hbm4b:s13+s3] =	stream.linear.scatter [tilespmem:s12], [sflag:$0x6], $0x80, $0x38;
	[tilespmem:$0x16E00] =	vst v63  }
0x158: {  	s12 =	sadd.s32 $0x10910, s2;
	s13 =	sadd.s32 $0x20, s11  }
0x159: {  	[hbm4b:s13+s3] =	stream.linear.scatter [tilespmem:s12], [sflag:$0x6], $0x80, $0x38;
	[tilespmem:$0x16E00] =	vst v63  }
0x15a: {  	s12 =	sadd.s32 $0x10998, s2;
	s13 =	sadd.s32 $0x30, s11  }
0x15b: {  	[hbm4b:s13+s3] =	stream.linear.scatter [tilespmem:s12], [sflag:$0x6], $0x80, $0x38;
	[tilespmem:$0x16E00] =	vst v63  }
0x15c: {  	s12 =	sadd.s32 $0x10A20, s2;
	s13 =	sadd.s32 $0x40, s11  }
0x15d: {  	[hbm4b:s13+s3] =	stream.linear.scatter [tilespmem:s12], [sflag:$0x6], $0x80, $0x38;
	[tilespmem:$0x16E00] =	vst v63  }
.Ltmp3:
0x15e: {  	s12 =	sadd.s32 $0x10AA8, s2;
	s13 =	sadd.s32 $0x50, s11;
	(pc) =	sbr.rel @p1 .LBB2_9-.Ltmp3, $4  }
0x15f: {  	[hbm4b:s13+s3] =	stream.linear.scatter [tilespmem:s12], [sflag:$0x6], $0x80, $0x38;
	[tilespmem:$0x16E00] =	vst v63  }
0x160: {  	s12 =	sadd.s32 $0x10B30, s2;
	s13 =	sadd.s32 $0x60, s11;
	s2 =	sadd.s32 $0x10BB8, s2  }
0x161: {  	[hbm4b:s13+s3] =	stream.linear.scatter [tilespmem:s12], [sflag:$0x6], $0x80, $0x38;
	[tilespmem:$0x16E00] =	vst v63  }
0x162: {  	s13 =	sadd.s32 $0x70, s11;
	s11 =	sadd.s32 $0x1000, s11;
	s12 =	smov.u32 s19  }
0x163: {  	[hbm4b:s13+s3] =	stream.linear.scatter [tilespmem:s2], [sflag:$0x6], $0x80, $0x38;
	[tilespmem:$0x16E00] =	vst v63  }
0x164: {  	s13 =	sadd.s32 $0x10800, s10  }
0x165: {  	[hbm4b:s11+s3] =	stream.linear.scatter [tilespmem:s13], [sflag:$0x6], $0x80, $0x38;
	[tilespmem:$0x16E00] =	vst v63  }
0x166: {  	s19 =	sadd.s32 $0x10888, s10;
	s12 =	sadd.s32 $0x10, s11  }
0x167: {  	[hbm4b:s12+s3] =	stream.linear.scatter [tilespmem:s19], [sflag:$0x6], $0x80, $0x38;
	[tilespmem:$0x16E00] =	vst v63  }
0x168: {  	s13 =	sadd.s32 $0x10910, s10;
	s19 =	sadd.s32 $0x20, s11  }
0x169: {  	[hbm4b:s19+s3] =	stream.linear.scatter [tilespmem:s13], [sflag:$0x6], $0x80, $0x38;
	[tilespmem:$0x16E00] =	vst v63  }
0x16a: {  	s13 =	sadd.s32 $0x10998, s10;
	s19 =	sadd.s32 $0x30, s11  }
0x16b: {  	[hbm4b:s19+s3] =	stream.linear.scatter [tilespmem:s13], [sflag:$0x6], $0x80, $0x38;
	[tilespmem:$0x16E00] =	vst v63  }
0x16c: {  	s13 =	sadd.s32 $0x10A20, s10;
	s19 =	sadd.s32 $0x40, s11  }
0x16d: {  	[hbm4b:s19+s3] =	stream.linear.scatter [tilespmem:s13], [sflag:$0x6], $0x80, $0x38;
	[tilespmem:$0x16E00] =	vst v63  }
0x16e: {  	s13 =	sadd.s32 $0x10AA8, s10;
	s19 =	sadd.s32 $0x50, s11  }
0x16f: {  	[hbm4b:s19+s3] =	stream.linear.scatter [tilespmem:s13], [sflag:$0x6], $0x80, $0x38;
	[tilespmem:$0x16E00] =	vst v63  }
0x170: {  	s13 =	sadd.s32 $0x10B30, s10;
	s19 =	sadd.s32 $0x60, s11  }
0x171: {  	[hbm4b:s19+s3] =	stream.linear.scatter [tilespmem:s13], [sflag:$0x6], $0x80, $0x38;
	[tilespmem:$0x16E00] =	vst v63  }
0x172: {  	s13 =	sadd.s32 $0x10BB8, s10;
	s19 =	sadd.s32 $0x70, s11  }
0x173: {  	[hbm4b:s19+s3] =	stream.linear.scatter [tilespmem:s13], [sflag:$0x6], $0x80, $0x38;
	[tilespmem:$0x16E00] =	vst v63  }
0x174: {  	v4 =	vld [tilespmem:s6+$0x280];
	_ =	sdelay $0x4  }
0x175: {  	v4 =	vshll.u32 v4, $0x1  }
0x176: {  	[tilespmem:$0x6480] =	vst v4  }
0x177: {  	v4 =	vld [tilespmem:s6+$0x290];
	_ =	sdelay $0x4  }
0x178: {  	v4 =	vshll.u32 v4, $0x1  }
0x179: {  	[tilespmem:$0x6490] =	vst v4  }
0x17a: {  	v4 =	vld [tilespmem:s6+$0x2A0];
	_ =	sdelay $0x4  }
0x17b: {  	v4 =	vshll.u32 v4, $0x1  }
0x17c: {  	[tilespmem:$0x64A0] =	vst v4  }
0x17d: {  	v4 =	vld [tilespmem:s6+$0x2B0];
	_ =	sdelay $0x4  }
0x17e: {  	v4 =	vshll.u32 v4, $0x1  }
0x17f: {  	[tilespmem:$0x64B0] =	vst v4  }
0x180: {  	v4 =	vld [tilespmem:s6+$0x2C0];
	_ =	sdelay $0x4  }
0x181: {  	v4 =	vshll.u32 v4, $0x1  }
0x182: {  	[tilespmem:$0x64C0] =	vst v4  }
0x183: {  	v4 =	vld [tilespmem:s6+$0x2D0];
	_ =	sdelay $0x4  }
0x184: {  	v4 =	vshll.u32 v4, $0x1  }
0x185: {  	[tilespmem:$0x64D0] =	vst v4  }
0x186: {  	v4 =	vld [tilespmem:s6+$0x2E0];
	_ =	sdelay $0x4  }
0x187: {  	v4 =	vshll.u32 v4, $0x1  }
0x188: {  	[tilespmem:$0x64E0] =	vst v4  }
0x189: {  	v4 =	vld [tilespmem:s6+$0x2F0];
	_ =	sdelay $0x4  }
0x18a: {  	v4 =	vshll.u32 v4, $0x1  }
0x18b: {  	s2 =	simm.s32 @!p0 $0x7;
	[tilespmem:$0x64F0] =	vst v4  }
0x18c: {  	[tilespmem:s22], [sflag:$0x2] =	stream.indirect.gather [hbm4b:s5+s18], $0x40, s21, s18, $0xb8;
	[tilespmem:$0x16E00] =	vst v63  }
0x18d: {  	_ =	swait.ge @!p0 [sflag:s2], $0x2000  }
0x18e: {  	[sflag:s2] =	ssyncset.done @!p0 $0x0  }
0x18f: {  	[sflag:s2] =	ssyncadd.s32 @!p0 $0xFFFFE000  }
0x190: {  	s11 =	simm.s32 $0x3;
	_ =	swait.ge [sflag:s0], $0x2000  }
0x191: {  	s12 =	simm.s32 $0x0;
	v4 =	vmov s11;
	[sflag:s0] =	ssyncset.done $0x0  }
0x192: {  	s13 =	simm.s32 $0x1;
	s11 =	simm.s32 $0xA680;
	v5 =	vand.u32 $0x7F, v4;
	v4 =	vmov s12;
	[sflag:s0] =	ssyncadd.s32 $0xFFFFE000  }
0x193: {  	v8 =	vadd.s32 v0, v5;
	v6 =	vand.u32 $0x7C, v4;
	v4 =	vmov s13;
	v7 =	vld [tilespmem:s11+$0x40]  }
0x194: {  	v10 =	vadd.s32 v0, v6;
	v11 =	vand.u32 $0x7D, v4;
	v9 =	vld [tilespmem:s11+$0xFFFFFF80]  }
0x195: {  	s19 =	simm.s32 $0x2;
	v12 =	vadd.s32 v0, v11;
	v4 =	vld [tilespmem:s11+$0xFFFFFFC0]  }
0x196: {  	v13 =	vmov s19  }
0x197: {  	v13 =	vand.u32 $0x7E, v13  }
0x198: {  	v15 =	vadd.s32 v0, v13;
	v14 =	vld [tilespmem:s11+$0x0];
	[tilespmem:v8+s1+$0x0] =	vst.idx.msk $0xffff, v7  }
0x199: {  	v8 =	vadd.s32 v1, v5;
	[tilespmem:v10+s1+$0x0] =	vst.idx.msk $0xffff, v9;
	v7 =	vld [tilespmem:s11+$0x50]  }
0x19a: {  	v10 =	vadd.s32 v1, v6;
	[tilespmem:v12+s1+$0x0] =	vst.idx.msk $0xffff, v4;
	v9 =	vld [tilespmem:s11+$0xFFFFFF90]  }
0x19b: {  	v12 =	vadd.s32 v1, v11;
	v4 =	vld [tilespmem:s11+$0xFFFFFFD0];
	_ =	sdelay $0x1  }
0x19c: {  	[tilespmem:v15+s1+$0x0] =	vst.idx.msk $0xffff, v14  }
0x19d: {  	v16 =	vadd.s32 v1, v13;
	v15 =	vld [tilespmem:s11+$0x10];
	[tilespmem:v8+s1+$0x0] =	vst.idx.msk $0xffff, v7  }
0x19e: {  	s10 =	simm.s32 $0x7;
	v14 =	vadd.s32 v2, v5;
	[tilespmem:v10+s1+$0x0] =	vst.idx.msk $0xffff, v9;
	v7 =	vld [tilespmem:s11+$0x60]  }
0x19f: {  	v10 =	vadd.s32 v2, v6;
	v8 =	vmov s10;
	[tilespmem:v12+s1+$0x0] =	vst.idx.msk $0xffff, v4;
	v9 =	vld [tilespmem:s11+$0xFFFFFFA0]  }
0x1a0: {  	v17 =	vadd.s32 v2, v11;
	s10 =	simm.s32 $0xA780;
	v8 =	vand.u32 $0x7F, v8;
	v12 =	vld [tilespmem:s11+$0xFFFFFFE0]  }
0x1a1: {  	s12 =	simm.s32 $0x4;
	v18 =	vld [tilespmem:s10+$0x40];
	v19 =	vadd.s32 v0, v8  }
0x1a2: {  	s13 =	simm.s32 $0x5;
	v4 =	vmov s12;
	[tilespmem:v16+s1+$0x0] =	vst.idx.msk $0xffff, v15  }
0x1a3: {  	v22 =	vmov s13;
	v4 =	vand.u32 $0x7C, v4;
	[tilespmem:v14+s1+$0x0] =	vst.idx.msk $0xffff, v7  }
0x1a4: {  	s19 =	simm.s32 $0x6;
	v20 =	vld [tilespmem:s10+$0xFFFFFF80];
	v21 =	vadd.s32 v0, v4;
	v7 =	vand.u32 $0x7D, v22;
	[tilespmem:v10+s1+$0x0] =	vst.idx.msk $0xffff, v9  }
0x1a5: {  	v14 =	vmov s19;
	v9 =	vld [tilespmem:s10+$0xFFFFFFC0];
	[tilespmem:v17+s1+$0x0] =	vst.idx.msk $0xffff, v12;
	v10 =	vadd.s32 v0, v7  }
0x1a6: {  	v16 =	vadd.s32 v3, v5;
	v12 =	vld [tilespmem:s11+$0x20];
	v5 =	vand.u32 $0x7E, v14;
	[tilespmem:v19+s1+$0x0] =	vst.idx.msk $0xffff, v18;
	v18 =	vadd.s32 v2, v13  }
0x1a7: {  	v14 =	vld [tilespmem:s10+$0x0];
	v63 =	vadd.s32 v0, v5  }
0x1a8: {  	v15 =	vld [tilespmem:s11+$0x70]  }
0x1a9: {  	[tilespmem:v21+s1+$0x0] =	vst.idx.msk $0xffff, v20;
	v20 =	vadd.s32 v1, v8;
	v19 =	vld [tilespmem:s10+$0x50]  }
0x1aa: {  	v23 =	vadd.s32 v1, v4;
	v21 =	vld [tilespmem:s10+$0xFFFFFF90];
	[tilespmem:v10+s1+$0x0] =	vst.idx.msk $0xffff, v9  }
0x1ab: {  	v25 =	vadd.s32 v3, v11;
	v24 =	vld [tilespmem:s11+$0xFFFFFFF0];
	[tilespmem:v18+s1+$0x0] =	vst.idx.msk $0xffff, v12  }
0x1ac: {  	v18 =	vadd.s32 v1, v7;
	v17 =	vld [tilespmem:s10+$0xFFFFFFD0];
	[tilespmem:v63+s1+$0x0] =	vst.idx.msk $0xffff, v14  }
0x1ad: {  	[tilespmem:v16+s1+$0x0] =	vst.idx.msk $0xffff, v15;
	v16 =	vadd.s32 v1, v5;
	v15 =	vld [tilespmem:s10+$0x10]  }
0x1ae: {  	[tilespmem:v20+s1+$0x0] =	vst.idx.msk $0xffff, v19;
	v11 =	vld [tilespmem:s11+$0x30];
	v14 =	vadd.s32 v3, v13  }
0x1af: {  	v12 =	vadd.s32 v2, v8;
	[tilespmem:v23+s1+$0x0] =	vst.idx.msk $0xffff, v21;
	v9 =	vld [tilespmem:s10+$0x60]  }
0x1b0: {  	s13 =	simm.s32 $0xC;
	s2 =	simm.s32 $0xB;
	s12 =	simm.s32 $0x8;
	[tilespmem:v25+s1+$0x0] =	vst.idx.msk $0xffff, v24;
	v13 =	vadd.s32 v2, v4;
	v10 =	vld [tilespmem:s10+$0xFFFFFFA0]  }
.LBB2_11:
0x1b1: {  	p1 =	slt.u32 s13, $0x7C;
	v19 =	vmov s2;
	[tilespmem:v18+s1+$0x0] =	vst.idx.msk $0xffff, v17;
	v17 =	vld [tilespmem:s11+$0xFFFFFFB0];
	v18 =	vadd.s32 v3, v6;
	v6 =	vmov v4;
	s11 =	smov.u32 s10  }
0x1b2: {  	v4 =	vmov s12;
	v21 =	vadd.s32 v2, v7;
	s10 =	sadd.s32 $0x100, s10;
	v19 =	vand.u32 $0x7F, v19;
	v20 =	vld [tilespmem:s11+$0xFFFFFFE0];
	[tilespmem:v16+s1+$0x0] =	vst.idx.msk $0xffff, v15  }
0x1b3: {  	s2 =	sadd.s32 $0x1, s12;
	v4 =	vand.u32 $0x7C, v4;
	v15 =	vld [tilespmem:s10+$0x40];
	v16 =	vadd.s32 v0, v19;
	[tilespmem:v14+s1+$0x0] =	vst.idx.msk $0xffff, v11  }
0x1b4: {  	v22 =	vmov s2;
	s2 =	sadd.s32 $0x2, s12;
	s12 =	smov.u32 s13;
	v14 =	vadd.s32 v0, v4;
	v11 =	vld [tilespmem:s10+$0xFFFFFF80];
	[tilespmem:v12+s1+$0x0] =	vst.idx.msk $0xffff, v9  }
0x1b5: {  	v9 =	vand.u32 $0x7D, v22;
	v12 =	vmov s2;
	[tilespmem:v13+s1+$0x0] =	vst.idx.msk $0xffff, v10;
	v10 =	vld [tilespmem:s11+$0x70];
	v13 =	vadd.s32 v3, v8;
	v8 =	vmovc v19  }
0x1b6: {  	v22 =	vadd.s32 v0, v9;
	v12 =	vand.u32 $0x7E, v12;
	v19 =	vld [tilespmem:s10+$0xFFFFFFC0];
	[tilespmem:v18+s1+$0x0] =	vst.idx.msk $0xffff, v17  }
0x1b7: {  	v24 =	vadd.s32 v0, v12;
	v23 =	vld [tilespmem:s10+$0x0];
	[tilespmem:v21+s1+$0x0] =	vst.idx.msk $0xffff, v20  }
0x1b8: {  	v21 =	vadd.s32 v2, v5;
	[tilespmem:v16+s1+$0x0] =	vst.idx.msk $0xffff, v15;
	v20 =	vld [tilespmem:s11+$0x20]  }
0x1b9: {  	[tilespmem:v14+s1+$0x0] =	vst.idx.msk $0xffff, v11;
	v11 =	vld [tilespmem:s10+$0x50];
	v14 =	vadd.s32 v1, v8  }
0x1ba: {  	v26 =	vadd.s32 v1, v4;
	v25 =	vld [tilespmem:s10+$0xFFFFFF90];
	[tilespmem:v13+s1+$0x0] =	vst.idx.msk $0xffff, v10  }
0x1bb: {  	[tilespmem:v22+s1+$0x0] =	vst.idx.msk $0xffff, v19;
	v19 =	vld [tilespmem:s11+$0xFFFFFFF0];
	v22 =	vadd.s32 v3, v7;
	v7 =	vmov v9  }
.Ltmp4:
0x1bc: {  	v17 =	vld [tilespmem:s10+$0xFFFFFFD0];
	v18 =	vadd.s32 v1, v7;
	[tilespmem:v24+s1+$0x0] =	vst.idx.msk $0xffff, v23;
	(pc) =	sbr.rel @p1 .LBB2_11-.Ltmp4, $4  }
0x1bd: {  	v16 =	vadd.s32 v1, v12;
	v15 =	vld [tilespmem:s10+$0x10];
	[tilespmem:v21+s1+$0x0] =	vst.idx.msk $0xffff, v20  }
0x1be: {  	[tilespmem:v14+s1+$0x0] =	vst.idx.msk $0xffff, v11;
	v11 =	vld [tilespmem:s11+$0x30];
	v14 =	vadd.s32 v3, v5;
	v5 =	vmov v12  }
0x1bf: {  	v12 =	vadd.s32 v2, v8;
	[tilespmem:v26+s1+$0x0] =	vst.idx.msk $0xffff, v25;
	v9 =	vld [tilespmem:s10+$0x60]  }
0x1c0: {  	s13 =	sadd.s32 $0x4, s13;
	s2 =	sadd.s32 $0x3, s12;
	v13 =	vadd.s32 v2, v4;
	v10 =	vld [tilespmem:s10+$0xFFFFFFA0];
	[tilespmem:v22+s1+$0x0] =	vst.idx.msk $0xffff, v19  }
0x1c1: {  	_ =	sdelay $0x2  }
0x1c2: {  	v19 =	vmov s2  }
0x1c3: {  	s13 =	sadd.s32 $0x1, s12;
	[tilespmem:v18+s1+$0x0] =	vst.idx.msk $0xffff, v17;
	v30 =	vld [tilespmem:s11+$0xFFFFFFB0];
	v6 =	vadd.s32 v3, v6;
	s19 =	sadd.s32 $0x100, s10;
	v21 =	vmov s12;
	v31 =	vand.u32 $0x7F, v19  }
0x1c4: {  	v32 =	vmov s13;
	s13 =	sadd.s32 $0x2, s12;
	[tilespmem:v16+s1+$0x0] =	vst.idx.msk $0xffff, v15;
	v33 =	vld [tilespmem:s19+$0x40];
	v21 =	vand.u32 $0x7C, v21;
	v34 =	vadd.s32 v0, v31  }
0x1c5: {  	v22 =	vld [tilespmem:s19+$0xFFFFFF80];
	v19 =	vand.u32 $0x7D, v32;
	v20 =	vmov s13;
	[tilespmem:v14+s1+$0x0] =	vst.idx.msk $0xffff, v11;
	v39 =	vadd.s32 v0, v21  }
0x1c6: {  	v35 =	vld [tilespmem:s19+$0xFFFFFFC0];
	v36 =	vadd.s32 v0, v19;
	v20 =	vand.u32 $0x7E, v20;
	[tilespmem:v12+s1+$0x0] =	vst.idx.msk $0xffff, v9  }
0x1c7: {  	v37 =	vld [tilespmem:s19+$0x0];
	v38 =	vadd.s32 v0, v20;
	[tilespmem:v13+s1+$0x0] =	vst.idx.msk $0xffff, v10  }
0x1c8: {  	v41 =	vadd.s32 v2, v7;
	v40 =	vld [tilespmem:s10+$0xFFFFFFE0];
	[tilespmem:v6+s1+$0x0] =	vst.idx.msk $0xffff, v30  }
0x1c9: {  	v49 =	vadd.s32 v2, v5;
	v48 =	vld [tilespmem:s10+$0x20];
	[tilespmem:v34+s1+$0x0] =	vst.idx.msk $0xffff, v33  }
0x1ca: {  	v43 =	vadd.s32 v1, v31;
	[tilespmem:v39+s1+$0x0] =	vst.idx.msk $0xffff, v22;
	v15 =	vld [tilespmem:s19+$0x50]  }
0x1cb: {  	v47 =	vadd.s32 v1, v21;
	[tilespmem:v36+s1+$0x0] =	vst.idx.msk $0xffff, v35;
	v46 =	vld [tilespmem:s19+$0xFFFFFF90]  }
0x1cc: {  	v44 =	vadd.s32 v1, v19;
	v11 =	vld [tilespmem:s19+$0xFFFFFFD0];
	[tilespmem:v38+s1+$0x0] =	vst.idx.msk $0xffff, v37  }
0x1cd: {  	v45 =	vadd.s32 v1, v20;
	[tilespmem:v41+s1+$0x0] =	vst.idx.msk $0xffff, v40;
	v9 =	vld [tilespmem:s19+$0x10]  }
0x1ce: {  	v8 =	vadd.s32 v3, v8;
	v42 =	vld [tilespmem:s10+$0x70];
	[tilespmem:v49+s1+$0x0] =	vst.idx.msk $0xffff, v48  }
0x1cf: {  	v5 =	vadd.s32 v3, v5;
	v13 =	vld [tilespmem:s10+$0x30];
	[tilespmem:v43+s1+$0x0] =	vst.idx.msk $0xffff, v15  }
0x1d0: {  	v52 =	vadd.s32 v2, v31;
	[tilespmem:v47+s1+$0x0] =	vst.idx.msk $0xffff, v46;
	v15 =	vld [tilespmem:s19+$0x60]  }
0x1d1: {  	v57 =	vadd.s32 v2, v21;
	[tilespmem:v44+s1+$0x0] =	vst.idx.msk $0xffff, v11;
	v56 =	vld [tilespmem:s19+$0xFFFFFFA0]  }
0x1d2: {  	v53 =	vadd.s32 v2, v19;
	v11 =	vld [tilespmem:s19+$0xFFFFFFE0];
	[tilespmem:v45+s1+$0x0] =	vst.idx.msk $0xffff, v9  }
0x1d3: {  	v55 =	vadd.s32 v2, v20;
	[tilespmem:v8+s1+$0x0] =	vst.idx.msk $0xffff, v42;
	v54 =	vld [tilespmem:s19+$0x20]  }
0x1d4: {  	v4 =	vadd.s32 v3, v4;
	v58 =	vld [tilespmem:s10+$0xFFFFFFB0];
	[tilespmem:v5+s1+$0x0] =	vst.idx.msk $0xffff, v13  }
0x1d5: {  	v51 =	vadd.s32 v3, v7;
	v50 =	vld [tilespmem:s10+$0xFFFFFFF0];
	[tilespmem:v52+s1+$0x0] =	vst.idx.msk $0xffff, v15  }
0x1d6: {  	v60 =	vadd.s32 v3, v31;
	[tilespmem:v57+s1+$0x0] =	vst.idx.msk $0xffff, v56;
	v59 =	vld [tilespmem:s19+$0x70]  }
0x1d7: {  	v63 =	vadd.s32 v3, v21;
	[tilespmem:v53+s1+$0x0] =	vst.idx.msk $0xffff, v11;
	v5 =	vld [tilespmem:s19+$0xFFFFFFB0]  }
0x1d8: {  	v61 =	vadd.s32 v3, v19;
	v11 =	vld [tilespmem:s19+$0xFFFFFFF0];
	[tilespmem:v55+s1+$0x0] =	vst.idx.msk $0xffff, v54  }
0x1d9: {  	v62 =	vadd.s32 v3, v20;
	[tilespmem:v4+s1+$0x0] =	vst.idx.msk $0xffff, v58;
	v6 =	vld [tilespmem:s19+$0x30]  }
0x1da: {  	[tilespmem:v51+s1+$0x0] =	vst.idx.msk $0xffff, v50  }
0x1db: {  	[tilespmem:v60+s1+$0x0] =	vst.idx.msk $0xffff, v59  }
0x1dc: {  	[tilespmem:v63+s1+$0x0] =	vst.idx.msk $0xffff, v5  }
0x1dd: {  	[tilespmem:v61+s1+$0x0] =	vst.idx.msk $0xffff, v11  }
0x1de: {  	s11 =	sadd.s32 s14, s8;
	s19 =	simm.s32 $0x12A00;
	[tilespmem:v62+s1+$0x0] =	vst.idx.msk $0xffff, v6  }
0x1df: {  	[hbm4b:s11+s3] =	stream.linear.scatter [tilespmem:s19], [sflag:$0x7], $0x80, $0x38;
	[tilespmem:$0x16E00] =	vst v63  }
0x1e0: {  	s12 =	sadd.s32 $0x10, s11;
	s10 =	simm.s32 $0x12A88  }
0x1e1: {  	[hbm4b:s12+s3] =	stream.linear.scatter [tilespmem:s10], [sflag:$0x7], $0x80, $0x38;
	[tilespmem:$0x16E00] =	vst v63  }
0x1e2: {  	s13 =	simm.s32 $0x12B10;
	s19 =	sadd.s32 $0x20, s11  }
0x1e3: {  	[hbm4b:s19+s3] =	stream.linear.scatter [tilespmem:s13], [sflag:$0x7], $0x80, $0x38;
	[tilespmem:$0x16E00] =	vst v63  }
0x1e4: {  	s10 =	simm.s32 $0x12B98;
	s12 =	sadd.s32 $0x30, s11  }
0x1e5: {  	[hbm4b:s12+s3] =	stream.linear.scatter [tilespmem:s10], [sflag:$0x7], $0x80, $0x38;
	[tilespmem:$0x16E00] =	vst v63  }
0x1e6: {  	s13 =	simm.s32 $0x12C20;
	s19 =	sadd.s32 $0x40, s11  }
0x1e7: {  	[hbm4b:s19+s3] =	stream.linear.scatter [tilespmem:s13], [sflag:$0x7], $0x80, $0x38;
	[tilespmem:$0x16E00] =	vst v63  }
0x1e8: {  	s2 =	simm.s32 $0x12DB8;
	s10 =	simm.s32 $0x12CA8;
	s12 =	sadd.s32 $0x50, s11  }
0x1e9: {  	[hbm4b:s12+s3] =	stream.linear.scatter [tilespmem:s10], [sflag:$0x7], $0x80, $0x38;
	[tilespmem:$0x16E00] =	vst v63  }
0x1ea: {  	s13 =	simm.s32 $0x12D30;
	s19 =	sadd.s32 $0x60, s11;
	s10 =	simm.s32 $0x440  }
0x1eb: {  	[hbm4b:s19+s3] =	stream.linear.scatter [tilespmem:s13], [sflag:$0x7], $0x80, $0x38;
	[tilespmem:$0x16E00] =	vst v63  }
0x1ec: {  	s12 =	simm.s32 $0x2200;
	s13 =	sadd.s32 $0x70, s11;
	s11 =	sadd.s32 $0x1000, s11  }
.LBB2_13:
0x1ed: {  	[hbm4b:s13+s3] =	stream.linear.scatter [tilespmem:s2], [sflag:$0x7], $0x80, $0x38;
	[tilespmem:$0x16E00] =	vst v63  }
0x1ee: {  	s2 =	smov.u32 s10;
	s10 =	smov.u32 s12  }
0x1ef: {  	s19 =	sadd.s32 $0x1100, s12;
	s10 =	sshra.s32 s10, $0x2;
	s13 =	sadd.s32 $0x12A00, s2  }
0x1f0: {  	[hbm4b:s11+s3] =	stream.linear.scatter [tilespmem:s13], [sflag:$0x7], $0x80, $0x38;
	[tilespmem:$0x16E00] =	vst v63  }
0x1f1: {  	p1 =	sne.s32 s12, $0x7700;
	s12 =	sadd.s32 $0x12A88, s2;
	s13 =	sadd.s32 $0x10, s11  }
0x1f2: {  	[hbm4b:s13+s3] =	stream.linear.scatter [tilespmem:s12], [sflag:$0x7], $0x80, $0x38;
	[tilespmem:$0x16E00] =	vst v63  }
0x1f3: {  	s12 =	sadd.s32 $0x12B10, s2;
	s13 =	sadd.s32 $0x20, s11  }
0x1f4: {  	[hbm4b:s13+s3] =	stream.linear.scatter [tilespmem:s12], [sflag:$0x7], $0x80, $0x38;
	[tilespmem:$0x16E00] =	vst v63  }
0x1f5: {  	s12 =	sadd.s32 $0x12B98, s2;
	s13 =	sadd.s32 $0x30, s11  }
0x1f6: {  	[hbm4b:s13+s3] =	stream.linear.scatter [tilespmem:s12], [sflag:$0x7], $0x80, $0x38;
	[tilespmem:$0x16E00] =	vst v63  }
0x1f7: {  	s12 =	sadd.s32 $0x12C20, s2;
	s13 =	sadd.s32 $0x40, s11  }
0x1f8: {  	[hbm4b:s13+s3] =	stream.linear.scatter [tilespmem:s12], [sflag:$0x7], $0x80, $0x38;
	[tilespmem:$0x16E00] =	vst v63  }
.Ltmp5:
0x1f9: {  	s12 =	sadd.s32 $0x12CA8, s2;
	s13 =	sadd.s32 $0x50, s11;
	(pc) =	sbr.rel @p1 .LBB2_13-.Ltmp5, $4  }
0x1fa: {  	[hbm4b:s13+s3] =	stream.linear.scatter [tilespmem:s12], [sflag:$0x7], $0x80, $0x38;
	[tilespmem:$0x16E00] =	vst v63  }
0x1fb: {  	s12 =	sadd.s32 $0x12D30, s2;
	s13 =	sadd.s32 $0x60, s11;
	s2 =	sadd.s32 $0x12DB8, s2  }
0x1fc: {  	[hbm4b:s13+s3] =	stream.linear.scatter [tilespmem:s12], [sflag:$0x7], $0x80, $0x38;
	[tilespmem:$0x16E00] =	vst v63  }
0x1fd: {  	s13 =	sadd.s32 $0x70, s11;
	s11 =	sadd.s32 $0x1000, s11;
	s12 =	smov.u32 s19  }
0x1fe: {  	[hbm4b:s13+s3] =	stream.linear.scatter [tilespmem:s2], [sflag:$0x7], $0x80, $0x38;
	[tilespmem:$0x16E00] =	vst v63  }
0x1ff: {  	s13 =	sadd.s32 $0x12A00, s10  }
0x200: {  	[hbm4b:s11+s3] =	stream.linear.scatter [tilespmem:s13], [sflag:$0x7], $0x80, $0x38;
	[tilespmem:$0x16E00] =	vst v63  }
0x201: {  	s19 =	sadd.s32 $0x12A88, s10;
	s12 =	sadd.s32 $0x10, s11  }
0x202: {  	[hbm4b:s12+s3] =	stream.linear.scatter [tilespmem:s19], [sflag:$0x7], $0x80, $0x38;
	[tilespmem:$0x16E00] =	vst v63  }
0x203: {  	s13 =	sadd.s32 $0x12B10, s10;
	s19 =	sadd.s32 $0x20, s11  }
0x204: {  	[hbm4b:s19+s3] =	stream.linear.scatter [tilespmem:s13], [sflag:$0x7], $0x80, $0x38;
	[tilespmem:$0x16E00] =	vst v63  }
0x205: {  	s13 =	sadd.s32 $0x12B98, s10;
	s19 =	sadd.s32 $0x30, s11  }
0x206: {  	[hbm4b:s19+s3] =	stream.linear.scatter [tilespmem:s13], [sflag:$0x7], $0x80, $0x38;
	[tilespmem:$0x16E00] =	vst v63  }
0x207: {  	s13 =	sadd.s32 $0x12C20, s10;
	s19 =	sadd.s32 $0x40, s11  }
0x208: {  	[hbm4b:s19+s3] =	stream.linear.scatter [tilespmem:s13], [sflag:$0x7], $0x80, $0x38;
	[tilespmem:$0x16E00] =	vst v63  }
0x209: {  	s13 =	sadd.s32 $0x12CA8, s10;
	s19 =	sadd.s32 $0x50, s11  }
0x20a: {  	[hbm4b:s19+s3] =	stream.linear.scatter [tilespmem:s13], [sflag:$0x7], $0x80, $0x38;
	[tilespmem:$0x16E00] =	vst v63  }
0x20b: {  	s13 =	sadd.s32 $0x12D30, s10;
	s19 =	sadd.s32 $0x60, s11  }
0x20c: {  	[hbm4b:s19+s3] =	stream.linear.scatter [tilespmem:s13], [sflag:$0x7], $0x80, $0x38;
	[tilespmem:$0x16E00] =	vst v63  }
0x20d: {  	s13 =	sadd.s32 $0x12DB8, s10;
	s19 =	sadd.s32 $0x70, s11  }
0x20e: {  	[hbm4b:s19+s3] =	stream.linear.scatter [tilespmem:s13], [sflag:$0x7], $0x80, $0x38;
	[tilespmem:$0x16E00] =	vst v63  }
0x20f: {  	v4 =	vld [tilespmem:s6+$0x300];
	_ =	sdelay $0x4  }
0x210: {  	v4 =	vshll.u32 v4, $0x1  }
0x211: {  	[tilespmem:$0x6500] =	vst v4  }
0x212: {  	v4 =	vld [tilespmem:s6+$0x310];
	_ =	sdelay $0x4  }
0x213: {  	v4 =	vshll.u32 v4, $0x1  }
0x214: {  	[tilespmem:$0x6510] =	vst v4  }
0x215: {  	v4 =	vld [tilespmem:s6+$0x320];
	_ =	sdelay $0x4  }
0x216: {  	v4 =	vshll.u32 v4, $0x1  }
0x217: {  	[tilespmem:$0x6520] =	vst v4  }
0x218: {  	v4 =	vld [tilespmem:s6+$0x330];
	_ =	sdelay $0x4  }
0x219: {  	v4 =	vshll.u32 v4, $0x1  }
0x21a: {  	[tilespmem:$0x6530] =	vst v4  }
0x21b: {  	v4 =	vld [tilespmem:s6+$0x340];
	_ =	sdelay $0x4  }
0x21c: {  	v4 =	vshll.u32 v4, $0x1  }
0x21d: {  	[tilespmem:$0x6540] =	vst v4  }
0x21e: {  	v4 =	vld [tilespmem:s6+$0x350];
	_ =	sdelay $0x4  }
0x21f: {  	v4 =	vshll.u32 v4, $0x1  }
0x220: {  	[tilespmem:$0x6550] =	vst v4  }
0x221: {  	v4 =	vld [tilespmem:s6+$0x360];
	_ =	sdelay $0x4  }
0x222: {  	v4 =	vshll.u32 v4, $0x1  }
0x223: {  	[tilespmem:$0x6560] =	vst v4  }
0x224: {  	v4 =	vld [tilespmem:s6+$0x370];
	_ =	sdelay $0x4  }
0x225: {  	v4 =	vshll.u32 v4, $0x1  }
0x226: {  	s2 =	simm.s32 @!p0 $0x8;
	[tilespmem:$0x6570] =	vst v4  }
0x227: {  	[tilespmem:s24], [sflag:$0x3] =	stream.indirect.gather [hbm4b:s5+s18], $0x40, s23, s18, $0xb8;
	[tilespmem:$0x16E00] =	vst v63  }
0x228: {  	_ =	swait.ge @!p0 [sflag:s2], $0x2000  }
0x229: {  	[sflag:s2] =	ssyncset.done @!p0 $0x0  }
0x22a: {  	[sflag:s2] =	ssyncadd.s32 @!p0 $0xFFFFE000  }
0x22b: {  	s11 =	simm.s32 $0x3;
	_ =	swait.ge [sflag:s15], $0x2000  }
0x22c: {  	s12 =	simm.s32 $0x0;
	v4 =	vmov s11;
	[sflag:s15] =	ssyncset.done $0x0  }
0x22d: {  	s13 =	simm.s32 $0x1;
	s11 =	simm.s32 $0xC680;
	v5 =	vand.u32 $0x7F, v4;
	v4 =	vmov s12;
	[sflag:s15] =	ssyncadd.s32 $0xFFFFE000  }
0x22e: {  	v8 =	vadd.s32 v0, v5;
	v6 =	vand.u32 $0x7C, v4;
	v4 =	vmov s13;
	v7 =	vld [tilespmem:s11+$0x40]  }
0x22f: {  	v10 =	vadd.s32 v0, v6;
	v11 =	vand.u32 $0x7D, v4;
	v9 =	vld [tilespmem:s11+$0xFFFFFF80]  }
0x230: {  	s19 =	simm.s32 $0x2;
	v12 =	vadd.s32 v0, v11;
	v4 =	vld [tilespmem:s11+$0xFFFFFFC0]  }
0x231: {  	v13 =	vmov s19  }
0x232: {  	v13 =	vand.u32 $0x7E, v13  }
0x233: {  	v15 =	vadd.s32 v0, v13;
	v14 =	vld [tilespmem:s11+$0x0];
	[tilespmem:v8+s16+$0x0] =	vst.idx.msk $0xffff, v7  }
0x234: {  	v8 =	vadd.s32 v1, v5;
	[tilespmem:v10+s16+$0x0] =	vst.idx.msk $0xffff, v9;
	v7 =	vld [tilespmem:s11+$0x50]  }
0x235: {  	v10 =	vadd.s32 v1, v6;
	[tilespmem:v12+s16+$0x0] =	vst.idx.msk $0xffff, v4;
	v9 =	vld [tilespmem:s11+$0xFFFFFF90]  }
0x236: {  	v12 =	vadd.s32 v1, v11;
	v4 =	vld [tilespmem:s11+$0xFFFFFFD0];
	_ =	sdelay $0x1  }
0x237: {  	[tilespmem:v15+s16+$0x0] =	vst.idx.msk $0xffff, v14  }
0x238: {  	v16 =	vadd.s32 v1, v13;
	v15 =	vld [tilespmem:s11+$0x10];
	[tilespmem:v8+s16+$0x0] =	vst.idx.msk $0xffff, v7  }
0x239: {  	s10 =	simm.s32 $0x7;
	v14 =	vadd.s32 v2, v5;
	[tilespmem:v10+s16+$0x0] =	vst.idx.msk $0xffff, v9;
	v7 =	vld [tilespmem:s11+$0x60]  }
0x23a: {  	v10 =	vadd.s32 v2, v6;
	v8 =	vmov s10;
	[tilespmem:v12+s16+$0x0] =	vst.idx.msk $0xffff, v4;
	v9 =	vld [tilespmem:s11+$0xFFFFFFA0]  }
0x23b: {  	v17 =	vadd.s32 v2, v11;
	s10 =	simm.s32 $0xC780;
	v8 =	vand.u32 $0x7F, v8;
	v12 =	vld [tilespmem:s11+$0xFFFFFFE0]  }
0x23c: {  	s12 =	simm.s32 $0x4;
	v18 =	vld [tilespmem:s10+$0x40];
	v19 =	vadd.s32 v0, v8  }
0x23d: {  	s13 =	simm.s32 $0x5;
	v4 =	vmov s12;
	[tilespmem:v16+s16+$0x0] =	vst.idx.msk $0xffff, v15  }
0x23e: {  	v22 =	vmov s13;
	v4 =	vand.u32 $0x7C, v4;
	[tilespmem:v14+s16+$0x0] =	vst.idx.msk $0xffff, v7  }
0x23f: {  	s19 =	simm.s32 $0x6;
	v20 =	vld [tilespmem:s10+$0xFFFFFF80];
	v21 =	vadd.s32 v0, v4;
	v7 =	vand.u32 $0x7D, v22;
	[tilespmem:v10+s16+$0x0] =	vst.idx.msk $0xffff, v9  }
0x240: {  	v14 =	vmov s19;
	v9 =	vld [tilespmem:s10+$0xFFFFFFC0];
	[tilespmem:v17+s16+$0x0] =	vst.idx.msk $0xffff, v12;
	v10 =	vadd.s32 v0, v7  }
0x241: {  	v16 =	vadd.s32 v3, v5;
	v12 =	vld [tilespmem:s11+$0x20];
	v5 =	vand.u32 $0x7E, v14;
	[tilespmem:v19+s16+$0x0] =	vst.idx.msk $0xffff, v18;
	v18 =	vadd.s32 v2, v13  }
0x242: {  	v14 =	vld [tilespmem:s10+$0x0];
	v63 =	vadd.s32 v0, v5  }
0x243: {  	v15 =	vld [tilespmem:s11+$0x70]  }
0x244: {  	[tilespmem:v21+s16+$0x0] =	vst.idx.msk $0xffff, v20;
	v20 =	vadd.s32 v1, v8;
	v19 =	vld [tilespmem:s10+$0x50]  }
0x245: {  	v23 =	vadd.s32 v1, v4;
	v21 =	vld [tilespmem:s10+$0xFFFFFF90];
	[tilespmem:v10+s16+$0x0] =	vst.idx.msk $0xffff, v9  }
0x246: {  	v25 =	vadd.s32 v3, v11;
	v24 =	vld [tilespmem:s11+$0xFFFFFFF0];
	[tilespmem:v18+s16+$0x0] =	vst.idx.msk $0xffff, v12  }
0x247: {  	v18 =	vadd.s32 v1, v7;
	v17 =	vld [tilespmem:s10+$0xFFFFFFD0];
	[tilespmem:v63+s16+$0x0] =	vst.idx.msk $0xffff, v14  }
0x248: {  	[tilespmem:v16+s16+$0x0] =	vst.idx.msk $0xffff, v15;
	v16 =	vadd.s32 v1, v5;
	v15 =	vld [tilespmem:s10+$0x10]  }
0x249: {  	[tilespmem:v20+s16+$0x0] =	vst.idx.msk $0xffff, v19;
	v11 =	vld [tilespmem:s11+$0x30];
	v14 =	vadd.s32 v3, v13  }
0x24a: {  	v12 =	vadd.s32 v2, v8;
	[tilespmem:v23+s16+$0x0] =	vst.idx.msk $0xffff, v21;
	v9 =	vld [tilespmem:s10+$0x60]  }
0x24b: {  	s13 =	simm.s32 $0xC;
	s2 =	simm.s32 $0xB;
	s12 =	simm.s32 $0x8;
	[tilespmem:v25+s16+$0x0] =	vst.idx.msk $0xffff, v24;
	v13 =	vadd.s32 v2, v4;
	v10 =	vld [tilespmem:s10+$0xFFFFFFA0]  }
.LBB2_15:
0x24c: {  	p0 =	slt.u32 s13, $0x7C;
	v19 =	vmov s2;
	[tilespmem:v18+s16+$0x0] =	vst.idx.msk $0xffff, v17;
	v17 =	vld [tilespmem:s11+$0xFFFFFFB0];
	v18 =	vadd.s32 v3, v6;
	v6 =	vmov v4;
	s11 =	smov.u32 s10  }
0x24d: {  	v4 =	vmov s12;
	v21 =	vadd.s32 v2, v7;
	s10 =	sadd.s32 $0x100, s10;
	v19 =	vand.u32 $0x7F, v19;
	v20 =	vld [tilespmem:s11+$0xFFFFFFE0];
	[tilespmem:v16+s16+$0x0] =	vst.idx.msk $0xffff, v15  }
0x24e: {  	s2 =	sadd.s32 $0x1, s12;
	v4 =	vand.u32 $0x7C, v4;
	v15 =	vld [tilespmem:s10+$0x40];
	v16 =	vadd.s32 v0, v19;
	[tilespmem:v14+s16+$0x0] =	vst.idx.msk $0xffff, v11  }
0x24f: {  	v22 =	vmov s2;
	s2 =	sadd.s32 $0x2, s12;
	s12 =	smov.u32 s13;
	v14 =	vadd.s32 v0, v4;
	v11 =	vld [tilespmem:s10+$0xFFFFFF80];
	[tilespmem:v12+s16+$0x0] =	vst.idx.msk $0xffff, v9  }
0x250: {  	v9 =	vand.u32 $0x7D, v22;
	v12 =	vmov s2;
	[tilespmem:v13+s16+$0x0] =	vst.idx.msk $0xffff, v10;
	v10 =	vld [tilespmem:s11+$0x70];
	v13 =	vadd.s32 v3, v8;
	v8 =	vmovc v19  }
0x251: {  	v22 =	vadd.s32 v0, v9;
	v12 =	vand.u32 $0x7E, v12;
	v19 =	vld [tilespmem:s10+$0xFFFFFFC0];
	[tilespmem:v18+s16+$0x0] =	vst.idx.msk $0xffff, v17  }
0x252: {  	v24 =	vadd.s32 v0, v12;
	v23 =	vld [tilespmem:s10+$0x0];
	[tilespmem:v21+s16+$0x0] =	vst.idx.msk $0xffff, v20  }
0x253: {  	v21 =	vadd.s32 v2, v5;
	[tilespmem:v16+s16+$0x0] =	vst.idx.msk $0xffff, v15;
	v20 =	vld [tilespmem:s11+$0x20]  }
0x254: {  	[tilespmem:v14+s16+$0x0] =	vst.idx.msk $0xffff, v11;
	v11 =	vld [tilespmem:s10+$0x50];
	v14 =	vadd.s32 v1, v8  }
0x255: {  	v26 =	vadd.s32 v1, v4;
	v25 =	vld [tilespmem:s10+$0xFFFFFF90];
	[tilespmem:v13+s16+$0x0] =	vst.idx.msk $0xffff, v10  }
0x256: {  	[tilespmem:v22+s16+$0x0] =	vst.idx.msk $0xffff, v19;
	v19 =	vld [tilespmem:s11+$0xFFFFFFF0];
	v22 =	vadd.s32 v3, v7;
	v7 =	vmov v9  }
.Ltmp6:
0x257: {  	v17 =	vld [tilespmem:s10+$0xFFFFFFD0];
	v18 =	vadd.s32 v1, v7;
	[tilespmem:v24+s16+$0x0] =	vst.idx.msk $0xffff, v23;
	(pc) =	sbr.rel @p0 .LBB2_15-.Ltmp6, $4  }
0x258: {  	v16 =	vadd.s32 v1, v12;
	v15 =	vld [tilespmem:s10+$0x10];
	[tilespmem:v21+s16+$0x0] =	vst.idx.msk $0xffff, v20  }
0x259: {  	[tilespmem:v14+s16+$0x0] =	vst.idx.msk $0xffff, v11;
	v11 =	vld [tilespmem:s11+$0x30];
	v14 =	vadd.s32 v3, v5;
	v5 =	vmov v12  }
0x25a: {  	v12 =	vadd.s32 v2, v8;
	[tilespmem:v26+s16+$0x0] =	vst.idx.msk $0xffff, v25;
	v9 =	vld [tilespmem:s10+$0x60]  }
0x25b: {  	s13 =	sadd.s32 $0x4, s13;
	s2 =	sadd.s32 $0x3, s12;
	v13 =	vadd.s32 v2, v4;
	v10 =	vld [tilespmem:s10+$0xFFFFFFA0];
	[tilespmem:v22+s16+$0x0] =	vst.idx.msk $0xffff, v19  }
0x25c: {  	_ =	sdelay $0x2  }
0x25d: {  	v19 =	vmov s2  }
0x25e: {  	s19 =	sadd.s32 $0x1, s12;
	[tilespmem:v18+s16+$0x0] =	vst.idx.msk $0xffff, v17;
	v30 =	vld [tilespmem:s11+$0xFFFFFFB0];
	v6 =	vadd.s32 v3, v6;
	s13 =	sadd.s32 $0x100, s10;
	v21 =	vmov s12;
	v31 =	vand.u32 $0x7F, v19  }
0x25f: {  	v32 =	vmov s19;
	s19 =	sadd.s32 $0x2, s12;
	[tilespmem:v16+s16+$0x0] =	vst.idx.msk $0xffff, v15;
	v33 =	vld [tilespmem:s13+$0x40];
	v21 =	vand.u32 $0x7C, v21;
	v34 =	vadd.s32 v0, v31  }
0x260: {  	v22 =	vld [tilespmem:s13+$0xFFFFFF80];
	v19 =	vand.u32 $0x7D, v32;
	v20 =	vmov s19;
	[tilespmem:v14+s16+$0x0] =	vst.idx.msk $0xffff, v11;
	v39 =	vadd.s32 v0, v21  }
0x261: {  	v35 =	vld [tilespmem:s13+$0xFFFFFFC0];
	v36 =	vadd.s32 v0, v19;
	v20 =	vand.u32 $0x7E, v20;
	[tilespmem:v12+s16+$0x0] =	vst.idx.msk $0xffff, v9  }
0x262: {  	v37 =	vld [tilespmem:s13+$0x0];
	v38 =	vadd.s32 v0, v20;
	[tilespmem:v13+s16+$0x0] =	vst.idx.msk $0xffff, v10  }
0x263: {  	v41 =	vadd.s32 v2, v7;
	v40 =	vld [tilespmem:s10+$0xFFFFFFE0];
	[tilespmem:v6+s16+$0x0] =	vst.idx.msk $0xffff, v30  }
0x264: {  	v49 =	vadd.s32 v2, v5;
	v48 =	vld [tilespmem:s10+$0x20];
	[tilespmem:v34+s16+$0x0] =	vst.idx.msk $0xffff, v33  }
0x265: {  	v43 =	vadd.s32 v1, v31;
	[tilespmem:v39+s16+$0x0] =	vst.idx.msk $0xffff, v22;
	v15 =	vld [tilespmem:s13+$0x50]  }
0x266: {  	v47 =	vadd.s32 v1, v21;
	[tilespmem:v36+s16+$0x0] =	vst.idx.msk $0xffff, v35;
	v46 =	vld [tilespmem:s13+$0xFFFFFF90]  }
0x267: {  	v44 =	vadd.s32 v1, v19;
	v11 =	vld [tilespmem:s13+$0xFFFFFFD0];
	[tilespmem:v38+s16+$0x0] =	vst.idx.msk $0xffff, v37  }
0x268: {  	v45 =	vadd.s32 v1, v20;
	[tilespmem:v41+s16+$0x0] =	vst.idx.msk $0xffff, v40;
	v9 =	vld [tilespmem:s13+$0x10]  }
0x269: {  	v8 =	vadd.s32 v3, v8;
	v42 =	vld [tilespmem:s10+$0x70];
	[tilespmem:v49+s16+$0x0] =	vst.idx.msk $0xffff, v48  }
0x26a: {  	v5 =	vadd.s32 v3, v5;
	v13 =	vld [tilespmem:s10+$0x30];
	[tilespmem:v43+s16+$0x0] =	vst.idx.msk $0xffff, v15  }
0x26b: {  	v52 =	vadd.s32 v2, v31;
	[tilespmem:v47+s16+$0x0] =	vst.idx.msk $0xffff, v46;
	v15 =	vld [tilespmem:s13+$0x60]  }
0x26c: {  	v57 =	vadd.s32 v2, v21;
	[tilespmem:v44+s16+$0x0] =	vst.idx.msk $0xffff, v11;
	v56 =	vld [tilespmem:s13+$0xFFFFFFA0]  }
0x26d: {  	v53 =	vadd.s32 v2, v19;
	v11 =	vld [tilespmem:s13+$0xFFFFFFE0];
	[tilespmem:v45+s16+$0x0] =	vst.idx.msk $0xffff, v9  }
0x26e: {  	v55 =	vadd.s32 v2, v20;
	[tilespmem:v8+s16+$0x0] =	vst.idx.msk $0xffff, v42;
	v54 =	vld [tilespmem:s13+$0x20]  }
0x26f: {  	v4 =	vadd.s32 v3, v4;
	v58 =	vld [tilespmem:s10+$0xFFFFFFB0];
	[tilespmem:v5+s16+$0x0] =	vst.idx.msk $0xffff, v13  }
0x270: {  	v51 =	vadd.s32 v3, v7;
	v50 =	vld [tilespmem:s10+$0xFFFFFFF0];
	[tilespmem:v52+s16+$0x0] =	vst.idx.msk $0xffff, v15  }
0x271: {  	v60 =	vadd.s32 v3, v31;
	[tilespmem:v57+s16+$0x0] =	vst.idx.msk $0xffff, v56;
	v59 =	vld [tilespmem:s13+$0x70]  }
0x272: {  	v63 =	vadd.s32 v3, v21;
	[tilespmem:v53+s16+$0x0] =	vst.idx.msk $0xffff, v11;
	v5 =	vld [tilespmem:s13+$0xFFFFFFB0]  }
0x273: {  	v61 =	vadd.s32 v3, v19;
	v11 =	vld [tilespmem:s13+$0xFFFFFFF0];
	[tilespmem:v55+s16+$0x0] =	vst.idx.msk $0xffff, v54  }
0x274: {  	v62 =	vadd.s32 v3, v20;
	[tilespmem:v4+s16+$0x0] =	vst.idx.msk $0xffff, v58;
	v6 =	vld [tilespmem:s13+$0x30]  }
0x275: {  	[tilespmem:v51+s16+$0x0] =	vst.idx.msk $0xffff, v50  }
0x276: {  	[tilespmem:v60+s16+$0x0] =	vst.idx.msk $0xffff, v59  }
0x277: {  	[tilespmem:v63+s16+$0x0] =	vst.idx.msk $0xffff, v5  }
0x278: {  	[tilespmem:v61+s16+$0x0] =	vst.idx.msk $0xffff, v11  }
0x279: {  	s11 =	sadd.s32 s14, s9;
	s10 =	simm.s32 $0x14C00;
	[tilespmem:v62+s16+$0x0] =	vst.idx.msk $0xffff, v6  }
0x27a: {  	[hbm4b:s11+s3] =	stream.linear.scatter [tilespmem:s10], [sflag:$0x8], $0x80, $0x38;
	[tilespmem:$0x16E00] =	vst v63  }
0x27b: {  	s12 =	simm.s32 $0x14C88;
	s13 =	sadd.s32 $0x10, s11  }
0x27c: {  	[hbm4b:s13+s3] =	stream.linear.scatter [tilespmem:s12], [sflag:$0x8], $0x80, $0x38;
	[tilespmem:$0x16E00] =	vst v63  }
0x27d: {  	s14 =	simm.s32 $0x14D10;
	s2 =	simm.s32 $0x14FB8;
	s19 =	sadd.s32 $0x20, s11  }
0x27e: {  	[hbm4b:s19+s3] =	stream.linear.scatter [tilespmem:s14], [sflag:$0x8], $0x80, $0x38;
	[tilespmem:$0x16E00] =	vst v63  }
0x27f: {  	s10 =	simm.s32 $0x440;
	s12 =	simm.s32 $0x14D98;
	s13 =	sadd.s32 $0x30, s11  }
0x280: {  	[hbm4b:s13+s3] =	stream.linear.scatter [tilespmem:s12], [sflag:$0x8], $0x80, $0x38;
	[tilespmem:$0x16E00] =	vst v63  }
0x281: {  	s14 =	simm.s32 $0x14E20;
	s19 =	sadd.s32 $0x40, s11;
	s12 =	simm.s32 $0x14EA8  }
0x282: {  	[hbm4b:s19+s3] =	stream.linear.scatter [tilespmem:s14], [sflag:$0x8], $0x80, $0x38;
	[tilespmem:$0x16E00] =	vst v63  }
0x283: {  	s13 =	sadd.s32 $0x50, s11;
	s14 =	simm.s32 $0x14F30;
	s19 =	sadd.s32 $0x60, s11  }
0x284: {  	[hbm4b:s13+s3] =	stream.linear.scatter [tilespmem:s12], [sflag:$0x8], $0x80, $0x38;
	[tilespmem:$0x16E00] =	vst v63  }
0x285: {  	s12 =	simm.s32 $0x2200;
	s13 =	sadd.s32 $0x70, s11;
	s11 =	sadd.s32 $0x1000, s11  }
0x286: {  	[hbm4b:s19+s3] =	stream.linear.scatter [tilespmem:s14], [sflag:$0x8], $0x80, $0x38;
	[tilespmem:$0x16E00] =	vst v63  }
.LBB2_17:
0x287: {  	[hbm4b:s13+s3] =	stream.linear.scatter [tilespmem:s2], [sflag:$0x8], $0x80, $0x38;
	[tilespmem:$0x16E00] =	vst v63  }
0x288: {  	s2 =	smov.u32 s10;
	s10 =	smov.u32 s12  }
0x289: {  	s14 =	sadd.s32 $0x1100, s12;
	s10 =	sshra.s32 s10, $0x2;
	s13 =	sadd.s32 $0x14C00, s2  }
0x28a: {  	[hbm4b:s11+s3] =	stream.linear.scatter [tilespmem:s13], [sflag:$0x8], $0x80, $0x38;
	[tilespmem:$0x16E00] =	vst v63  }
0x28b: {  	p0 =	sne.s32 s12, $0x7700;
	s12 =	sadd.s32 $0x14C88, s2;
	s13 =	sadd.s32 $0x10, s11  }
0x28c: {  	[hbm4b:s13+s3] =	stream.linear.scatter [tilespmem:s12], [sflag:$0x8], $0x80, $0x38;
	[tilespmem:$0x16E00] =	vst v63  }
0x28d: {  	s12 =	sadd.s32 $0x14D10, s2;
	s13 =	sadd.s32 $0x20, s11  }
0x28e: {  	[hbm4b:s13+s3] =	stream.linear.scatter [tilespmem:s12], [sflag:$0x8], $0x80, $0x38;
	[tilespmem:$0x16E00] =	vst v63  }
0x28f: {  	s12 =	sadd.s32 $0x14D98, s2;
	s13 =	sadd.s32 $0x30, s11  }
0x290: {  	[hbm4b:s13+s3] =	stream.linear.scatter [tilespmem:s12], [sflag:$0x8], $0x80, $0x38;
	[tilespmem:$0x16E00] =	vst v63  }
0x291: {  	s12 =	sadd.s32 $0x14E20, s2;
	s13 =	sadd.s32 $0x40, s11  }
0x292: {  	[hbm4b:s13+s3] =	stream.linear.scatter [tilespmem:s12], [sflag:$0x8], $0x80, $0x38;
	[tilespmem:$0x16E00] =	vst v63  }
.Ltmp7:
0x293: {  	s12 =	sadd.s32 $0x14EA8, s2;
	s13 =	sadd.s32 $0x50, s11;
	(pc) =	sbr.rel @p0 .LBB2_17-.Ltmp7, $4  }
0x294: {  	[hbm4b:s13+s3] =	stream.linear.scatter [tilespmem:s12], [sflag:$0x8], $0x80, $0x38;
	[tilespmem:$0x16E00] =	vst v63  }
0x295: {  	s12 =	sadd.s32 $0x14F30, s2;
	s13 =	sadd.s32 $0x60, s11;
	s2 =	sadd.s32 $0x14FB8, s2  }
0x296: {  	[hbm4b:s13+s3] =	stream.linear.scatter [tilespmem:s12], [sflag:$0x8], $0x80, $0x38;
	[tilespmem:$0x16E00] =	vst v63  }
0x297: {  	s13 =	sadd.s32 $0x70, s11;
	s11 =	sadd.s32 $0x1000, s11;
	s12 =	smov.u32 s14  }
0x298: {  	[hbm4b:s13+s3] =	stream.linear.scatter [tilespmem:s2], [sflag:$0x8], $0x80, $0x38;
	[tilespmem:$0x16E00] =	vst v63  }
0x299: {  	s14 =	sadd.s32 $0x14C00, s10  }
0x29a: {  	[hbm4b:s11+s3] =	stream.linear.scatter [tilespmem:s14], [sflag:$0x8], $0x80, $0x38;
	[tilespmem:$0x16E00] =	vst v63  }
0x29b: {  	s19 =	sadd.s32 $0x14C88, s10;
	s12 =	sadd.s32 $0x10, s11  }
0x29c: {  	[hbm4b:s12+s3] =	stream.linear.scatter [tilespmem:s19], [sflag:$0x8], $0x80, $0x38;
	[tilespmem:$0x16E00] =	vst v63  }
0x29d: {  	s13 =	sadd.s32 $0x20, s11;
	s12 =	sadd.s32 $0x14D10, s10  }
0x29e: {  	[hbm4b:s13+s3] =	stream.linear.scatter [tilespmem:s12], [sflag:$0x8], $0x80, $0x38;
	[tilespmem:$0x16E00] =	vst v63  }
0x29f: {  	s14 =	sadd.s32 $0x14D98, s10;
	s19 =	sadd.s32 $0x30, s11  }
0x2a0: {  	[hbm4b:s19+s3] =	stream.linear.scatter [tilespmem:s14], [sflag:$0x8], $0x80, $0x38;
	[tilespmem:$0x16E00] =	vst v63  }
0x2a1: {  	s12 =	sadd.s32 $0x14E20, s10;
	s13 =	sadd.s32 $0x40, s11  }
0x2a2: {  	[hbm4b:s13+s3] =	stream.linear.scatter [tilespmem:s12], [sflag:$0x8], $0x80, $0x38;
	[tilespmem:$0x16E00] =	vst v63  }
0x2a3: {  	s14 =	sadd.s32 $0x14EA8, s10;
	s19 =	sadd.s32 $0x50, s11  }
0x2a4: {  	[hbm4b:s19+s3] =	stream.linear.scatter [tilespmem:s14], [sflag:$0x8], $0x80, $0x38;
	[tilespmem:$0x16E00] =	vst v63  }
0x2a5: {  	s12 =	sadd.s32 $0x14F30, s10;
	s13 =	sadd.s32 $0x60, s11  }
0x2a6: {  	[hbm4b:s13+s3] =	stream.linear.scatter [tilespmem:s12], [sflag:$0x8], $0x80, $0x38;
	[tilespmem:$0x16E00] =	vst v63  }
0x2a7: {  	s14 =	sadd.s32 $0x14FB8, s10;
	s19 =	sadd.s32 $0x70, s11  }
0x2a8: {  	[hbm4b:s19+s3] =	stream.linear.scatter [tilespmem:s14], [sflag:$0x8], $0x80, $0x38;
	[tilespmem:$0x16E00] =	vst v63  }
0x2a9: {  	v4 =	vld [tilespmem:s6+$0x380];
	_ =	sdelay $0x4  }
0x2aa: {  	v4 =	vshll.u32 v4, $0x1  }
0x2ab: {  	[tilespmem:$0x6580] =	vst v4  }
0x2ac: {  	v4 =	vld [tilespmem:s6+$0x390];
	_ =	sdelay $0x4  }
0x2ad: {  	v4 =	vshll.u32 v4, $0x1  }
0x2ae: {  	[tilespmem:$0x6590] =	vst v4  }
0x2af: {  	v4 =	vld [tilespmem:s6+$0x3A0];
	_ =	sdelay $0x4  }
0x2b0: {  	v4 =	vshll.u32 v4, $0x1  }
0x2b1: {  	[tilespmem:$0x65A0] =	vst v4  }
0x2b2: {  	v4 =	vld [tilespmem:s6+$0x3B0];
	_ =	sdelay $0x4  }
0x2b3: {  	v4 =	vshll.u32 v4, $0x1  }
0x2b4: {  	[tilespmem:$0x65B0] =	vst v4  }
0x2b5: {  	v4 =	vld [tilespmem:s6+$0x3C0];
	_ =	sdelay $0x4  }
0x2b6: {  	v4 =	vshll.u32 v4, $0x1  }
0x2b7: {  	[tilespmem:$0x65C0] =	vst v4  }
0x2b8: {  	v4 =	vld [tilespmem:s6+$0x3D0];
	_ =	sdelay $0x4  }
0x2b9: {  	v4 =	vshll.u32 v4, $0x1  }
0x2ba: {  	[tilespmem:$0x65D0] =	vst v4  }
0x2bb: {  	v4 =	vld [tilespmem:s6+$0x3E0];
	_ =	sdelay $0x4  }
0x2bc: {  	v4 =	vshll.u32 v4, $0x1  }
0x2bd: {  	[tilespmem:$0x65E0] =	vst v4  }
0x2be: {  	v4 =	vld [tilespmem:s6+$0x3F0]  }
0x2bf: {  	s17 =	sadd.s32 $0x1, s17  }
0x2c0: {  	p0 =	sne.s32 s17, $0x31  }
.Ltmp8:
0x2c1: {  	_ = 	snop;
	(pc) =	sbr.rel @p0 .LBB2_2-.Ltmp8, $4  }
0x2c2: {  	_ = 	snop  }
0x2c3: {  	v4 =	vshll.u32 v4, $0x1  }
0x2c4: {  	[tilespmem:$0x65F0] =	vst v4  }
0x2c5: {  	[tilespmem:s26], [sflag:$0x4] =	stream.indirect.gather [hbm4b:s5+s18], $0x40, s25, s18, $0xb8;
	[tilespmem:$0x16E00] =	vst v63  }
0x2c6: {  	s14 =	simm.s32 $0x5  }
0x2c7: {  	_ =	swait.ge [sflag:s14], $0x2000  }
0x2c8: {  	[sflag:s14] =	ssyncset.done $0x0  }
0x2c9: {  	[sflag:s14] =	ssyncadd.s32 $0xFFFFE000  }
0x2ca: {  	s2 =	simm.s32 $0x3;
	_ =	swait.ge [sflag:s28], $0x2000  }
0x2cb: {  	s6 =	simm.s32 $0x0;
	v4 =	vmov s2;
	[sflag:s28] =	ssyncset.done $0x0  }
0x2cc: {  	s10 =	simm.s32 $0x6680;
	s11 =	simm.s32 $0x1;
	v5 =	vand.u32 $0x7F, v4;
	v4 =	vmov s6;
	[sflag:s28] =	ssyncadd.s32 $0xFFFFE000  }
0x2cd: {  	v8 =	vadd.s32 v0, v5;
	v6 =	vand.u32 $0x7C, v4;
	v4 =	vmov s11;
	v7 =	vld [tilespmem:s10+$0x40]  }
0x2ce: {  	v10 =	vadd.s32 v0, v6;
	v11 =	vand.u32 $0x7D, v4;
	v9 =	vld [tilespmem:s10+$0xFFFFFF80]  }
0x2cf: {  	s12 =	simm.s32 $0x2;
	v12 =	vadd.s32 v0, v11;
	v4 =	vld [tilespmem:s10+$0xFFFFFFC0]  }
0x2d0: {  	v13 =	vmov s12  }
0x2d1: {  	v13 =	vand.u32 $0x7E, v13  }
0x2d2: {  	v15 =	vadd.s32 v0, v13;
	v14 =	vld [tilespmem:s10+$0x0];
	[tilespmem:v8+s29+$0x0] =	vst.idx.msk $0xffff, v7  }
0x2d3: {  	v8 =	vadd.s32 v1, v5;
	[tilespmem:v10+s29+$0x0] =	vst.idx.msk $0xffff, v9;
	v7 =	vld [tilespmem:s10+$0x50]  }
0x2d4: {  	v10 =	vadd.s32 v1, v6;
	[tilespmem:v12+s29+$0x0] =	vst.idx.msk $0xffff, v4;
	v9 =	vld [tilespmem:s10+$0xFFFFFF90]  }
0x2d5: {  	v12 =	vadd.s32 v1, v11;
	v4 =	vld [tilespmem:s10+$0xFFFFFFD0];
	_ =	sdelay $0x1  }
0x2d6: {  	[tilespmem:v15+s29+$0x0] =	vst.idx.msk $0xffff, v14  }
0x2d7: {  	v16 =	vadd.s32 v1, v13;
	v15 =	vld [tilespmem:s10+$0x10];
	[tilespmem:v8+s29+$0x0] =	vst.idx.msk $0xffff, v7  }
0x2d8: {  	s13 =	simm.s32 $0x7;
	v14 =	vadd.s32 v2, v5;
	[tilespmem:v10+s29+$0x0] =	vst.idx.msk $0xffff, v9;
	v7 =	vld [tilespmem:s10+$0x60]  }
0x2d9: {  	s6 =	simm.s32 $0x4;
	v10 =	vadd.s32 v2, v6;
	v8 =	vmov s13;
	[tilespmem:v12+s29+$0x0] =	vst.idx.msk $0xffff, v4;
	v9 =	vld [tilespmem:s10+$0xFFFFFFA0]  }
0x2da: {  	v17 =	vadd.s32 v2, v11;
	v4 =	vmov s6;
	s6 =	simm.s32 $0x6780;
	v8 =	vand.u32 $0x7F, v8;
	v12 =	vld [tilespmem:s10+$0xFFFFFFE0]  }
0x2db: {  	v18 =	vld [tilespmem:s6+$0x40];
	v19 =	vadd.s32 v0, v8  }
0x2dc: {  	s17 =	simm.s32 $0x5;
	[tilespmem:v16+s29+$0x0] =	vst.idx.msk $0xffff, v15  }
0x2dd: {  	v22 =	vmov s17;
	v4 =	vand.u32 $0x7C, v4;
	[tilespmem:v14+s29+$0x0] =	vst.idx.msk $0xffff, v7  }
0x2de: {  	s19 =	simm.s32 $0x6;
	v20 =	vld [tilespmem:s6+$0xFFFFFF80];
	v21 =	vadd.s32 v0, v4;
	v7 =	vand.u32 $0x7D, v22;
	[tilespmem:v10+s29+$0x0] =	vst.idx.msk $0xffff, v9  }
0x2df: {  	v14 =	vmov s19;
	v9 =	vld [tilespmem:s6+$0xFFFFFFC0];
	[tilespmem:v17+s29+$0x0] =	vst.idx.msk $0xffff, v12;
	v10 =	vadd.s32 v0, v7  }
0x2e0: {  	v16 =	vadd.s32 v3, v5;
	v12 =	vld [tilespmem:s10+$0x20];
	v5 =	vand.u32 $0x7E, v14;
	[tilespmem:v19+s29+$0x0] =	vst.idx.msk $0xffff, v18;
	v18 =	vadd.s32 v2, v13  }
0x2e1: {  	v14 =	vld [tilespmem:s6+$0x0];
	v63 =	vadd.s32 v0, v5  }
0x2e2: {  	v15 =	vld [tilespmem:s10+$0x70]  }
0x2e3: {  	[tilespmem:v21+s29+$0x0] =	vst.idx.msk $0xffff, v20;
	v20 =	vadd.s32 v1, v8;
	v19 =	vld [tilespmem:s6+$0x50]  }
0x2e4: {  	v23 =	vadd.s32 v1, v4;
	v21 =	vld [tilespmem:s6+$0xFFFFFF90];
	[tilespmem:v10+s29+$0x0] =	vst.idx.msk $0xffff, v9  }
0x2e5: {  	v25 =	vadd.s32 v3, v11;
	v24 =	vld [tilespmem:s10+$0xFFFFFFF0];
	[tilespmem:v18+s29+$0x0] =	vst.idx.msk $0xffff, v12  }
0x2e6: {  	v18 =	vadd.s32 v1, v7;
	v17 =	vld [tilespmem:s6+$0xFFFFFFD0];
	[tilespmem:v63+s29+$0x0] =	vst.idx.msk $0xffff, v14  }
0x2e7: {  	[tilespmem:v16+s29+$0x0] =	vst.idx.msk $0xffff, v15;
	v16 =	vadd.s32 v1, v5;
	v15 =	vld [tilespmem:s6+$0x10]  }
0x2e8: {  	[tilespmem:v20+s29+$0x0] =	vst.idx.msk $0xffff, v19;
	v11 =	vld [tilespmem:s10+$0x30];
	v14 =	vadd.s32 v3, v13  }
0x2e9: {  	v12 =	vadd.s32 v2, v8;
	[tilespmem:v23+s29+$0x0] =	vst.idx.msk $0xffff, v21;
	v9 =	vld [tilespmem:s6+$0x60]  }
0x2ea: {  	s2 =	simm.s32 $0xB;
	s12 =	simm.s32 $0xC;
	s11 =	simm.s32 $0x8;
	[tilespmem:v25+s29+$0x0] =	vst.idx.msk $0xffff, v24;
	v13 =	vadd.s32 v2, v4;
	v10 =	vld [tilespmem:s6+$0xFFFFFFA0]  }
.LBB2_20:
0x2eb: {  	p0 =	slt.u32 s12, $0x7C;
	v19 =	vmov s2;
	[tilespmem:v18+s29+$0x0] =	vst.idx.msk $0xffff, v17;
	v17 =	vld [tilespmem:s10+$0xFFFFFFB0];
	v18 =	vadd.s32 v3, v6;
	v6 =	vmov v4;
	s10 =	smov.u32 s6  }
0x2ec: {  	v4 =	vmov s11;
	v21 =	vadd.s32 v2, v7;
	s6 =	sadd.s32 $0x100, s6;
	v19 =	vand.u32 $0x7F, v19;
	v20 =	vld [tilespmem:s10+$0xFFFFFFE0];
	[tilespmem:v16+s29+$0x0] =	vst.idx.msk $0xffff, v15  }
0x2ed: {  	s2 =	sadd.s32 $0x1, s11;
	v4 =	vand.u32 $0x7C, v4;
	v15 =	vld [tilespmem:s6+$0x40];
	v16 =	vadd.s32 v0, v19;
	[tilespmem:v14+s29+$0x0] =	vst.idx.msk $0xffff, v11  }
0x2ee: {  	v22 =	vmov s2;
	s2 =	sadd.s32 $0x2, s11;
	s11 =	smov.u32 s12;
	v14 =	vadd.s32 v0, v4;
	v11 =	vld [tilespmem:s6+$0xFFFFFF80];
	[tilespmem:v12+s29+$0x0] =	vst.idx.msk $0xffff, v9  }
0x2ef: {  	v9 =	vand.u32 $0x7D, v22;
	v12 =	vmov s2;
	[tilespmem:v13+s29+$0x0] =	vst.idx.msk $0xffff, v10;
	v10 =	vld [tilespmem:s10+$0x70];
	v13 =	vadd.s32 v3, v8;
	v8 =	vmovc v19  }
0x2f0: {  	v22 =	vadd.s32 v0, v9;
	v12 =	vand.u32 $0x7E, v12;
	v19 =	vld [tilespmem:s6+$0xFFFFFFC0];
	[tilespmem:v18+s29+$0x0] =	vst.idx.msk $0xffff, v17  }
0x2f1: {  	v24 =	vadd.s32 v0, v12;
	v23 =	vld [tilespmem:s6+$0x0];
	[tilespmem:v21+s29+$0x0] =	vst.idx.msk $0xffff, v20  }
0x2f2: {  	v21 =	vadd.s32 v2, v5;
	[tilespmem:v16+s29+$0x0] =	vst.idx.msk $0xffff, v15;
	v20 =	vld [tilespmem:s10+$0x20]  }
0x2f3: {  	[tilespmem:v14+s29+$0x0] =	vst.idx.msk $0xffff, v11;
	v11 =	vld [tilespmem:s6+$0x50];
	v14 =	vadd.s32 v1, v8  }
0x2f4: {  	v26 =	vadd.s32 v1, v4;
	v25 =	vld [tilespmem:s6+$0xFFFFFF90];
	[tilespmem:v13+s29+$0x0] =	vst.idx.msk $0xffff, v10  }
0x2f5: {  	[tilespmem:v22+s29+$0x0] =	vst.idx.msk $0xffff, v19;
	v19 =	vld [tilespmem:s10+$0xFFFFFFF0];
	v22 =	vadd.s32 v3, v7;
	v7 =	vmov v9  }
.Ltmp9:
0x2f6: {  	v17 =	vld [tilespmem:s6+$0xFFFFFFD0];
	v18 =	vadd.s32 v1, v7;
	[tilespmem:v24+s29+$0x0] =	vst.idx.msk $0xffff, v23;
	(pc) =	sbr.rel @p0 .LBB2_20-.Ltmp9, $4  }
0x2f7: {  	v16 =	vadd.s32 v1, v12;
	v15 =	vld [tilespmem:s6+$0x10];
	[tilespmem:v21+s29+$0x0] =	vst.idx.msk $0xffff, v20  }
0x2f8: {  	[tilespmem:v14+s29+$0x0] =	vst.idx.msk $0xffff, v11;
	v11 =	vld [tilespmem:s10+$0x30];
	v14 =	vadd.s32 v3, v5;
	v5 =	vmov v12  }
0x2f9: {  	v12 =	vadd.s32 v2, v8;
	[tilespmem:v26+s29+$0x0] =	vst.idx.msk $0xffff, v25;
	v9 =	vld [tilespmem:s6+$0x60]  }
0x2fa: {  	s12 =	sadd.s32 $0x4, s12;
	s2 =	sadd.s32 $0x3, s11;
	v13 =	vadd.s32 v2, v4;
	v10 =	vld [tilespmem:s6+$0xFFFFFFA0];
	[tilespmem:v22+s29+$0x0] =	vst.idx.msk $0xffff, v19  }
0x2fb: {  	_ =	sdelay $0x2  }
0x2fc: {  	v19 =	vmov s2  }
0x2fd: {  	s12 =	sadd.s32 $0x1, s11;
	[tilespmem:v18+s29+$0x0] =	vst.idx.msk $0xffff, v17;
	v30 =	vld [tilespmem:s10+$0xFFFFFFB0];
	v6 =	vadd.s32 v3, v6;
	s13 =	sadd.s32 $0x100, s6;
	v21 =	vmov s11;
	v31 =	vand.u32 $0x7F, v19  }
0x2fe: {  	s17 =	sadd.s32 $0x2, s11;
	v32 =	vmov s12;
	[tilespmem:v16+s29+$0x0] =	vst.idx.msk $0xffff, v15;
	v33 =	vld [tilespmem:s13+$0x40];
	v21 =	vand.u32 $0x7C, v21;
	v34 =	vadd.s32 v0, v31  }
0x2ff: {  	v20 =	vmov s17;
	v22 =	vld [tilespmem:s13+$0xFFFFFF80];
	v19 =	vand.u32 $0x7D, v32;
	[tilespmem:v14+s29+$0x0] =	vst.idx.msk $0xffff, v11;
	v39 =	vadd.s32 v0, v21  }
0x300: {  	v35 =	vld [tilespmem:s13+$0xFFFFFFC0];
	v20 =	vand.u32 $0x7E, v20;
	v36 =	vadd.s32 v0, v19;
	[tilespmem:v12+s29+$0x0] =	vst.idx.msk $0xffff, v9  }
0x301: {  	v37 =	vld [tilespmem:s13+$0x0];
	v38 =	vadd.s32 v0, v20;
	[tilespmem:v13+s29+$0x0] =	vst.idx.msk $0xffff, v10  }
0x302: {  	v41 =	vadd.s32 v2, v7;
	v40 =	vld [tilespmem:s6+$0xFFFFFFE0];
	[tilespmem:v6+s29+$0x0] =	vst.idx.msk $0xffff, v30  }
0x303: {  	v49 =	vadd.s32 v2, v5;
	v48 =	vld [tilespmem:s6+$0x20];
	[tilespmem:v34+s29+$0x0] =	vst.idx.msk $0xffff, v33  }
0x304: {  	v43 =	vadd.s32 v1, v31;
	[tilespmem:v39+s29+$0x0] =	vst.idx.msk $0xffff, v22;
	v15 =	vld [tilespmem:s13+$0x50]  }
0x305: {  	v47 =	vadd.s32 v1, v21;
	[tilespmem:v36+s29+$0x0] =	vst.idx.msk $0xffff, v35;
	v46 =	vld [tilespmem:s13+$0xFFFFFF90]  }
0x306: {  	v44 =	vadd.s32 v1, v19;
	[tilespmem:v38+s29+$0x0] =	vst.idx.msk $0xffff, v37;
	v11 =	vld [tilespmem:s13+$0xFFFFFFD0]  }
0x307: {  	v45 =	vadd.s32 v1, v20;
	[tilespmem:v41+s29+$0x0] =	vst.idx.msk $0xffff, v40;
	v9 =	vld [tilespmem:s13+$0x10]  }
0x308: {  	v8 =	vadd.s32 v3, v8;
	v42 =	vld [tilespmem:s6+$0x70];
	[tilespmem:v49+s29+$0x0] =	vst.idx.msk $0xffff, v48  }
0x309: {  	v5 =	vadd.s32 v3, v5;
	v13 =	vld [tilespmem:s6+$0x30];
	[tilespmem:v43+s29+$0x0] =	vst.idx.msk $0xffff, v15  }
0x30a: {  	v52 =	vadd.s32 v2, v31;
	[tilespmem:v47+s29+$0x0] =	vst.idx.msk $0xffff, v46;
	v15 =	vld [tilespmem:s13+$0x60]  }
0x30b: {  	v57 =	vadd.s32 v2, v21;
	[tilespmem:v44+s29+$0x0] =	vst.idx.msk $0xffff, v11;
	v56 =	vld [tilespmem:s13+$0xFFFFFFA0]  }
0x30c: {  	v53 =	vadd.s32 v2, v19;
	[tilespmem:v45+s29+$0x0] =	vst.idx.msk $0xffff, v9;
	v11 =	vld [tilespmem:s13+$0xFFFFFFE0]  }
0x30d: {  	v55 =	vadd.s32 v2, v20;
	[tilespmem:v8+s29+$0x0] =	vst.idx.msk $0xffff, v42;
	v54 =	vld [tilespmem:s13+$0x20]  }
0x30e: {  	v4 =	vadd.s32 v3, v4;
	v58 =	vld [tilespmem:s6+$0xFFFFFFB0];
	[tilespmem:v5+s29+$0x0] =	vst.idx.msk $0xffff, v13  }
0x30f: {  	v51 =	vadd.s32 v3, v7;
	v50 =	vld [tilespmem:s6+$0xFFFFFFF0];
	[tilespmem:v52+s29+$0x0] =	vst.idx.msk $0xffff, v15  }
0x310: {  	v60 =	vadd.s32 v3, v31;
	[tilespmem:v57+s29+$0x0] =	vst.idx.msk $0xffff, v56;
	v59 =	vld [tilespmem:s13+$0x70]  }
0x311: {  	v63 =	vadd.s32 v3, v21;
	[tilespmem:v53+s29+$0x0] =	vst.idx.msk $0xffff, v11;
	v5 =	vld [tilespmem:s13+$0xFFFFFFB0]  }
0x312: {  	v61 =	vadd.s32 v3, v19;
	[tilespmem:v55+s29+$0x0] =	vst.idx.msk $0xffff, v54;
	v11 =	vld [tilespmem:s13+$0xFFFFFFF0]  }
0x313: {  	v62 =	vadd.s32 v3, v20;
	[tilespmem:v4+s29+$0x0] =	vst.idx.msk $0xffff, v58;
	v6 =	vld [tilespmem:s13+$0x30]  }
0x314: {  	[tilespmem:v51+s29+$0x0] =	vst.idx.msk $0xffff, v50  }
0x315: {  	[tilespmem:v60+s29+$0x0] =	vst.idx.msk $0xffff, v59  }
0x316: {  	[tilespmem:v63+s29+$0x0] =	vst.idx.msk $0xffff, v5  }
0x317: {  	[tilespmem:v61+s29+$0x0] =	vst.idx.msk $0xffff, v11  }
0x318: {  	[tilespmem:v62+s29+$0x0] =	vst.idx.msk $0xffff, v6  }
0x319: {  	s19 =	simm.s32 $0xE600;
	s10 =	rddreg [dreg:$0x5]  }
0x31a: {  	[hbm4b:s10+s3] =	stream.linear.scatter [tilespmem:s19], [sflag:$0x5], $0x80, $0x38;
	[tilespmem:$0x16E00] =	vst v63  }
0x31b: {  	s6 =	simm.s32 $0xE688;
	s11 =	sadd.s32 $0x10, s10  }
0x31c: {  	[hbm4b:s11+s3] =	stream.linear.scatter [tilespmem:s6], [sflag:$0x5], $0x80, $0x38;
	[tilespmem:$0x16E00] =	vst v63  }
0x31d: {  	s12 =	simm.s32 $0xE710;
	s13 =	sadd.s32 $0x20, s10  }
0x31e: {  	[hbm4b:s13+s3] =	stream.linear.scatter [tilespmem:s12], [sflag:$0x5], $0x80, $0x38;
	[tilespmem:$0x16E00] =	vst v63  }
0x31f: {  	s17 =	simm.s32 $0xE798;
	s19 =	sadd.s32 $0x30, s10  }
0x320: {  	[hbm4b:s19+s3] =	stream.linear.scatter [tilespmem:s17], [sflag:$0x5], $0x80, $0x38;
	[tilespmem:$0x16E00] =	vst v63  }
0x321: {  	s2 =	simm.s32 $0xE9B8;
	s6 =	simm.s32 $0xE820;
	s11 =	sadd.s32 $0x40, s10  }
0x322: {  	[hbm4b:s11+s3] =	stream.linear.scatter [tilespmem:s6], [sflag:$0x5], $0x80, $0x38;
	[tilespmem:$0x16E00] =	vst v63  }
0x323: {  	s12 =	simm.s32 $0xE8A8;
	s13 =	sadd.s32 $0x50, s10;
	s17 =	simm.s32 $0xE930  }
0x324: {  	[hbm4b:s13+s3] =	stream.linear.scatter [tilespmem:s12], [sflag:$0x5], $0x80, $0x38;
	[tilespmem:$0x16E00] =	vst v63  }
0x325: {  	s19 =	sadd.s32 $0x60, s10;
	s6 =	simm.s32 $0x440;
	s11 =	simm.s32 $0x2200  }
0x326: {  	[hbm4b:s19+s3] =	stream.linear.scatter [tilespmem:s17], [sflag:$0x5], $0x80, $0x38;
	[tilespmem:$0x16E00] =	vst v63  }
0x327: {  	s12 =	sadd.s32 $0x70, s10;
	s10 =	sadd.s32 $0x1000, s10;
	s17 =	simm.s32 $0x6  }
.LBB2_22:
0x328: {  	[hbm4b:s12+s3] =	stream.linear.scatter [tilespmem:s2], [sflag:$0x5], $0x80, $0x38;
	[tilespmem:$0x16E00] =	vst v63  }
0x329: {  	s2 =	smov.u32 s6;
	s6 =	smov.u32 s11  }
0x32a: {  	s13 =	sadd.s32 $0x1100, s11;
	s6 =	sshra.s32 s6, $0x2;
	s12 =	sadd.s32 $0xE600, s2  }
0x32b: {  	[hbm4b:s10+s3] =	stream.linear.scatter [tilespmem:s12], [sflag:$0x5], $0x80, $0x38;
	[tilespmem:$0x16E00] =	vst v63  }
0x32c: {  	p0 =	sne.s32 s11, $0x7700;
	s11 =	sadd.s32 $0xE688, s2;
	s12 =	sadd.s32 $0x10, s10  }
0x32d: {  	[hbm4b:s12+s3] =	stream.linear.scatter [tilespmem:s11], [sflag:$0x5], $0x80, $0x38;
	[tilespmem:$0x16E00] =	vst v63  }
0x32e: {  	s11 =	sadd.s32 $0xE710, s2;
	s12 =	sadd.s32 $0x20, s10  }
0x32f: {  	[hbm4b:s12+s3] =	stream.linear.scatter [tilespmem:s11], [sflag:$0x5], $0x80, $0x38;
	[tilespmem:$0x16E00] =	vst v63  }
0x330: {  	s11 =	sadd.s32 $0xE798, s2;
	s12 =	sadd.s32 $0x30, s10  }
0x331: {  	[hbm4b:s12+s3] =	stream.linear.scatter [tilespmem:s11], [sflag:$0x5], $0x80, $0x38;
	[tilespmem:$0x16E00] =	vst v63  }
0x332: {  	s11 =	sadd.s32 $0xE820, s2;
	s12 =	sadd.s32 $0x40, s10  }
0x333: {  	[hbm4b:s12+s3] =	stream.linear.scatter [tilespmem:s11], [sflag:$0x5], $0x80, $0x38;
	[tilespmem:$0x16E00] =	vst v63  }
.Ltmp10:
0x334: {  	s11 =	sadd.s32 $0xE8A8, s2;
	s12 =	sadd.s32 $0x50, s10;
	(pc) =	sbr.rel @p0 .LBB2_22-.Ltmp10, $4  }
0x335: {  	[hbm4b:s12+s3] =	stream.linear.scatter [tilespmem:s11], [sflag:$0x5], $0x80, $0x38;
	[tilespmem:$0x16E00] =	vst v63  }
0x336: {  	s11 =	sadd.s32 $0xE930, s2;
	s12 =	sadd.s32 $0x60, s10;
	s2 =	sadd.s32 $0xE9B8, s2  }
0x337: {  	[hbm4b:s12+s3] =	stream.linear.scatter [tilespmem:s11], [sflag:$0x5], $0x80, $0x38;
	[tilespmem:$0x16E00] =	vst v63  }
0x338: {  	s12 =	sadd.s32 $0x70, s10;
	s10 =	sadd.s32 $0x1000, s10;
	s11 =	smov.u32 s13  }
0x339: {  	[hbm4b:s12+s3] =	stream.linear.scatter [tilespmem:s2], [sflag:$0x5], $0x80, $0x38;
	[tilespmem:$0x16E00] =	vst v63  }
0x33a: {  	s11 =	sadd.s32 $0xE600, s6  }
0x33b: {  	[hbm4b:s10+s3] =	stream.linear.scatter [tilespmem:s11], [sflag:$0x5], $0x80, $0x38;
	[tilespmem:$0x16E00] =	vst v63  }
0x33c: {  	s12 =	sadd.s32 $0xE688, s6;
	s11 =	sadd.s32 $0x10, s10  }
0x33d: {  	[hbm4b:s11+s3] =	stream.linear.scatter [tilespmem:s12], [sflag:$0x5], $0x80, $0x38;
	[tilespmem:$0x16E00] =	vst v63  }
0x33e: {  	s13 =	sadd.s32 $0xE710, s6;
	s19 =	sadd.s32 $0x20, s10  }
0x33f: {  	[hbm4b:s19+s3] =	stream.linear.scatter [tilespmem:s13], [sflag:$0x5], $0x80, $0x38;
	[tilespmem:$0x16E00] =	vst v63  }
0x340: {  	s11 =	sadd.s32 $0xE798, s6;
	s12 =	sadd.s32 $0x30, s10  }
0x341: {  	[hbm4b:s12+s3] =	stream.linear.scatter [tilespmem:s11], [sflag:$0x5], $0x80, $0x38;
	[tilespmem:$0x16E00] =	vst v63  }
0x342: {  	s13 =	sadd.s32 $0xE820, s6;
	s19 =	sadd.s32 $0x40, s10  }
0x343: {  	[hbm4b:s19+s3] =	stream.linear.scatter [tilespmem:s13], [sflag:$0x5], $0x80, $0x38;
	[tilespmem:$0x16E00] =	vst v63  }
0x344: {  	s11 =	sadd.s32 $0xE8A8, s6;
	s12 =	sadd.s32 $0x50, s10  }
0x345: {  	[hbm4b:s12+s3] =	stream.linear.scatter [tilespmem:s11], [sflag:$0x5], $0x80, $0x38;
	[tilespmem:$0x16E00] =	vst v63  }
0x346: {  	s13 =	sadd.s32 $0xE930, s6;
	s19 =	sadd.s32 $0x60, s10  }
0x347: {  	[hbm4b:s19+s3] =	stream.linear.scatter [tilespmem:s13], [sflag:$0x5], $0x80, $0x38;
	[tilespmem:$0x16E00] =	vst v63  }
0x348: {  	s6 =	sadd.s32 $0xE9B8, s6;
	s11 =	sadd.s32 $0x70, s10  }
0x349: {  	[hbm4b:s11+s3] =	stream.linear.scatter [tilespmem:s6], [sflag:$0x5], $0x80, $0x38;
	[tilespmem:$0x16E00] =	vst v63  }
0x34a: {  	_ =	swait.ge [sflag:s17], $0x2000  }
0x34b: {  	[sflag:s17] =	ssyncset.done $0x0  }
0x34c: {  	[sflag:s17] =	ssyncadd.s32 $0xFFFFE000  }
0x34d: {  	s12 =	simm.s32 $0x3;
	_ =	swait.ge [sflag:s30], $0x2000  }
0x34e: {  	v4 =	vmov s12;
	s13 =	simm.s32 $0x0;
	[sflag:s30] =	ssyncset.done $0x0  }
0x34f: {  	s10 =	simm.s32 $0x8680;
	v5 =	vand.u32 $0x7F, v4;
	s19 =	simm.s32 $0x1;
	v4 =	vmov s13;
	[sflag:s30] =	ssyncadd.s32 $0xFFFFE000  }
0x350: {  	v8 =	vadd.s32 v0, v5;
	v6 =	vand.u32 $0x7C, v4;
	v4 =	vmov s19;
	v7 =	vld [tilespmem:s10+$0x40]  }
0x351: {  	v10 =	vadd.s32 v0, v6;
	v11 =	vand.u32 $0x7D, v4;
	v9 =	vld [tilespmem:s10+$0xFFFFFF80]  }
0x352: {  	s6 =	simm.s32 $0x2;
	v12 =	vadd.s32 v0, v11;
	v4 =	vld [tilespmem:s10+$0xFFFFFFC0]  }
0x353: {  	v13 =	vmov s6  }
0x354: {  	v13 =	vand.u32 $0x7E, v13  }
0x355: {  	v15 =	vadd.s32 v0, v13;
	v14 =	vld [tilespmem:s10+$0x0];
	[tilespmem:v8+s31+$0x0] =	vst.idx.msk $0xffff, v7  }
0x356: {  	v8 =	vadd.s32 v1, v5;
	[tilespmem:v10+s31+$0x0] =	vst.idx.msk $0xffff, v9;
	v7 =	vld [tilespmem:s10+$0x50]  }
0x357: {  	v10 =	vadd.s32 v1, v6;
	[tilespmem:v12+s31+$0x0] =	vst.idx.msk $0xffff, v4;
	v9 =	vld [tilespmem:s10+$0xFFFFFF90]  }
0x358: {  	v12 =	vadd.s32 v1, v11;
	v4 =	vld [tilespmem:s10+$0xFFFFFFD0];
	_ =	sdelay $0x1  }
0x359: {  	[tilespmem:v15+s31+$0x0] =	vst.idx.msk $0xffff, v14  }
0x35a: {  	v16 =	vadd.s32 v1, v13;
	v15 =	vld [tilespmem:s10+$0x10];
	[tilespmem:v8+s31+$0x0] =	vst.idx.msk $0xffff, v7  }
0x35b: {  	s11 =	simm.s32 $0x7;
	v14 =	vadd.s32 v2, v5;
	[tilespmem:v10+s31+$0x0] =	vst.idx.msk $0xffff, v9;
	v7 =	vld [tilespmem:s10+$0x60]  }
0x35c: {  	v10 =	vadd.s32 v2, v6;
	v8 =	vmov s11;
	[tilespmem:v12+s31+$0x0] =	vst.idx.msk $0xffff, v4;
	v9 =	vld [tilespmem:s10+$0xFFFFFFA0]  }
0x35d: {  	s6 =	simm.s32 $0x8780;
	v17 =	vadd.s32 v2, v11;
	v8 =	vand.u32 $0x7F, v8;
	v12 =	vld [tilespmem:s10+$0xFFFFFFE0]  }
0x35e: {  	s12 =	simm.s32 $0x4;
	v18 =	vld [tilespmem:s6+$0x40];
	v19 =	vadd.s32 v0, v8  }
0x35f: {  	s13 =	simm.s32 $0x5;
	v4 =	vmov s12;
	[tilespmem:v16+s31+$0x0] =	vst.idx.msk $0xffff, v15  }
0x360: {  	v22 =	vmov s13;
	v4 =	vand.u32 $0x7C, v4;
	[tilespmem:v14+s31+$0x0] =	vst.idx.msk $0xffff, v7  }
0x361: {  	s19 =	simm.s32 $0x6;
	v20 =	vld [tilespmem:s6+$0xFFFFFF80];
	v21 =	vadd.s32 v0, v4;
	v7 =	vand.u32 $0x7D, v22;
	[tilespmem:v10+s31+$0x0] =	vst.idx.msk $0xffff, v9  }
0x362: {  	v14 =	vmov s19;
	v9 =	vld [tilespmem:s6+$0xFFFFFFC0];
	[tilespmem:v17+s31+$0x0] =	vst.idx.msk $0xffff, v12;
	v10 =	vadd.s32 v0, v7  }
0x363: {  	v16 =	vadd.s32 v3, v5;
	v12 =	vld [tilespmem:s10+$0x20];
	v5 =	vand.u32 $0x7E, v14;
	[tilespmem:v19+s31+$0x0] =	vst.idx.msk $0xffff, v18;
	v18 =	vadd.s32 v2, v13  }
0x364: {  	v14 =	vld [tilespmem:s6+$0x0];
	v63 =	vadd.s32 v0, v5  }
0x365: {  	v15 =	vld [tilespmem:s10+$0x70]  }
0x366: {  	[tilespmem:v21+s31+$0x0] =	vst.idx.msk $0xffff, v20;
	v20 =	vadd.s32 v1, v8;
	v19 =	vld [tilespmem:s6+$0x50]  }
0x367: {  	v23 =	vadd.s32 v1, v4;
	v21 =	vld [tilespmem:s6+$0xFFFFFF90];
	[tilespmem:v10+s31+$0x0] =	vst.idx.msk $0xffff, v9  }
0x368: {  	v25 =	vadd.s32 v3, v11;
	v24 =	vld [tilespmem:s10+$0xFFFFFFF0];
	[tilespmem:v18+s31+$0x0] =	vst.idx.msk $0xffff, v12  }
0x369: {  	v18 =	vadd.s32 v1, v7;
	v17 =	vld [tilespmem:s6+$0xFFFFFFD0];
	[tilespmem:v63+s31+$0x0] =	vst.idx.msk $0xffff, v14  }
0x36a: {  	[tilespmem:v16+s31+$0x0] =	vst.idx.msk $0xffff, v15;
	v16 =	vadd.s32 v1, v5;
	v15 =	vld [tilespmem:s6+$0x10]  }
0x36b: {  	[tilespmem:v20+s31+$0x0] =	vst.idx.msk $0xffff, v19;
	v11 =	vld [tilespmem:s10+$0x30];
	v14 =	vadd.s32 v3, v13  }
0x36c: {  	v12 =	vadd.s32 v2, v8;
	[tilespmem:v23+s31+$0x0] =	vst.idx.msk $0xffff, v21;
	v9 =	vld [tilespmem:s6+$0x60]  }
0x36d: {  	s2 =	simm.s32 $0xB;
	s11 =	simm.s32 $0x8;
	s12 =	simm.s32 $0xC;
	[tilespmem:v25+s31+$0x0] =	vst.idx.msk $0xffff, v24;
	v13 =	vadd.s32 v2, v4;
	v10 =	vld [tilespmem:s6+$0xFFFFFFA0]  }
.LBB2_24:
0x36e: {  	p0 =	slt.u32 s12, $0x7C;
	v19 =	vmov s2;
	[tilespmem:v18+s31+$0x0] =	vst.idx.msk $0xffff, v17;
	v17 =	vld [tilespmem:s10+$0xFFFFFFB0];
	v18 =	vadd.s32 v3, v6;
	v6 =	vmov v4;
	s10 =	smov.u32 s6  }
0x36f: {  	v4 =	vmov s11;
	v21 =	vadd.s32 v2, v7;
	s6 =	sadd.s32 $0x100, s6;
	v19 =	vand.u32 $0x7F, v19;
	v20 =	vld [tilespmem:s10+$0xFFFFFFE0];
	[tilespmem:v16+s31+$0x0] =	vst.idx.msk $0xffff, v15  }
0x370: {  	s2 =	sadd.s32 $0x1, s11;
	v4 =	vand.u32 $0x7C, v4;
	v15 =	vld [tilespmem:s6+$0x40];
	v16 =	vadd.s32 v0, v19;
	[tilespmem:v14+s31+$0x0] =	vst.idx.msk $0xffff, v11  }
0x371: {  	v22 =	vmov s2;
	s2 =	sadd.s32 $0x2, s11;
	s11 =	smov.u32 s12;
	v14 =	vadd.s32 v0, v4;
	v11 =	vld [tilespmem:s6+$0xFFFFFF80];
	[tilespmem:v12+s31+$0x0] =	vst.idx.msk $0xffff, v9  }
0x372: {  	v9 =	vand.u32 $0x7D, v22;
	v12 =	vmov s2;
	[tilespmem:v13+s31+$0x0] =	vst.idx.msk $0xffff, v10;
	v10 =	vld [tilespmem:s10+$0x70];
	v13 =	vadd.s32 v3, v8;
	v8 =	vmovc v19  }
0x373: {  	v22 =	vadd.s32 v0, v9;
	v12 =	vand.u32 $0x7E, v12;
	v19 =	vld [tilespmem:s6+$0xFFFFFFC0];
	[tilespmem:v18+s31+$0x0] =	vst.idx.msk $0xffff, v17  }
0x374: {  	v24 =	vadd.s32 v0, v12;
	v23 =	vld [tilespmem:s6+$0x0];
	[tilespmem:v21+s31+$0x0] =	vst.idx.msk $0xffff, v20  }
0x375: {  	v21 =	vadd.s32 v2, v5;
	[tilespmem:v16+s31+$0x0] =	vst.idx.msk $0xffff, v15;
	v20 =	vld [tilespmem:s10+$0x20]  }
0x376: {  	[tilespmem:v14+s31+$0x0] =	vst.idx.msk $0xffff, v11;
	v11 =	vld [tilespmem:s6+$0x50];
	v14 =	vadd.s32 v1, v8  }
0x377: {  	v26 =	vadd.s32 v1, v4;
	v25 =	vld [tilespmem:s6+$0xFFFFFF90];
	[tilespmem:v13+s31+$0x0] =	vst.idx.msk $0xffff, v10  }
0x378: {  	[tilespmem:v22+s31+$0x0] =	vst.idx.msk $0xffff, v19;
	v19 =	vld [tilespmem:s10+$0xFFFFFFF0];
	v22 =	vadd.s32 v3, v7;
	v7 =	vmov v9  }
.Ltmp11:
0x379: {  	v17 =	vld [tilespmem:s6+$0xFFFFFFD0];
	v18 =	vadd.s32 v1, v7;
	[tilespmem:v24+s31+$0x0] =	vst.idx.msk $0xffff, v23;
	(pc) =	sbr.rel @p0 .LBB2_24-.Ltmp11, $4  }
0x37a: {  	v16 =	vadd.s32 v1, v12;
	v15 =	vld [tilespmem:s6+$0x10];
	[tilespmem:v21+s31+$0x0] =	vst.idx.msk $0xffff, v20  }
0x37b: {  	[tilespmem:v14+s31+$0x0] =	vst.idx.msk $0xffff, v11;
	v11 =	vld [tilespmem:s10+$0x30];
	v14 =	vadd.s32 v3, v5;
	v5 =	vmov v12  }
0x37c: {  	v12 =	vadd.s32 v2, v8;
	[tilespmem:v26+s31+$0x0] =	vst.idx.msk $0xffff, v25;
	v9 =	vld [tilespmem:s6+$0x60]  }
0x37d: {  	s12 =	sadd.s32 $0x4, s12;
	s2 =	sadd.s32 $0x3, s11;
	v13 =	vadd.s32 v2, v4;
	v10 =	vld [tilespmem:s6+$0xFFFFFFA0];
	[tilespmem:v22+s31+$0x0] =	vst.idx.msk $0xffff, v19  }
0x37e: {  	_ =	sdelay $0x2  }
0x37f: {  	v19 =	vmov s2  }
0x380: {  	s12 =	sadd.s32 $0x1, s11;
	[tilespmem:v18+s31+$0x0] =	vst.idx.msk $0xffff, v17;
	v30 =	vld [tilespmem:s10+$0xFFFFFFB0];
	v6 =	vadd.s32 v3, v6;
	s13 =	sadd.s32 $0x100, s6;
	v21 =	vmov s11;
	v31 =	vand.u32 $0x7F, v19  }
0x381: {  	s19 =	sadd.s32 $0x2, s11;
	v32 =	vmov s12;
	[tilespmem:v16+s31+$0x0] =	vst.idx.msk $0xffff, v15;
	v33 =	vld [tilespmem:s13+$0x40];
	v21 =	vand.u32 $0x7C, v21;
	v34 =	vadd.s32 v0, v31  }
0x382: {  	v20 =	vmov s19;
	v22 =	vld [tilespmem:s13+$0xFFFFFF80];
	v19 =	vand.u32 $0x7D, v32;
	[tilespmem:v14+s31+$0x0] =	vst.idx.msk $0xffff, v11;
	v39 =	vadd.s32 v0, v21  }
0x383: {  	v35 =	vld [tilespmem:s13+$0xFFFFFFC0];
	v20 =	vand.u32 $0x7E, v20;
	v36 =	vadd.s32 v0, v19;
	[tilespmem:v12+s31+$0x0] =	vst.idx.msk $0xffff, v9  }
0x384: {  	v37 =	vld [tilespmem:s13+$0x0];
	v38 =	vadd.s32 v0, v20;
	[tilespmem:v13+s31+$0x0] =	vst.idx.msk $0xffff, v10  }
0x385: {  	v41 =	vadd.s32 v2, v7;
	v40 =	vld [tilespmem:s6+$0xFFFFFFE0];
	[tilespmem:v6+s31+$0x0] =	vst.idx.msk $0xffff, v30  }
0x386: {  	v49 =	vadd.s32 v2, v5;
	v48 =	vld [tilespmem:s6+$0x20];
	[tilespmem:v34+s31+$0x0] =	vst.idx.msk $0xffff, v33  }
0x387: {  	v43 =	vadd.s32 v1, v31;
	[tilespmem:v39+s31+$0x0] =	vst.idx.msk $0xffff, v22;
	v15 =	vld [tilespmem:s13+$0x50]  }
0x388: {  	v47 =	vadd.s32 v1, v21;
	[tilespmem:v36+s31+$0x0] =	vst.idx.msk $0xffff, v35;
	v46 =	vld [tilespmem:s13+$0xFFFFFF90]  }
0x389: {  	v44 =	vadd.s32 v1, v19;
	[tilespmem:v38+s31+$0x0] =	vst.idx.msk $0xffff, v37;
	v11 =	vld [tilespmem:s13+$0xFFFFFFD0]  }
0x38a: {  	v45 =	vadd.s32 v1, v20;
	[tilespmem:v41+s31+$0x0] =	vst.idx.msk $0xffff, v40;
	v9 =	vld [tilespmem:s13+$0x10]  }
0x38b: {  	v8 =	vadd.s32 v3, v8;
	v42 =	vld [tilespmem:s6+$0x70];
	[tilespmem:v49+s31+$0x0] =	vst.idx.msk $0xffff, v48  }
0x38c: {  	v5 =	vadd.s32 v3, v5;
	v13 =	vld [tilespmem:s6+$0x30];
	[tilespmem:v43+s31+$0x0] =	vst.idx.msk $0xffff, v15  }
0x38d: {  	v52 =	vadd.s32 v2, v31;
	[tilespmem:v47+s31+$0x0] =	vst.idx.msk $0xffff, v46;
	v15 =	vld [tilespmem:s13+$0x60]  }
0x38e: {  	v57 =	vadd.s32 v2, v21;
	[tilespmem:v44+s31+$0x0] =	vst.idx.msk $0xffff, v11;
	v56 =	vld [tilespmem:s13+$0xFFFFFFA0]  }
0x38f: {  	v53 =	vadd.s32 v2, v19;
	[tilespmem:v45+s31+$0x0] =	vst.idx.msk $0xffff, v9;
	v11 =	vld [tilespmem:s13+$0xFFFFFFE0]  }
0x390: {  	v55 =	vadd.s32 v2, v20;
	[tilespmem:v8+s31+$0x0] =	vst.idx.msk $0xffff, v42;
	v54 =	vld [tilespmem:s13+$0x20]  }
0x391: {  	v4 =	vadd.s32 v3, v4;
	v58 =	vld [tilespmem:s6+$0xFFFFFFB0];
	[tilespmem:v5+s31+$0x0] =	vst.idx.msk $0xffff, v13  }
0x392: {  	v51 =	vadd.s32 v3, v7;
	v50 =	vld [tilespmem:s6+$0xFFFFFFF0];
	[tilespmem:v52+s31+$0x0] =	vst.idx.msk $0xffff, v15  }
0x393: {  	v60 =	vadd.s32 v3, v31;
	[tilespmem:v57+s31+$0x0] =	vst.idx.msk $0xffff, v56;
	v59 =	vld [tilespmem:s13+$0x70]  }
0x394: {  	v63 =	vadd.s32 v3, v21;
	[tilespmem:v53+s31+$0x0] =	vst.idx.msk $0xffff, v11;
	v5 =	vld [tilespmem:s13+$0xFFFFFFB0]  }
0x395: {  	v61 =	vadd.s32 v3, v19;
	[tilespmem:v55+s31+$0x0] =	vst.idx.msk $0xffff, v54;
	v11 =	vld [tilespmem:s13+$0xFFFFFFF0]  }
0x396: {  	v62 =	vadd.s32 v3, v20;
	[tilespmem:v4+s31+$0x0] =	vst.idx.msk $0xffff, v58;
	v6 =	vld [tilespmem:s13+$0x30]  }
0x397: {  	[tilespmem:v51+s31+$0x0] =	vst.idx.msk $0xffff, v50  }
0x398: {  	[tilespmem:v60+s31+$0x0] =	vst.idx.msk $0xffff, v59  }
0x399: {  	[tilespmem:v63+s31+$0x0] =	vst.idx.msk $0xffff, v5  }
0x39a: {  	[tilespmem:v61+s31+$0x0] =	vst.idx.msk $0xffff, v11  }
0x39b: {  	[tilespmem:v62+s31+$0x0] =	vst.idx.msk $0xffff, v6  }
0x39c: {  	s6 =	simm.s32 $0x10800;
	s10 =	rddreg [dreg:$0x6]  }
0x39d: {  	[hbm4b:s10+s3] =	stream.linear.scatter [tilespmem:s6], [sflag:$0x6], $0x80, $0x38;
	[tilespmem:$0x16E00] =	vst v63  }
0x39e: {  	s11 =	simm.s32 $0x10888;
	s12 =	sadd.s32 $0x10, s10  }
0x39f: {  	[hbm4b:s12+s3] =	stream.linear.scatter [tilespmem:s11], [sflag:$0x6], $0x80, $0x38;
	[tilespmem:$0x16E00] =	vst v63  }
0x3a0: {  	s2 =	simm.s32 $0x10BB8;
	s13 =	simm.s32 $0x10910;
	s19 =	sadd.s32 $0x20, s10  }
0x3a1: {  	[hbm4b:s19+s3] =	stream.linear.scatter [tilespmem:s13], [sflag:$0x6], $0x80, $0x38;
	[tilespmem:$0x16E00] =	vst v63  }
0x3a2: {  	s6 =	simm.s32 $0x440;
	s11 =	simm.s32 $0x10998;
	s12 =	sadd.s32 $0x30, s10  }
0x3a3: {  	[hbm4b:s12+s3] =	stream.linear.scatter [tilespmem:s11], [sflag:$0x6], $0x80, $0x38;
	[tilespmem:$0x16E00] =	vst v63  }
0x3a4: {  	s13 =	simm.s32 $0x10A20;
	s19 =	sadd.s32 $0x40, s10;
	s11 =	simm.s32 $0x10AA8  }
0x3a5: {  	[hbm4b:s19+s3] =	stream.linear.scatter [tilespmem:s13], [sflag:$0x6], $0x80, $0x38;
	[tilespmem:$0x16E00] =	vst v63  }
0x3a6: {  	s12 =	sadd.s32 $0x50, s10;
	s13 =	simm.s32 $0x10B30;
	s19 =	sadd.s32 $0x60, s10  }
0x3a7: {  	[hbm4b:s12+s3] =	stream.linear.scatter [tilespmem:s11], [sflag:$0x6], $0x80, $0x38;
	[tilespmem:$0x16E00] =	vst v63  }
0x3a8: {  	s11 =	simm.s32 $0x2200;
	s12 =	sadd.s32 $0x70, s10;
	s10 =	sadd.s32 $0x1000, s10  }
0x3a9: {  	[hbm4b:s19+s3] =	stream.linear.scatter [tilespmem:s13], [sflag:$0x6], $0x80, $0x38;
	[tilespmem:$0x16E00] =	vst v63  }
.LBB2_26:
0x3aa: {  	[hbm4b:s12+s3] =	stream.linear.scatter [tilespmem:s2], [sflag:$0x6], $0x80, $0x38;
	[tilespmem:$0x16E00] =	vst v63  }
0x3ab: {  	s2 =	smov.u32 s6;
	s6 =	smov.u32 s11  }
0x3ac: {  	s13 =	sadd.s32 $0x1100, s11;
	s6 =	sshra.s32 s6, $0x2;
	s12 =	sadd.s32 $0x10800, s2  }
0x3ad: {  	[hbm4b:s10+s3] =	stream.linear.scatter [tilespmem:s12], [sflag:$0x6], $0x80, $0x38;
	[tilespmem:$0x16E00] =	vst v63  }
0x3ae: {  	p0 =	sne.s32 s11, $0x7700;
	s11 =	sadd.s32 $0x10888, s2;
	s12 =	sadd.s32 $0x10, s10  }
0x3af: {  	[hbm4b:s12+s3] =	stream.linear.scatter [tilespmem:s11], [sflag:$0x6], $0x80, $0x38;
	[tilespmem:$0x16E00] =	vst v63  }
0x3b0: {  	s11 =	sadd.s32 $0x10910, s2;
	s12 =	sadd.s32 $0x20, s10  }
0x3b1: {  	[hbm4b:s12+s3] =	stream.linear.scatter [tilespmem:s11], [sflag:$0x6], $0x80, $0x38;
	[tilespmem:$0x16E00] =	vst v63  }
0x3b2: {  	s11 =	sadd.s32 $0x10998, s2;
	s12 =	sadd.s32 $0x30, s10  }
0x3b3: {  	[hbm4b:s12+s3] =	stream.linear.scatter [tilespmem:s11], [sflag:$0x6], $0x80, $0x38;
	[tilespmem:$0x16E00] =	vst v63  }
0x3b4: {  	s11 =	sadd.s32 $0x10A20, s2;
	s12 =	sadd.s32 $0x40, s10  }
0x3b5: {  	[hbm4b:s12+s3] =	stream.linear.scatter [tilespmem:s11], [sflag:$0x6], $0x80, $0x38;
	[tilespmem:$0x16E00] =	vst v63  }
.Ltmp12:
0x3b6: {  	s11 =	sadd.s32 $0x10AA8, s2;
	s12 =	sadd.s32 $0x50, s10;
	(pc) =	sbr.rel @p0 .LBB2_26-.Ltmp12, $4  }
0x3b7: {  	[hbm4b:s12+s3] =	stream.linear.scatter [tilespmem:s11], [sflag:$0x6], $0x80, $0x38;
	[tilespmem:$0x16E00] =	vst v63  }
0x3b8: {  	s11 =	sadd.s32 $0x10B30, s2;
	s12 =	sadd.s32 $0x60, s10;
	s2 =	sadd.s32 $0x10BB8, s2  }
0x3b9: {  	[hbm4b:s12+s3] =	stream.linear.scatter [tilespmem:s11], [sflag:$0x6], $0x80, $0x38;
	[tilespmem:$0x16E00] =	vst v63  }
0x3ba: {  	s12 =	sadd.s32 $0x70, s10;
	s10 =	sadd.s32 $0x1000, s10;
	s11 =	smov.u32 s13  }
0x3bb: {  	[hbm4b:s12+s3] =	stream.linear.scatter [tilespmem:s2], [sflag:$0x6], $0x80, $0x38;
	[tilespmem:$0x16E00] =	vst v63  }
0x3bc: {  	s11 =	sadd.s32 $0x10800, s6  }
0x3bd: {  	[hbm4b:s10+s3] =	stream.linear.scatter [tilespmem:s11], [sflag:$0x6], $0x80, $0x38;
	[tilespmem:$0x16E00] =	vst v63  }
0x3be: {  	s12 =	sadd.s32 $0x10888, s6;
	s11 =	sadd.s32 $0x10, s10  }
0x3bf: {  	[hbm4b:s11+s3] =	stream.linear.scatter [tilespmem:s12], [sflag:$0x6], $0x80, $0x38;
	[tilespmem:$0x16E00] =	vst v63  }
0x3c0: {  	s13 =	sadd.s32 $0x10910, s6;
	s19 =	sadd.s32 $0x20, s10  }
0x3c1: {  	[hbm4b:s19+s3] =	stream.linear.scatter [tilespmem:s13], [sflag:$0x6], $0x80, $0x38;
	[tilespmem:$0x16E00] =	vst v63  }
0x3c2: {  	s11 =	sadd.s32 $0x10998, s6;
	s12 =	sadd.s32 $0x30, s10  }
0x3c3: {  	[hbm4b:s12+s3] =	stream.linear.scatter [tilespmem:s11], [sflag:$0x6], $0x80, $0x38;
	[tilespmem:$0x16E00] =	vst v63  }
0x3c4: {  	s13 =	sadd.s32 $0x10A20, s6;
	s19 =	sadd.s32 $0x40, s10  }
0x3c5: {  	[hbm4b:s19+s3] =	stream.linear.scatter [tilespmem:s13], [sflag:$0x6], $0x80, $0x38;
	[tilespmem:$0x16E00] =	vst v63  }
0x3c6: {  	s11 =	sadd.s32 $0x10AA8, s6;
	s12 =	sadd.s32 $0x50, s10  }
0x3c7: {  	[hbm4b:s12+s3] =	stream.linear.scatter [tilespmem:s11], [sflag:$0x6], $0x80, $0x38;
	[tilespmem:$0x16E00] =	vst v63  }
0x3c8: {  	s13 =	sadd.s32 $0x10B30, s6;
	s19 =	sadd.s32 $0x60, s10  }
0x3c9: {  	[hbm4b:s19+s3] =	stream.linear.scatter [tilespmem:s13], [sflag:$0x6], $0x80, $0x38;
	[tilespmem:$0x16E00] =	vst v63  }
0x3ca: {  	s6 =	sadd.s32 $0x10BB8, s6;
	s10 =	sadd.s32 $0x70, s10;
	s11 =	simm.s32 $0x7  }
0x3cb: {  	[hbm4b:s10+s3] =	stream.linear.scatter [tilespmem:s6], [sflag:$0x6], $0x80, $0x38;
	[tilespmem:$0x16E00] =	vst v63  }
0x3cc: {  	_ =	swait.ge [sflag:s11], $0x2000  }
0x3cd: {  	[sflag:s11] =	ssyncset.done $0x0  }
0x3ce: {  	[sflag:s11] =	ssyncadd.s32 $0xFFFFE000  }
0x3cf: {  	s12 =	simm.s32 $0x3;
	_ =	swait.ge [sflag:s0], $0x2000  }
0x3d0: {  	v4 =	vmov s12;
	s13 =	simm.s32 $0x0;
	[sflag:s0] =	ssyncset.done $0x0  }
0x3d1: {  	v5 =	vand.u32 $0x7F, v4;
	s19 =	simm.s32 $0x1;
	v4 =	vmov s13;
	s10 =	simm.s32 $0xA680;
	[sflag:s0] =	ssyncadd.s32 $0xFFFFE000  }
0x3d2: {  	v8 =	vadd.s32 v0, v5;
	v6 =	vand.u32 $0x7C, v4;
	v4 =	vmov s19;
	v7 =	vld [tilespmem:s10+$0x40]  }
0x3d3: {  	v10 =	vadd.s32 v0, v6;
	v11 =	vand.u32 $0x7D, v4;
	v9 =	vld [tilespmem:s10+$0xFFFFFF80]  }
0x3d4: {  	s6 =	simm.s32 $0x2;
	v12 =	vadd.s32 v0, v11;
	v4 =	vld [tilespmem:s10+$0xFFFFFFC0]  }
0x3d5: {  	v13 =	vmov s6  }
0x3d6: {  	v13 =	vand.u32 $0x7E, v13  }
0x3d7: {  	v15 =	vadd.s32 v0, v13;
	v14 =	vld [tilespmem:s10+$0x0];
	[tilespmem:v8+s1+$0x0] =	vst.idx.msk $0xffff, v7  }
0x3d8: {  	v8 =	vadd.s32 v1, v5;
	[tilespmem:v10+s1+$0x0] =	vst.idx.msk $0xffff, v9;
	v7 =	vld [tilespmem:s10+$0x50]  }
0x3d9: {  	v10 =	vadd.s32 v1, v6;
	[tilespmem:v12+s1+$0x0] =	vst.idx.msk $0xffff, v4;
	v9 =	vld [tilespmem:s10+$0xFFFFFF90]  }
0x3da: {  	v12 =	vadd.s32 v1, v11;
	v4 =	vld [tilespmem:s10+$0xFFFFFFD0];
	_ =	sdelay $0x1  }
0x3db: {  	[tilespmem:v15+s1+$0x0] =	vst.idx.msk $0xffff, v14  }
0x3dc: {  	v16 =	vadd.s32 v1, v13;
	v15 =	vld [tilespmem:s10+$0x10];
	[tilespmem:v8+s1+$0x0] =	vst.idx.msk $0xffff, v7  }
0x3dd: {  	s11 =	simm.s32 $0x7;
	v14 =	vadd.s32 v2, v5;
	[tilespmem:v10+s1+$0x0] =	vst.idx.msk $0xffff, v9;
	v7 =	vld [tilespmem:s10+$0x60]  }
0x3de: {  	v10 =	vadd.s32 v2, v6;
	v8 =	vmov s11;
	[tilespmem:v12+s1+$0x0] =	vst.idx.msk $0xffff, v4;
	v9 =	vld [tilespmem:s10+$0xFFFFFFA0]  }
0x3df: {  	s6 =	simm.s32 $0xA780;
	v17 =	vadd.s32 v2, v11;
	v8 =	vand.u32 $0x7F, v8;
	v12 =	vld [tilespmem:s10+$0xFFFFFFE0]  }
0x3e0: {  	s12 =	simm.s32 $0x4;
	v18 =	vld [tilespmem:s6+$0x40];
	v19 =	vadd.s32 v0, v8  }
0x3e1: {  	s13 =	simm.s32 $0x5;
	v4 =	vmov s12;
	[tilespmem:v16+s1+$0x0] =	vst.idx.msk $0xffff, v15  }
0x3e2: {  	v22 =	vmov s13;
	v4 =	vand.u32 $0x7C, v4;
	[tilespmem:v14+s1+$0x0] =	vst.idx.msk $0xffff, v7  }
0x3e3: {  	s19 =	simm.s32 $0x6;
	v20 =	vld [tilespmem:s6+$0xFFFFFF80];
	v21 =	vadd.s32 v0, v4;
	v7 =	vand.u32 $0x7D, v22;
	[tilespmem:v10+s1+$0x0] =	vst.idx.msk $0xffff, v9  }
0x3e4: {  	v14 =	vmov s19;
	v9 =	vld [tilespmem:s6+$0xFFFFFFC0];
	[tilespmem:v17+s1+$0x0] =	vst.idx.msk $0xffff, v12;
	v10 =	vadd.s32 v0, v7  }
0x3e5: {  	v16 =	vadd.s32 v3, v5;
	v12 =	vld [tilespmem:s10+$0x20];
	v5 =	vand.u32 $0x7E, v14;
	[tilespmem:v19+s1+$0x0] =	vst.idx.msk $0xffff, v18;
	v18 =	vadd.s32 v2, v13  }
0x3e6: {  	v14 =	vld [tilespmem:s6+$0x0];
	v63 =	vadd.s32 v0, v5  }
0x3e7: {  	v15 =	vld [tilespmem:s10+$0x70]  }
0x3e8: {  	[tilespmem:v21+s1+$0x0] =	vst.idx.msk $0xffff, v20;
	v20 =	vadd.s32 v1, v8;
	v19 =	vld [tilespmem:s6+$0x50]  }
0x3e9: {  	v23 =	vadd.s32 v1, v4;
	v21 =	vld [tilespmem:s6+$0xFFFFFF90];
	[tilespmem:v10+s1+$0x0] =	vst.idx.msk $0xffff, v9  }
0x3ea: {  	v25 =	vadd.s32 v3, v11;
	v24 =	vld [tilespmem:s10+$0xFFFFFFF0];
	[tilespmem:v18+s1+$0x0] =	vst.idx.msk $0xffff, v12  }
0x3eb: {  	v18 =	vadd.s32 v1, v7;
	v17 =	vld [tilespmem:s6+$0xFFFFFFD0];
	[tilespmem:v63+s1+$0x0] =	vst.idx.msk $0xffff, v14  }
0x3ec: {  	[tilespmem:v16+s1+$0x0] =	vst.idx.msk $0xffff, v15;
	v16 =	vadd.s32 v1, v5;
	v15 =	vld [tilespmem:s6+$0x10]  }
0x3ed: {  	[tilespmem:v20+s1+$0x0] =	vst.idx.msk $0xffff, v19;
	v11 =	vld [tilespmem:s10+$0x30];
	v14 =	vadd.s32 v3, v13  }
0x3ee: {  	v12 =	vadd.s32 v2, v8;
	[tilespmem:v23+s1+$0x0] =	vst.idx.msk $0xffff, v21;
	v9 =	vld [tilespmem:s6+$0x60]  }
0x3ef: {  	s2 =	simm.s32 $0xB;
	s11 =	simm.s32 $0x8;
	s12 =	simm.s32 $0xC;
	[tilespmem:v25+s1+$0x0] =	vst.idx.msk $0xffff, v24;
	v13 =	vadd.s32 v2, v4;
	v10 =	vld [tilespmem:s6+$0xFFFFFFA0]  }
.LBB2_28:
0x3f0: {  	p0 =	slt.u32 s12, $0x7C;
	v19 =	vmov s2;
	[tilespmem:v18+s1+$0x0] =	vst.idx.msk $0xffff, v17;
	v17 =	vld [tilespmem:s10+$0xFFFFFFB0];
	v18 =	vadd.s32 v3, v6;
	v6 =	vmov v4;
	s10 =	smov.u32 s6  }
0x3f1: {  	v4 =	vmov s11;
	v21 =	vadd.s32 v2, v7;
	s6 =	sadd.s32 $0x100, s6;
	v19 =	vand.u32 $0x7F, v19;
	v20 =	vld [tilespmem:s10+$0xFFFFFFE0];
	[tilespmem:v16+s1+$0x0] =	vst.idx.msk $0xffff, v15  }
0x3f2: {  	s2 =	sadd.s32 $0x1, s11;
	v4 =	vand.u32 $0x7C, v4;
	v15 =	vld [tilespmem:s6+$0x40];
	v16 =	vadd.s32 v0, v19;
	[tilespmem:v14+s1+$0x0] =	vst.idx.msk $0xffff, v11  }
0x3f3: {  	v22 =	vmov s2;
	s2 =	sadd.s32 $0x2, s11;
	s11 =	smov.u32 s12;
	v14 =	vadd.s32 v0, v4;
	v11 =	vld [tilespmem:s6+$0xFFFFFF80];
	[tilespmem:v12+s1+$0x0] =	vst.idx.msk $0xffff, v9  }
0x3f4: {  	v9 =	vand.u32 $0x7D, v22;
	v12 =	vmov s2;
	[tilespmem:v13+s1+$0x0] =	vst.idx.msk $0xffff, v10;
	v10 =	vld [tilespmem:s10+$0x70];
	v13 =	vadd.s32 v3, v8;
	v8 =	vmovc v19  }
0x3f5: {  	v22 =	vadd.s32 v0, v9;
	v12 =	vand.u32 $0x7E, v12;
	v19 =	vld [tilespmem:s6+$0xFFFFFFC0];
	[tilespmem:v18+s1+$0x0] =	vst.idx.msk $0xffff, v17  }
0x3f6: {  	v24 =	vadd.s32 v0, v12;
	v23 =	vld [tilespmem:s6+$0x0];
	[tilespmem:v21+s1+$0x0] =	vst.idx.msk $0xffff, v20  }
0x3f7: {  	v21 =	vadd.s32 v2, v5;
	[tilespmem:v16+s1+$0x0] =	vst.idx.msk $0xffff, v15;
	v20 =	vld [tilespmem:s10+$0x20]  }
0x3f8: {  	[tilespmem:v14+s1+$0x0] =	vst.idx.msk $0xffff, v11;
	v11 =	vld [tilespmem:s6+$0x50];
	v14 =	vadd.s32 v1, v8  }
0x3f9: {  	v26 =	vadd.s32 v1, v4;
	v25 =	vld [tilespmem:s6+$0xFFFFFF90];
	[tilespmem:v13+s1+$0x0] =	vst.idx.msk $0xffff, v10  }
0x3fa: {  	[tilespmem:v22+s1+$0x0] =	vst.idx.msk $0xffff, v19;
	v19 =	vld [tilespmem:s10+$0xFFFFFFF0];
	v22 =	vadd.s32 v3, v7;
	v7 =	vmov v9  }
.Ltmp13:
0x3fb: {  	v17 =	vld [tilespmem:s6+$0xFFFFFFD0];
	v18 =	vadd.s32 v1, v7;
	[tilespmem:v24+s1+$0x0] =	vst.idx.msk $0xffff, v23;
	(pc) =	sbr.rel @p0 .LBB2_28-.Ltmp13, $4  }
0x3fc: {  	v16 =	vadd.s32 v1, v12;
	v15 =	vld [tilespmem:s6+$0x10];
	[tilespmem:v21+s1+$0x0] =	vst.idx.msk $0xffff, v20  }
0x3fd: {  	[tilespmem:v14+s1+$0x0] =	vst.idx.msk $0xffff, v11;
	v11 =	vld [tilespmem:s10+$0x30];
	v14 =	vadd.s32 v3, v5;
	v5 =	vmov v12  }
0x3fe: {  	v12 =	vadd.s32 v2, v8;
	[tilespmem:v26+s1+$0x0] =	vst.idx.msk $0xffff, v25;
	v9 =	vld [tilespmem:s6+$0x60]  }
0x3ff: {  	s12 =	sadd.s32 $0x4, s12;
	s2 =	sadd.s32 $0x3, s11;
	v13 =	vadd.s32 v2, v4;
	v10 =	vld [tilespmem:s6+$0xFFFFFFA0];
	[tilespmem:v22+s1+$0x0] =	vst.idx.msk $0xffff, v19  }
0x400: {  	_ =	sdelay $0x2  }
0x401: {  	v19 =	vmov s2  }
0x402: {  	s12 =	sadd.s32 $0x1, s11;
	[tilespmem:v18+s1+$0x0] =	vst.idx.msk $0xffff, v17;
	v30 =	vld [tilespmem:s10+$0xFFFFFFB0];
	v6 =	vadd.s32 v3, v6;
	s13 =	sadd.s32 $0x100, s6;
	v21 =	vmov s11;
	v31 =	vand.u32 $0x7F, v19  }
0x403: {  	s19 =	sadd.s32 $0x2, s11;
	v32 =	vmov s12;
	[tilespmem:v16+s1+$0x0] =	vst.idx.msk $0xffff, v15;
	v33 =	vld [tilespmem:s13+$0x40];
	v21 =	vand.u32 $0x7C, v21;
	v34 =	vadd.s32 v0, v31  }
0x404: {  	v20 =	vmov s19;
	v22 =	vld [tilespmem:s13+$0xFFFFFF80];
	v19 =	vand.u32 $0x7D, v32;
	[tilespmem:v14+s1+$0x0] =	vst.idx.msk $0xffff, v11;
	v39 =	vadd.s32 v0, v21  }
0x405: {  	v35 =	vld [tilespmem:s13+$0xFFFFFFC0];
	v20 =	vand.u32 $0x7E, v20;
	v36 =	vadd.s32 v0, v19;
	[tilespmem:v12+s1+$0x0] =	vst.idx.msk $0xffff, v9  }
0x406: {  	v37 =	vld [tilespmem:s13+$0x0];
	v38 =	vadd.s32 v0, v20;
	[tilespmem:v13+s1+$0x0] =	vst.idx.msk $0xffff, v10  }
0x407: {  	v41 =	vadd.s32 v2, v7;
	v40 =	vld [tilespmem:s6+$0xFFFFFFE0];
	[tilespmem:v6+s1+$0x0] =	vst.idx.msk $0xffff, v30  }
0x408: {  	v49 =	vadd.s32 v2, v5;
	v48 =	vld [tilespmem:s6+$0x20];
	[tilespmem:v34+s1+$0x0] =	vst.idx.msk $0xffff, v33  }
0x409: {  	v43 =	vadd.s32 v1, v31;
	[tilespmem:v39+s1+$0x0] =	vst.idx.msk $0xffff, v22;
	v15 =	vld [tilespmem:s13+$0x50]  }
0x40a: {  	v47 =	vadd.s32 v1, v21;
	[tilespmem:v36+s1+$0x0] =	vst.idx.msk $0xffff, v35;
	v46 =	vld [tilespmem:s13+$0xFFFFFF90]  }
0x40b: {  	v44 =	vadd.s32 v1, v19;
	[tilespmem:v38+s1+$0x0] =	vst.idx.msk $0xffff, v37;
	v11 =	vld [tilespmem:s13+$0xFFFFFFD0]  }
0x40c: {  	v45 =	vadd.s32 v1, v20;
	[tilespmem:v41+s1+$0x0] =	vst.idx.msk $0xffff, v40;
	v9 =	vld [tilespmem:s13+$0x10]  }
0x40d: {  	v8 =	vadd.s32 v3, v8;
	v42 =	vld [tilespmem:s6+$0x70];
	[tilespmem:v49+s1+$0x0] =	vst.idx.msk $0xffff, v48  }
0x40e: {  	v5 =	vadd.s32 v3, v5;
	v13 =	vld [tilespmem:s6+$0x30];
	[tilespmem:v43+s1+$0x0] =	vst.idx.msk $0xffff, v15  }
0x40f: {  	v52 =	vadd.s32 v2, v31;
	[tilespmem:v47+s1+$0x0] =	vst.idx.msk $0xffff, v46;
	v15 =	vld [tilespmem:s13+$0x60]  }
0x410: {  	v57 =	vadd.s32 v2, v21;
	[tilespmem:v44+s1+$0x0] =	vst.idx.msk $0xffff, v11;
	v56 =	vld [tilespmem:s13+$0xFFFFFFA0]  }
0x411: {  	v53 =	vadd.s32 v2, v19;
	[tilespmem:v45+s1+$0x0] =	vst.idx.msk $0xffff, v9;
	v11 =	vld [tilespmem:s13+$0xFFFFFFE0]  }
0x412: {  	v55 =	vadd.s32 v2, v20;
	[tilespmem:v8+s1+$0x0] =	vst.idx.msk $0xffff, v42;
	v54 =	vld [tilespmem:s13+$0x20]  }
0x413: {  	v4 =	vadd.s32 v3, v4;
	v58 =	vld [tilespmem:s6+$0xFFFFFFB0];
	[tilespmem:v5+s1+$0x0] =	vst.idx.msk $0xffff, v13  }
0x414: {  	v51 =	vadd.s32 v3, v7;
	v50 =	vld [tilespmem:s6+$0xFFFFFFF0];
	[tilespmem:v52+s1+$0x0] =	vst.idx.msk $0xffff, v15  }
0x415: {  	v60 =	vadd.s32 v3, v31;
	[tilespmem:v57+s1+$0x0] =	vst.idx.msk $0xffff, v56;
	v59 =	vld [tilespmem:s13+$0x70]  }
0x416: {  	v63 =	vadd.s32 v3, v21;
	[tilespmem:v53+s1+$0x0] =	vst.idx.msk $0xffff, v11;
	v5 =	vld [tilespmem:s13+$0xFFFFFFB0]  }
0x417: {  	v61 =	vadd.s32 v3, v19;
	[tilespmem:v55+s1+$0x0] =	vst.idx.msk $0xffff, v54;
	v11 =	vld [tilespmem:s13+$0xFFFFFFF0]  }
0x418: {  	v62 =	vadd.s32 v3, v20;
	[tilespmem:v4+s1+$0x0] =	vst.idx.msk $0xffff, v58;
	v6 =	vld [tilespmem:s13+$0x30]  }
0x419: {  	[tilespmem:v51+s1+$0x0] =	vst.idx.msk $0xffff, v50  }
0x41a: {  	[tilespmem:v60+s1+$0x0] =	vst.idx.msk $0xffff, v59  }
0x41b: {  	[tilespmem:v63+s1+$0x0] =	vst.idx.msk $0xffff, v5  }
0x41c: {  	[tilespmem:v61+s1+$0x0] =	vst.idx.msk $0xffff, v11  }
0x41d: {  	[tilespmem:v62+s1+$0x0] =	vst.idx.msk $0xffff, v6  }
0x41e: {  	s6 =	simm.s32 $0x12A00;
	s10 =	rddreg [dreg:$0x7]  }
0x41f: {  	[hbm4b:s10+s3] =	stream.linear.scatter [tilespmem:s6], [sflag:$0x7], $0x80, $0x38;
	[tilespmem:$0x16E00] =	vst v63  }
0x420: {  	s11 =	simm.s32 $0x12A88;
	s12 =	sadd.s32 $0x10, s10  }
0x421: {  	[hbm4b:s12+s3] =	stream.linear.scatter [tilespmem:s11], [sflag:$0x7], $0x80, $0x38;
	[tilespmem:$0x16E00] =	vst v63  }
0x422: {  	s2 =	simm.s32 $0x12DB8;
	s13 =	simm.s32 $0x12B10;
	s19 =	sadd.s32 $0x20, s10  }
0x423: {  	[hbm4b:s19+s3] =	stream.linear.scatter [tilespmem:s13], [sflag:$0x7], $0x80, $0x38;
	[tilespmem:$0x16E00] =	vst v63  }
0x424: {  	s6 =	simm.s32 $0x440;
	s11 =	simm.s32 $0x12B98;
	s12 =	sadd.s32 $0x30, s10  }
0x425: {  	[hbm4b:s12+s3] =	stream.linear.scatter [tilespmem:s11], [sflag:$0x7], $0x80, $0x38;
	[tilespmem:$0x16E00] =	vst v63  }
0x426: {  	s13 =	simm.s32 $0x12C20;
	s19 =	sadd.s32 $0x40, s10;
	s11 =	simm.s32 $0x12CA8  }
0x427: {  	[hbm4b:s19+s3] =	stream.linear.scatter [tilespmem:s13], [sflag:$0x7], $0x80, $0x38;
	[tilespmem:$0x16E00] =	vst v63  }
0x428: {  	s12 =	sadd.s32 $0x50, s10;
	s13 =	simm.s32 $0x12D30;
	s19 =	sadd.s32 $0x60, s10  }
0x429: {  	[hbm4b:s12+s3] =	stream.linear.scatter [tilespmem:s11], [sflag:$0x7], $0x80, $0x38;
	[tilespmem:$0x16E00] =	vst v63  }
0x42a: {  	s11 =	simm.s32 $0x2200;
	s12 =	sadd.s32 $0x70, s10;
	s10 =	sadd.s32 $0x1000, s10  }
0x42b: {  	[hbm4b:s19+s3] =	stream.linear.scatter [tilespmem:s13], [sflag:$0x7], $0x80, $0x38;
	[tilespmem:$0x16E00] =	vst v63  }
.LBB2_30:
0x42c: {  	[hbm4b:s12+s3] =	stream.linear.scatter [tilespmem:s2], [sflag:$0x7], $0x80, $0x38;
	[tilespmem:$0x16E00] =	vst v63  }
0x42d: {  	s2 =	smov.u32 s6;
	s6 =	smov.u32 s11  }
0x42e: {  	s13 =	sadd.s32 $0x1100, s11;
	s6 =	sshra.s32 s6, $0x2;
	s12 =	sadd.s32 $0x12A00, s2  }
0x42f: {  	[hbm4b:s10+s3] =	stream.linear.scatter [tilespmem:s12], [sflag:$0x7], $0x80, $0x38;
	[tilespmem:$0x16E00] =	vst v63  }
0x430: {  	p0 =	sne.s32 s11, $0x7700;
	s11 =	sadd.s32 $0x12A88, s2;
	s12 =	sadd.s32 $0x10, s10  }
0x431: {  	[hbm4b:s12+s3] =	stream.linear.scatter [tilespmem:s11], [sflag:$0x7], $0x80, $0x38;
	[tilespmem:$0x16E00] =	vst v63  }
0x432: {  	s11 =	sadd.s32 $0x12B10, s2;
	s12 =	sadd.s32 $0x20, s10  }
0x433: {  	[hbm4b:s12+s3] =	stream.linear.scatter [tilespmem:s11], [sflag:$0x7], $0x80, $0x38;
	[tilespmem:$0x16E00] =	vst v63  }
0x434: {  	s11 =	sadd.s32 $0x12B98, s2;
	s12 =	sadd.s32 $0x30, s10  }
0x435: {  	[hbm4b:s12+s3] =	stream.linear.scatter [tilespmem:s11], [sflag:$0x7], $0x80, $0x38;
	[tilespmem:$0x16E00] =	vst v63  }
0x436: {  	s11 =	sadd.s32 $0x12C20, s2;
	s12 =	sadd.s32 $0x40, s10  }
0x437: {  	[hbm4b:s12+s3] =	stream.linear.scatter [tilespmem:s11], [sflag:$0x7], $0x80, $0x38;
	[tilespmem:$0x16E00] =	vst v63  }
.Ltmp14:
0x438: {  	s11 =	sadd.s32 $0x12CA8, s2;
	s12 =	sadd.s32 $0x50, s10;
	(pc) =	sbr.rel @p0 .LBB2_30-.Ltmp14, $4  }
0x439: {  	[hbm4b:s12+s3] =	stream.linear.scatter [tilespmem:s11], [sflag:$0x7], $0x80, $0x38;
	[tilespmem:$0x16E00] =	vst v63  }
0x43a: {  	s11 =	sadd.s32 $0x12D30, s2;
	s12 =	sadd.s32 $0x60, s10;
	s2 =	sadd.s32 $0x12DB8, s2  }
0x43b: {  	[hbm4b:s12+s3] =	stream.linear.scatter [tilespmem:s11], [sflag:$0x7], $0x80, $0x38;
	[tilespmem:$0x16E00] =	vst v63  }
0x43c: {  	s12 =	sadd.s32 $0x70, s10;
	s10 =	sadd.s32 $0x1000, s10;
	s11 =	smov.u32 s13  }
0x43d: {  	[hbm4b:s12+s3] =	stream.linear.scatter [tilespmem:s2], [sflag:$0x7], $0x80, $0x38;
	[tilespmem:$0x16E00] =	vst v63  }
0x43e: {  	s11 =	sadd.s32 $0x12A00, s6  }
0x43f: {  	[hbm4b:s10+s3] =	stream.linear.scatter [tilespmem:s11], [sflag:$0x7], $0x80, $0x38;
	[tilespmem:$0x16E00] =	vst v63  }
0x440: {  	s12 =	sadd.s32 $0x12A88, s6;
	s11 =	sadd.s32 $0x10, s10  }
0x441: {  	[hbm4b:s11+s3] =	stream.linear.scatter [tilespmem:s12], [sflag:$0x7], $0x80, $0x38;
	[tilespmem:$0x16E00] =	vst v63  }
0x442: {  	s13 =	sadd.s32 $0x12B10, s6;
	s19 =	sadd.s32 $0x20, s10  }
0x443: {  	[hbm4b:s19+s3] =	stream.linear.scatter [tilespmem:s13], [sflag:$0x7], $0x80, $0x38;
	[tilespmem:$0x16E00] =	vst v63  }
0x444: {  	s11 =	sadd.s32 $0x12B98, s6;
	s12 =	sadd.s32 $0x30, s10  }
0x445: {  	[hbm4b:s12+s3] =	stream.linear.scatter [tilespmem:s11], [sflag:$0x7], $0x80, $0x38;
	[tilespmem:$0x16E00] =	vst v63  }
0x446: {  	s13 =	sadd.s32 $0x12C20, s6;
	s19 =	sadd.s32 $0x40, s10  }
0x447: {  	[hbm4b:s19+s3] =	stream.linear.scatter [tilespmem:s13], [sflag:$0x7], $0x80, $0x38;
	[tilespmem:$0x16E00] =	vst v63  }
0x448: {  	s11 =	sadd.s32 $0x12CA8, s6;
	s12 =	sadd.s32 $0x50, s10  }
0x449: {  	[hbm4b:s12+s3] =	stream.linear.scatter [tilespmem:s11], [sflag:$0x7], $0x80, $0x38;
	[tilespmem:$0x16E00] =	vst v63  }
0x44a: {  	s13 =	sadd.s32 $0x12D30, s6;
	s19 =	sadd.s32 $0x60, s10  }
0x44b: {  	[hbm4b:s19+s3] =	stream.linear.scatter [tilespmem:s13], [sflag:$0x7], $0x80, $0x38;
	[tilespmem:$0x16E00] =	vst v63  }
0x44c: {  	s6 =	sadd.s32 $0x12DB8, s6;
	s10 =	sadd.s32 $0x70, s10;
	s11 =	simm.s32 $0x8  }
0x44d: {  	[hbm4b:s10+s3] =	stream.linear.scatter [tilespmem:s6], [sflag:$0x7], $0x80, $0x38;
	[tilespmem:$0x16E00] =	vst v63  }
0x44e: {  	_ =	swait.ge [sflag:s11], $0x2000  }
0x44f: {  	[sflag:s11] =	ssyncset.done $0x0  }
0x450: {  	[sflag:s11] =	ssyncadd.s32 $0xFFFFE000  }
0x451: {  	s12 =	simm.s32 $0x3;
	_ =	swait.ge [sflag:s15], $0x2000  }
0x452: {  	v4 =	vmov s12;
	s13 =	simm.s32 $0x0;
	[sflag:s15] =	ssyncset.done $0x0  }
0x453: {  	v5 =	vand.u32 $0x7F, v4;
	s19 =	simm.s32 $0x1;
	v4 =	vmov s13;
	s10 =	simm.s32 $0xC680;
	[sflag:s15] =	ssyncadd.s32 $0xFFFFE000  }
0x454: {  	v8 =	vadd.s32 v0, v5;
	v6 =	vand.u32 $0x7C, v4;
	v4 =	vmov s19;
	v7 =	vld [tilespmem:s10+$0x40]  }
0x455: {  	v10 =	vadd.s32 v0, v6;
	v11 =	vand.u32 $0x7D, v4;
	v9 =	vld [tilespmem:s10+$0xFFFFFF80]  }
0x456: {  	s6 =	simm.s32 $0x2;
	v12 =	vadd.s32 v0, v11;
	v4 =	vld [tilespmem:s10+$0xFFFFFFC0]  }
0x457: {  	v13 =	vmov s6  }
0x458: {  	v13 =	vand.u32 $0x7E, v13  }
0x459: {  	v15 =	vadd.s32 v0, v13;
	v14 =	vld [tilespmem:s10+$0x0];
	[tilespmem:v8+s16+$0x0] =	vst.idx.msk $0xffff, v7  }
0x45a: {  	v8 =	vadd.s32 v1, v5;
	[tilespmem:v10+s16+$0x0] =	vst.idx.msk $0xffff, v9;
	v7 =	vld [tilespmem:s10+$0x50]  }
0x45b: {  	v10 =	vadd.s32 v1, v6;
	[tilespmem:v12+s16+$0x0] =	vst.idx.msk $0xffff, v4;
	v9 =	vld [tilespmem:s10+$0xFFFFFF90]  }
0x45c: {  	v12 =	vadd.s32 v1, v11;
	v4 =	vld [tilespmem:s10+$0xFFFFFFD0];
	_ =	sdelay $0x1  }
0x45d: {  	[tilespmem:v15+s16+$0x0] =	vst.idx.msk $0xffff, v14  }
0x45e: {  	v16 =	vadd.s32 v1, v13;
	v15 =	vld [tilespmem:s10+$0x10];
	[tilespmem:v8+s16+$0x0] =	vst.idx.msk $0xffff, v7  }
0x45f: {  	s11 =	simm.s32 $0x7;
	v14 =	vadd.s32 v2, v5;
	[tilespmem:v10+s16+$0x0] =	vst.idx.msk $0xffff, v9;
	v7 =	vld [tilespmem:s10+$0x60]  }
0x460: {  	v10 =	vadd.s32 v2, v6;
	v8 =	vmov s11;
	[tilespmem:v12+s16+$0x0] =	vst.idx.msk $0xffff, v4;
	v9 =	vld [tilespmem:s10+$0xFFFFFFA0]  }
0x461: {  	s6 =	simm.s32 $0xC780;
	v17 =	vadd.s32 v2, v11;
	v8 =	vand.u32 $0x7F, v8;
	v12 =	vld [tilespmem:s10+$0xFFFFFFE0]  }
0x462: {  	s12 =	simm.s32 $0x4;
	v18 =	vld [tilespmem:s6+$0x40];
	v19 =	vadd.s32 v0, v8  }
0x463: {  	s13 =	simm.s32 $0x5;
	v4 =	vmov s12;
	[tilespmem:v16+s16+$0x0] =	vst.idx.msk $0xffff, v15  }
0x464: {  	v22 =	vmov s13;
	v4 =	vand.u32 $0x7C, v4;
	[tilespmem:v14+s16+$0x0] =	vst.idx.msk $0xffff, v7  }
0x465: {  	s19 =	simm.s32 $0x6;
	v20 =	vld [tilespmem:s6+$0xFFFFFF80];
	v21 =	vadd.s32 v0, v4;
	v7 =	vand.u32 $0x7D, v22;
	[tilespmem:v10+s16+$0x0] =	vst.idx.msk $0xffff, v9  }
0x466: {  	v14 =	vmov s19;
	v9 =	vld [tilespmem:s6+$0xFFFFFFC0];
	[tilespmem:v17+s16+$0x0] =	vst.idx.msk $0xffff, v12;
	v10 =	vadd.s32 v0, v7  }
0x467: {  	v16 =	vadd.s32 v3, v5;
	v12 =	vld [tilespmem:s10+$0x20];
	v5 =	vand.u32 $0x7E, v14;
	[tilespmem:v19+s16+$0x0] =	vst.idx.msk $0xffff, v18;
	v18 =	vadd.s32 v2, v13  }
0x468: {  	v14 =	vld [tilespmem:s6+$0x0];
	v63 =	vadd.s32 v0, v5  }
0x469: {  	v15 =	vld [tilespmem:s10+$0x70]  }
0x46a: {  	[tilespmem:v21+s16+$0x0] =	vst.idx.msk $0xffff, v20;
	v20 =	vadd.s32 v1, v8;
	v19 =	vld [tilespmem:s6+$0x50]  }
0x46b: {  	v23 =	vadd.s32 v1, v4;
	v21 =	vld [tilespmem:s6+$0xFFFFFF90];
	[tilespmem:v10+s16+$0x0] =	vst.idx.msk $0xffff, v9  }
0x46c: {  	v25 =	vadd.s32 v3, v11;
	v24 =	vld [tilespmem:s10+$0xFFFFFFF0];
	[tilespmem:v18+s16+$0x0] =	vst.idx.msk $0xffff, v12  }
0x46d: {  	v18 =	vadd.s32 v1, v7;
	v17 =	vld [tilespmem:s6+$0xFFFFFFD0];
	[tilespmem:v63+s16+$0x0] =	vst.idx.msk $0xffff, v14  }
0x46e: {  	[tilespmem:v16+s16+$0x0] =	vst.idx.msk $0xffff, v15;
	v16 =	vadd.s32 v1, v5;
	v15 =	vld [tilespmem:s6+$0x10]  }
0x46f: {  	[tilespmem:v20+s16+$0x0] =	vst.idx.msk $0xffff, v19;
	v11 =	vld [tilespmem:s10+$0x30];
	v14 =	vadd.s32 v3, v13  }
0x470: {  	v12 =	vadd.s32 v2, v8;
	[tilespmem:v23+s16+$0x0] =	vst.idx.msk $0xffff, v21;
	v9 =	vld [tilespmem:s6+$0x60]  }
0x471: {  	s2 =	simm.s32 $0xB;
	s11 =	simm.s32 $0x8;
	s12 =	simm.s32 $0xC;
	[tilespmem:v25+s16+$0x0] =	vst.idx.msk $0xffff, v24;
	v13 =	vadd.s32 v2, v4;
	v10 =	vld [tilespmem:s6+$0xFFFFFFA0]  }
.LBB2_32:
0x472: {  	p0 =	slt.u32 s12, $0x7C;
	v19 =	vmov s2;
	[tilespmem:v18+s16+$0x0] =	vst.idx.msk $0xffff, v17;
	v17 =	vld [tilespmem:s10+$0xFFFFFFB0];
	v18 =	vadd.s32 v3, v6;
	v6 =	vmov v4;
	s10 =	smov.u32 s6  }
0x473: {  	v4 =	vmov s11;
	v21 =	vadd.s32 v2, v7;
	s6 =	sadd.s32 $0x100, s6;
	v19 =	vand.u32 $0x7F, v19;
	v20 =	vld [tilespmem:s10+$0xFFFFFFE0];
	[tilespmem:v16+s16+$0x0] =	vst.idx.msk $0xffff, v15  }
0x474: {  	s2 =	sadd.s32 $0x1, s11;
	v4 =	vand.u32 $0x7C, v4;
	v15 =	vld [tilespmem:s6+$0x40];
	v16 =	vadd.s32 v0, v19;
	[tilespmem:v14+s16+$0x0] =	vst.idx.msk $0xffff, v11  }
0x475: {  	v22 =	vmov s2;
	s2 =	sadd.s32 $0x2, s11;
	s11 =	smov.u32 s12;
	v14 =	vadd.s32 v0, v4;
	v11 =	vld [tilespmem:s6+$0xFFFFFF80];
	[tilespmem:v12+s16+$0x0] =	vst.idx.msk $0xffff, v9  }
0x476: {  	v9 =	vand.u32 $0x7D, v22;
	v12 =	vmov s2;
	[tilespmem:v13+s16+$0x0] =	vst.idx.msk $0xffff, v10;
	v10 =	vld [tilespmem:s10+$0x70];
	v13 =	vadd.s32 v3, v8;
	v8 =	vmovc v19  }
0x477: {  	v22 =	vadd.s32 v0, v9;
	v12 =	vand.u32 $0x7E, v12;
	v19 =	vld [tilespmem:s6+$0xFFFFFFC0];
	[tilespmem:v18+s16+$0x0] =	vst.idx.msk $0xffff, v17  }
0x478: {  	v24 =	vadd.s32 v0, v12;
	v23 =	vld [tilespmem:s6+$0x0];
	[tilespmem:v21+s16+$0x0] =	vst.idx.msk $0xffff, v20  }
0x479: {  	v21 =	vadd.s32 v2, v5;
	[tilespmem:v16+s16+$0x0] =	vst.idx.msk $0xffff, v15;
	v20 =	vld [tilespmem:s10+$0x20]  }
0x47a: {  	[tilespmem:v14+s16+$0x0] =	vst.idx.msk $0xffff, v11;
	v11 =	vld [tilespmem:s6+$0x50];
	v14 =	vadd.s32 v1, v8  }
0x47b: {  	v26 =	vadd.s32 v1, v4;
	v25 =	vld [tilespmem:s6+$0xFFFFFF90];
	[tilespmem:v13+s16+$0x0] =	vst.idx.msk $0xffff, v10  }
0x47c: {  	[tilespmem:v22+s16+$0x0] =	vst.idx.msk $0xffff, v19;
	v19 =	vld [tilespmem:s10+$0xFFFFFFF0];
	v22 =	vadd.s32 v3, v7;
	v7 =	vmov v9  }
.Ltmp15:
0x47d: {  	v17 =	vld [tilespmem:s6+$0xFFFFFFD0];
	v18 =	vadd.s32 v1, v7;
	[tilespmem:v24+s16+$0x0] =	vst.idx.msk $0xffff, v23;
	(pc) =	sbr.rel @p0 .LBB2_32-.Ltmp15, $4  }
0x47e: {  	v16 =	vadd.s32 v1, v12;
	v15 =	vld [tilespmem:s6+$0x10];
	[tilespmem:v21+s16+$0x0] =	vst.idx.msk $0xffff, v20  }
0x47f: {  	[tilespmem:v14+s16+$0x0] =	vst.idx.msk $0xffff, v11;
	v11 =	vld [tilespmem:s10+$0x30];
	v14 =	vadd.s32 v3, v5;
	v5 =	vmov v12  }
0x480: {  	v12 =	vadd.s32 v2, v8;
	[tilespmem:v26+s16+$0x0] =	vst.idx.msk $0xffff, v25;
	v9 =	vld [tilespmem:s6+$0x60]  }
0x481: {  	s12 =	sadd.s32 $0x4, s12;
	s2 =	sadd.s32 $0x3, s11;
	v13 =	vadd.s32 v2, v4;
	v10 =	vld [tilespmem:s6+$0xFFFFFFA0];
	[tilespmem:v22+s16+$0x0] =	vst.idx.msk $0xffff, v19  }
0x482: {  	_ =	sdelay $0x2  }
0x483: {  	v19 =	vmov s2  }
0x484: {  	s12 =	sadd.s32 $0x1, s11;
	[tilespmem:v18+s16+$0x0] =	vst.idx.msk $0xffff, v17;
	v30 =	vld [tilespmem:s10+$0xFFFFFFB0];
	v6 =	vadd.s32 v3, v6;
	s13 =	sadd.s32 $0x100, s6;
	v21 =	vmov s11;
	v31 =	vand.u32 $0x7F, v19  }
0x485: {  	s19 =	sadd.s32 $0x2, s11;
	v32 =	vmov s12;
	[tilespmem:v16+s16+$0x0] =	vst.idx.msk $0xffff, v15;
	v33 =	vld [tilespmem:s13+$0x40];
	v21 =	vand.u32 $0x7C, v21;
	v34 =	vadd.s32 v0, v31  }
0x486: {  	v20 =	vmov s19;
	v22 =	vld [tilespmem:s13+$0xFFFFFF80];
	v19 =	vand.u32 $0x7D, v32;
	[tilespmem:v14+s16+$0x0] =	vst.idx.msk $0xffff, v11;
	v39 =	vadd.s32 v0, v21  }
0x487: {  	v35 =	vld [tilespmem:s13+$0xFFFFFFC0];
	v20 =	vand.u32 $0x7E, v20;
	v36 =	vadd.s32 v0, v19;
	[tilespmem:v12+s16+$0x0] =	vst.idx.msk $0xffff, v9  }
0x488: {  	v37 =	vld [tilespmem:s13+$0x0];
	v38 =	vadd.s32 v0, v20;
	[tilespmem:v13+s16+$0x0] =	vst.idx.msk $0xffff, v10  }
0x489: {  	v41 =	vadd.s32 v2, v7;
	v40 =	vld [tilespmem:s6+$0xFFFFFFE0];
	[tilespmem:v6+s16+$0x0] =	vst.idx.msk $0xffff, v30  }
0x48a: {  	v49 =	vadd.s32 v2, v5;
	v48 =	vld [tilespmem:s6+$0x20];
	[tilespmem:v34+s16+$0x0] =	vst.idx.msk $0xffff, v33  }
0x48b: {  	v43 =	vadd.s32 v1, v31;
	[tilespmem:v39+s16+$0x0] =	vst.idx.msk $0xffff, v22;
	v15 =	vld [tilespmem:s13+$0x50]  }
0x48c: {  	v47 =	vadd.s32 v1, v21;
	[tilespmem:v36+s16+$0x0] =	vst.idx.msk $0xffff, v35;
	v46 =	vld [tilespmem:s13+$0xFFFFFF90]  }
0x48d: {  	v44 =	vadd.s32 v1, v19;
	[tilespmem:v38+s16+$0x0] =	vst.idx.msk $0xffff, v37;
	v11 =	vld [tilespmem:s13+$0xFFFFFFD0]  }
0x48e: {  	v45 =	vadd.s32 v1, v20;
	[tilespmem:v41+s16+$0x0] =	vst.idx.msk $0xffff, v40;
	v9 =	vld [tilespmem:s13+$0x10]  }
0x48f: {  	v8 =	vadd.s32 v3, v8;
	v42 =	vld [tilespmem:s6+$0x70];
	[tilespmem:v49+s16+$0x0] =	vst.idx.msk $0xffff, v48  }
0x490: {  	v5 =	vadd.s32 v3, v5;
	v13 =	vld [tilespmem:s6+$0x30];
	[tilespmem:v43+s16+$0x0] =	vst.idx.msk $0xffff, v15  }
0x491: {  	v52 =	vadd.s32 v2, v31;
	[tilespmem:v47+s16+$0x0] =	vst.idx.msk $0xffff, v46;
	v15 =	vld [tilespmem:s13+$0x60]  }
0x492: {  	v57 =	vadd.s32 v2, v21;
	[tilespmem:v44+s16+$0x0] =	vst.idx.msk $0xffff, v11;
	v56 =	vld [tilespmem:s13+$0xFFFFFFA0]  }
0x493: {  	v53 =	vadd.s32 v2, v19;
	[tilespmem:v45+s16+$0x0] =	vst.idx.msk $0xffff, v9;
	v11 =	vld [tilespmem:s13+$0xFFFFFFE0]  }
0x494: {  	v55 =	vadd.s32 v2, v20;
	[tilespmem:v8+s16+$0x0] =	vst.idx.msk $0xffff, v42;
	v54 =	vld [tilespmem:s13+$0x20]  }
0x495: {  	v4 =	vadd.s32 v3, v4;
	v58 =	vld [tilespmem:s6+$0xFFFFFFB0];
	[tilespmem:v5+s16+$0x0] =	vst.idx.msk $0xffff, v13  }
0x496: {  	v51 =	vadd.s32 v3, v7;
	v50 =	vld [tilespmem:s6+$0xFFFFFFF0];
	[tilespmem:v52+s16+$0x0] =	vst.idx.msk $0xffff, v15  }
0x497: {  	v60 =	vadd.s32 v3, v31;
	[tilespmem:v57+s16+$0x0] =	vst.idx.msk $0xffff, v56;
	v59 =	vld [tilespmem:s13+$0x70]  }
0x498: {  	v63 =	vadd.s32 v3, v21;
	[tilespmem:v53+s16+$0x0] =	vst.idx.msk $0xffff, v11;
	v5 =	vld [tilespmem:s13+$0xFFFFFFB0]  }
0x499: {  	v61 =	vadd.s32 v3, v19;
	[tilespmem:v55+s16+$0x0] =	vst.idx.msk $0xffff, v54;
	v11 =	vld [tilespmem:s13+$0xFFFFFFF0]  }
0x49a: {  	v62 =	vadd.s32 v3, v20;
	[tilespmem:v4+s16+$0x0] =	vst.idx.msk $0xffff, v58;
	v6 =	vld [tilespmem:s13+$0x30]  }
0x49b: {  	[tilespmem:v51+s16+$0x0] =	vst.idx.msk $0xffff, v50  }
0x49c: {  	[tilespmem:v60+s16+$0x0] =	vst.idx.msk $0xffff, v59  }
0x49d: {  	[tilespmem:v63+s16+$0x0] =	vst.idx.msk $0xffff, v5  }
0x49e: {  	[tilespmem:v61+s16+$0x0] =	vst.idx.msk $0xffff, v11  }
0x49f: {  	[tilespmem:v62+s16+$0x0] =	vst.idx.msk $0xffff, v6  }
0x4a0: {  	s6 =	simm.s32 $0x14C00;
	s10 =	rddreg [dreg:$0x8]  }
0x4a1: {  	[hbm4b:s10+s3] =	stream.linear.scatter [tilespmem:s6], [sflag:$0x8], $0x80, $0x38;
	[tilespmem:$0x16E00] =	vst v63  }
0x4a2: {  	s11 =	simm.s32 $0x14C88;
	s12 =	sadd.s32 $0x10, s10  }
0x4a3: {  	[hbm4b:s12+s3] =	stream.linear.scatter [tilespmem:s11], [sflag:$0x8], $0x80, $0x38;
	[tilespmem:$0x16E00] =	vst v63  }
0x4a4: {  	s2 =	simm.s32 $0x14FB8;
	s13 =	simm.s32 $0x14D10;
	s19 =	sadd.s32 $0x20, s10  }
0x4a5: {  	[hbm4b:s19+s3] =	stream.linear.scatter [tilespmem:s13], [sflag:$0x8], $0x80, $0x38;
	[tilespmem:$0x16E00] =	vst v63  }
0x4a6: {  	s6 =	simm.s32 $0x440;
	s11 =	simm.s32 $0x14D98;
	s12 =	sadd.s32 $0x30, s10  }
0x4a7: {  	[hbm4b:s12+s3] =	stream.linear.scatter [tilespmem:s11], [sflag:$0x8], $0x80, $0x38;
	[tilespmem:$0x16E00] =	vst v63  }
0x4a8: {  	s13 =	simm.s32 $0x14E20;
	s19 =	sadd.s32 $0x40, s10;
	s11 =	simm.s32 $0x14EA8  }
0x4a9: {  	[hbm4b:s19+s3] =	stream.linear.scatter [tilespmem:s13], [sflag:$0x8], $0x80, $0x38;
	[tilespmem:$0x16E00] =	vst v63  }
0x4aa: {  	s12 =	sadd.s32 $0x50, s10;
	s13 =	simm.s32 $0x14F30;
	s19 =	sadd.s32 $0x60, s10  }
0x4ab: {  	[hbm4b:s12+s3] =	stream.linear.scatter [tilespmem:s11], [sflag:$0x8], $0x80, $0x38;
	[tilespmem:$0x16E00] =	vst v63  }
0x4ac: {  	s11 =	simm.s32 $0x2200;
	s12 =	sadd.s32 $0x70, s10;
	s10 =	sadd.s32 $0x1000, s10  }
0x4ad: {  	[hbm4b:s19+s3] =	stream.linear.scatter [tilespmem:s13], [sflag:$0x8], $0x80, $0x38;
	[tilespmem:$0x16E00] =	vst v63  }
.LBB2_34:
0x4ae: {  	[hbm4b:s12+s3] =	stream.linear.scatter [tilespmem:s2], [sflag:$0x8], $0x80, $0x38;
	[tilespmem:$0x16E00] =	vst v63  }
0x4af: {  	s2 =	smov.u32 s6;
	s6 =	smov.u32 s11  }
0x4b0: {  	s13 =	sadd.s32 $0x1100, s11;
	s6 =	sshra.s32 s6, $0x2;
	s12 =	sadd.s32 $0x14C00, s2  }
0x4b1: {  	[hbm4b:s10+s3] =	stream.linear.scatter [tilespmem:s12], [sflag:$0x8], $0x80, $0x38;
	[tilespmem:$0x16E00] =	vst v63  }
0x4b2: {  	p0 =	sne.s32 s11, $0x7700;
	s11 =	sadd.s32 $0x14C88, s2;
	s12 =	sadd.s32 $0x10, s10  }
0x4b3: {  	[hbm4b:s12+s3] =	stream.linear.scatter [tilespmem:s11], [sflag:$0x8], $0x80, $0x38;
	[tilespmem:$0x16E00] =	vst v63  }
0x4b4: {  	s11 =	sadd.s32 $0x14D10, s2;
	s12 =	sadd.s32 $0x20, s10  }
0x4b5: {  	[hbm4b:s12+s3] =	stream.linear.scatter [tilespmem:s11], [sflag:$0x8], $0x80, $0x38;
	[tilespmem:$0x16E00] =	vst v63  }
0x4b6: {  	s11 =	sadd.s32 $0x14D98, s2;
	s12 =	sadd.s32 $0x30, s10  }
0x4b7: {  	[hbm4b:s12+s3] =	stream.linear.scatter [tilespmem:s11], [sflag:$0x8], $0x80, $0x38;
	[tilespmem:$0x16E00] =	vst v63  }
0x4b8: {  	s11 =	sadd.s32 $0x14E20, s2;
	s12 =	sadd.s32 $0x40, s10  }
0x4b9: {  	[hbm4b:s12+s3] =	stream.linear.scatter [tilespmem:s11], [sflag:$0x8], $0x80, $0x38;
	[tilespmem:$0x16E00] =	vst v63  }
.Ltmp16:
0x4ba: {  	s11 =	sadd.s32 $0x14EA8, s2;
	s12 =	sadd.s32 $0x50, s10;
	(pc) =	sbr.rel @p0 .LBB2_34-.Ltmp16, $4  }
0x4bb: {  	[hbm4b:s12+s3] =	stream.linear.scatter [tilespmem:s11], [sflag:$0x8], $0x80, $0x38;
	[tilespmem:$0x16E00] =	vst v63  }
0x4bc: {  	s11 =	sadd.s32 $0x14F30, s2;
	s12 =	sadd.s32 $0x60, s10;
	s2 =	sadd.s32 $0x14FB8, s2  }
0x4bd: {  	[hbm4b:s12+s3] =	stream.linear.scatter [tilespmem:s11], [sflag:$0x8], $0x80, $0x38;
	[tilespmem:$0x16E00] =	vst v63  }
0x4be: {  	s12 =	sadd.s32 $0x70, s10;
	s10 =	sadd.s32 $0x1000, s10;
	s11 =	smov.u32 s13  }
0x4bf: {  	[hbm4b:s12+s3] =	stream.linear.scatter [tilespmem:s2], [sflag:$0x8], $0x80, $0x38;
	[tilespmem:$0x16E00] =	vst v63  }
0x4c0: {  	s11 =	sadd.s32 $0x14C00, s6  }
0x4c1: {  	[hbm4b:s10+s3] =	stream.linear.scatter [tilespmem:s11], [sflag:$0x8], $0x80, $0x38;
	[tilespmem:$0x16E00] =	vst v63  }
0x4c2: {  	s12 =	sadd.s32 $0x14C88, s6;
	s11 =	sadd.s32 $0x10, s10  }
0x4c3: {  	[hbm4b:s11+s3] =	stream.linear.scatter [tilespmem:s12], [sflag:$0x8], $0x80, $0x38;
	[tilespmem:$0x16E00] =	vst v63  }
0x4c4: {  	s13 =	sadd.s32 $0x14D10, s6;
	s19 =	sadd.s32 $0x20, s10  }
0x4c5: {  	[hbm4b:s19+s3] =	stream.linear.scatter [tilespmem:s13], [sflag:$0x8], $0x80, $0x38;
	[tilespmem:$0x16E00] =	vst v63  }
0x4c6: {  	s11 =	sadd.s32 $0x14D98, s6;
	s12 =	sadd.s32 $0x30, s10  }
0x4c7: {  	[hbm4b:s12+s3] =	stream.linear.scatter [tilespmem:s11], [sflag:$0x8], $0x80, $0x38;
	[tilespmem:$0x16E00] =	vst v63  }
0x4c8: {  	s13 =	sadd.s32 $0x14E20, s6;
	s19 =	sadd.s32 $0x40, s10  }
0x4c9: {  	[hbm4b:s19+s3] =	stream.linear.scatter [tilespmem:s13], [sflag:$0x8], $0x80, $0x38;
	[tilespmem:$0x16E00] =	vst v63  }
0x4ca: {  	s11 =	sadd.s32 $0x14EA8, s6;
	s12 =	sadd.s32 $0x50, s10  }
0x4cb: {  	[hbm4b:s12+s3] =	stream.linear.scatter [tilespmem:s11], [sflag:$0x8], $0x80, $0x38;
	[tilespmem:$0x16E00] =	vst v63  }
0x4cc: {  	s13 =	sadd.s32 $0x14F30, s6;
	s19 =	sadd.s32 $0x60, s10  }
0x4cd: {  	[hbm4b:s19+s3] =	stream.linear.scatter [tilespmem:s13], [sflag:$0x8], $0x80, $0x38;
	[tilespmem:$0x16E00] =	vst v63  }
0x4ce: {  	s11 =	sadd.s32 $0x14FB8, s6;
	s12 =	sadd.s32 $0x70, s10  }
0x4cf: {  	[hbm4b:s12+s3] =	stream.linear.scatter [tilespmem:s11], [sflag:$0x8], $0x80, $0x38;
	[tilespmem:$0x16E00] =	vst v63  }
0x4d0: {  	_ =	swait.ge [sflag:s14], $0x2000  }
0x4d1: {  	[sflag:s14] =	ssyncset.done $0x0  }
0x4d2: {  	[sflag:s14] =	ssyncadd.s32 $0xFFFFE000  }
0x4d3: {  	_ =	swait.ge [sflag:s17], $0x2000  }
0x4d4: {  	[sflag:s17] =	ssyncset.done $0x0  }
0x4d5: {  	s13 =	simm.s32 $0x7;
	[sflag:s17] =	ssyncadd.s32 $0xFFFFE000  }
0x4d6: {  	_ =	swait.ge [sflag:s13], $0x2000  }
0x4d7: {  	[sflag:s13] =	ssyncset.done $0x0  }
0x4d8: {  	s14 =	simm.s32 $0x8;
	[sflag:s13] =	ssyncadd.s32 $0xFFFFE000  }
0x4d9: {  	_ =	swait.ge [sflag:s14], $0x2000  }
0x4da: {  	s17 =	rddreg [dreg:$0xa]  }
0x4db: {  	s19 =	rddreg [dreg:$0x9];
	s10 =	sadd.s32 $0x1, s17  }
0x4dc: {  	p0 =	sne.s32 s10, s19  }
.Ltmp17:
0x4dd: {  	_ = 	snop;
	(pc) =	sbr.rel @p0 .LBB2_1-.Ltmp17, $3  }
0x4de: {  	_ =	sdelay $0x1  }
0x4df: {  	[sflag:s14] =	ssyncset.done $0x0  }
0x4e0: {  	[sflag:s14] =	ssyncadd.s32 $0xFFFFE000  }
0x4e1: {  	_ =	sfence.sel $0x180000  }
0x4e2: {  	[bflag:$0x0] =	sbarrier.arrive $0xFFFF  }
0x4e3: {  	_ =	strace $0x90000047  }
0x4e4: {  	s0 =	stileid.u32;
	[bflag:$0x2] =	sbarrier.arrive $0xFFFF  }
0x4e5: {  	p0 =	sne.s32 s0, $0x0;
	s0 =	rddreg [dreg:$0x3]  }
0x4e6: {  	s0 =	sadd.s32 @!p0 $0x100000, s0  }
0x4e7: {  	[sflag:s0] =	ssyncadd.tile.s32 @!p0 $0x1;
	_ =	shalt  }
.Lfunc_end2:
_tile_overlayer_lowered:
.L_overlay_start_2:
0x4e8: {  	(tag) =	ssettag $0x2  }
0x4e9: {  	s0 =	rddreg [dreg:$0x0];
	s2 =	stileid.u32  }
0x4ea: {  	s1 =	rddreg [dreg:$0x1];
	p0 =	sne.s32 s2, $0x0  }
0x4eb: {  	s3 =	rddreg [dreg:$0x2];
	[bflag:$0x3] =	sbarrier.arrive $0xFFFF;
	s2 =	simm.s32 @!p0 $0x1C09  }
0x4ec: {  	[timem:s3], [sflag:s2] =	dma.local @!p0 [hbm:s0], s1  }
0x4ed: {  	s0 =	simm.s32 @!p0 $0x9  }
0x4ee: {  	_ =	swait.ge @!p0 [sflag:s0], s1  }
0x4ef: {  	s1 =	ssub.s32 @!p0 $0x0, s1;
	[sflag:s0] =	ssyncset.done @!p0 $0x0  }
0x4f0: {  	[sflag:s0] =	ssyncadd.s32 @!p0 s1  }
0x4f1: {  	[bflag:$0x3] =	sbarrier.arrive $0xFFFF  }
0x4f2: {  	_ =	shalt  }

</sc_bundles>
